<compile_context>
chip_gen: v7x
topology: tpu7x:2x2x1
jax: 0.10.2.dev20260603
libtpu: 0.0.44.dev20260713+nightly
codegen_flags: <defaults>
</compile_context>

<pallas_src>
import functools

import jax
import jax.numpy as jnp
from jax import lax
from jax.experimental import pallas as pl
from jax.experimental.pallas import tpu as pltpu
from jax.experimental.pallas import tpu_sc as plsc

_N = 10000
_E = 320000
_H = 16
_HID = 32
_NC = 2
_NS = 16
_NW = _NC * _NS
_CK = 80
_EPT = _E // _NW
_NCHUNK = _EPT // _CK
_NBUF = 8
_NP = 10240
_RPS = _NP // _NS


def _make_sc_scatter():
    mesh = plsc.VectorSubcoreMesh(core_axis_name="c", subcore_axis_name="s")

    @functools.partial(
        pl.kernel,
        out_type=jax.ShapeDtypeStruct((_NC, _NP, _HID), jnp.float32),
        mesh=mesh,
        compiler_params=pltpu.CompilerParams(use_tc_tiling_on_sc=False,
                                             skip_device_barrier=True),
        scratch_types=[
            pltpu.VMEM((_NCHUNK, _CK), jnp.int32),
            pltpu.VMEM((_NCHUNK, _CK), jnp.int32),
            pltpu.VMEM((_NBUF, _CK, _HID), jnp.float32),
            pltpu.VMEM((_RPS, _HID), jnp.float32),
            pltpu.VMEM_SHARED((_NP, _HID), jnp.float32),
            [pltpu.SemaphoreType.DMA] * _NBUF,
        ],
    )
    def sc_scatter(t_hbm, src_hbm, dst_hbm, out_hbm,
                   src_v, dst_v, rows_v, zero_v, agg_sh, sems):
        c = lax.axis_index("c")
        s = lax.axis_index("s")

        pltpu.async_copy(src_hbm.at[c, s], src_v, sems[0])
        pltpu.async_copy(dst_hbm.at[c, s], dst_v, sems[1])

        zvec = jnp.zeros((16,), jnp.float32)

        def zbody(i, _):
            zero_v[i, pl.ds(0, 16)] = zvec
            zero_v[i, pl.ds(16, 16)] = zvec
            return 0

        lax.fori_loop(0, _RPS, zbody, 0)
        pltpu.make_async_copy(src_hbm.at[c, s], src_v, sems[0]).wait()
        pltpu.make_async_copy(dst_hbm.at[c, s], dst_v, sems[1]).wait()

        ahead = _NBUF - 1
        for k in range(ahead):
            pltpu.async_copy(t_hbm.at[src_v.at[k]], rows_v.at[k], sems[k])

        pltpu.sync_copy(zero_v, agg_sh.at[pl.ds(s * _RPS, _RPS)])
        plsc.subcore_barrier()


        main = (_NCHUNK - ahead) // _NBUF

        def body(i, _):
            j = i * _NBUF
            for b in range(_NBUF):
                jj = j + b
                nb = (b + ahead) % _NBUF
                pltpu.async_copy(t_hbm.at[src_v.at[jj + ahead]],
                                 rows_v.at[nb], sems[nb])
                pltpu.make_async_copy(t_hbm.at[src_v.at[jj]],
                                      rows_v.at[b], sems[b]).wait()
                pltpu.sync_copy(rows_v.at[b], agg_sh.at[dst_v.at[jj]],
                                add=True)
            return 0

        lax.fori_loop(0, main, body, 0, unroll=False)
        for jj in range(main * _NBUF, _NCHUNK):
            b = jj % _NBUF
            if jj + ahead < _NCHUNK:
                nb = (jj + ahead) % _NBUF
                pltpu.async_copy(t_hbm.at[src_v.at[jj + ahead]],
                                 rows_v.at[nb], sems[nb])
            pltpu.make_async_copy(t_hbm.at[src_v.at[jj]],
                                  rows_v.at[b], sems[b]).wait()
            pltpu.sync_copy(rows_v.at[b], agg_sh.at[dst_v.at[jj]],
                            add=True)
        plsc.subcore_barrier()

        pltpu.sync_copy(agg_sh.at[pl.ds(s * _RPS, _RPS)],
                        out_hbm.at[c].at[pl.ds(s * _RPS, _RPS)])

    return sc_scatter


_sc_scatter = _make_sc_scatter()


def _dense0_body(x_ref, wn_ref, bn_ref, w1_ref, h_ref, t_ref):
    h = jnp.maximum(
        jnp.dot(x_ref[...], wn_ref[...], preferred_element_type=jnp.float32)
        + bn_ref[...], 0.0)
    h_ref[...] = h
    t_ref[...] = jnp.maximum(
        jnp.dot(h, w1_ref[...], preferred_element_type=jnp.float32), 0.0)


def _l2n(h):
    return h / jnp.sqrt(jnp.maximum(jnp.sum(h * h, axis=-1, keepdims=True),
                                    1e-12))


def _dense_mid_body(part_ref, h_ref, w2_ref, wself_ref, w1_ref,
                    hn_ref, tn_ref):
    agg = part_ref[0, :_N] + part_ref[1, :_N]
    pooled = jnp.dot(agg, w2_ref[...], preferred_element_type=jnp.float32)
    self_t = jnp.dot(h_ref[...], wself_ref[...],
                     preferred_element_type=jnp.float32)
    hn = _l2n(jnp.maximum(pooled + self_t, 0.0))
    hn_ref[...] = hn
    tn_ref[...] = jnp.maximum(
        jnp.dot(hn, w1_ref[...], preferred_element_type=jnp.float32), 0.0)


def _dense_fin_body(part_ref, h_ref, w2_ref, wself_ref, wout_ref, bout_ref,
                    out_ref):
    agg = part_ref[0, :_N] + part_ref[1, :_N]
    pooled = jnp.dot(agg, w2_ref[...], preferred_element_type=jnp.float32)
    self_t = jnp.dot(h_ref[...], wself_ref[...],
                     preferred_element_type=jnp.float32)
    hn = _l2n(jnp.maximum(pooled + self_t, 0.0))
    readout = jnp.sum(hn, axis=0, keepdims=True)
    out_ref[...] = (
        jnp.dot(readout, wout_ref[...], preferred_element_type=jnp.float32)
        + bout_ref[...])


_tc_params = pltpu.CompilerParams(skip_device_barrier=True)

_dense0 = pl.pallas_call(
    _dense0_body,
    compiler_params=_tc_params,
    out_shape=(jax.ShapeDtypeStruct((_N, _H), jnp.float32),
               jax.ShapeDtypeStruct((_N, _HID), jnp.float32)),
)

_dense_mid = pl.pallas_call(
    _dense_mid_body,
    compiler_params=_tc_params,
    out_shape=(jax.ShapeDtypeStruct((_N, _H), jnp.float32),
               jax.ShapeDtypeStruct((_N, _HID), jnp.float32)),
)

_dense_fin = pl.pallas_call(
    _dense_fin_body,
    compiler_params=_tc_params,
    out_shape=jax.ShapeDtypeStruct((1, 27), jnp.float32),
)


def kernel(x, edge_index, W_node, b_node, W1, W2, W_self, W_out, b_out):
    src = edge_index[0].reshape(_NC, _NS, _NCHUNK, _CK)
    dst = edge_index[1].reshape(_NC, _NS, _NCHUNK, _CK)
    bn = b_node.reshape(1, _H)
    bo = b_out.reshape(1, 27)

    h0, t1 = _dense0(x, W_node, bn, W1)
    part1 = _sc_scatter(t1, src, dst)
    h1, t2 = _dense_mid(part1, h0, W2, W_self, W1)
    part2 = _sc_scatter(t2, src, dst)
    return _dense_fin(part2, h1, W2, W_self, W_out, bo)

# --- scband reference (transcript-rebuilt; emitter-appended) ---
"""Pipeline reference for scband-graph-encoder-5394478924647 (READ-ONLY COPY).

The authoritative reference and input builder live on the scoring server;
editing this copy changes nothing except your own understanding.
"""

import jax, jax.numpy as jnp
import numpy as np

N = 10000
E = 320000
D_FEAT = 128
H = 16          # node init / message_dim / next_state_dim
HID = 32        # hidden_units = message_dim * 2
OUT = 27        # final units
NUM_MP = 2


def setup_inputs(seed: int = 0) -> dict:
    key = jax.random.key(seed)
    ks = jax.random.split(key, 10)
    x = jax.random.normal(ks[0], (N, D_FEAT), dtype=jnp.float32)
    edge_index = jax.random.randint(ks[1], (2, E), 0, N, dtype=jnp.int32)
    # Node init dense (Dense(16, relu))
    W_node = jax.random.normal(ks[2], (D_FEAT, H), dtype=jnp.float32) * (1.0 / np.sqrt(D_FEAT))
    b_node = jnp.zeros((H,), dtype=jnp.float32)
    # GraphSAGE pooling conv: sender transform Dense(hidden_units=32, relu, no bias)
    W1 = jax.random.normal(ks[3], (H, HID), dtype=jnp.float32) * (1.0 / np.sqrt(H))
    # post-pool Dense(units=16, no bias)
    W2 = jax.random.normal(ks[4], (HID, H), dtype=jnp.float32) * (1.0 / np.sqrt(HID))
    # GraphSAGE next-state self transform Dense(units=16, no bias)
    W_self = jax.random.normal(ks[5], (H, H), dtype=jnp.float32) * (1.0 / np.sqrt(H))
    # final readout Dense(27, linear)
    W_out = jax.random.normal(ks[6], (H, OUT), dtype=jnp.float32) * (1.0 / np.sqrt(H))
    b_out = jnp.zeros((OUT,), dtype=jnp.float32)
    return {"x": x, "edge_index": edge_index, "W_node": W_node, "b_node": b_node,
            "W1": W1, "W2": W2, "W_self": W_self, "W_out": W_out, "b_out": b_out}


def _l2_normalize(h, eps=1e-12):
    return h / jnp.sqrt(jnp.maximum(jnp.sum(h * h, axis=-1, keepdims=True), eps))


def reference(x, edge_index, W_node, b_node, W1, W2, W_self, W_out, b_out):
    # NodeInitLayer: Dense(16, relu) on node features
    h = jax.nn.relu(x @ W_node + b_node)
    src = edge_index[0]
    dst = edge_index[1]
    # GraphSAGEGraphUpdate applied num_message_passing times (shared weights)
    for _ in range(NUM_MP):
        # pooling conv: transform sender states, sum-pool to receiver (TARGET), project
        m = jax.nn.relu(h[src] @ W1)                      # gather + dense, [E, 32]
        agg = jax.ops.segment_sum(m, dst, num_segments=N)  # scatter-add, [N, 32]
        pooled = agg @ W2                                  # [N, 16]
        # next state: self transform + combine_type='sum' + relu + l2 normalize
        self_t = h @ W_self
        h = jax.nn.relu(pooled + self_t)
        h = _l2_normalize(h)
    # Pool to context (single merged component): sum over all nodes
    readout = jnp.sum(h, axis=0, keepdims=True)            # [1, 16]
    # final linear layer
    out = readout @ W_out + b_out                          # [1, 27]
    return out

if __name__ == "__main__":
    import jax
    _d = setup_inputs()
    print(jax.jit(kernel)(*tuple(_d.values())))

</pallas_src>

<mosaic_0001>
#map = affine_map<(d0, d1) -> (0, 0)>
#map1 = affine_map<(d0, d1) -> (0, 0, 0, 0)>
#map2 = affine_map<(d0, d1) -> (0, 0, 0)>
module attributes {stable_mosaic.version = 14 : i64} {
  func.func @sc_scatter(%arg0: i32, %arg1: i32, %arg2: memref<10000x32xf32, #tpu.memory_space<hbm>>, %arg3: memref<2x16x125x80xi32, #tpu.memory_space<hbm>>, %arg4: memref<2x16x125x80xi32, #tpu.memory_space<hbm>>, %arg5: memref<2x10240x32xf32, #tpu.memory_space<hbm>>, %arg6: memref<125x80xi32, #tpu.memory_space<vmem>>, %arg7: memref<125x80xi32, #tpu.memory_space<vmem>>, %arg8: memref<8x80x32xf32, #tpu.memory_space<vmem>>, %arg9: memref<640x32xf32, #tpu.memory_space<vmem>>, %arg10: memref<10240x32xf32, #tpu.memory_space<vmem_shared>>, %arg11: memref<!tpu.dma_semaphore, #tpu.memory_space<semaphore_mem>>, %arg12: memref<!tpu.dma_semaphore, #tpu.memory_space<semaphore_mem>>, %arg13: memref<!tpu.dma_semaphore, #tpu.memory_space<semaphore_mem>>, %arg14: memref<!tpu.dma_semaphore, #tpu.memory_space<semaphore_mem>>, %arg15: memref<!tpu.dma_semaphore, #tpu.memory_space<semaphore_mem>>, %arg16: memref<!tpu.dma_semaphore, #tpu.memory_space<semaphore_mem>>, %arg17: memref<!tpu.dma_semaphore, #tpu.memory_space<semaphore_mem>>, %arg18: memref<!tpu.dma_semaphore, #tpu.memory_space<semaphore_mem>>) attributes {dimension_semantics = [#tpu.dimension_semantics<core_parallel>, #tpu.dimension_semantics<subcore_parallel>], iteration_bounds = array<i64: 2, 16>, scalar_prefetch = 0 : i64, scratch_operands = 13 : i64, tpu.core_type = #tpu.core_type<sc_vector_subcore>, window_params = [{transform_indices = #map}, {transform_indices = #map1}, {transform_indices = #map1}, {transform_indices = #map2}]} {
    %dma_start3A = arith.constant 0 : i32
    %dma_start3A_0 = arith.constant 0 : i32
    %dma_start3A_1 = tpu.memref_slice %arg3[%arg0, %arg1, %dma_start3A, %dma_start3A_0] : memref<2x16x125x80xi32, #tpu.memory_space<hbm>> -> memref<1x1x125x80xi32, #tpu.memory_space<hbm>>
    %dma_start3A_2 = tpu.memref_squeeze %dma_start3A_1 : memref<1x1x125x80xi32, #tpu.memory_space<hbm>> -> memref<125x80xi32, #tpu.memory_space<hbm>>
    %dma_start3A_3 = arith.constant 0 : i32
    %dma_start3A_4 = arith.constant 0 : i32
    %dma_start3A_5 = tpu.memref_slice %arg3[%arg0, %arg1, %dma_start3A_3, %dma_start3A_4] : memref<2x16x125x80xi32, #tpu.memory_space<hbm>> -> memref<1x1x125x80xi32, #tpu.memory_space<hbm>>
    %dma_start3A_6 = tpu.memref_squeeze %dma_start3A_5 : memref<1x1x125x80xi32, #tpu.memory_space<hbm>> -> memref<125x80xi32, #tpu.memory_space<hbm>>
    tpu.enqueue_dma source(%dma_start3A_6 : memref<125x80xi32, #tpu.memory_space<hbm>>) target(%arg6 : memref<125x80xi32, #tpu.memory_space<vmem>>) target_semaphore(%arg11 : memref<!tpu.dma_semaphore, #tpu.memory_space<semaphore_mem>>)
    %dma_start3A_7 = arith.constant 0 : i32
    %dma_start3A_8 = arith.constant 0 : i32
    %dma_start3A_9 = tpu.memref_slice %arg4[%arg0, %arg1, %dma_start3A_7, %dma_start3A_8] : memref<2x16x125x80xi32, #tpu.memory_space<hbm>> -> memref<1x1x125x80xi32, #tpu.memory_space<hbm>>
    %dma_start3A_10 = tpu.memref_squeeze %dma_start3A_9 : memref<1x1x125x80xi32, #tpu.memory_space<hbm>> -> memref<125x80xi32, #tpu.memory_space<hbm>>
    %dma_start3A_11 = arith.constant 0 : i32
    %dma_start3A_12 = arith.constant 0 : i32
    %dma_start3A_13 = tpu.memref_slice %arg4[%arg0, %arg1, %dma_start3A_11, %dma_start3A_12] : memref<2x16x125x80xi32, #tpu.memory_space<hbm>> -> memref<1x1x125x80xi32, #tpu.memory_space<hbm>>
    %dma_start3A_14 = tpu.memref_squeeze %dma_start3A_13 : memref<1x1x125x80xi32, #tpu.memory_space<hbm>> -> memref<125x80xi32, #tpu.memory_space<hbm>>
    tpu.enqueue_dma source(%dma_start3A_14 : memref<125x80xi32, #tpu.memory_space<hbm>>) target(%arg7 : memref<125x80xi32, #tpu.memory_space<vmem>>) target_semaphore(%arg12 : memref<!tpu.dma_semaphore, #tpu.memory_space<semaphore_mem>>)
    %broadcast_in_dim3A = arith.constant 0.000000e+00 : f32
    %broadcast_in_dim3A_15 = vector.broadcast %broadcast_in_dim3A : f32 to vector<16xf32>
    %scan3A = arith.constant 0 : i32
    %scan3A_16 = arith.constant 0 : i32
    %scan3A_17 = arith.constant 640 : i32
    %scan3A_18 = arith.addi %scan3A_16, %scan3A_17 : i32
    %scan3A_19 = arith.constant 1 : i32
    %scan3A_20 = scf.for %scan3A_387 = %scan3A_16 to %scan3A_18 step %scan3A_19 iter_args(%scan3A_388 = %scan3A) -> (i32)  : i32 {
      %swap3A = arith.index_cast %scan3A_387 : i32 to index
      %swap3A_389 = arith.constant 0 : index
      %swap3A_390 = tpu.vector_load %arg9[%swap3A, %swap3A_389] {strides = array<i32>} : memref<640x32xf32, #tpu.memory_space<vmem>>, vector<1x16xf32>,
      %swap3A_391 = vector.shape_cast %swap3A_390 : vector<1x16xf32> to vector<16xf32>
      %swap3A_392 = vector.shape_cast %broadcast_in_dim3A_15 : vector<16xf32> to vector<1x16xf32>
      tpu.vector_store %arg9[%swap3A, %swap3A_389], %swap3A_392 {strides = array<i32>} : memref<640x32xf32, #tpu.memory_space<vmem>>, vector<1x16xf32>,
      %swap3A_393 = arith.index_cast %scan3A_387 : i32 to index
      %swap3A_394 = arith.constant 16 : index
      %swap3A_395 = tpu.vector_load %arg9[%swap3A_393, %swap3A_394] {strides = array<i32>} : memref<640x32xf32, #tpu.memory_space<vmem>>, vector<1x16xf32>,
      %swap3A_396 = vector.shape_cast %swap3A_395 : vector<1x16xf32> to vector<16xf32>
      %swap3A_397 = vector.shape_cast %broadcast_in_dim3A_15 : vector<16xf32> to vector<1x16xf32>
      tpu.vector_store %arg9[%swap3A_393, %swap3A_394], %swap3A_397 {strides = array<i32>} : memref<640x32xf32, #tpu.memory_space<vmem>>, vector<1x16xf32>,
      %scan3A_398 = arith.constant 0 : i32
      scf.yield %scan3A_398 : i32
    }
    %scan3A_21 = arith.constant 640 : i32
    %dma_wait3A = arith.constant 0 : i32
    %dma_wait3A_22 = arith.constant 0 : i32
    %dma_wait3A_23 = tpu.memref_slice %arg3[%arg0, %arg1, %dma_wait3A, %dma_wait3A_22] : memref<2x16x125x80xi32, #tpu.memory_space<hbm>> -> memref<1x1x125x80xi32, #tpu.memory_space<hbm>>
    %dma_wait3A_24 = tpu.memref_squeeze %dma_wait3A_23 : memref<1x1x125x80xi32, #tpu.memory_space<hbm>> -> memref<125x80xi32, #tpu.memory_space<hbm>>
    %dma_wait3A_25 = arith.constant 0 : i32
    %dma_wait3A_26 = arith.constant 0 : i32
    %dma_wait3A_27 = tpu.memref_slice %arg3[%arg0, %arg1, %dma_wait3A_25, %dma_wait3A_26] : memref<2x16x125x80xi32, #tpu.memory_space<hbm>> -> memref<1x1x125x80xi32, #tpu.memory_space<hbm>>
    %dma_wait3A_28 = tpu.memref_squeeze %dma_wait3A_27 : memref<1x1x125x80xi32, #tpu.memory_space<hbm>> -> memref<125x80xi32, #tpu.memory_space<hbm>>
    tpu.wait_dma2 semaphore(%arg11 : memref<!tpu.dma_semaphore, #tpu.memory_space<semaphore_mem>>) src(%dma_wait3A_28 : memref<125x80xi32, #tpu.memory_space<hbm>>) dst(%arg6 : memref<125x80xi32, #tpu.memory_space<vmem>>)
    %dma_wait3A_29 = arith.constant 0 : i32
    %dma_wait3A_30 = arith.constant 0 : i32
    %dma_wait3A_31 = tpu.memref_slice %arg4[%arg0, %arg1, %dma_wait3A_29, %dma_wait3A_30] : memref<2x16x125x80xi32, #tpu.memory_space<hbm>> -> memref<1x1x125x80xi32, #tpu.memory_space<hbm>>
    %dma_wait3A_32 = tpu.memref_squeeze %dma_wait3A_31 : memref<1x1x125x80xi32, #tpu.memory_space<hbm>> -> memref<125x80xi32, #tpu.memory_space<hbm>>
    %dma_wait3A_33 = arith.constant 0 : i32
    %dma_wait3A_34 = arith.constant 0 : i32
    %dma_wait3A_35 = tpu.memref_slice %arg4[%arg0, %arg1, %dma_wait3A_33, %dma_wait3A_34] : memref<2x16x125x80xi32, #tpu.memory_space<hbm>> -> memref<1x1x125x80xi32, #tpu.memory_space<hbm>>
    %dma_wait3A_36 = tpu.memref_squeeze %dma_wait3A_35 : memref<1x1x125x80xi32, #tpu.memory_space<hbm>> -> memref<125x80xi32, #tpu.memory_space<hbm>>
    tpu.wait_dma2 semaphore(%arg12 : memref<!tpu.dma_semaphore, #tpu.memory_space<semaphore_mem>>) src(%dma_wait3A_36 : memref<125x80xi32, #tpu.memory_space<hbm>>) dst(%arg7 : memref<125x80xi32, #tpu.memory_space<vmem>>)
    %dma_start3A_37 = arith.constant 0 : i32
    %dma_start3A_38 = arith.constant 0 : i32
    %dma_start3A_39 = arith.constant 0 : i32
    %dma_start3A_40 = arith.constant 0 : i32
    %dma_start3A_41 = tpu.memref_slice %arg8[%dma_start3A_38, %dma_start3A_39, %dma_start3A_40] : memref<8x80x32xf32, #tpu.memory_space<vmem>> -> memref<1x80x32xf32, #tpu.memory_space<vmem>>
    %dma_start3A_42 = tpu.memref_squeeze %dma_start3A_41 : memref<1x80x32xf32, #tpu.memory_space<vmem>> -> memref<80x32xf32, #tpu.memory_space<vmem>>
    %dma_start3A_43 = arith.constant 0 : i32
    %dma_start3A_44 = tpu.memref_slice %arg6[%dma_start3A_37, %dma_start3A_43] : memref<125x80xi32, #tpu.memory_space<vmem>> -> memref<1x80xi32, #tpu.memory_space<vmem>>
    %dma_start3A_45 = tpu.memref_squeeze %dma_start3A_44 : memref<1x80xi32, #tpu.memory_space<vmem>> -> memref<80xi32, #tpu.memory_space<vmem>>
    %dma_start3A_46 = arith.constant 0 : i32
    %dma_start3A_47 = arith.constant 0 : i32
    %dma_start3A_48 = tpu.memref_slice %arg2[%dma_start3A_46, %dma_start3A_47] : memref<10000x32xf32, #tpu.memory_space<hbm>> -> memref<10000x32xf32, #tpu.memory_space<hbm>>
    tpu.enqueue_indirect_dma source(%dma_start3A_48 : memref<10000x32xf32, #tpu.memory_space<hbm>>) target(%dma_start3A_42 : memref<80x32xf32, #tpu.memory_space<vmem>>) offsets(%dma_start3A_45 : memref<80xi32, #tpu.memory_space<vmem>>) semaphore(%arg11 : memref<!tpu.dma_semaphore, #tpu.memory_space<semaphore_mem>>)
    %dma_start3A_49 = arith.constant 1 : i32
    %dma_start3A_50 = arith.constant 1 : i32
    %dma_start3A_51 = arith.constant 0 : i32
    %dma_start3A_52 = arith.constant 0 : i32
    %dma_start3A_53 = tpu.memref_slice %arg8[%dma_start3A_50, %dma_start3A_51, %dma_start3A_52] : memref<8x80x32xf32, #tpu.memory_space<vmem>> -> memref<1x80x32xf32, #tpu.memory_space<vmem>>
    %dma_start3A_54 = tpu.memref_squeeze %dma_start3A_53 : memref<1x80x32xf32, #tpu.memory_space<vmem>> -> memref<80x32xf32, #tpu.memory_space<vmem>>
    %dma_start3A_55 = arith.constant 0 : i32
    %dma_start3A_56 = tpu.memref_slice %arg6[%dma_start3A_49, %dma_start3A_55] : memref<125x80xi32, #tpu.memory_space<vmem>> -> memref<1x80xi32, #tpu.memory_space<vmem>>
    %dma_start3A_57 = tpu.memref_squeeze %dma_start3A_56 : memref<1x80xi32, #tpu.memory_space<vmem>> -> memref<80xi32, #tpu.memory_space<vmem>>
    %dma_start3A_58 = arith.constant 0 : i32
    %dma_start3A_59 = arith.constant 0 : i32
    %dma_start3A_60 = tpu.memref_slice %arg2[%dma_start3A_58, %dma_start3A_59] : memref<10000x32xf32, #tpu.memory_space<hbm>> -> memref<10000x32xf32, #tpu.memory_space<hbm>>
    tpu.enqueue_indirect_dma source(%dma_start3A_60 : memref<10000x32xf32, #tpu.memory_space<hbm>>) target(%dma_start3A_54 : memref<80x32xf32, #tpu.memory_space<vmem>>) offsets(%dma_start3A_57 : memref<80xi32, #tpu.memory_space<vmem>>) semaphore(%arg12 : memref<!tpu.dma_semaphore, #tpu.memory_space<semaphore_mem>>)
    %dma_start3A_61 = arith.constant 2 : i32
    %dma_start3A_62 = arith.constant 2 : i32
    %dma_start3A_63 = arith.constant 0 : i32
    %dma_start3A_64 = arith.constant 0 : i32
    %dma_start3A_65 = tpu.memref_slice %arg8[%dma_start3A_62, %dma_start3A_63, %dma_start3A_64] : memref<8x80x32xf32, #tpu.memory_space<vmem>> -> memref<1x80x32xf32, #tpu.memory_space<vmem>>
    %dma_start3A_66 = tpu.memref_squeeze %dma_start3A_65 : memref<1x80x32xf32, #tpu.memory_space<vmem>> -> memref<80x32xf32, #tpu.memory_space<vmem>>
    %dma_start3A_67 = arith.constant 0 : i32
    %dma_start3A_68 = tpu.memref_slice %arg6[%dma_start3A_61, %dma_start3A_67] : memref<125x80xi32, #tpu.memory_space<vmem>> -> memref<1x80xi32, #tpu.memory_space<vmem>>
    %dma_start3A_69 = tpu.memref_squeeze %dma_start3A_68 : memref<1x80xi32, #tpu.memory_space<vmem>> -> memref<80xi32, #tpu.memory_space<vmem>>
    %dma_start3A_70 = arith.constant 0 : i32
    %dma_start3A_71 = arith.constant 0 : i32
    %dma_start3A_72 = tpu.memref_slice %arg2[%dma_start3A_70, %dma_start3A_71] : memref<10000x32xf32, #tpu.memory_space<hbm>> -> memref<10000x32xf32, #tpu.memory_space<hbm>>
    tpu.enqueue_indirect_dma source(%dma_start3A_72 : memref<10000x32xf32, #tpu.memory_space<hbm>>) target(%dma_start3A_66 : memref<80x32xf32, #tpu.memory_space<vmem>>) offsets(%dma_start3A_69 : memref<80xi32, #tpu.memory_space<vmem>>) semaphore(%arg13 : memref<!tpu.dma_semaphore, #tpu.memory_space<semaphore_mem>>)
    %dma_start3A_73 = arith.constant 3 : i32
    %dma_start3A_74 = arith.constant 3 : i32
    %dma_start3A_75 = arith.constant 0 : i32
    %dma_start3A_76 = arith.constant 0 : i32
    %dma_start3A_77 = tpu.memref_slice %arg8[%dma_start3A_74, %dma_start3A_75, %dma_start3A_76] : memref<8x80x32xf32, #tpu.memory_space<vmem>> -> memref<1x80x32xf32, #tpu.memory_space<vmem>>
    %dma_start3A_78 = tpu.memref_squeeze %dma_start3A_77 : memref<1x80x32xf32, #tpu.memory_space<vmem>> -> memref<80x32xf32, #tpu.memory_space<vmem>>
    %dma_start3A_79 = arith.constant 0 : i32
    %dma_start3A_80 = tpu.memref_slice %arg6[%dma_start3A_73, %dma_start3A_79] : memref<125x80xi32, #tpu.memory_space<vmem>> -> memref<1x80xi32, #tpu.memory_space<vmem>>
    %dma_start3A_81 = tpu.memref_squeeze %dma_start3A_80 : memref<1x80xi32, #tpu.memory_space<vmem>> -> memref<80xi32, #tpu.memory_space<vmem>>
    %dma_start3A_82 = arith.constant 0 : i32
    %dma_start3A_83 = arith.constant 0 : i32
    %dma_start3A_84 = tpu.memref_slice %arg2[%dma_start3A_82, %dma_start3A_83] : memref<10000x32xf32, #tpu.memory_space<hbm>> -> memref<10000x32xf32, #tpu.memory_space<hbm>>
    tpu.enqueue_indirect_dma source(%dma_start3A_84 : memref<10000x32xf32, #tpu.memory_space<hbm>>) target(%dma_start3A_78 : memref<80x32xf32, #tpu.memory_space<vmem>>) offsets(%dma_start3A_81 : memref<80xi32, #tpu.memory_space<vmem>>) semaphore(%arg14 : memref<!tpu.dma_semaphore, #tpu.memory_space<semaphore_mem>>)
    %dma_start3A_85 = arith.constant 4 : i32
    %dma_start3A_86 = arith.constant 4 : i32
    %dma_start3A_87 = arith.constant 0 : i32
    %dma_start3A_88 = arith.constant 0 : i32
    %dma_start3A_89 = tpu.memref_slice %arg8[%dma_start3A_86, %dma_start3A_87, %dma_start3A_88] : memref<8x80x32xf32, #tpu.memory_space<vmem>> -> memref<1x80x32xf32, #tpu.memory_space<vmem>>
    %dma_start3A_90 = tpu.memref_squeeze %dma_start3A_89 : memref<1x80x32xf32, #tpu.memory_space<vmem>> -> memref<80x32xf32, #tpu.memory_space<vmem>>
    %dma_start3A_91 = arith.constant 0 : i32
    %dma_start3A_92 = tpu.memref_slice %arg6[%dma_start3A_85, %dma_start3A_91] : memref<125x80xi32, #tpu.memory_space<vmem>> -> memref<1x80xi32, #tpu.memory_space<vmem>>
    %dma_start3A_93 = tpu.memref_squeeze %dma_start3A_92 : memref<1x80xi32, #tpu.memory_space<vmem>> -> memref<80xi32, #tpu.memory_space<vmem>>
    %dma_start3A_94 = arith.constant 0 : i32
    %dma_start3A_95 = arith.constant 0 : i32
    %dma_start3A_96 = tpu.memref_slice %arg2[%dma_start3A_94, %dma_start3A_95] : memref<10000x32xf32, #tpu.memory_space<hbm>> -> memref<10000x32xf32, #tpu.memory_space<hbm>>
    tpu.enqueue_indirect_dma source(%dma_start3A_96 : memref<10000x32xf32, #tpu.memory_space<hbm>>) target(%dma_start3A_90 : memref<80x32xf32, #tpu.memory_space<vmem>>) offsets(%dma_start3A_93 : memref<80xi32, #tpu.memory_space<vmem>>) semaphore(%arg15 : memref<!tpu.dma_semaphore, #tpu.memory_space<semaphore_mem>>)
    %dma_start3A_97 = arith.constant 5 : i32
    %dma_start3A_98 = arith.constant 5 : i32
    %dma_start3A_99 = arith.constant 0 : i32
    %dma_start3A_100 = arith.constant 0 : i32
    %dma_start3A_101 = tpu.memref_slice %arg8[%dma_start3A_98, %dma_start3A_99, %dma_start3A_100] : memref<8x80x32xf32, #tpu.memory_space<vmem>> -> memref<1x80x32xf32, #tpu.memory_space<vmem>>
    %dma_start3A_102 = tpu.memref_squeeze %dma_start3A_101 : memref<1x80x32xf32, #tpu.memory_space<vmem>> -> memref<80x32xf32, #tpu.memory_space<vmem>>
    %dma_start3A_103 = arith.constant 0 : i32
    %dma_start3A_104 = tpu.memref_slice %arg6[%dma_start3A_97, %dma_start3A_103] : memref<125x80xi32, #tpu.memory_space<vmem>> -> memref<1x80xi32, #tpu.memory_space<vmem>>
    %dma_start3A_105 = tpu.memref_squeeze %dma_start3A_104 : memref<1x80xi32, #tpu.memory_space<vmem>> -> memref<80xi32, #tpu.memory_space<vmem>>
    %dma_start3A_106 = arith.constant 0 : i32
    %dma_start3A_107 = arith.constant 0 : i32
    %dma_start3A_108 = tpu.memref_slice %arg2[%dma_start3A_106, %dma_start3A_107] : memref<10000x32xf32, #tpu.memory_space<hbm>> -> memref<10000x32xf32, #tpu.memory_space<hbm>>
    tpu.enqueue_indirect_dma source(%dma_start3A_108 : memref<10000x32xf32, #tpu.memory_space<hbm>>) target(%dma_start3A_102 : memref<80x32xf32, #tpu.memory_space<vmem>>) offsets(%dma_start3A_105 : memref<80xi32, #tpu.memory_space<vmem>>) semaphore(%arg16 : memref<!tpu.dma_semaphore, #tpu.memory_space<semaphore_mem>>)
    %dma_start3A_109 = arith.constant 6 : i32
    %dma_start3A_110 = arith.constant 6 : i32
    %dma_start3A_111 = arith.constant 0 : i32
    %dma_start3A_112 = arith.constant 0 : i32
    %dma_start3A_113 = tpu.memref_slice %arg8[%dma_start3A_110, %dma_start3A_111, %dma_start3A_112] : memref<8x80x32xf32, #tpu.memory_space<vmem>> -> memref<1x80x32xf32, #tpu.memory_space<vmem>>
    %dma_start3A_114 = tpu.memref_squeeze %dma_start3A_113 : memref<1x80x32xf32, #tpu.memory_space<vmem>> -> memref<80x32xf32, #tpu.memory_space<vmem>>
    %dma_start3A_115 = arith.constant 0 : i32
    %dma_start3A_116 = tpu.memref_slice %arg6[%dma_start3A_109, %dma_start3A_115] : memref<125x80xi32, #tpu.memory_space<vmem>> -> memref<1x80xi32, #tpu.memory_space<vmem>>
    %dma_start3A_117 = tpu.memref_squeeze %dma_start3A_116 : memref<1x80xi32, #tpu.memory_space<vmem>> -> memref<80xi32, #tpu.memory_space<vmem>>
    %dma_start3A_118 = arith.constant 0 : i32
    %dma_start3A_119 = arith.constant 0 : i32
    %dma_start3A_120 = tpu.memref_slice %arg2[%dma_start3A_118, %dma_start3A_119] : memref<10000x32xf32, #tpu.memory_space<hbm>> -> memref<10000x32xf32, #tpu.memory_space<hbm>>
    tpu.enqueue_indirect_dma source(%dma_start3A_120 : memref<10000x32xf32, #tpu.memory_space<hbm>>) target(%dma_start3A_114 : memref<80x32xf32, #tpu.memory_space<vmem>>) offsets(%dma_start3A_117 : memref<80xi32, #tpu.memory_space<vmem>>) semaphore(%arg17 : memref<!tpu.dma_semaphore, #tpu.memory_space<semaphore_mem>>)
    %mul3A = arith.constant 640 : i32
    %mul3A_121 = arith.muli %arg1, %mul3A : i32
    "tpu.region"() ({
      %run_scoped3A_387 = tpu.sem_alloc : memref<!tpu.dma_semaphore, #tpu.memory_space<semaphore_mem>>
      %dma_start3A_388 = arith.constant 0 : i32
      %dma_start3A_389 = tpu.memref_slice %arg10[%mul3A_121, %dma_start3A_388] : memref<10240x32xf32, #tpu.memory_space<vmem_shared>> -> memref<640x32xf32, #tpu.memory_space<vmem_shared>>
      %dma_start3A_390 = arith.constant 0 : i32
      %dma_start3A_391 = tpu.memref_slice %arg10[%mul3A_121, %dma_start3A_390] : memref<10240x32xf32, #tpu.memory_space<vmem_shared>> -> memref<640x32xf32, #tpu.memory_space<vmem_shared>>
      tpu.enqueue_dma source(%arg9 : memref<640x32xf32, #tpu.memory_space<vmem>>) target(%dma_start3A_391 : memref<640x32xf32, #tpu.memory_space<vmem_shared>>) target_semaphore(%run_scoped3A_387 : memref<!tpu.dma_semaphore, #tpu.memory_space<semaphore_mem>>)
      %dma_wait3A_392 = arith.constant 0 : i32
      %dma_wait3A_393 = tpu.memref_slice %arg10[%mul3A_121, %dma_wait3A_392] : memref<10240x32xf32, #tpu.memory_space<vmem_shared>> -> memref<640x32xf32, #tpu.memory_space<vmem_shared>>
      %dma_wait3A_394 = arith.constant 0 : i32
      %dma_wait3A_395 = tpu.memref_slice %arg10[%mul3A_121, %dma_wait3A_394] : memref<10240x32xf32, #tpu.memory_space<vmem_shared>> -> memref<640x32xf32, #tpu.memory_space<vmem_shared>>
      tpu.wait_dma2 semaphore(%run_scoped3A_387 : memref<!tpu.dma_semaphore, #tpu.memory_space<semaphore_mem>>) src(%arg9 : memref<640x32xf32, #tpu.memory_space<vmem>>) dst(%dma_wait3A_395 : memref<640x32xf32, #tpu.memory_space<vmem_shared>>)
      tpu.yield
    }) : () -> ()
    %barrier3A = arith.constant 0 : index
    tpu.barrier barrier_id(%barrier3A)
    %scan3A_122 = arith.constant 0 : i32
    %scan3A_123 = arith.constant 0 : i32
    %scan3A_124 = arith.constant 14 : i32
    %scan3A_125 = arith.addi %scan3A_123, %scan3A_124 : i32
    %scan3A_126 = arith.constant 1 : i32
    %scan3A_127 = scf.for %scan3A_387 = %scan3A_123 to %scan3A_125 step %scan3A_126 iter_args(%scan3A_388 = %scan3A_122) -> (i32)  : i32 {
      %mul3A_389 = arith.constant 8 : i32
      %mul3A_390 = arith.muli %scan3A_387, %mul3A_389 : i32
      %add3A = arith.constant 0 : i32
      %add3A_391 = arith.addi %mul3A_390, %add3A : i32
      %add3A_392 = arith.constant 7 : i32
      %add3A_393 = arith.addi %add3A_391, %add3A_392 : i32
      %dma_start3A_394 = arith.constant 7 : i32
      %dma_start3A_395 = arith.constant 0 : i32
      %dma_start3A_396 = arith.constant 0 : i32
      %dma_start3A_397 = tpu.memref_slice %arg8[%dma_start3A_394, %dma_start3A_395, %dma_start3A_396] : memref<8x80x32xf32, #tpu.memory_space<vmem>> -> memref<1x80x32xf32, #tpu.memory_space<vmem>>
      %dma_start3A_398 = tpu.memref_squeeze %dma_start3A_397 : memref<1x80x32xf32, #tpu.memory_space<vmem>> -> memref<80x32xf32, #tpu.memory_space<vmem>>
      %dma_start3A_399 = arith.constant 0 : i32
      %dma_start3A_400 = tpu.memref_slice %arg6[%add3A_393, %dma_start3A_399] : memref<125x80xi32, #tpu.memory_space<vmem>> -> memref<1x80xi32, #tpu.memory_space<vmem>>
      %dma_start3A_401 = tpu.memref_squeeze %dma_start3A_400 : memref<1x80xi32, #tpu.memory_space<vmem>> -> memref<80xi32, #tpu.memory_space<vmem>>
      %dma_start3A_402 = arith.constant 0 : i32
      %dma_start3A_403 = arith.constant 0 : i32
      %dma_start3A_404 = tpu.memref_slice %arg2[%dma_start3A_402, %dma_start3A_403] : memref<10000x32xf32, #tpu.memory_space<hbm>> -> memref<10000x32xf32, #tpu.memory_space<hbm>>
      tpu.enqueue_indirect_dma source(%dma_start3A_404 : memref<10000x32xf32, #tpu.memory_space<hbm>>) target(%dma_start3A_398 : memref<80x32xf32, #tpu.memory_space<vmem>>) offsets(%dma_start3A_401 : memref<80xi32, #tpu.memory_space<vmem>>) semaphore(%arg18 : memref<!tpu.dma_semaphore, #tpu.memory_space<semaphore_mem>>)
      %dma_wait3A_405 = arith.constant 0 : i32
      %dma_wait3A_406 = arith.constant 0 : i32
      %dma_wait3A_407 = arith.constant 0 : i32
      %dma_wait3A_408 = tpu.memref_slice %arg8[%dma_wait3A_405, %dma_wait3A_406, %dma_wait3A_407] : memref<8x80x32xf32, #tpu.memory_space<vmem>> -> memref<1x80x32xf32, #tpu.memory_space<vmem>>
      %dma_wait3A_409 = tpu.memref_squeeze %dma_wait3A_408 : memref<1x80x32xf32, #tpu.memory_space<vmem>> -> memref<80x32xf32, #tpu.memory_space<vmem>>
      %dma_wait3A_410 = arith.constant 0 : i32
      %dma_wait3A_411 = tpu.memref_slice %arg6[%add3A_391, %dma_wait3A_410] : memref<125x80xi32, #tpu.memory_space<vmem>> -> memref<1x80xi32, #tpu.memory_space<vmem>>
      %dma_wait3A_412 = tpu.memref_squeeze %dma_wait3A_411 : memref<1x80xi32, #tpu.memory_space<vmem>> -> memref<80xi32, #tpu.memory_space<vmem>>
      %dma_wait3A_413 = arith.constant 0 : i32
      %dma_wait3A_414 = arith.constant 0 : i32
      %dma_wait3A_415 = tpu.memref_slice %arg2[%dma_wait3A_413, %dma_wait3A_414] : memref<10000x32xf32, #tpu.memory_space<hbm>> -> memref<10000x32xf32, #tpu.memory_space<hbm>>
      tpu.wait_indirect_dma semaphore(%arg11 : memref<!tpu.dma_semaphore, #tpu.memory_space<semaphore_mem>>) src(%dma_wait3A_415 : memref<10000x32xf32, #tpu.memory_space<hbm>>) dst(%dma_wait3A_409 : memref<80x32xf32, #tpu.memory_space<vmem>>)
      %run_scoped3A_416 = arith.constant 0 : i32
      "tpu.region"() ({
        %run_scoped3A_607 = tpu.sem_alloc : memref<!tpu.dma_semaphore, #tpu.memory_space<semaphore_mem>>
        %dma_start3A_608 = arith.constant 0 : i32
        %dma_start3A_609 = arith.constant 0 : i32
        %dma_start3A_610 = tpu.memref_slice %arg8[%run_scoped3A_416, %dma_start3A_608, %dma_start3A_609] : memref<8x80x32xf32, #tpu.memory_space<vmem>> -> memref<1x80x32xf32, #tpu.memory_space<vmem>>
        %dma_start3A_611 = tpu.memref_squeeze %dma_start3A_610 : memref<1x80x32xf32, #tpu.memory_space<vmem>> -> memref<80x32xf32, #tpu.memory_space<vmem>>
        %dma_start3A_612 = arith.constant 0 : i32
        %dma_start3A_613 = tpu.memref_slice %arg7[%add3A_391, %dma_start3A_612] : memref<125x80xi32, #tpu.memory_space<vmem>> -> memref<1x80xi32, #tpu.memory_space<vmem>>
        %dma_start3A_614 = tpu.memref_squeeze %dma_start3A_613 : memref<1x80xi32, #tpu.memory_space<vmem>> -> memref<80xi32, #tpu.memory_space<vmem>>
        %dma_start3A_615 = arith.constant 0 : i32
        %dma_start3A_616 = arith.constant 0 : i32
        %dma_start3A_617 = tpu.memref_slice %arg10[%dma_start3A_615, %dma_start3A_616] : memref<10240x32xf32, #tpu.memory_space<vmem_shared>> -> memref<10240x32xf32, #tpu.memory_space<vmem_shared>>
        tpu.enqueue_indirect_dma source(%dma_start3A_611 : memref<80x32xf32, #tpu.memory_space<vmem>>) target(%dma_start3A_617 : memref<10240x32xf32, #tpu.memory_space<vmem_shared>>) offsets(%dma_start3A_614 : memref<80xi32, #tpu.memory_space<vmem>>) semaphore(%run_scoped3A_607 : memref<!tpu.dma_semaphore, #tpu.memory_space<semaphore_mem>>) {add = true}
        %dma_wait3A_618 = arith.constant 0 : i32
        %dma_wait3A_619 = arith.constant 0 : i32
        %dma_wait3A_620 = tpu.memref_slice %arg8[%run_scoped3A_416, %dma_wait3A_618, %dma_wait3A_619] : memref<8x80x32xf32, #tpu.memory_space<vmem>> -> memref<1x80x32xf32, #tpu.memory_space<vmem>>
        %dma_wait3A_621 = tpu.memref_squeeze %dma_wait3A_620 : memref<1x80x32xf32, #tpu.memory_space<vmem>> -> memref<80x32xf32, #tpu.memory_space<vmem>>
        %dma_wait3A_622 = arith.constant 0 : i32
        %dma_wait3A_623 = tpu.memref_slice %arg7[%add3A_391, %dma_wait3A_622] : memref<125x80xi32, #tpu.memory_space<vmem>> -> memref<1x80xi32, #tpu.memory_space<vmem>>
        %dma_wait3A_624 = tpu.memref_squeeze %dma_wait3A_623 : memref<1x80xi32, #tpu.memory_space<vmem>> -> memref<80xi32, #tpu.memory_space<vmem>>
        %dma_wait3A_625 = arith.constant 0 : i32
        %dma_wait3A_626 = arith.constant 0 : i32
        %dma_wait3A_627 = tpu.memref_slice %arg10[%dma_wait3A_625, %dma_wait3A_626] : memref<10240x32xf32, #tpu.memory_space<vmem_shared>> -> memref<10240x32xf32, #tpu.memory_space<vmem_shared>>
        tpu.wait_indirect_dma semaphore(%run_scoped3A_607 : memref<!tpu.dma_semaphore, #tpu.memory_space<semaphore_mem>>) src(%dma_wait3A_621 : memref<80x32xf32, #tpu.memory_space<vmem>>) dst(%dma_wait3A_627 : memref<10240x32xf32, #tpu.memory_space<vmem_shared>>)
        tpu.yield
      }) : () -> ()
      %add3A_417 = arith.constant 1 : i32
      %add3A_418 = arith.addi %mul3A_390, %add3A_417 : i32
      %add3A_419 = arith.constant 7 : i32
      %add3A_420 = arith.addi %add3A_418, %add3A_419 : i32
      %dma_start3A_421 = arith.constant 0 : i32
      %dma_start3A_422 = arith.constant 0 : i32
      %dma_start3A_423 = arith.constant 0 : i32
      %dma_start3A_424 = tpu.memref_slice %arg8[%dma_start3A_421, %dma_start3A_422, %dma_start3A_423] : memref<8x80x32xf32, #tpu.memory_space<vmem>> -> memref<1x80x32xf32, #tpu.memory_space<vmem>>
      %dma_start3A_425 = tpu.memref_squeeze %dma_start3A_424 : memref<1x80x32xf32, #tpu.memory_space<vmem>> -> memref<80x32xf32, #tpu.memory_space<vmem>>
      %dma_start3A_426 = arith.constant 0 : i32
      %dma_start3A_427 = tpu.memref_slice %arg6[%add3A_420, %dma_start3A_426] : memref<125x80xi32, #tpu.memory_space<vmem>> -> memref<1x80xi32, #tpu.memory_space<vmem>>
      %dma_start3A_428 = tpu.memref_squeeze %dma_start3A_427 : memref<1x80xi32, #tpu.memory_space<vmem>> -> memref<80xi32, #tpu.memory_space<vmem>>
      %dma_start3A_429 = arith.constant 0 : i32
      %dma_start3A_430 = arith.constant 0 : i32
      %dma_start3A_431 = tpu.memref_slice %arg2[%dma_start3A_429, %dma_start3A_430] : memref<10000x32xf32, #tpu.memory_space<hbm>> -> memref<10000x32xf32, #tpu.memory_space<hbm>>
      tpu.enqueue_indirect_dma source(%dma_start3A_431 : memref<10000x32xf32, #tpu.memory_space<hbm>>) target(%dma_start3A_425 : memref<80x32xf32, #tpu.memory_space<vmem>>) offsets(%dma_start3A_428 : memref<80xi32, #tpu.memory_space<vmem>>) semaphore(%arg11 : memref<!tpu.dma_semaphore, #tpu.memory_space<semaphore_mem>>)
      %dma_wait3A_432 = arith.constant 1 : i32
      %dma_wait3A_433 = arith.constant 0 : i32
      %dma_wait3A_434 = arith.constant 0 : i32
      %dma_wait3A_435 = tpu.memref_slice %arg8[%dma_wait3A_432, %dma_wait3A_433, %dma_wait3A_434] : memref<8x80x32xf32, #tpu.memory_space<vmem>> -> memref<1x80x32xf32, #tpu.memory_space<vmem>>
      %dma_wait3A_436 = tpu.memref_squeeze %dma_wait3A_435 : memref<1x80x32xf32, #tpu.memory_space<vmem>> -> memref<80x32xf32, #tpu.memory_space<vmem>>
      %dma_wait3A_437 = arith.constant 0 : i32
      %dma_wait3A_438 = tpu.memref_slice %arg6[%add3A_418, %dma_wait3A_437] : memref<125x80xi32, #tpu.memory_space<vmem>> -> memref<1x80xi32, #tpu.memory_space<vmem>>
      %dma_wait3A_439 = tpu.memref_squeeze %dma_wait3A_438 : memref<1x80xi32, #tpu.memory_space<vmem>> -> memref<80xi32, #tpu.memory_space<vmem>>
      %dma_wait3A_440 = arith.constant 0 : i32
      %dma_wait3A_441 = arith.constant 0 : i32
      %dma_wait3A_442 = tpu.memref_slice %arg2[%dma_wait3A_440, %dma_wait3A_441] : memref<10000x32xf32, #tpu.memory_space<hbm>> -> memref<10000x32xf32, #tpu.memory_space<hbm>>
      tpu.wait_indirect_dma semaphore(%arg12 : memref<!tpu.dma_semaphore, #tpu.memory_space<semaphore_mem>>) src(%dma_wait3A_442 : memref<10000x32xf32, #tpu.memory_space<hbm>>) dst(%dma_wait3A_436 : memref<80x32xf32, #tpu.memory_space<vmem>>)
      %run_scoped3A_443 = arith.constant 1 : i32
      "tpu.region"() ({
        %run_scoped3A_607 = tpu.sem_alloc : memref<!tpu.dma_semaphore, #tpu.memory_space<semaphore_mem>>
        %dma_start3A_608 = arith.constant 0 : i32
        %dma_start3A_609 = arith.constant 0 : i32
        %dma_start3A_610 = tpu.memref_slice %arg8[%run_scoped3A_443, %dma_start3A_608, %dma_start3A_609] : memref<8x80x32xf32, #tpu.memory_space<vmem>> -> memref<1x80x32xf32, #tpu.memory_space<vmem>>
        %dma_start3A_611 = tpu.memref_squeeze %dma_start3A_610 : memref<1x80x32xf32, #tpu.memory_space<vmem>> -> memref<80x32xf32, #tpu.memory_space<vmem>>
        %dma_start3A_612 = arith.constant 0 : i32
        %dma_start3A_613 = tpu.memref_slice %arg7[%add3A_418, %dma_start3A_612] : memref<125x80xi32, #tpu.memory_space<vmem>> -> memref<1x80xi32, #tpu.memory_space<vmem>>
        %dma_start3A_614 = tpu.memref_squeeze %dma_start3A_613 : memref<1x80xi32, #tpu.memory_space<vmem>> -> memref<80xi32, #tpu.memory_space<vmem>>
        %dma_start3A_615 = arith.constant 0 : i32
        %dma_start3A_616 = arith.constant 0 : i32
        %dma_start3A_617 = tpu.memref_slice %arg10[%dma_start3A_615, %dma_start3A_616] : memref<10240x32xf32, #tpu.memory_space<vmem_shared>> -> memref<10240x32xf32, #tpu.memory_space<vmem_shared>>
        tpu.enqueue_indirect_dma source(%dma_start3A_611 : memref<80x32xf32, #tpu.memory_space<vmem>>) target(%dma_start3A_617 : memref<10240x32xf32, #tpu.memory_space<vmem_shared>>) offsets(%dma_start3A_614 : memref<80xi32, #tpu.memory_space<vmem>>) semaphore(%run_scoped3A_607 : memref<!tpu.dma_semaphore, #tpu.memory_space<semaphore_mem>>) {add = true}
        %dma_wait3A_618 = arith.constant 0 : i32
        %dma_wait3A_619 = arith.constant 0 : i32
        %dma_wait3A_620 = tpu.memref_slice %arg8[%run_scoped3A_443, %dma_wait3A_618, %dma_wait3A_619] : memref<8x80x32xf32, #tpu.memory_space<vmem>> -> memref<1x80x32xf32, #tpu.memory_space<vmem>>
        %dma_wait3A_621 = tpu.memref_squeeze %dma_wait3A_620 : memref<1x80x32xf32, #tpu.memory_space<vmem>> -> memref<80x32xf32, #tpu.memory_space<vmem>>
        %dma_wait3A_622 = arith.constant 0 : i32
        %dma_wait3A_623 = tpu.memref_slice %arg7[%add3A_418, %dma_wait3A_622] : memref<125x80xi32, #tpu.memory_space<vmem>> -> memref<1x80xi32, #tpu.memory_space<vmem>>
        %dma_wait3A_624 = tpu.memref_squeeze %dma_wait3A_623 : memref<1x80xi32, #tpu.memory_space<vmem>> -> memref<80xi32, #tpu.memory_space<vmem>>
        %dma_wait3A_625 = arith.constant 0 : i32
        %dma_wait3A_626 = arith.constant 0 : i32
        %dma_wait3A_627 = tpu.memref_slice %arg10[%dma_wait3A_625, %dma_wait3A_626] : memref<10240x32xf32, #tpu.memory_space<vmem_shared>> -> memref<10240x32xf32, #tpu.memory_space<vmem_shared>>
        tpu.wait_indirect_dma semaphore(%run_scoped3A_607 : memref<!tpu.dma_semaphore, #tpu.memory_space<semaphore_mem>>) src(%dma_wait3A_621 : memref<80x32xf32, #tpu.memory_space<vmem>>) dst(%dma_wait3A_627 : memref<10240x32xf32, #tpu.memory_space<vmem_shared>>)
        tpu.yield
      }) : () -> ()
      %add3A_444 = arith.constant 2 : i32
      %add3A_445 = arith.addi %mul3A_390, %add3A_444 : i32
      %add3A_446 = arith.constant 7 : i32
      %add3A_447 = arith.addi %add3A_445, %add3A_446 : i32
      %dma_start3A_448 = arith.constant 1 : i32
      %dma_start3A_449 = arith.constant 0 : i32
      %dma_start3A_450 = arith.constant 0 : i32
      %dma_start3A_451 = tpu.memref_slice %arg8[%dma_start3A_448, %dma_start3A_449, %dma_start3A_450] : memref<8x80x32xf32, #tpu.memory_space<vmem>> -> memref<1x80x32xf32, #tpu.memory_space<vmem>>
      %dma_start3A_452 = tpu.memref_squeeze %dma_start3A_451 : memref<1x80x32xf32, #tpu.memory_space<vmem>> -> memref<80x32xf32, #tpu.memory_space<vmem>>
      %dma_start3A_453 = arith.constant 0 : i32
      %dma_start3A_454 = tpu.memref_slice %arg6[%add3A_447, %dma_start3A_453] : memref<125x80xi32, #tpu.memory_space<vmem>> -> memref<1x80xi32, #tpu.memory_space<vmem>>
      %dma_start3A_455 = tpu.memref_squeeze %dma_start3A_454 : memref<1x80xi32, #tpu.memory_space<vmem>> -> memref<80xi32, #tpu.memory_space<vmem>>
      %dma_start3A_456 = arith.constant 0 : i32
      %dma_start3A_457 = arith.constant 0 : i32
      %dma_start3A_458 = tpu.memref_slice %arg2[%dma_start3A_456, %dma_start3A_457] : memref<10000x32xf32, #tpu.memory_space<hbm>> -> memref<10000x32xf32, #tpu.memory_space<hbm>>
      tpu.enqueue_indirect_dma source(%dma_start3A_458 : memref<10000x32xf32, #tpu.memory_space<hbm>>) target(%dma_start3A_452 : memref<80x32xf32, #tpu.memory_space<vmem>>) offsets(%dma_start3A_455 : memref<80xi32, #tpu.memory_space<vmem>>) semaphore(%arg12 : memref<!tpu.dma_semaphore, #tpu.memory_space<semaphore_mem>>)
      %dma_wait3A_459 = arith.constant 2 : i32
      %dma_wait3A_460 = arith.constant 0 : i32
      %dma_wait3A_461 = arith.constant 0 : i32
      %dma_wait3A_462 = tpu.memref_slice %arg8[%dma_wait3A_459, %dma_wait3A_460, %dma_wait3A_461] : memref<8x80x32xf32, #tpu.memory_space<vmem>> -> memref<1x80x32xf32, #tpu.memory_space<vmem>>
      %dma_wait3A_463 = tpu.memref_squeeze %dma_wait3A_462 : memref<1x80x32xf32, #tpu.memory_space<vmem>> -> memref<80x32xf32, #tpu.memory_space<vmem>>
      %dma_wait3A_464 = arith.constant 0 : i32
      %dma_wait3A_465 = tpu.memref_slice %arg6[%add3A_445, %dma_wait3A_464] : memref<125x80xi32, #tpu.memory_space<vmem>> -> memref<1x80xi32, #tpu.memory_space<vmem>>
      %dma_wait3A_466 = tpu.memref_squeeze %dma_wait3A_465 : memref<1x80xi32, #tpu.memory_space<vmem>> -> memref<80xi32, #tpu.memory_space<vmem>>
      %dma_wait3A_467 = arith.constant 0 : i32
      %dma_wait3A_468 = arith.constant 0 : i32
      %dma_wait3A_469 = tpu.memref_slice %arg2[%dma_wait3A_467, %dma_wait3A_468] : memref<10000x32xf32, #tpu.memory_space<hbm>> -> memref<10000x32xf32, #tpu.memory_space<hbm>>
      tpu.wait_indirect_dma semaphore(%arg13 : memref<!tpu.dma_semaphore, #tpu.memory_space<semaphore_mem>>) src(%dma_wait3A_469 : memref<10000x32xf32, #tpu.memory_space<hbm>>) dst(%dma_wait3A_463 : memref<80x32xf32, #tpu.memory_space<vmem>>)
      %run_scoped3A_470 = arith.constant 2 : i32
      "tpu.region"() ({
        %run_scoped3A_607 = tpu.sem_alloc : memref<!tpu.dma_semaphore, #tpu.memory_space<semaphore_mem>>
        %dma_start3A_608 = arith.constant 0 : i32
        %dma_start3A_609 = arith.constant 0 : i32
        %dma_start3A_610 = tpu.memref_slice %arg8[%run_scoped3A_470, %dma_start3A_608, %dma_start3A_609] : memref<8x80x32xf32, #tpu.memory_space<vmem>> -> memref<1x80x32xf32, #tpu.memory_space<vmem>>
        %dma_start3A_611 = tpu.memref_squeeze %dma_start3A_610 : memref<1x80x32xf32, #tpu.memory_space<vmem>> -> memref<80x32xf32, #tpu.memory_space<vmem>>
        %dma_start3A_612 = arith.constant 0 : i32
        %dma_start3A_613 = tpu.memref_slice %arg7[%add3A_445, %dma_start3A_612] : memref<125x80xi32, #tpu.memory_space<vmem>> -> memref<1x80xi32, #tpu.memory_space<vmem>>
        %dma_start3A_614 = tpu.memref_squeeze %dma_start3A_613 : memref<1x80xi32, #tpu.memory_space<vmem>> -> memref<80xi32, #tpu.memory_space<vmem>>
        %dma_start3A_615 = arith.constant 0 : i32
        %dma_start3A_616 = arith.constant 0 : i32
        %dma_start3A_617 = tpu.memref_slice %arg10[%dma_start3A_615, %dma_start3A_616] : memref<10240x32xf32, #tpu.memory_space<vmem_shared>> -> memref<10240x32xf32, #tpu.memory_space<vmem_shared>>
        tpu.enqueue_indirect_dma source(%dma_start3A_611 : memref<80x32xf32, #tpu.memory_space<vmem>>) target(%dma_start3A_617 : memref<10240x32xf32, #tpu.memory_space<vmem_shared>>) offsets(%dma_start3A_614 : memref<80xi32, #tpu.memory_space<vmem>>) semaphore(%run_scoped3A_607 : memref<!tpu.dma_semaphore, #tpu.memory_space<semaphore_mem>>) {add = true}
        %dma_wait3A_618 = arith.constant 0 : i32
        %dma_wait3A_619 = arith.constant 0 : i32
        %dma_wait3A_620 = tpu.memref_slice %arg8[%run_scoped3A_470, %dma_wait3A_618, %dma_wait3A_619] : memref<8x80x32xf32, #tpu.memory_space<vmem>> -> memref<1x80x32xf32, #tpu.memory_space<vmem>>
        %dma_wait3A_621 = tpu.memref_squeeze %dma_wait3A_620 : memref<1x80x32xf32, #tpu.memory_space<vmem>> -> memref<80x32xf32, #tpu.memory_space<vmem>>
        %dma_wait3A_622 = arith.constant 0 : i32
        %dma_wait3A_623 = tpu.memref_slice %arg7[%add3A_445, %dma_wait3A_622] : memref<125x80xi32, #tpu.memory_space<vmem>> -> memref<1x80xi32, #tpu.memory_space<vmem>>
        %dma_wait3A_624 = tpu.memref_squeeze %dma_wait3A_623 : memref<1x80xi32, #tpu.memory_space<vmem>> -> memref<80xi32, #tpu.memory_space<vmem>>
        %dma_wait3A_625 = arith.constant 0 : i32
        %dma_wait3A_626 = arith.constant 0 : i32
        %dma_wait3A_627 = tpu.memref_slice %arg10[%dma_wait3A_625, %dma_wait3A_626] : memref<10240x32xf32, #tpu.memory_space<vmem_shared>> -> memref<10240x32xf32, #tpu.memory_space<vmem_shared>>
        tpu.wait_indirect_dma semaphore(%run_scoped3A_607 : memref<!tpu.dma_semaphore, #tpu.memory_space<semaphore_mem>>) src(%dma_wait3A_621 : memref<80x32xf32, #tpu.memory_space<vmem>>) dst(%dma_wait3A_627 : memref<10240x32xf32, #tpu.memory_space<vmem_shared>>)
        tpu.yield
      }) : () -> ()
      %add3A_471 = arith.constant 3 : i32
      %add3A_472 = arith.addi %mul3A_390, %add3A_471 : i32
      %add3A_473 = arith.constant 7 : i32
      %add3A_474 = arith.addi %add3A_472, %add3A_473 : i32
      %dma_start3A_475 = arith.constant 2 : i32
      %dma_start3A_476 = arith.constant 0 : i32
      %dma_start3A_477 = arith.constant 0 : i32
      %dma_start3A_478 = tpu.memref_slice %arg8[%dma_start3A_475, %dma_start3A_476, %dma_start3A_477] : memref<8x80x32xf32, #tpu.memory_space<vmem>> -> memref<1x80x32xf32, #tpu.memory_space<vmem>>
      %dma_start3A_479 = tpu.memref_squeeze %dma_start3A_478 : memref<1x80x32xf32, #tpu.memory_space<vmem>> -> memref<80x32xf32, #tpu.memory_space<vmem>>
      %dma_start3A_480 = arith.constant 0 : i32
      %dma_start3A_481 = tpu.memref_slice %arg6[%add3A_474, %dma_start3A_480] : memref<125x80xi32, #tpu.memory_space<vmem>> -> memref<1x80xi32, #tpu.memory_space<vmem>>
      %dma_start3A_482 = tpu.memref_squeeze %dma_start3A_481 : memref<1x80xi32, #tpu.memory_space<vmem>> -> memref<80xi32, #tpu.memory_space<vmem>>
      %dma_start3A_483 = arith.constant 0 : i32
      %dma_start3A_484 = arith.constant 0 : i32
      %dma_start3A_485 = tpu.memref_slice %arg2[%dma_start3A_483, %dma_start3A_484] : memref<10000x32xf32, #tpu.memory_space<hbm>> -> memref<10000x32xf32, #tpu.memory_space<hbm>>
      tpu.enqueue_indirect_dma source(%dma_start3A_485 : memref<10000x32xf32, #tpu.memory_space<hbm>>) target(%dma_start3A_479 : memref<80x32xf32, #tpu.memory_space<vmem>>) offsets(%dma_start3A_482 : memref<80xi32, #tpu.memory_space<vmem>>) semaphore(%arg13 : memref<!tpu.dma_semaphore, #tpu.memory_space<semaphore_mem>>)
      %dma_wait3A_486 = arith.constant 3 : i32
      %dma_wait3A_487 = arith.constant 0 : i32
      %dma_wait3A_488 = arith.constant 0 : i32
      %dma_wait3A_489 = tpu.memref_slice %arg8[%dma_wait3A_486, %dma_wait3A_487, %dma_wait3A_488] : memref<8x80x32xf32, #tpu.memory_space<vmem>> -> memref<1x80x32xf32, #tpu.memory_space<vmem>>
      %dma_wait3A_490 = tpu.memref_squeeze %dma_wait3A_489 : memref<1x80x32xf32, #tpu.memory_space<vmem>> -> memref<80x32xf32, #tpu.memory_space<vmem>>
      %dma_wait3A_491 = arith.constant 0 : i32
      %dma_wait3A_492 = tpu.memref_slice %arg6[%add3A_472, %dma_wait3A_491] : memref<125x80xi32, #tpu.memory_space<vmem>> -> memref<1x80xi32, #tpu.memory_space<vmem>>
      %dma_wait3A_493 = tpu.memref_squeeze %dma_wait3A_492 : memref<1x80xi32, #tpu.memory_space<vmem>> -> memref<80xi32, #tpu.memory_space<vmem>>
      %dma_wait3A_494 = arith.constant 0 : i32
      %dma_wait3A_495 = arith.constant 0 : i32
      %dma_wait3A_496 = tpu.memref_slice %arg2[%dma_wait3A_494, %dma_wait3A_495] : memref<10000x32xf32, #tpu.memory_space<hbm>> -> memref<10000x32xf32, #tpu.memory_space<hbm>>
      tpu.wait_indirect_dma semaphore(%arg14 : memref<!tpu.dma_semaphore, #tpu.memory_space<semaphore_mem>>) src(%dma_wait3A_496 : memref<10000x32xf32, #tpu.memory_space<hbm>>) dst(%dma_wait3A_490 : memref<80x32xf32, #tpu.memory_space<vmem>>)
      %run_scoped3A_497 = arith.constant 3 : i32
      "tpu.region"() ({
        %run_scoped3A_607 = tpu.sem_alloc : memref<!tpu.dma_semaphore, #tpu.memory_space<semaphore_mem>>
        %dma_start3A_608 = arith.constant 0 : i32
        %dma_start3A_609 = arith.constant 0 : i32
        %dma_start3A_610 = tpu.memref_slice %arg8[%run_scoped3A_497, %dma_start3A_608, %dma_start3A_609] : memref<8x80x32xf32, #tpu.memory_space<vmem>> -> memref<1x80x32xf32, #tpu.memory_space<vmem>>
        %dma_start3A_611 = tpu.memref_squeeze %dma_start3A_610 : memref<1x80x32xf32, #tpu.memory_space<vmem>> -> memref<80x32xf32, #tpu.memory_space<vmem>>
        %dma_start3A_612 = arith.constant 0 : i32
        %dma_start3A_613 = tpu.memref_slice %arg7[%add3A_472, %dma_start3A_612] : memref<125x80xi32, #tpu.memory_space<vmem>> -> memref<1x80xi32, #tpu.memory_space<vmem>>
        %dma_start3A_614 = tpu.memref_squeeze %dma_start3A_613 : memref<1x80xi32, #tpu.memory_space<vmem>> -> memref<80xi32, #tpu.memory_space<vmem>>
        %dma_start3A_615 = arith.constant 0 : i32
        %dma_start3A_616 = arith.constant 0 : i32
        %dma_start3A_617 = tpu.memref_slice %arg10[%dma_start3A_615, %dma_start3A_616] : memref<10240x32xf32, #tpu.memory_space<vmem_shared>> -> memref<10240x32xf32, #tpu.memory_space<vmem_shared>>
        tpu.enqueue_indirect_dma source(%dma_start3A_611 : memref<80x32xf32, #tpu.memory_space<vmem>>) target(%dma_start3A_617 : memref<10240x32xf32, #tpu.memory_space<vmem_shared>>) offsets(%dma_start3A_614 : memref<80xi32, #tpu.memory_space<vmem>>) semaphore(%run_scoped3A_607 : memref<!tpu.dma_semaphore, #tpu.memory_space<semaphore_mem>>) {add = true}
        %dma_wait3A_618 = arith.constant 0 : i32
        %dma_wait3A_619 = arith.constant 0 : i32
        %dma_wait3A_620 = tpu.memref_slice %arg8[%run_scoped3A_497, %dma_wait3A_618, %dma_wait3A_619] : memref<8x80x32xf32, #tpu.memory_space<vmem>> -> memref<1x80x32xf32, #tpu.memory_space<vmem>>
        %dma_wait3A_621 = tpu.memref_squeeze %dma_wait3A_620 : memref<1x80x32xf32, #tpu.memory_space<vmem>> -> memref<80x32xf32, #tpu.memory_space<vmem>>
        %dma_wait3A_622 = arith.constant 0 : i32
        %dma_wait3A_623 = tpu.memref_slice %arg7[%add3A_472, %dma_wait3A_622] : memref<125x80xi32, #tpu.memory_space<vmem>> -> memref<1x80xi32, #tpu.memory_space<vmem>>
        %dma_wait3A_624 = tpu.memref_squeeze %dma_wait3A_623 : memref<1x80xi32, #tpu.memory_space<vmem>> -> memref<80xi32, #tpu.memory_space<vmem>>
        %dma_wait3A_625 = arith.constant 0 : i32
        %dma_wait3A_626 = arith.constant 0 : i32
        %dma_wait3A_627 = tpu.memref_slice %arg10[%dma_wait3A_625, %dma_wait3A_626] : memref<10240x32xf32, #tpu.memory_space<vmem_shared>> -> memref<10240x32xf32, #tpu.memory_space<vmem_shared>>
        tpu.wait_indirect_dma semaphore(%run_scoped3A_607 : memref<!tpu.dma_semaphore, #tpu.memory_space<semaphore_mem>>) src(%dma_wait3A_621 : memref<80x32xf32, #tpu.memory_space<vmem>>) dst(%dma_wait3A_627 : memref<10240x32xf32, #tpu.memory_space<vmem_shared>>)
        tpu.yield
      }) : () -> ()
      %add3A_498 = arith.constant 4 : i32
      %add3A_499 = arith.addi %mul3A_390, %add3A_498 : i32
      %add3A_500 = arith.constant 7 : i32
      %add3A_501 = arith.addi %add3A_499, %add3A_500 : i32
      %dma_start3A_502 = arith.constant 3 : i32
      %dma_start3A_503 = arith.constant 0 : i32
      %dma_start3A_504 = arith.constant 0 : i32
      %dma_start3A_505 = tpu.memref_slice %arg8[%dma_start3A_502, %dma_start3A_503, %dma_start3A_504] : memref<8x80x32xf32, #tpu.memory_space<vmem>> -> memref<1x80x32xf32, #tpu.memory_space<vmem>>
      %dma_start3A_506 = tpu.memref_squeeze %dma_start3A_505 : memref<1x80x32xf32, #tpu.memory_space<vmem>> -> memref<80x32xf32, #tpu.memory_space<vmem>>
      %dma_start3A_507 = arith.constant 0 : i32
      %dma_start3A_508 = tpu.memref_slice %arg6[%add3A_501, %dma_start3A_507] : memref<125x80xi32, #tpu.memory_space<vmem>> -> memref<1x80xi32, #tpu.memory_space<vmem>>
      %dma_start3A_509 = tpu.memref_squeeze %dma_start3A_508 : memref<1x80xi32, #tpu.memory_space<vmem>> -> memref<80xi32, #tpu.memory_space<vmem>>
      %dma_start3A_510 = arith.constant 0 : i32
      %dma_start3A_511 = arith.constant 0 : i32
      %dma_start3A_512 = tpu.memref_slice %arg2[%dma_start3A_510, %dma_start3A_511] : memref<10000x32xf32, #tpu.memory_space<hbm>> -> memref<10000x32xf32, #tpu.memory_space<hbm>>
      tpu.enqueue_indirect_dma source(%dma_start3A_512 : memref<10000x32xf32, #tpu.memory_space<hbm>>) target(%dma_start3A_506 : memref<80x32xf32, #tpu.memory_space<vmem>>) offsets(%dma_start3A_509 : memref<80xi32, #tpu.memory_space<vmem>>) semaphore(%arg14 : memref<!tpu.dma_semaphore, #tpu.memory_space<semaphore_mem>>)
      %dma_wait3A_513 = arith.constant 4 : i32
      %dma_wait3A_514 = arith.constant 0 : i32
      %dma_wait3A_515 = arith.constant 0 : i32
      %dma_wait3A_516 = tpu.memref_slice %arg8[%dma_wait3A_513, %dma_wait3A_514, %dma_wait3A_515] : memref<8x80x32xf32, #tpu.memory_space<vmem>> -> memref<1x80x32xf32, #tpu.memory_space<vmem>>
      %dma_wait3A_517 = tpu.memref_squeeze %dma_wait3A_516 : memref<1x80x32xf32, #tpu.memory_space<vmem>> -> memref<80x32xf32, #tpu.memory_space<vmem>>
      %dma_wait3A_518 = arith.constant 0 : i32
      %dma_wait3A_519 = tpu.memref_slice %arg6[%add3A_499, %dma_wait3A_518] : memref<125x80xi32, #tpu.memory_space<vmem>> -> memref<1x80xi32, #tpu.memory_space<vmem>>
      %dma_wait3A_520 = tpu.memref_squeeze %dma_wait3A_519 : memref<1x80xi32, #tpu.memory_space<vmem>> -> memref<80xi32, #tpu.memory_space<vmem>>
      %dma_wait3A_521 = arith.constant 0 : i32
      %dma_wait3A_522 = arith.constant 0 : i32
      %dma_wait3A_523 = tpu.memref_slice %arg2[%dma_wait3A_521, %dma_wait3A_522] : memref<10000x32xf32, #tpu.memory_space<hbm>> -> memref<10000x32xf32, #tpu.memory_space<hbm>>
      tpu.wait_indirect_dma semaphore(%arg15 : memref<!tpu.dma_semaphore, #tpu.memory_space<semaphore_mem>>) src(%dma_wait3A_523 : memref<10000x32xf32, #tpu.memory_space<hbm>>) dst(%dma_wait3A_517 : memref<80x32xf32, #tpu.memory_space<vmem>>)
      %run_scoped3A_524 = arith.constant 4 : i32
      "tpu.region"() ({
        %run_scoped3A_607 = tpu.sem_alloc : memref<!tpu.dma_semaphore, #tpu.memory_space<semaphore_mem>>
        %dma_start3A_608 = arith.constant 0 : i32
        %dma_start3A_609 = arith.constant 0 : i32
        %dma_start3A_610 = tpu.memref_slice %arg8[%run_scoped3A_524, %dma_start3A_608, %dma_start3A_609] : memref<8x80x32xf32, #tpu.memory_space<vmem>> -> memref<1x80x32xf32, #tpu.memory_space<vmem>>
        %dma_start3A_611 = tpu.memref_squeeze %dma_start3A_610 : memref<1x80x32xf32, #tpu.memory_space<vmem>> -> memref<80x32xf32, #tpu.memory_space<vmem>>
        %dma_start3A_612 = arith.constant 0 : i32
        %dma_start3A_613 = tpu.memref_slice %arg7[%add3A_499, %dma_start3A_612] : memref<125x80xi32, #tpu.memory_space<vmem>> -> memref<1x80xi32, #tpu.memory_space<vmem>>
        %dma_start3A_614 = tpu.memref_squeeze %dma_start3A_613 : memref<1x80xi32, #tpu.memory_space<vmem>> -> memref<80xi32, #tpu.memory_space<vmem>>
        %dma_start3A_615 = arith.constant 0 : i32
        %dma_start3A_616 = arith.constant 0 : i32
        %dma_start3A_617 = tpu.memref_slice %arg10[%dma_start3A_615, %dma_start3A_616] : memref<10240x32xf32, #tpu.memory_space<vmem_shared>> -> memref<10240x32xf32, #tpu.memory_space<vmem_shared>>
        tpu.enqueue_indirect_dma source(%dma_start3A_611 : memref<80x32xf32, #tpu.memory_space<vmem>>) target(%dma_start3A_617 : memref<10240x32xf32, #tpu.memory_space<vmem_shared>>) offsets(%dma_start3A_614 : memref<80xi32, #tpu.memory_space<vmem>>) semaphore(%run_scoped3A_607 : memref<!tpu.dma_semaphore, #tpu.memory_space<semaphore_mem>>) {add = true}
        %dma_wait3A_618 = arith.constant 0 : i32
        %dma_wait3A_619 = arith.constant 0 : i32
        %dma_wait3A_620 = tpu.memref_slice %arg8[%run_scoped3A_524, %dma_wait3A_618, %dma_wait3A_619] : memref<8x80x32xf32, #tpu.memory_space<vmem>> -> memref<1x80x32xf32, #tpu.memory_space<vmem>>
        %dma_wait3A_621 = tpu.memref_squeeze %dma_wait3A_620 : memref<1x80x32xf32, #tpu.memory_space<vmem>> -> memref<80x32xf32, #tpu.memory_space<vmem>>
        %dma_wait3A_622 = arith.constant 0 : i32
        %dma_wait3A_623 = tpu.memref_slice %arg7[%add3A_499, %dma_wait3A_622] : memref<125x80xi32, #tpu.memory_space<vmem>> -> memref<1x80xi32, #tpu.memory_space<vmem>>
        %dma_wait3A_624 = tpu.memref_squeeze %dma_wait3A_623 : memref<1x80xi32, #tpu.memory_space<vmem>> -> memref<80xi32, #tpu.memory_space<vmem>>
        %dma_wait3A_625 = arith.constant 0 : i32
        %dma_wait3A_626 = arith.constant 0 : i32
        %dma_wait3A_627 = tpu.memref_slice %arg10[%dma_wait3A_625, %dma_wait3A_626] : memref<10240x32xf32, #tpu.memory_space<vmem_shared>> -> memref<10240x32xf32, #tpu.memory_space<vmem_shared>>
        tpu.wait_indirect_dma semaphore(%run_scoped3A_607 : memref<!tpu.dma_semaphore, #tpu.memory_space<semaphore_mem>>) src(%dma_wait3A_621 : memref<80x32xf32, #tpu.memory_space<vmem>>) dst(%dma_wait3A_627 : memref<10240x32xf32, #tpu.memory_space<vmem_shared>>)
        tpu.yield
      }) : () -> ()
      %add3A_525 = arith.constant 5 : i32
      %add3A_526 = arith.addi %mul3A_390, %add3A_525 : i32
      %add3A_527 = arith.constant 7 : i32
      %add3A_528 = arith.addi %add3A_526, %add3A_527 : i32
      %dma_start3A_529 = arith.constant 4 : i32
      %dma_start3A_530 = arith.constant 0 : i32
      %dma_start3A_531 = arith.constant 0 : i32
      %dma_start3A_532 = tpu.memref_slice %arg8[%dma_start3A_529, %dma_start3A_530, %dma_start3A_531] : memref<8x80x32xf32, #tpu.memory_space<vmem>> -> memref<1x80x32xf32, #tpu.memory_space<vmem>>
      %dma_start3A_533 = tpu.memref_squeeze %dma_start3A_532 : memref<1x80x32xf32, #tpu.memory_space<vmem>> -> memref<80x32xf32, #tpu.memory_space<vmem>>
      %dma_start3A_534 = arith.constant 0 : i32
      %dma_start3A_535 = tpu.memref_slice %arg6[%add3A_528, %dma_start3A_534] : memref<125x80xi32, #tpu.memory_space<vmem>> -> memref<1x80xi32, #tpu.memory_space<vmem>>
      %dma_start3A_536 = tpu.memref_squeeze %dma_start3A_535 : memref<1x80xi32, #tpu.memory_space<vmem>> -> memref<80xi32, #tpu.memory_space<vmem>>
      %dma_start3A_537 = arith.constant 0 : i32
      %dma_start3A_538 = arith.constant 0 : i32
      %dma_start3A_539 = tpu.memref_slice %arg2[%dma_start3A_537, %dma_start3A_538] : memref<10000x32xf32, #tpu.memory_space<hbm>> -> memref<10000x32xf32, #tpu.memory_space<hbm>>
      tpu.enqueue_indirect_dma source(%dma_start3A_539 : memref<10000x32xf32, #tpu.memory_space<hbm>>) target(%dma_start3A_533 : memref<80x32xf32, #tpu.memory_space<vmem>>) offsets(%dma_start3A_536 : memref<80xi32, #tpu.memory_space<vmem>>) semaphore(%arg15 : memref<!tpu.dma_semaphore, #tpu.memory_space<semaphore_mem>>)
      %dma_wait3A_540 = arith.constant 5 : i32
      %dma_wait3A_541 = arith.constant 0 : i32
      %dma_wait3A_542 = arith.constant 0 : i32
      %dma_wait3A_543 = tpu.memref_slice %arg8[%dma_wait3A_540, %dma_wait3A_541, %dma_wait3A_542] : memref<8x80x32xf32, #tpu.memory_space<vmem>> -> memref<1x80x32xf32, #tpu.memory_space<vmem>>
      %dma_wait3A_544 = tpu.memref_squeeze %dma_wait3A_543 : memref<1x80x32xf32, #tpu.memory_space<vmem>> -> memref<80x32xf32, #tpu.memory_space<vmem>>
      %dma_wait3A_545 = arith.constant 0 : i32
      %dma_wait3A_546 = tpu.memref_slice %arg6[%add3A_526, %dma_wait3A_545] : memref<125x80xi32, #tpu.memory_space<vmem>> -> memref<1x80xi32, #tpu.memory_space<vmem>>
      %dma_wait3A_547 = tpu.memref_squeeze %dma_wait3A_546 : memref<1x80xi32, #tpu.memory_space<vmem>> -> memref<80xi32, #tpu.memory_space<vmem>>
      %dma_wait3A_548 = arith.constant 0 : i32
      %dma_wait3A_549 = arith.constant 0 : i32
      %dma_wait3A_550 = tpu.memref_slice %arg2[%dma_wait3A_548, %dma_wait3A_549] : memref<10000x32xf32, #tpu.memory_space<hbm>> -> memref<10000x32xf32, #tpu.memory_space<hbm>>
      tpu.wait_indirect_dma semaphore(%arg16 : memref<!tpu.dma_semaphore, #tpu.memory_space<semaphore_mem>>) src(%dma_wait3A_550 : memref<10000x32xf32, #tpu.memory_space<hbm>>) dst(%dma_wait3A_544 : memref<80x32xf32, #tpu.memory_space<vmem>>)
      %run_scoped3A_551 = arith.constant 5 : i32
      "tpu.region"() ({
        %run_scoped3A_607 = tpu.sem_alloc : memref<!tpu.dma_semaphore, #tpu.memory_space<semaphore_mem>>
        %dma_start3A_608 = arith.constant 0 : i32
        %dma_start3A_609 = arith.constant 0 : i32
        %dma_start3A_610 = tpu.memref_slice %arg8[%run_scoped3A_551, %dma_start3A_608, %dma_start3A_609] : memref<8x80x32xf32, #tpu.memory_space<vmem>> -> memref<1x80x32xf32, #tpu.memory_space<vmem>>
        %dma_start3A_611 = tpu.memref_squeeze %dma_start3A_610 : memref<1x80x32xf32, #tpu.memory_space<vmem>> -> memref<80x32xf32, #tpu.memory_space<vmem>>
        %dma_start3A_612 = arith.constant 0 : i32
        %dma_start3A_613 = tpu.memref_slice %arg7[%add3A_526, %dma_start3A_612] : memref<125x80xi32, #tpu.memory_space<vmem>> -> memref<1x80xi32, #tpu.memory_space<vmem>>
        %dma_start3A_614 = tpu.memref_squeeze %dma_start3A_613 : memref<1x80xi32, #tpu.memory_space<vmem>> -> memref<80xi32, #tpu.memory_space<vmem>>
        %dma_start3A_615 = arith.constant 0 : i32
        %dma_start3A_616 = arith.constant 0 : i32
        %dma_start3A_617 = tpu.memref_slice %arg10[%dma_start3A_615, %dma_start3A_616] : memref<10240x32xf32, #tpu.memory_space<vmem_shared>> -> memref<10240x32xf32, #tpu.memory_space<vmem_shared>>
        tpu.enqueue_indirect_dma source(%dma_start3A_611 : memref<80x32xf32, #tpu.memory_space<vmem>>) target(%dma_start3A_617 : memref<10240x32xf32, #tpu.memory_space<vmem_shared>>) offsets(%dma_start3A_614 : memref<80xi32, #tpu.memory_space<vmem>>) semaphore(%run_scoped3A_607 : memref<!tpu.dma_semaphore, #tpu.memory_space<semaphore_mem>>) {add = true}
        %dma_wait3A_618 = arith.constant 0 : i32
        %dma_wait3A_619 = arith.constant 0 : i32
        %dma_wait3A_620 = tpu.memref_slice %arg8[%run_scoped3A_551, %dma_wait3A_618, %dma_wait3A_619] : memref<8x80x32xf32, #tpu.memory_space<vmem>> -> memref<1x80x32xf32, #tpu.memory_space<vmem>>
        %dma_wait3A_621 = tpu.memref_squeeze %dma_wait3A_620 : memref<1x80x32xf32, #tpu.memory_space<vmem>> -> memref<80x32xf32, #tpu.memory_space<vmem>>
        %dma_wait3A_622 = arith.constant 0 : i32
        %dma_wait3A_623 = tpu.memref_slice %arg7[%add3A_526, %dma_wait3A_622] : memref<125x80xi32, #tpu.memory_space<vmem>> -> memref<1x80xi32, #tpu.memory_space<vmem>>
        %dma_wait3A_624 = tpu.memref_squeeze %dma_wait3A_623 : memref<1x80xi32, #tpu.memory_space<vmem>> -> memref<80xi32, #tpu.memory_space<vmem>>
        %dma_wait3A_625 = arith.constant 0 : i32
        %dma_wait3A_626 = arith.constant 0 : i32
        %dma_wait3A_627 = tpu.memref_slice %arg10[%dma_wait3A_625, %dma_wait3A_626] : memref<10240x32xf32, #tpu.memory_space<vmem_shared>> -> memref<10240x32xf32, #tpu.memory_space<vmem_shared>>
        tpu.wait_indirect_dma semaphore(%run_scoped3A_607 : memref<!tpu.dma_semaphore, #tpu.memory_space<semaphore_mem>>) src(%dma_wait3A_621 : memref<80x32xf32, #tpu.memory_space<vmem>>) dst(%dma_wait3A_627 : memref<10240x32xf32, #tpu.memory_space<vmem_shared>>)
        tpu.yield
      }) : () -> ()
      %add3A_552 = arith.constant 6 : i32
      %add3A_553 = arith.addi %mul3A_390, %add3A_552 : i32
      %add3A_554 = arith.constant 7 : i32
      %add3A_555 = arith.addi %add3A_553, %add3A_554 : i32
      %dma_start3A_556 = arith.constant 5 : i32
      %dma_start3A_557 = arith.constant 0 : i32
      %dma_start3A_558 = arith.constant 0 : i32
      %dma_start3A_559 = tpu.memref_slice %arg8[%dma_start3A_556, %dma_start3A_557, %dma_start3A_558] : memref<8x80x32xf32, #tpu.memory_space<vmem>> -> memref<1x80x32xf32, #tpu.memory_space<vmem>>
      %dma_start3A_560 = tpu.memref_squeeze %dma_start3A_559 : memref<1x80x32xf32, #tpu.memory_space<vmem>> -> memref<80x32xf32, #tpu.memory_space<vmem>>
      %dma_start3A_561 = arith.constant 0 : i32
      %dma_start3A_562 = tpu.memref_slice %arg6[%add3A_555, %dma_start3A_561] : memref<125x80xi32, #tpu.memory_space<vmem>> -> memref<1x80xi32, #tpu.memory_space<vmem>>
      %dma_start3A_563 = tpu.memref_squeeze %dma_start3A_562 : memref<1x80xi32, #tpu.memory_space<vmem>> -> memref<80xi32, #tpu.memory_space<vmem>>
      %dma_start3A_564 = arith.constant 0 : i32
      %dma_start3A_565 = arith.constant 0 : i32
      %dma_start3A_566 = tpu.memref_slice %arg2[%dma_start3A_564, %dma_start3A_565] : memref<10000x32xf32, #tpu.memory_space<hbm>> -> memref<10000x32xf32, #tpu.memory_space<hbm>>
      tpu.enqueue_indirect_dma source(%dma_start3A_566 : memref<10000x32xf32, #tpu.memory_space<hbm>>) target(%dma_start3A_560 : memref<80x32xf32, #tpu.memory_space<vmem>>) offsets(%dma_start3A_563 : memref<80xi32, #tpu.memory_space<vmem>>) semaphore(%arg16 : memref<!tpu.dma_semaphore, #tpu.memory_space<semaphore_mem>>)
      %dma_wait3A_567 = arith.constant 6 : i32
      %dma_wait3A_568 = arith.constant 0 : i32
      %dma_wait3A_569 = arith.constant 0 : i32
      %dma_wait3A_570 = tpu.memref_slice %arg8[%dma_wait3A_567, %dma_wait3A_568, %dma_wait3A_569] : memref<8x80x32xf32, #tpu.memory_space<vmem>> -> memref<1x80x32xf32, #tpu.memory_space<vmem>>
      %dma_wait3A_571 = tpu.memref_squeeze %dma_wait3A_570 : memref<1x80x32xf32, #tpu.memory_space<vmem>> -> memref<80x32xf32, #tpu.memory_space<vmem>>
      %dma_wait3A_572 = arith.constant 0 : i32
      %dma_wait3A_573 = tpu.memref_slice %arg6[%add3A_553, %dma_wait3A_572] : memref<125x80xi32, #tpu.memory_space<vmem>> -> memref<1x80xi32, #tpu.memory_space<vmem>>
      %dma_wait3A_574 = tpu.memref_squeeze %dma_wait3A_573 : memref<1x80xi32, #tpu.memory_space<vmem>> -> memref<80xi32, #tpu.memory_space<vmem>>
      %dma_wait3A_575 = arith.constant 0 : i32
      %dma_wait3A_576 = arith.constant 0 : i32
      %dma_wait3A_577 = tpu.memref_slice %arg2[%dma_wait3A_575, %dma_wait3A_576] : memref<10000x32xf32, #tpu.memory_space<hbm>> -> memref<10000x32xf32, #tpu.memory_space<hbm>>
      tpu.wait_indirect_dma semaphore(%arg17 : memref<!tpu.dma_semaphore, #tpu.memory_space<semaphore_mem>>) src(%dma_wait3A_577 : memref<10000x32xf32, #tpu.memory_space<hbm>>) dst(%dma_wait3A_571 : memref<80x32xf32, #tpu.memory_space<vmem>>)
      %run_scoped3A_578 = arith.constant 6 : i32
      "tpu.region"() ({
        %run_scoped3A_607 = tpu.sem_alloc : memref<!tpu.dma_semaphore, #tpu.memory_space<semaphore_mem>>
        %dma_start3A_608 = arith.constant 0 : i32
        %dma_start3A_609 = arith.constant 0 : i32
        %dma_start3A_610 = tpu.memref_slice %arg8[%run_scoped3A_578, %dma_start3A_608, %dma_start3A_609] : memref<8x80x32xf32, #tpu.memory_space<vmem>> -> memref<1x80x32xf32, #tpu.memory_space<vmem>>
        %dma_start3A_611 = tpu.memref_squeeze %dma_start3A_610 : memref<1x80x32xf32, #tpu.memory_space<vmem>> -> memref<80x32xf32, #tpu.memory_space<vmem>>
        %dma_start3A_612 = arith.constant 0 : i32
        %dma_start3A_613 = tpu.memref_slice %arg7[%add3A_553, %dma_start3A_612] : memref<125x80xi32, #tpu.memory_space<vmem>> -> memref<1x80xi32, #tpu.memory_space<vmem>>
        %dma_start3A_614 = tpu.memref_squeeze %dma_start3A_613 : memref<1x80xi32, #tpu.memory_space<vmem>> -> memref<80xi32, #tpu.memory_space<vmem>>
        %dma_start3A_615 = arith.constant 0 : i32
        %dma_start3A_616 = arith.constant 0 : i32
        %dma_start3A_617 = tpu.memref_slice %arg10[%dma_start3A_615, %dma_start3A_616] : memref<10240x32xf32, #tpu.memory_space<vmem_shared>> -> memref<10240x32xf32, #tpu.memory_space<vmem_shared>>
        tpu.enqueue_indirect_dma source(%dma_start3A_611 : memref<80x32xf32, #tpu.memory_space<vmem>>) target(%dma_start3A_617 : memref<10240x32xf32, #tpu.memory_space<vmem_shared>>) offsets(%dma_start3A_614 : memref<80xi32, #tpu.memory_space<vmem>>) semaphore(%run_scoped3A_607 : memref<!tpu.dma_semaphore, #tpu.memory_space<semaphore_mem>>) {add = true}
        %dma_wait3A_618 = arith.constant 0 : i32
        %dma_wait3A_619 = arith.constant 0 : i32
        %dma_wait3A_620 = tpu.memref_slice %arg8[%run_scoped3A_578, %dma_wait3A_618, %dma_wait3A_619] : memref<8x80x32xf32, #tpu.memory_space<vmem>> -> memref<1x80x32xf32, #tpu.memory_space<vmem>>
        %dma_wait3A_621 = tpu.memref_squeeze %dma_wait3A_620 : memref<1x80x32xf32, #tpu.memory_space<vmem>> -> memref<80x32xf32, #tpu.memory_space<vmem>>
        %dma_wait3A_622 = arith.constant 0 : i32
        %dma_wait3A_623 = tpu.memref_slice %arg7[%add3A_553, %dma_wait3A_622] : memref<125x80xi32, #tpu.memory_space<vmem>> -> memref<1x80xi32, #tpu.memory_space<vmem>>
        %dma_wait3A_624 = tpu.memref_squeeze %dma_wait3A_623 : memref<1x80xi32, #tpu.memory_space<vmem>> -> memref<80xi32, #tpu.memory_space<vmem>>
        %dma_wait3A_625 = arith.constant 0 : i32
        %dma_wait3A_626 = arith.constant 0 : i32
        %dma_wait3A_627 = tpu.memref_slice %arg10[%dma_wait3A_625, %dma_wait3A_626] : memref<10240x32xf32, #tpu.memory_space<vmem_shared>> -> memref<10240x32xf32, #tpu.memory_space<vmem_shared>>
        tpu.wait_indirect_dma semaphore(%run_scoped3A_607 : memref<!tpu.dma_semaphore, #tpu.memory_space<semaphore_mem>>) src(%dma_wait3A_621 : memref<80x32xf32, #tpu.memory_space<vmem>>) dst(%dma_wait3A_627 : memref<10240x32xf32, #tpu.memory_space<vmem_shared>>)
        tpu.yield
      }) : () -> ()
      %add3A_579 = arith.constant 7 : i32
      %add3A_580 = arith.addi %mul3A_390, %add3A_579 : i32
      %add3A_581 = arith.constant 7 : i32
      %add3A_582 = arith.addi %add3A_580, %add3A_581 : i32
      %dma_start3A_583 = arith.constant 6 : i32
      %dma_start3A_584 = arith.constant 0 : i32
      %dma_start3A_585 = arith.constant 0 : i32
      %dma_start3A_586 = tpu.memref_slice %arg8[%dma_start3A_583, %dma_start3A_584, %dma_start3A_585] : memref<8x80x32xf32, #tpu.memory_space<vmem>> -> memref<1x80x32xf32, #tpu.memory_space<vmem>>
      %dma_start3A_587 = tpu.memref_squeeze %dma_start3A_586 : memref<1x80x32xf32, #tpu.memory_space<vmem>> -> memref<80x32xf32, #tpu.memory_space<vmem>>
      %dma_start3A_588 = arith.constant 0 : i32
      %dma_start3A_589 = tpu.memref_slice %arg6[%add3A_582, %dma_start3A_588] : memref<125x80xi32, #tpu.memory_space<vmem>> -> memref<1x80xi32, #tpu.memory_space<vmem>>
      %dma_start3A_590 = tpu.memref_squeeze %dma_start3A_589 : memref<1x80xi32, #tpu.memory_space<vmem>> -> memref<80xi32, #tpu.memory_space<vmem>>
      %dma_start3A_591 = arith.constant 0 : i32
      %dma_start3A_592 = arith.constant 0 : i32
      %dma_start3A_593 = tpu.memref_slice %arg2[%dma_start3A_591, %dma_start3A_592] : memref<10000x32xf32, #tpu.memory_space<hbm>> -> memref<10000x32xf32, #tpu.memory_space<hbm>>
      tpu.enqueue_indirect_dma source(%dma_start3A_593 : memref<10000x32xf32, #tpu.memory_space<hbm>>) target(%dma_start3A_587 : memref<80x32xf32, #tpu.memory_space<vmem>>) offsets(%dma_start3A_590 : memref<80xi32, #tpu.memory_space<vmem>>) semaphore(%arg17 : memref<!tpu.dma_semaphore, #tpu.memory_space<semaphore_mem>>)
      %dma_wait3A_594 = arith.constant 7 : i32
      %dma_wait3A_595 = arith.constant 0 : i32
      %dma_wait3A_596 = arith.constant 0 : i32
      %dma_wait3A_597 = tpu.memref_slice %arg8[%dma_wait3A_594, %dma_wait3A_595, %dma_wait3A_596] : memref<8x80x32xf32, #tpu.memory_space<vmem>> -> memref<1x80x32xf32, #tpu.memory_space<vmem>>
      %dma_wait3A_598 = tpu.memref_squeeze %dma_wait3A_597 : memref<1x80x32xf32, #tpu.memory_space<vmem>> -> memref<80x32xf32, #tpu.memory_space<vmem>>
      %dma_wait3A_599 = arith.constant 0 : i32
      %dma_wait3A_600 = tpu.memref_slice %arg6[%add3A_580, %dma_wait3A_599] : memref<125x80xi32, #tpu.memory_space<vmem>> -> memref<1x80xi32, #tpu.memory_space<vmem>>
      %dma_wait3A_601 = tpu.memref_squeeze %dma_wait3A_600 : memref<1x80xi32, #tpu.memory_space<vmem>> -> memref<80xi32, #tpu.memory_space<vmem>>
      %dma_wait3A_602 = arith.constant 0 : i32
      %dma_wait3A_603 = arith.constant 0 : i32
      %dma_wait3A_604 = tpu.memref_slice %arg2[%dma_wait3A_602, %dma_wait3A_603] : memref<10000x32xf32, #tpu.memory_space<hbm>> -> memref<10000x32xf32, #tpu.memory_space<hbm>>
      tpu.wait_indirect_dma semaphore(%arg18 : memref<!tpu.dma_semaphore, #tpu.memory_space<semaphore_mem>>) src(%dma_wait3A_604 : memref<10000x32xf32, #tpu.memory_space<hbm>>) dst(%dma_wait3A_598 : memref<80x32xf32, #tpu.memory_space<vmem>>)
      %run_scoped3A_605 = arith.constant 7 : i32
      "tpu.region"() ({
        %run_scoped3A_607 = tpu.sem_alloc : memref<!tpu.dma_semaphore, #tpu.memory_space<semaphore_mem>>
        %dma_start3A_608 = arith.constant 0 : i32
        %dma_start3A_609 = arith.constant 0 : i32
        %dma_start3A_610 = tpu.memref_slice %arg8[%run_scoped3A_605, %dma_start3A_608, %dma_start3A_609] : memref<8x80x32xf32, #tpu.memory_space<vmem>> -> memref<1x80x32xf32, #tpu.memory_space<vmem>>
        %dma_start3A_611 = tpu.memref_squeeze %dma_start3A_610 : memref<1x80x32xf32, #tpu.memory_space<vmem>> -> memref<80x32xf32, #tpu.memory_space<vmem>>
        %dma_start3A_612 = arith.constant 0 : i32
        %dma_start3A_613 = tpu.memref_slice %arg7[%add3A_580, %dma_start3A_612] : memref<125x80xi32, #tpu.memory_space<vmem>> -> memref<1x80xi32, #tpu.memory_space<vmem>>
        %dma_start3A_614 = tpu.memref_squeeze %dma_start3A_613 : memref<1x80xi32, #tpu.memory_space<vmem>> -> memref<80xi32, #tpu.memory_space<vmem>>
        %dma_start3A_615 = arith.constant 0 : i32
        %dma_start3A_616 = arith.constant 0 : i32
        %dma_start3A_617 = tpu.memref_slice %arg10[%dma_start3A_615, %dma_start3A_616] : memref<10240x32xf32, #tpu.memory_space<vmem_shared>> -> memref<10240x32xf32, #tpu.memory_space<vmem_shared>>
        tpu.enqueue_indirect_dma source(%dma_start3A_611 : memref<80x32xf32, #tpu.memory_space<vmem>>) target(%dma_start3A_617 : memref<10240x32xf32, #tpu.memory_space<vmem_shared>>) offsets(%dma_start3A_614 : memref<80xi32, #tpu.memory_space<vmem>>) semaphore(%run_scoped3A_607 : memref<!tpu.dma_semaphore, #tpu.memory_space<semaphore_mem>>) {add = true}
        %dma_wait3A_618 = arith.constant 0 : i32
        %dma_wait3A_619 = arith.constant 0 : i32
        %dma_wait3A_620 = tpu.memref_slice %arg8[%run_scoped3A_605, %dma_wait3A_618, %dma_wait3A_619] : memref<8x80x32xf32, #tpu.memory_space<vmem>> -> memref<1x80x32xf32, #tpu.memory_space<vmem>>
        %dma_wait3A_621 = tpu.memref_squeeze %dma_wait3A_620 : memref<1x80x32xf32, #tpu.memory_space<vmem>> -> memref<80x32xf32, #tpu.memory_space<vmem>>
        %dma_wait3A_622 = arith.constant 0 : i32
        %dma_wait3A_623 = tpu.memref_slice %arg7[%add3A_580, %dma_wait3A_622] : memref<125x80xi32, #tpu.memory_space<vmem>> -> memref<1x80xi32, #tpu.memory_space<vmem>>
        %dma_wait3A_624 = tpu.memref_squeeze %dma_wait3A_623 : memref<1x80xi32, #tpu.memory_space<vmem>> -> memref<80xi32, #tpu.memory_space<vmem>>
        %dma_wait3A_625 = arith.constant 0 : i32
        %dma_wait3A_626 = arith.constant 0 : i32
        %dma_wait3A_627 = tpu.memref_slice %arg10[%dma_wait3A_625, %dma_wait3A_626] : memref<10240x32xf32, #tpu.memory_space<vmem_shared>> -> memref<10240x32xf32, #tpu.memory_space<vmem_shared>>
        tpu.wait_indirect_dma semaphore(%run_scoped3A_607 : memref<!tpu.dma_semaphore, #tpu.memory_space<semaphore_mem>>) src(%dma_wait3A_621 : memref<80x32xf32, #tpu.memory_space<vmem>>) dst(%dma_wait3A_627 : memref<10240x32xf32, #tpu.memory_space<vmem_shared>>)
        tpu.yield
      }) : () -> ()
      %scan3A_606 = arith.constant 0 : i32
      scf.yield %scan3A_606 : i32
    }
    %scan3A_128 = arith.constant 14 : i32
    %dma_start3A_129 = arith.constant 119 : i32
    %dma_start3A_130 = arith.constant 7 : i32
    %dma_start3A_131 = arith.constant 0 : i32
    %dma_start3A_132 = arith.constant 0 : i32
    %dma_start3A_133 = tpu.memref_slice %arg8[%dma_start3A_130, %dma_start3A_131, %dma_start3A_132] : memref<8x80x32xf32, #tpu.memory_space<vmem>> -> memref<1x80x32xf32, #tpu.memory_space<vmem>>
    %dma_start3A_134 = tpu.memref_squeeze %dma_start3A_133 : memref<1x80x32xf32, #tpu.memory_space<vmem>> -> memref<80x32xf32, #tpu.memory_space<vmem>>
    %dma_start3A_135 = arith.constant 0 : i32
    %dma_start3A_136 = tpu.memref_slice %arg6[%dma_start3A_129, %dma_start3A_135] : memref<125x80xi32, #tpu.memory_space<vmem>> -> memref<1x80xi32, #tpu.memory_space<vmem>>
    %dma_start3A_137 = tpu.memref_squeeze %dma_start3A_136 : memref<1x80xi32, #tpu.memory_space<vmem>> -> memref<80xi32, #tpu.memory_space<vmem>>
    %dma_start3A_138 = arith.constant 0 : i32
    %dma_start3A_139 = arith.constant 0 : i32
    %dma_start3A_140 = tpu.memref_slice %arg2[%dma_start3A_138, %dma_start3A_139] : memref<10000x32xf32, #tpu.memory_space<hbm>> -> memref<10000x32xf32, #tpu.memory_space<hbm>>
    tpu.enqueue_indirect_dma source(%dma_start3A_140 : memref<10000x32xf32, #tpu.memory_space<hbm>>) target(%dma_start3A_134 : memref<80x32xf32, #tpu.memory_space<vmem>>) offsets(%dma_start3A_137 : memref<80xi32, #tpu.memory_space<vmem>>) semaphore(%arg18 : memref<!tpu.dma_semaphore, #tpu.memory_space<semaphore_mem>>)
    %dma_wait3A_141 = arith.constant 112 : i32
    %dma_wait3A_142 = arith.constant 0 : i32
    %dma_wait3A_143 = arith.constant 0 : i32
    %dma_wait3A_144 = arith.constant 0 : i32
    %dma_wait3A_145 = tpu.memref_slice %arg8[%dma_wait3A_142, %dma_wait3A_143, %dma_wait3A_144] : memref<8x80x32xf32, #tpu.memory_space<vmem>> -> memref<1x80x32xf32, #tpu.memory_space<vmem>>
    %dma_wait3A_146 = tpu.memref_squeeze %dma_wait3A_145 : memref<1x80x32xf32, #tpu.memory_space<vmem>> -> memref<80x32xf32, #tpu.memory_space<vmem>>
    %dma_wait3A_147 = arith.constant 0 : i32
    %dma_wait3A_148 = tpu.memref_slice %arg6[%dma_wait3A_141, %dma_wait3A_147] : memref<125x80xi32, #tpu.memory_space<vmem>> -> memref<1x80xi32, #tpu.memory_space<vmem>>
    %dma_wait3A_149 = tpu.memref_squeeze %dma_wait3A_148 : memref<1x80xi32, #tpu.memory_space<vmem>> -> memref<80xi32, #tpu.memory_space<vmem>>
    %dma_wait3A_150 = arith.constant 0 : i32
    %dma_wait3A_151 = arith.constant 0 : i32
    %dma_wait3A_152 = tpu.memref_slice %arg2[%dma_wait3A_150, %dma_wait3A_151] : memref<10000x32xf32, #tpu.memory_space<hbm>> -> memref<10000x32xf32, #tpu.memory_space<hbm>>
    tpu.wait_indirect_dma semaphore(%arg11 : memref<!tpu.dma_semaphore, #tpu.memory_space<semaphore_mem>>) src(%dma_wait3A_152 : memref<10000x32xf32, #tpu.memory_space<hbm>>) dst(%dma_wait3A_146 : memref<80x32xf32, #tpu.memory_space<vmem>>)
    %run_scoped3A = arith.constant 0 : i32
    %run_scoped3A_153 = arith.constant 112 : i32
    "tpu.region"() ({
      %run_scoped3A_387 = tpu.sem_alloc : memref<!tpu.dma_semaphore, #tpu.memory_space<semaphore_mem>>
      %dma_start3A_388 = arith.constant 0 : i32
      %dma_start3A_389 = arith.constant 0 : i32
      %dma_start3A_390 = tpu.memref_slice %arg8[%run_scoped3A, %dma_start3A_388, %dma_start3A_389] : memref<8x80x32xf32, #tpu.memory_space<vmem>> -> memref<1x80x32xf32, #tpu.memory_space<vmem>>
      %dma_start3A_391 = tpu.memref_squeeze %dma_start3A_390 : memref<1x80x32xf32, #tpu.memory_space<vmem>> -> memref<80x32xf32, #tpu.memory_space<vmem>>
      %dma_start3A_392 = arith.constant 0 : i32
      %dma_start3A_393 = tpu.memref_slice %arg7[%run_scoped3A_153, %dma_start3A_392] : memref<125x80xi32, #tpu.memory_space<vmem>> -> memref<1x80xi32, #tpu.memory_space<vmem>>
      %dma_start3A_394 = tpu.memref_squeeze %dma_start3A_393 : memref<1x80xi32, #tpu.memory_space<vmem>> -> memref<80xi32, #tpu.memory_space<vmem>>
      %dma_start3A_395 = arith.constant 0 : i32
      %dma_start3A_396 = arith.constant 0 : i32
      %dma_start3A_397 = tpu.memref_slice %arg10[%dma_start3A_395, %dma_start3A_396] : memref<10240x32xf32, #tpu.memory_space<vmem_shared>> -> memref<10240x32xf32, #tpu.memory_space<vmem_shared>>
      tpu.enqueue_indirect_dma source(%dma_start3A_391 : memref<80x32xf32, #tpu.memory_space<vmem>>) target(%dma_start3A_397 : memref<10240x32xf32, #tpu.memory_space<vmem_shared>>) offsets(%dma_start3A_394 : memref<80xi32, #tpu.memory_space<vmem>>) semaphore(%run_scoped3A_387 : memref<!tpu.dma_semaphore, #tpu.memory_space<semaphore_mem>>) {add = true}
      %dma_wait3A_398 = arith.constant 0 : i32
      %dma_wait3A_399 = arith.constant 0 : i32
      %dma_wait3A_400 = tpu.memref_slice %arg8[%run_scoped3A, %dma_wait3A_398, %dma_wait3A_399] : memref<8x80x32xf32, #tpu.memory_space<vmem>> -> memref<1x80x32xf32, #tpu.memory_space<vmem>>
      %dma_wait3A_401 = tpu.memref_squeeze %dma_wait3A_400 : memref<1x80x32xf32, #tpu.memory_space<vmem>> -> memref<80x32xf32, #tpu.memory_space<vmem>>
      %dma_wait3A_402 = arith.constant 0 : i32
      %dma_wait3A_403 = tpu.memref_slice %arg7[%run_scoped3A_153, %dma_wait3A_402] : memref<125x80xi32, #tpu.memory_space<vmem>> -> memref<1x80xi32, #tpu.memory_space<vmem>>
      %dma_wait3A_404 = tpu.memref_squeeze %dma_wait3A_403 : memref<1x80xi32, #tpu.memory_space<vmem>> -> memref<80xi32, #tpu.memory_space<vmem>>
      %dma_wait3A_405 = arith.constant 0 : i32
      %dma_wait3A_406 = arith.constant 0 : i32
      %dma_wait3A_407 = tpu.memref_slice %arg10[%dma_wait3A_405, %dma_wait3A_406] : memref<10240x32xf32, #tpu.memory_space<vmem_shared>> -> memref<10240x32xf32, #tpu.memory_space<vmem_shared>>
      tpu.wait_indirect_dma semaphore(%run_scoped3A_387 : memref<!tpu.dma_semaphore, #tpu.memory_space<semaphore_mem>>) src(%dma_wait3A_401 : memref<80x32xf32, #tpu.memory_space<vmem>>) dst(%dma_wait3A_407 : memref<10240x32xf32, #tpu.memory_space<vmem_shared>>)
      tpu.yield
    }) : () -> ()
    %dma_start3A_154 = arith.constant 120 : i32
    %dma_start3A_155 = arith.constant 0 : i32
    %dma_start3A_156 = arith.constant 0 : i32
    %dma_start3A_157 = arith.constant 0 : i32
    %dma_start3A_158 = tpu.memref_slice %arg8[%dma_start3A_155, %dma_start3A_156, %dma_start3A_157] : memref<8x80x32xf32, #tpu.memory_space<vmem>> -> memref<1x80x32xf32, #tpu.memory_space<vmem>>
    %dma_start3A_159 = tpu.memref_squeeze %dma_start3A_158 : memref<1x80x32xf32, #tpu.memory_space<vmem>> -> memref<80x32xf32, #tpu.memory_space<vmem>>
    %dma_start3A_160 = arith.constant 0 : i32
    %dma_start3A_161 = tpu.memref_slice %arg6[%dma_start3A_154, %dma_start3A_160] : memref<125x80xi32, #tpu.memory_space<vmem>> -> memref<1x80xi32, #tpu.memory_space<vmem>>
    %dma_start3A_162 = tpu.memref_squeeze %dma_start3A_161 : memref<1x80xi32, #tpu.memory_space<vmem>> -> memref<80xi32, #tpu.memory_space<vmem>>
    %dma_start3A_163 = arith.constant 0 : i32
    %dma_start3A_164 = arith.constant 0 : i32
    %dma_start3A_165 = tpu.memref_slice %arg2[%dma_start3A_163, %dma_start3A_164] : memref<10000x32xf32, #tpu.memory_space<hbm>> -> memref<10000x32xf32, #tpu.memory_space<hbm>>
    tpu.enqueue_indirect_dma source(%dma_start3A_165 : memref<10000x32xf32, #tpu.memory_space<hbm>>) target(%dma_start3A_159 : memref<80x32xf32, #tpu.memory_space<vmem>>) offsets(%dma_start3A_162 : memref<80xi32, #tpu.memory_space<vmem>>) semaphore(%arg11 : memref<!tpu.dma_semaphore, #tpu.memory_space<semaphore_mem>>)
    %dma_wait3A_166 = arith.constant 113 : i32
    %dma_wait3A_167 = arith.constant 1 : i32
    %dma_wait3A_168 = arith.constant 0 : i32
    %dma_wait3A_169 = arith.constant 0 : i32
    %dma_wait3A_170 = tpu.memref_slice %arg8[%dma_wait3A_167, %dma_wait3A_168, %dma_wait3A_169] : memref<8x80x32xf32, #tpu.memory_space<vmem>> -> memref<1x80x32xf32, #tpu.memory_space<vmem>>
    %dma_wait3A_171 = tpu.memref_squeeze %dma_wait3A_170 : memref<1x80x32xf32, #tpu.memory_space<vmem>> -> memref<80x32xf32, #tpu.memory_space<vmem>>
    %dma_wait3A_172 = arith.constant 0 : i32
    %dma_wait3A_173 = tpu.memref_slice %arg6[%dma_wait3A_166, %dma_wait3A_172] : memref<125x80xi32, #tpu.memory_space<vmem>> -> memref<1x80xi32, #tpu.memory_space<vmem>>
    %dma_wait3A_174 = tpu.memref_squeeze %dma_wait3A_173 : memref<1x80xi32, #tpu.memory_space<vmem>> -> memref<80xi32, #tpu.memory_space<vmem>>
    %dma_wait3A_175 = arith.constant 0 : i32
    %dma_wait3A_176 = arith.constant 0 : i32
    %dma_wait3A_177 = tpu.memref_slice %arg2[%dma_wait3A_175, %dma_wait3A_176] : memref<10000x32xf32, #tpu.memory_space<hbm>> -> memref<10000x32xf32, #tpu.memory_space<hbm>>
    tpu.wait_indirect_dma semaphore(%arg12 : memref<!tpu.dma_semaphore, #tpu.memory_space<semaphore_mem>>) src(%dma_wait3A_177 : memref<10000x32xf32, #tpu.memory_space<hbm>>) dst(%dma_wait3A_171 : memref<80x32xf32, #tpu.memory_space<vmem>>)
    %run_scoped3A_178 = arith.constant 1 : i32
    %run_scoped3A_179 = arith.constant 113 : i32
    "tpu.region"() ({
      %run_scoped3A_387 = tpu.sem_alloc : memref<!tpu.dma_semaphore, #tpu.memory_space<semaphore_mem>>
      %dma_start3A_388 = arith.constant 0 : i32
      %dma_start3A_389 = arith.constant 0 : i32
      %dma_start3A_390 = tpu.memref_slice %arg8[%run_scoped3A_178, %dma_start3A_388, %dma_start3A_389] : memref<8x80x32xf32, #tpu.memory_space<vmem>> -> memref<1x80x32xf32, #tpu.memory_space<vmem>>
      %dma_start3A_391 = tpu.memref_squeeze %dma_start3A_390 : memref<1x80x32xf32, #tpu.memory_space<vmem>> -> memref<80x32xf32, #tpu.memory_space<vmem>>
      %dma_start3A_392 = arith.constant 0 : i32
      %dma_start3A_393 = tpu.memref_slice %arg7[%run_scoped3A_179, %dma_start3A_392] : memref<125x80xi32, #tpu.memory_space<vmem>> -> memref<1x80xi32, #tpu.memory_space<vmem>>
      %dma_start3A_394 = tpu.memref_squeeze %dma_start3A_393 : memref<1x80xi32, #tpu.memory_space<vmem>> -> memref<80xi32, #tpu.memory_space<vmem>>
      %dma_start3A_395 = arith.constant 0 : i32
      %dma_start3A_396 = arith.constant 0 : i32
      %dma_start3A_397 = tpu.memref_slice %arg10[%dma_start3A_395, %dma_start3A_396] : memref<10240x32xf32, #tpu.memory_space<vmem_shared>> -> memref<10240x32xf32, #tpu.memory_space<vmem_shared>>
      tpu.enqueue_indirect_dma source(%dma_start3A_391 : memref<80x32xf32, #tpu.memory_space<vmem>>) target(%dma_start3A_397 : memref<10240x32xf32, #tpu.memory_space<vmem_shared>>) offsets(%dma_start3A_394 : memref<80xi32, #tpu.memory_space<vmem>>) semaphore(%run_scoped3A_387 : memref<!tpu.dma_semaphore, #tpu.memory_space<semaphore_mem>>) {add = true}
      %dma_wait3A_398 = arith.constant 0 : i32
      %dma_wait3A_399 = arith.constant 0 : i32
      %dma_wait3A_400 = tpu.memref_slice %arg8[%run_scoped3A_178, %dma_wait3A_398, %dma_wait3A_399] : memref<8x80x32xf32, #tpu.memory_space<vmem>> -> memref<1x80x32xf32, #tpu.memory_space<vmem>>
      %dma_wait3A_401 = tpu.memref_squeeze %dma_wait3A_400 : memref<1x80x32xf32, #tpu.memory_space<vmem>> -> memref<80x32xf32, #tpu.memory_space<vmem>>
      %dma_wait3A_402 = arith.constant 0 : i32
      %dma_wait3A_403 = tpu.memref_slice %arg7[%run_scoped3A_179, %dma_wait3A_402] : memref<125x80xi32, #tpu.memory_space<vmem>> -> memref<1x80xi32, #tpu.memory_space<vmem>>
      %dma_wait3A_404 = tpu.memref_squeeze %dma_wait3A_403 : memref<1x80xi32, #tpu.memory_space<vmem>> -> memref<80xi32, #tpu.memory_space<vmem>>
      %dma_wait3A_405 = arith.constant 0 : i32
      %dma_wait3A_406 = arith.constant 0 : i32
      %dma_wait3A_407 = tpu.memref_slice %arg10[%dma_wait3A_405, %dma_wait3A_406] : memref<10240x32xf32, #tpu.memory_space<vmem_shared>> -> memref<10240x32xf32, #tpu.memory_space<vmem_shared>>
      tpu.wait_indirect_dma semaphore(%run_scoped3A_387 : memref<!tpu.dma_semaphore, #tpu.memory_space<semaphore_mem>>) src(%dma_wait3A_401 : memref<80x32xf32, #tpu.memory_space<vmem>>) dst(%dma_wait3A_407 : memref<10240x32xf32, #tpu.memory_space<vmem_shared>>)
      tpu.yield
    }) : () -> ()
    %dma_start3A_180 = arith.constant 121 : i32
    %dma_start3A_181 = arith.constant 1 : i32
    %dma_start3A_182 = arith.constant 0 : i32
    %dma_start3A_183 = arith.constant 0 : i32
    %dma_start3A_184 = tpu.memref_slice %arg8[%dma_start3A_181, %dma_start3A_182, %dma_start3A_183] : memref<8x80x32xf32, #tpu.memory_space<vmem>> -> memref<1x80x32xf32, #tpu.memory_space<vmem>>
    %dma_start3A_185 = tpu.memref_squeeze %dma_start3A_184 : memref<1x80x32xf32, #tpu.memory_space<vmem>> -> memref<80x32xf32, #tpu.memory_space<vmem>>
    %dma_start3A_186 = arith.constant 0 : i32
    %dma_start3A_187 = tpu.memref_slice %arg6[%dma_start3A_180, %dma_start3A_186] : memref<125x80xi32, #tpu.memory_space<vmem>> -> memref<1x80xi32, #tpu.memory_space<vmem>>
    %dma_start3A_188 = tpu.memref_squeeze %dma_start3A_187 : memref<1x80xi32, #tpu.memory_space<vmem>> -> memref<80xi32, #tpu.memory_space<vmem>>
    %dma_start3A_189 = arith.constant 0 : i32
    %dma_start3A_190 = arith.constant 0 : i32
    %dma_start3A_191 = tpu.memref_slice %arg2[%dma_start3A_189, %dma_start3A_190] : memref<10000x32xf32, #tpu.memory_space<hbm>> -> memref<10000x32xf32, #tpu.memory_space<hbm>>
    tpu.enqueue_indirect_dma source(%dma_start3A_191 : memref<10000x32xf32, #tpu.memory_space<hbm>>) target(%dma_start3A_185 : memref<80x32xf32, #tpu.memory_space<vmem>>) offsets(%dma_start3A_188 : memref<80xi32, #tpu.memory_space<vmem>>) semaphore(%arg12 : memref<!tpu.dma_semaphore, #tpu.memory_space<semaphore_mem>>)
    %dma_wait3A_192 = arith.constant 114 : i32
    %dma_wait3A_193 = arith.constant 2 : i32
    %dma_wait3A_194 = arith.constant 0 : i32
    %dma_wait3A_195 = arith.constant 0 : i32
    %dma_wait3A_196 = tpu.memref_slice %arg8[%dma_wait3A_193, %dma_wait3A_194, %dma_wait3A_195] : memref<8x80x32xf32, #tpu.memory_space<vmem>> -> memref<1x80x32xf32, #tpu.memory_space<vmem>>
    %dma_wait3A_197 = tpu.memref_squeeze %dma_wait3A_196 : memref<1x80x32xf32, #tpu.memory_space<vmem>> -> memref<80x32xf32, #tpu.memory_space<vmem>>
    %dma_wait3A_198 = arith.constant 0 : i32
    %dma_wait3A_199 = tpu.memref_slice %arg6[%dma_wait3A_192, %dma_wait3A_198] : memref<125x80xi32, #tpu.memory_space<vmem>> -> memref<1x80xi32, #tpu.memory_space<vmem>>
    %dma_wait3A_200 = tpu.memref_squeeze %dma_wait3A_199 : memref<1x80xi32, #tpu.memory_space<vmem>> -> memref<80xi32, #tpu.memory_space<vmem>>
    %dma_wait3A_201 = arith.constant 0 : i32
    %dma_wait3A_202 = arith.constant 0 : i32
    %dma_wait3A_203 = tpu.memref_slice %arg2[%dma_wait3A_201, %dma_wait3A_202] : memref<10000x32xf32, #tpu.memory_space<hbm>> -> memref<10000x32xf32, #tpu.memory_space<hbm>>
    tpu.wait_indirect_dma semaphore(%arg13 : memref<!tpu.dma_semaphore, #tpu.memory_space<semaphore_mem>>) src(%dma_wait3A_203 : memref<10000x32xf32, #tpu.memory_space<hbm>>) dst(%dma_wait3A_197 : memref<80x32xf32, #tpu.memory_space<vmem>>)
    %run_scoped3A_204 = arith.constant 2 : i32
    %run_scoped3A_205 = arith.constant 114 : i32
    "tpu.region"() ({
      %run_scoped3A_387 = tpu.sem_alloc : memref<!tpu.dma_semaphore, #tpu.memory_space<semaphore_mem>>
      %dma_start3A_388 = arith.constant 0 : i32
      %dma_start3A_389 = arith.constant 0 : i32
      %dma_start3A_390 = tpu.memref_slice %arg8[%run_scoped3A_204, %dma_start3A_388, %dma_start3A_389] : memref<8x80x32xf32, #tpu.memory_space<vmem>> -> memref<1x80x32xf32, #tpu.memory_space<vmem>>
      %dma_start3A_391 = tpu.memref_squeeze %dma_start3A_390 : memref<1x80x32xf32, #tpu.memory_space<vmem>> -> memref<80x32xf32, #tpu.memory_space<vmem>>
      %dma_start3A_392 = arith.constant 0 : i32
      %dma_start3A_393 = tpu.memref_slice %arg7[%run_scoped3A_205, %dma_start3A_392] : memref<125x80xi32, #tpu.memory_space<vmem>> -> memref<1x80xi32, #tpu.memory_space<vmem>>
      %dma_start3A_394 = tpu.memref_squeeze %dma_start3A_393 : memref<1x80xi32, #tpu.memory_space<vmem>> -> memref<80xi32, #tpu.memory_space<vmem>>
      %dma_start3A_395 = arith.constant 0 : i32
      %dma_start3A_396 = arith.constant 0 : i32
      %dma_start3A_397 = tpu.memref_slice %arg10[%dma_start3A_395, %dma_start3A_396] : memref<10240x32xf32, #tpu.memory_space<vmem_shared>> -> memref<10240x32xf32, #tpu.memory_space<vmem_shared>>
      tpu.enqueue_indirect_dma source(%dma_start3A_391 : memref<80x32xf32, #tpu.memory_space<vmem>>) target(%dma_start3A_397 : memref<10240x32xf32, #tpu.memory_space<vmem_shared>>) offsets(%dma_start3A_394 : memref<80xi32, #tpu.memory_space<vmem>>) semaphore(%run_scoped3A_387 : memref<!tpu.dma_semaphore, #tpu.memory_space<semaphore_mem>>) {add = true}
      %dma_wait3A_398 = arith.constant 0 : i32
      %dma_wait3A_399 = arith.constant 0 : i32
      %dma_wait3A_400 = tpu.memref_slice %arg8[%run_scoped3A_204, %dma_wait3A_398, %dma_wait3A_399] : memref<8x80x32xf32, #tpu.memory_space<vmem>> -> memref<1x80x32xf32, #tpu.memory_space<vmem>>
      %dma_wait3A_401 = tpu.memref_squeeze %dma_wait3A_400 : memref<1x80x32xf32, #tpu.memory_space<vmem>> -> memref<80x32xf32, #tpu.memory_space<vmem>>
      %dma_wait3A_402 = arith.constant 0 : i32
      %dma_wait3A_403 = tpu.memref_slice %arg7[%run_scoped3A_205, %dma_wait3A_402] : memref<125x80xi32, #tpu.memory_space<vmem>> -> memref<1x80xi32, #tpu.memory_space<vmem>>
      %dma_wait3A_404 = tpu.memref_squeeze %dma_wait3A_403 : memref<1x80xi32, #tpu.memory_space<vmem>> -> memref<80xi32, #tpu.memory_space<vmem>>
      %dma_wait3A_405 = arith.constant 0 : i32
      %dma_wait3A_406 = arith.constant 0 : i32
      %dma_wait3A_407 = tpu.memref_slice %arg10[%dma_wait3A_405, %dma_wait3A_406] : memref<10240x32xf32, #tpu.memory_space<vmem_shared>> -> memref<10240x32xf32, #tpu.memory_space<vmem_shared>>
      tpu.wait_indirect_dma semaphore(%run_scoped3A_387 : memref<!tpu.dma_semaphore, #tpu.memory_space<semaphore_mem>>) src(%dma_wait3A_401 : memref<80x32xf32, #tpu.memory_space<vmem>>) dst(%dma_wait3A_407 : memref<10240x32xf32, #tpu.memory_space<vmem_shared>>)
      tpu.yield
    }) : () -> ()
    %dma_start3A_206 = arith.constant 122 : i32
    %dma_start3A_207 = arith.constant 2 : i32
    %dma_start3A_208 = arith.constant 0 : i32
    %dma_start3A_209 = arith.constant 0 : i32
    %dma_start3A_210 = tpu.memref_slice %arg8[%dma_start3A_207, %dma_start3A_208, %dma_start3A_209] : memref<8x80x32xf32, #tpu.memory_space<vmem>> -> memref<1x80x32xf32, #tpu.memory_space<vmem>>
    %dma_start3A_211 = tpu.memref_squeeze %dma_start3A_210 : memref<1x80x32xf32, #tpu.memory_space<vmem>> -> memref<80x32xf32, #tpu.memory_space<vmem>>
    %dma_start3A_212 = arith.constant 0 : i32
    %dma_start3A_213 = tpu.memref_slice %arg6[%dma_start3A_206, %dma_start3A_212] : memref<125x80xi32, #tpu.memory_space<vmem>> -> memref<1x80xi32, #tpu.memory_space<vmem>>
    %dma_start3A_214 = tpu.memref_squeeze %dma_start3A_213 : memref<1x80xi32, #tpu.memory_space<vmem>> -> memref<80xi32, #tpu.memory_space<vmem>>
    %dma_start3A_215 = arith.constant 0 : i32
    %dma_start3A_216 = arith.constant 0 : i32
    %dma_start3A_217 = tpu.memref_slice %arg2[%dma_start3A_215, %dma_start3A_216] : memref<10000x32xf32, #tpu.memory_space<hbm>> -> memref<10000x32xf32, #tpu.memory_space<hbm>>
    tpu.enqueue_indirect_dma source(%dma_start3A_217 : memref<10000x32xf32, #tpu.memory_space<hbm>>) target(%dma_start3A_211 : memref<80x32xf32, #tpu.memory_space<vmem>>) offsets(%dma_start3A_214 : memref<80xi32, #tpu.memory_space<vmem>>) semaphore(%arg13 : memref<!tpu.dma_semaphore, #tpu.memory_space<semaphore_mem>>)
    %dma_wait3A_218 = arith.constant 115 : i32
    %dma_wait3A_219 = arith.constant 3 : i32
    %dma_wait3A_220 = arith.constant 0 : i32
    %dma_wait3A_221 = arith.constant 0 : i32
    %dma_wait3A_222 = tpu.memref_slice %arg8[%dma_wait3A_219, %dma_wait3A_220, %dma_wait3A_221] : memref<8x80x32xf32, #tpu.memory_space<vmem>> -> memref<1x80x32xf32, #tpu.memory_space<vmem>>
    %dma_wait3A_223 = tpu.memref_squeeze %dma_wait3A_222 : memref<1x80x32xf32, #tpu.memory_space<vmem>> -> memref<80x32xf32, #tpu.memory_space<vmem>>
    %dma_wait3A_224 = arith.constant 0 : i32
    %dma_wait3A_225 = tpu.memref_slice %arg6[%dma_wait3A_218, %dma_wait3A_224] : memref<125x80xi32, #tpu.memory_space<vmem>> -> memref<1x80xi32, #tpu.memory_space<vmem>>
    %dma_wait3A_226 = tpu.memref_squeeze %dma_wait3A_225 : memref<1x80xi32, #tpu.memory_space<vmem>> -> memref<80xi32, #tpu.memory_space<vmem>>
    %dma_wait3A_227 = arith.constant 0 : i32
    %dma_wait3A_228 = arith.constant 0 : i32
    %dma_wait3A_229 = tpu.memref_slice %arg2[%dma_wait3A_227, %dma_wait3A_228] : memref<10000x32xf32, #tpu.memory_space<hbm>> -> memref<10000x32xf32, #tpu.memory_space<hbm>>
    tpu.wait_indirect_dma semaphore(%arg14 : memref<!tpu.dma_semaphore, #tpu.memory_space<semaphore_mem>>) src(%dma_wait3A_229 : memref<10000x32xf32, #tpu.memory_space<hbm>>) dst(%dma_wait3A_223 : memref<80x32xf32, #tpu.memory_space<vmem>>)
    %run_scoped3A_230 = arith.constant 3 : i32
    %run_scoped3A_231 = arith.constant 115 : i32
    "tpu.region"() ({
      %run_scoped3A_387 = tpu.sem_alloc : memref<!tpu.dma_semaphore, #tpu.memory_space<semaphore_mem>>
      %dma_start3A_388 = arith.constant 0 : i32
      %dma_start3A_389 = arith.constant 0 : i32
      %dma_start3A_390 = tpu.memref_slice %arg8[%run_scoped3A_230, %dma_start3A_388, %dma_start3A_389] : memref<8x80x32xf32, #tpu.memory_space<vmem>> -> memref<1x80x32xf32, #tpu.memory_space<vmem>>
      %dma_start3A_391 = tpu.memref_squeeze %dma_start3A_390 : memref<1x80x32xf32, #tpu.memory_space<vmem>> -> memref<80x32xf32, #tpu.memory_space<vmem>>
      %dma_start3A_392 = arith.constant 0 : i32
      %dma_start3A_393 = tpu.memref_slice %arg7[%run_scoped3A_231, %dma_start3A_392] : memref<125x80xi32, #tpu.memory_space<vmem>> -> memref<1x80xi32, #tpu.memory_space<vmem>>
      %dma_start3A_394 = tpu.memref_squeeze %dma_start3A_393 : memref<1x80xi32, #tpu.memory_space<vmem>> -> memref<80xi32, #tpu.memory_space<vmem>>
      %dma_start3A_395 = arith.constant 0 : i32
      %dma_start3A_396 = arith.constant 0 : i32
      %dma_start3A_397 = tpu.memref_slice %arg10[%dma_start3A_395, %dma_start3A_396] : memref<10240x32xf32, #tpu.memory_space<vmem_shared>> -> memref<10240x32xf32, #tpu.memory_space<vmem_shared>>
      tpu.enqueue_indirect_dma source(%dma_start3A_391 : memref<80x32xf32, #tpu.memory_space<vmem>>) target(%dma_start3A_397 : memref<10240x32xf32, #tpu.memory_space<vmem_shared>>) offsets(%dma_start3A_394 : memref<80xi32, #tpu.memory_space<vmem>>) semaphore(%run_scoped3A_387 : memref<!tpu.dma_semaphore, #tpu.memory_space<semaphore_mem>>) {add = true}
      %dma_wait3A_398 = arith.constant 0 : i32
      %dma_wait3A_399 = arith.constant 0 : i32
      %dma_wait3A_400 = tpu.memref_slice %arg8[%run_scoped3A_230, %dma_wait3A_398, %dma_wait3A_399] : memref<8x80x32xf32, #tpu.memory_space<vmem>> -> memref<1x80x32xf32, #tpu.memory_space<vmem>>
      %dma_wait3A_401 = tpu.memref_squeeze %dma_wait3A_400 : memref<1x80x32xf32, #tpu.memory_space<vmem>> -> memref<80x32xf32, #tpu.memory_space<vmem>>
      %dma_wait3A_402 = arith.constant 0 : i32
      %dma_wait3A_403 = tpu.memref_slice %arg7[%run_scoped3A_231, %dma_wait3A_402] : memref<125x80xi32, #tpu.memory_space<vmem>> -> memref<1x80xi32, #tpu.memory_space<vmem>>
      %dma_wait3A_404 = tpu.memref_squeeze %dma_wait3A_403 : memref<1x80xi32, #tpu.memory_space<vmem>> -> memref<80xi32, #tpu.memory_space<vmem>>
      %dma_wait3A_405 = arith.constant 0 : i32
      %dma_wait3A_406 = arith.constant 0 : i32
      %dma_wait3A_407 = tpu.memref_slice %arg10[%dma_wait3A_405, %dma_wait3A_406] : memref<10240x32xf32, #tpu.memory_space<vmem_shared>> -> memref<10240x32xf32, #tpu.memory_space<vmem_shared>>
      tpu.wait_indirect_dma semaphore(%run_scoped3A_387 : memref<!tpu.dma_semaphore, #tpu.memory_space<semaphore_mem>>) src(%dma_wait3A_401 : memref<80x32xf32, #tpu.memory_space<vmem>>) dst(%dma_wait3A_407 : memref<10240x32xf32, #tpu.memory_space<vmem_shared>>)
      tpu.yield
    }) : () -> ()
    %dma_start3A_232 = arith.constant 123 : i32
    %dma_start3A_233 = arith.constant 3 : i32
    %dma_start3A_234 = arith.constant 0 : i32
    %dma_start3A_235 = arith.constant 0 : i32
    %dma_start3A_236 = tpu.memref_slice %arg8[%dma_start3A_233, %dma_start3A_234, %dma_start3A_235] : memref<8x80x32xf32, #tpu.memory_space<vmem>> -> memref<1x80x32xf32, #tpu.memory_space<vmem>>
    %dma_start3A_237 = tpu.memref_squeeze %dma_start3A_236 : memref<1x80x32xf32, #tpu.memory_space<vmem>> -> memref<80x32xf32, #tpu.memory_space<vmem>>
    %dma_start3A_238 = arith.constant 0 : i32
    %dma_start3A_239 = tpu.memref_slice %arg6[%dma_start3A_232, %dma_start3A_238] : memref<125x80xi32, #tpu.memory_space<vmem>> -> memref<1x80xi32, #tpu.memory_space<vmem>>
    %dma_start3A_240 = tpu.memref_squeeze %dma_start3A_239 : memref<1x80xi32, #tpu.memory_space<vmem>> -> memref<80xi32, #tpu.memory_space<vmem>>
    %dma_start3A_241 = arith.constant 0 : i32
    %dma_start3A_242 = arith.constant 0 : i32
    %dma_start3A_243 = tpu.memref_slice %arg2[%dma_start3A_241, %dma_start3A_242] : memref<10000x32xf32, #tpu.memory_space<hbm>> -> memref<10000x32xf32, #tpu.memory_space<hbm>>
    tpu.enqueue_indirect_dma source(%dma_start3A_243 : memref<10000x32xf32, #tpu.memory_space<hbm>>) target(%dma_start3A_237 : memref<80x32xf32, #tpu.memory_space<vmem>>) offsets(%dma_start3A_240 : memref<80xi32, #tpu.memory_space<vmem>>) semaphore(%arg14 : memref<!tpu.dma_semaphore, #tpu.memory_space<semaphore_mem>>)
    %dma_wait3A_244 = arith.constant 116 : i32
    %dma_wait3A_245 = arith.constant 4 : i32
    %dma_wait3A_246 = arith.constant 0 : i32
    %dma_wait3A_247 = arith.constant 0 : i32
    %dma_wait3A_248 = tpu.memref_slice %arg8[%dma_wait3A_245, %dma_wait3A_246, %dma_wait3A_247] : memref<8x80x32xf32, #tpu.memory_space<vmem>> -> memref<1x80x32xf32, #tpu.memory_space<vmem>>
    %dma_wait3A_249 = tpu.memref_squeeze %dma_wait3A_248 : memref<1x80x32xf32, #tpu.memory_space<vmem>> -> memref<80x32xf32, #tpu.memory_space<vmem>>
    %dma_wait3A_250 = arith.constant 0 : i32
    %dma_wait3A_251 = tpu.memref_slice %arg6[%dma_wait3A_244, %dma_wait3A_250] : memref<125x80xi32, #tpu.memory_space<vmem>> -> memref<1x80xi32, #tpu.memory_space<vmem>>
    %dma_wait3A_252 = tpu.memref_squeeze %dma_wait3A_251 : memref<1x80xi32, #tpu.memory_space<vmem>> -> memref<80xi32, #tpu.memory_space<vmem>>
    %dma_wait3A_253 = arith.constant 0 : i32
    %dma_wait3A_254 = arith.constant 0 : i32
    %dma_wait3A_255 = tpu.memref_slice %arg2[%dma_wait3A_253, %dma_wait3A_254] : memref<10000x32xf32, #tpu.memory_space<hbm>> -> memref<10000x32xf32, #tpu.memory_space<hbm>>
    tpu.wait_indirect_dma semaphore(%arg15 : memref<!tpu.dma_semaphore, #tpu.memory_space<semaphore_mem>>) src(%dma_wait3A_255 : memref<10000x32xf32, #tpu.memory_space<hbm>>) dst(%dma_wait3A_249 : memref<80x32xf32, #tpu.memory_space<vmem>>)
    %run_scoped3A_256 = arith.constant 4 : i32
    %run_scoped3A_257 = arith.constant 116 : i32
    "tpu.region"() ({
      %run_scoped3A_387 = tpu.sem_alloc : memref<!tpu.dma_semaphore, #tpu.memory_space<semaphore_mem>>
      %dma_start3A_388 = arith.constant 0 : i32
      %dma_start3A_389 = arith.constant 0 : i32
      %dma_start3A_390 = tpu.memref_slice %arg8[%run_scoped3A_256, %dma_start3A_388, %dma_start3A_389] : memref<8x80x32xf32, #tpu.memory_space<vmem>> -> memref<1x80x32xf32, #tpu.memory_space<vmem>>
      %dma_start3A_391 = tpu.memref_squeeze %dma_start3A_390 : memref<1x80x32xf32, #tpu.memory_space<vmem>> -> memref<80x32xf32, #tpu.memory_space<vmem>>
      %dma_start3A_392 = arith.constant 0 : i32
      %dma_start3A_393 = tpu.memref_slice %arg7[%run_scoped3A_257, %dma_start3A_392] : memref<125x80xi32, #tpu.memory_space<vmem>> -> memref<1x80xi32, #tpu.memory_space<vmem>>
      %dma_start3A_394 = tpu.memref_squeeze %dma_start3A_393 : memref<1x80xi32, #tpu.memory_space<vmem>> -> memref<80xi32, #tpu.memory_space<vmem>>
      %dma_start3A_395 = arith.constant 0 : i32
      %dma_start3A_396 = arith.constant 0 : i32
      %dma_start3A_397 = tpu.memref_slice %arg10[%dma_start3A_395, %dma_start3A_396] : memref<10240x32xf32, #tpu.memory_space<vmem_shared>> -> memref<10240x32xf32, #tpu.memory_space<vmem_shared>>
      tpu.enqueue_indirect_dma source(%dma_start3A_391 : memref<80x32xf32, #tpu.memory_space<vmem>>) target(%dma_start3A_397 : memref<10240x32xf32, #tpu.memory_space<vmem_shared>>) offsets(%dma_start3A_394 : memref<80xi32, #tpu.memory_space<vmem>>) semaphore(%run_scoped3A_387 : memref<!tpu.dma_semaphore, #tpu.memory_space<semaphore_mem>>) {add = true}
      %dma_wait3A_398 = arith.constant 0 : i32
      %dma_wait3A_399 = arith.constant 0 : i32
      %dma_wait3A_400 = tpu.memref_slice %arg8[%run_scoped3A_256, %dma_wait3A_398, %dma_wait3A_399] : memref<8x80x32xf32, #tpu.memory_space<vmem>> -> memref<1x80x32xf32, #tpu.memory_space<vmem>>
      %dma_wait3A_401 = tpu.memref_squeeze %dma_wait3A_400 : memref<1x80x32xf32, #tpu.memory_space<vmem>> -> memref<80x32xf32, #tpu.memory_space<vmem>>
      %dma_wait3A_402 = arith.constant 0 : i32
      %dma_wait3A_403 = tpu.memref_slice %arg7[%run_scoped3A_257, %dma_wait3A_402] : memref<125x80xi32, #tpu.memory_space<vmem>> -> memref<1x80xi32, #tpu.memory_space<vmem>>
      %dma_wait3A_404 = tpu.memref_squeeze %dma_wait3A_403 : memref<1x80xi32, #tpu.memory_space<vmem>> -> memref<80xi32, #tpu.memory_space<vmem>>
      %dma_wait3A_405 = arith.constant 0 : i32
      %dma_wait3A_406 = arith.constant 0 : i32
      %dma_wait3A_407 = tpu.memref_slice %arg10[%dma_wait3A_405, %dma_wait3A_406] : memref<10240x32xf32, #tpu.memory_space<vmem_shared>> -> memref<10240x32xf32, #tpu.memory_space<vmem_shared>>
      tpu.wait_indirect_dma semaphore(%run_scoped3A_387 : memref<!tpu.dma_semaphore, #tpu.memory_space<semaphore_mem>>) src(%dma_wait3A_401 : memref<80x32xf32, #tpu.memory_space<vmem>>) dst(%dma_wait3A_407 : memref<10240x32xf32, #tpu.memory_space<vmem_shared>>)
      tpu.yield
    }) : () -> ()
    %dma_start3A_258 = arith.constant 124 : i32
    %dma_start3A_259 = arith.constant 4 : i32
    %dma_start3A_260 = arith.constant 0 : i32
    %dma_start3A_261 = arith.constant 0 : i32
    %dma_start3A_262 = tpu.memref_slice %arg8[%dma_start3A_259, %dma_start3A_260, %dma_start3A_261] : memref<8x80x32xf32, #tpu.memory_space<vmem>> -> memref<1x80x32xf32, #tpu.memory_space<vmem>>
    %dma_start3A_263 = tpu.memref_squeeze %dma_start3A_262 : memref<1x80x32xf32, #tpu.memory_space<vmem>> -> memref<80x32xf32, #tpu.memory_space<vmem>>
    %dma_start3A_264 = arith.constant 0 : i32
    %dma_start3A_265 = tpu.memref_slice %arg6[%dma_start3A_258, %dma_start3A_264] : memref<125x80xi32, #tpu.memory_space<vmem>> -> memref<1x80xi32, #tpu.memory_space<vmem>>
    %dma_start3A_266 = tpu.memref_squeeze %dma_start3A_265 : memref<1x80xi32, #tpu.memory_space<vmem>> -> memref<80xi32, #tpu.memory_space<vmem>>
    %dma_start3A_267 = arith.constant 0 : i32
    %dma_start3A_268 = arith.constant 0 : i32
    %dma_start3A_269 = tpu.memref_slice %arg2[%dma_start3A_267, %dma_start3A_268] : memref<10000x32xf32, #tpu.memory_space<hbm>> -> memref<10000x32xf32, #tpu.memory_space<hbm>>
    tpu.enqueue_indirect_dma source(%dma_start3A_269 : memref<10000x32xf32, #tpu.memory_space<hbm>>) target(%dma_start3A_263 : memref<80x32xf32, #tpu.memory_space<vmem>>) offsets(%dma_start3A_266 : memref<80xi32, #tpu.memory_space<vmem>>) semaphore(%arg15 : memref<!tpu.dma_semaphore, #tpu.memory_space<semaphore_mem>>)
    %dma_wait3A_270 = arith.constant 117 : i32
    %dma_wait3A_271 = arith.constant 5 : i32
    %dma_wait3A_272 = arith.constant 0 : i32
    %dma_wait3A_273 = arith.constant 0 : i32
    %dma_wait3A_274 = tpu.memref_slice %arg8[%dma_wait3A_271, %dma_wait3A_272, %dma_wait3A_273] : memref<8x80x32xf32, #tpu.memory_space<vmem>> -> memref<1x80x32xf32, #tpu.memory_space<vmem>>
    %dma_wait3A_275 = tpu.memref_squeeze %dma_wait3A_274 : memref<1x80x32xf32, #tpu.memory_space<vmem>> -> memref<80x32xf32, #tpu.memory_space<vmem>>
    %dma_wait3A_276 = arith.constant 0 : i32
    %dma_wait3A_277 = tpu.memref_slice %arg6[%dma_wait3A_270, %dma_wait3A_276] : memref<125x80xi32, #tpu.memory_space<vmem>> -> memref<1x80xi32, #tpu.memory_space<vmem>>
    %dma_wait3A_278 = tpu.memref_squeeze %dma_wait3A_277 : memref<1x80xi32, #tpu.memory_space<vmem>> -> memref<80xi32, #tpu.memory_space<vmem>>
    %dma_wait3A_279 = arith.constant 0 : i32
    %dma_wait3A_280 = arith.constant 0 : i32
    %dma_wait3A_281 = tpu.memref_slice %arg2[%dma_wait3A_279, %dma_wait3A_280] : memref<10000x32xf32, #tpu.memory_space<hbm>> -> memref<10000x32xf32, #tpu.memory_space<hbm>>
    tpu.wait_indirect_dma semaphore(%arg16 : memref<!tpu.dma_semaphore, #tpu.memory_space<semaphore_mem>>) src(%dma_wait3A_281 : memref<10000x32xf32, #tpu.memory_space<hbm>>) dst(%dma_wait3A_275 : memref<80x32xf32, #tpu.memory_space<vmem>>)
    %run_scoped3A_282 = arith.constant 5 : i32
    %run_scoped3A_283 = arith.constant 117 : i32
    "tpu.region"() ({
      %run_scoped3A_387 = tpu.sem_alloc : memref<!tpu.dma_semaphore, #tpu.memory_space<semaphore_mem>>
      %dma_start3A_388 = arith.constant 0 : i32
      %dma_start3A_389 = arith.constant 0 : i32
      %dma_start3A_390 = tpu.memref_slice %arg8[%run_scoped3A_282, %dma_start3A_388, %dma_start3A_389] : memref<8x80x32xf32, #tpu.memory_space<vmem>> -> memref<1x80x32xf32, #tpu.memory_space<vmem>>
      %dma_start3A_391 = tpu.memref_squeeze %dma_start3A_390 : memref<1x80x32xf32, #tpu.memory_space<vmem>> -> memref<80x32xf32, #tpu.memory_space<vmem>>
      %dma_start3A_392 = arith.constant 0 : i32
      %dma_start3A_393 = tpu.memref_slice %arg7[%run_scoped3A_283, %dma_start3A_392] : memref<125x80xi32, #tpu.memory_space<vmem>> -> memref<1x80xi32, #tpu.memory_space<vmem>>
      %dma_start3A_394 = tpu.memref_squeeze %dma_start3A_393 : memref<1x80xi32, #tpu.memory_space<vmem>> -> memref<80xi32, #tpu.memory_space<vmem>>
      %dma_start3A_395 = arith.constant 0 : i32
      %dma_start3A_396 = arith.constant 0 : i32
      %dma_start3A_397 = tpu.memref_slice %arg10[%dma_start3A_395, %dma_start3A_396] : memref<10240x32xf32, #tpu.memory_space<vmem_shared>> -> memref<10240x32xf32, #tpu.memory_space<vmem_shared>>
      tpu.enqueue_indirect_dma source(%dma_start3A_391 : memref<80x32xf32, #tpu.memory_space<vmem>>) target(%dma_start3A_397 : memref<10240x32xf32, #tpu.memory_space<vmem_shared>>) offsets(%dma_start3A_394 : memref<80xi32, #tpu.memory_space<vmem>>) semaphore(%run_scoped3A_387 : memref<!tpu.dma_semaphore, #tpu.memory_space<semaphore_mem>>) {add = true}
      %dma_wait3A_398 = arith.constant 0 : i32
      %dma_wait3A_399 = arith.constant 0 : i32
      %dma_wait3A_400 = tpu.memref_slice %arg8[%run_scoped3A_282, %dma_wait3A_398, %dma_wait3A_399] : memref<8x80x32xf32, #tpu.memory_space<vmem>> -> memref<1x80x32xf32, #tpu.memory_space<vmem>>
      %dma_wait3A_401 = tpu.memref_squeeze %dma_wait3A_400 : memref<1x80x32xf32, #tpu.memory_space<vmem>> -> memref<80x32xf32, #tpu.memory_space<vmem>>
      %dma_wait3A_402 = arith.constant 0 : i32
      %dma_wait3A_403 = tpu.memref_slice %arg7[%run_scoped3A_283, %dma_wait3A_402] : memref<125x80xi32, #tpu.memory_space<vmem>> -> memref<1x80xi32, #tpu.memory_space<vmem>>
      %dma_wait3A_404 = tpu.memref_squeeze %dma_wait3A_403 : memref<1x80xi32, #tpu.memory_space<vmem>> -> memref<80xi32, #tpu.memory_space<vmem>>
      %dma_wait3A_405 = arith.constant 0 : i32
      %dma_wait3A_406 = arith.constant 0 : i32
      %dma_wait3A_407 = tpu.memref_slice %arg10[%dma_wait3A_405, %dma_wait3A_406] : memref<10240x32xf32, #tpu.memory_space<vmem_shared>> -> memref<10240x32xf32, #tpu.memory_space<vmem_shared>>
      tpu.wait_indirect_dma semaphore(%run_scoped3A_387 : memref<!tpu.dma_semaphore, #tpu.memory_space<semaphore_mem>>) src(%dma_wait3A_401 : memref<80x32xf32, #tpu.memory_space<vmem>>) dst(%dma_wait3A_407 : memref<10240x32xf32, #tpu.memory_space<vmem_shared>>)
      tpu.yield
    }) : () -> ()
    %dma_wait3A_284 = arith.constant 118 : i32
    %dma_wait3A_285 = arith.constant 6 : i32
    %dma_wait3A_286 = arith.constant 0 : i32
    %dma_wait3A_287 = arith.constant 0 : i32
    %dma_wait3A_288 = tpu.memref_slice %arg8[%dma_wait3A_285, %dma_wait3A_286, %dma_wait3A_287] : memref<8x80x32xf32, #tpu.memory_space<vmem>> -> memref<1x80x32xf32, #tpu.memory_space<vmem>>
    %dma_wait3A_289 = tpu.memref_squeeze %dma_wait3A_288 : memref<1x80x32xf32, #tpu.memory_space<vmem>> -> memref<80x32xf32, #tpu.memory_space<vmem>>
    %dma_wait3A_290 = arith.constant 0 : i32
    %dma_wait3A_291 = tpu.memref_slice %arg6[%dma_wait3A_284, %dma_wait3A_290] : memref<125x80xi32, #tpu.memory_space<vmem>> -> memref<1x80xi32, #tpu.memory_space<vmem>>
    %dma_wait3A_292 = tpu.memref_squeeze %dma_wait3A_291 : memref<1x80xi32, #tpu.memory_space<vmem>> -> memref<80xi32, #tpu.memory_space<vmem>>
    %dma_wait3A_293 = arith.constant 0 : i32
    %dma_wait3A_294 = arith.constant 0 : i32
    %dma_wait3A_295 = tpu.memref_slice %arg2[%dma_wait3A_293, %dma_wait3A_294] : memref<10000x32xf32, #tpu.memory_space<hbm>> -> memref<10000x32xf32, #tpu.memory_space<hbm>>
    tpu.wait_indirect_dma semaphore(%arg17 : memref<!tpu.dma_semaphore, #tpu.memory_space<semaphore_mem>>) src(%dma_wait3A_295 : memref<10000x32xf32, #tpu.memory_space<hbm>>) dst(%dma_wait3A_289 : memref<80x32xf32, #tpu.memory_space<vmem>>)
    %run_scoped3A_296 = arith.constant 6 : i32
    %run_scoped3A_297 = arith.constant 118 : i32
    "tpu.region"() ({
      %run_scoped3A_387 = tpu.sem_alloc : memref<!tpu.dma_semaphore, #tpu.memory_space<semaphore_mem>>
      %dma_start3A_388 = arith.constant 0 : i32
      %dma_start3A_389 = arith.constant 0 : i32
      %dma_start3A_390 = tpu.memref_slice %arg8[%run_scoped3A_296, %dma_start3A_388, %dma_start3A_389] : memref<8x80x32xf32, #tpu.memory_space<vmem>> -> memref<1x80x32xf32, #tpu.memory_space<vmem>>
      %dma_start3A_391 = tpu.memref_squeeze %dma_start3A_390 : memref<1x80x32xf32, #tpu.memory_space<vmem>> -> memref<80x32xf32, #tpu.memory_space<vmem>>
      %dma_start3A_392 = arith.constant 0 : i32
      %dma_start3A_393 = tpu.memref_slice %arg7[%run_scoped3A_297, %dma_start3A_392] : memref<125x80xi32, #tpu.memory_space<vmem>> -> memref<1x80xi32, #tpu.memory_space<vmem>>
      %dma_start3A_394 = tpu.memref_squeeze %dma_start3A_393 : memref<1x80xi32, #tpu.memory_space<vmem>> -> memref<80xi32, #tpu.memory_space<vmem>>
      %dma_start3A_395 = arith.constant 0 : i32
      %dma_start3A_396 = arith.constant 0 : i32
      %dma_start3A_397 = tpu.memref_slice %arg10[%dma_start3A_395, %dma_start3A_396] : memref<10240x32xf32, #tpu.memory_space<vmem_shared>> -> memref<10240x32xf32, #tpu.memory_space<vmem_shared>>
      tpu.enqueue_indirect_dma source(%dma_start3A_391 : memref<80x32xf32, #tpu.memory_space<vmem>>) target(%dma_start3A_397 : memref<10240x32xf32, #tpu.memory_space<vmem_shared>>) offsets(%dma_start3A_394 : memref<80xi32, #tpu.memory_space<vmem>>) semaphore(%run_scoped3A_387 : memref<!tpu.dma_semaphore, #tpu.memory_space<semaphore_mem>>) {add = true}
      %dma_wait3A_398 = arith.constant 0 : i32
      %dma_wait3A_399 = arith.constant 0 : i32
      %dma_wait3A_400 = tpu.memref_slice %arg8[%run_scoped3A_296, %dma_wait3A_398, %dma_wait3A_399] : memref<8x80x32xf32, #tpu.memory_space<vmem>> -> memref<1x80x32xf32, #tpu.memory_space<vmem>>
      %dma_wait3A_401 = tpu.memref_squeeze %dma_wait3A_400 : memref<1x80x32xf32, #tpu.memory_space<vmem>> -> memref<80x32xf32, #tpu.memory_space<vmem>>
      %dma_wait3A_402 = arith.constant 0 : i32
      %dma_wait3A_403 = tpu.memref_slice %arg7[%run_scoped3A_297, %dma_wait3A_402] : memref<125x80xi32, #tpu.memory_space<vmem>> -> memref<1x80xi32, #tpu.memory_space<vmem>>
      %dma_wait3A_404 = tpu.memref_squeeze %dma_wait3A_403 : memref<1x80xi32, #tpu.memory_space<vmem>> -> memref<80xi32, #tpu.memory_space<vmem>>
      %dma_wait3A_405 = arith.constant 0 : i32
      %dma_wait3A_406 = arith.constant 0 : i32
      %dma_wait3A_407 = tpu.memref_slice %arg10[%dma_wait3A_405, %dma_wait3A_406] : memref<10240x32xf32, #tpu.memory_space<vmem_shared>> -> memref<10240x32xf32, #tpu.memory_space<vmem_shared>>
      tpu.wait_indirect_dma semaphore(%run_scoped3A_387 : memref<!tpu.dma_semaphore, #tpu.memory_space<semaphore_mem>>) src(%dma_wait3A_401 : memref<80x32xf32, #tpu.memory_space<vmem>>) dst(%dma_wait3A_407 : memref<10240x32xf32, #tpu.memory_space<vmem_shared>>)
      tpu.yield
    }) : () -> ()
    %dma_wait3A_298 = arith.constant 119 : i32
    %dma_wait3A_299 = arith.constant 7 : i32
    %dma_wait3A_300 = arith.constant 0 : i32
    %dma_wait3A_301 = arith.constant 0 : i32
    %dma_wait3A_302 = tpu.memref_slice %arg8[%dma_wait3A_299, %dma_wait3A_300, %dma_wait3A_301] : memref<8x80x32xf32, #tpu.memory_space<vmem>> -> memref<1x80x32xf32, #tpu.memory_space<vmem>>
    %dma_wait3A_303 = tpu.memref_squeeze %dma_wait3A_302 : memref<1x80x32xf32, #tpu.memory_space<vmem>> -> memref<80x32xf32, #tpu.memory_space<vmem>>
    %dma_wait3A_304 = arith.constant 0 : i32
    %dma_wait3A_305 = tpu.memref_slice %arg6[%dma_wait3A_298, %dma_wait3A_304] : memref<125x80xi32, #tpu.memory_space<vmem>> -> memref<1x80xi32, #tpu.memory_space<vmem>>
    %dma_wait3A_306 = tpu.memref_squeeze %dma_wait3A_305 : memref<1x80xi32, #tpu.memory_space<vmem>> -> memref<80xi32, #tpu.memory_space<vmem>>
    %dma_wait3A_307 = arith.constant 0 : i32
    %dma_wait3A_308 = arith.constant 0 : i32
    %dma_wait3A_309 = tpu.memref_slice %arg2[%dma_wait3A_307, %dma_wait3A_308] : memref<10000x32xf32, #tpu.memory_space<hbm>> -> memref<10000x32xf32, #tpu.memory_space<hbm>>
    tpu.wait_indirect_dma semaphore(%arg18 : memref<!tpu.dma_semaphore, #tpu.memory_space<semaphore_mem>>) src(%dma_wait3A_309 : memref<10000x32xf32, #tpu.memory_space<hbm>>) dst(%dma_wait3A_303 : memref<80x32xf32, #tpu.memory_space<vmem>>)
    %run_scoped3A_310 = arith.constant 7 : i32
    %run_scoped3A_311 = arith.constant 119 : i32
    "tpu.region"() ({
      %run_scoped3A_387 = tpu.sem_alloc : memref<!tpu.dma_semaphore, #tpu.memory_space<semaphore_mem>>
      %dma_start3A_388 = arith.constant 0 : i32
      %dma_start3A_389 = arith.constant 0 : i32
      %dma_start3A_390 = tpu.memref_slice %arg8[%run_scoped3A_310, %dma_start3A_388, %dma_start3A_389] : memref<8x80x32xf32, #tpu.memory_space<vmem>> -> memref<1x80x32xf32, #tpu.memory_space<vmem>>
      %dma_start3A_391 = tpu.memref_squeeze %dma_start3A_390 : memref<1x80x32xf32, #tpu.memory_space<vmem>> -> memref<80x32xf32, #tpu.memory_space<vmem>>
      %dma_start3A_392 = arith.constant 0 : i32
      %dma_start3A_393 = tpu.memref_slice %arg7[%run_scoped3A_311, %dma_start3A_392] : memref<125x80xi32, #tpu.memory_space<vmem>> -> memref<1x80xi32, #tpu.memory_space<vmem>>
      %dma_start3A_394 = tpu.memref_squeeze %dma_start3A_393 : memref<1x80xi32, #tpu.memory_space<vmem>> -> memref<80xi32, #tpu.memory_space<vmem>>
      %dma_start3A_395 = arith.constant 0 : i32
      %dma_start3A_396 = arith.constant 0 : i32
      %dma_start3A_397 = tpu.memref_slice %arg10[%dma_start3A_395, %dma_start3A_396] : memref<10240x32xf32, #tpu.memory_space<vmem_shared>> -> memref<10240x32xf32, #tpu.memory_space<vmem_shared>>
      tpu.enqueue_indirect_dma source(%dma_start3A_391 : memref<80x32xf32, #tpu.memory_space<vmem>>) target(%dma_start3A_397 : memref<10240x32xf32, #tpu.memory_space<vmem_shared>>) offsets(%dma_start3A_394 : memref<80xi32, #tpu.memory_space<vmem>>) semaphore(%run_scoped3A_387 : memref<!tpu.dma_semaphore, #tpu.memory_space<semaphore_mem>>) {add = true}
      %dma_wait3A_398 = arith.constant 0 : i32
      %dma_wait3A_399 = arith.constant 0 : i32
      %dma_wait3A_400 = tpu.memref_slice %arg8[%run_scoped3A_310, %dma_wait3A_398, %dma_wait3A_399] : memref<8x80x32xf32, #tpu.memory_space<vmem>> -> memref<1x80x32xf32, #tpu.memory_space<vmem>>
      %dma_wait3A_401 = tpu.memref_squeeze %dma_wait3A_400 : memref<1x80x32xf32, #tpu.memory_space<vmem>> -> memref<80x32xf32, #tpu.memory_space<vmem>>
      %dma_wait3A_402 = arith.constant 0 : i32
      %dma_wait3A_403 = tpu.memref_slice %arg7[%run_scoped3A_311, %dma_wait3A_402] : memref<125x80xi32, #tpu.memory_space<vmem>> -> memref<1x80xi32, #tpu.memory_space<vmem>>
      %dma_wait3A_404 = tpu.memref_squeeze %dma_wait3A_403 : memref<1x80xi32, #tpu.memory_space<vmem>> -> memref<80xi32, #tpu.memory_space<vmem>>
      %dma_wait3A_405 = arith.constant 0 : i32
      %dma_wait3A_406 = arith.constant 0 : i32
      %dma_wait3A_407 = tpu.memref_slice %arg10[%dma_wait3A_405, %dma_wait3A_406] : memref<10240x32xf32, #tpu.memory_space<vmem_shared>> -> memref<10240x32xf32, #tpu.memory_space<vmem_shared>>
      tpu.wait_indirect_dma semaphore(%run_scoped3A_387 : memref<!tpu.dma_semaphore, #tpu.memory_space<semaphore_mem>>) src(%dma_wait3A_401 : memref<80x32xf32, #tpu.memory_space<vmem>>) dst(%dma_wait3A_407 : memref<10240x32xf32, #tpu.memory_space<vmem_shared>>)
      tpu.yield
    }) : () -> ()
    %dma_wait3A_312 = arith.constant 120 : i32
    %dma_wait3A_313 = arith.constant 0 : i32
    %dma_wait3A_314 = arith.constant 0 : i32
    %dma_wait3A_315 = arith.constant 0 : i32
    %dma_wait3A_316 = tpu.memref_slice %arg8[%dma_wait3A_313, %dma_wait3A_314, %dma_wait3A_315] : memref<8x80x32xf32, #tpu.memory_space<vmem>> -> memref<1x80x32xf32, #tpu.memory_space<vmem>>
    %dma_wait3A_317 = tpu.memref_squeeze %dma_wait3A_316 : memref<1x80x32xf32, #tpu.memory_space<vmem>> -> memref<80x32xf32, #tpu.memory_space<vmem>>
    %dma_wait3A_318 = arith.constant 0 : i32
    %dma_wait3A_319 = tpu.memref_slice %arg6[%dma_wait3A_312, %dma_wait3A_318] : memref<125x80xi32, #tpu.memory_space<vmem>> -> memref<1x80xi32, #tpu.memory_space<vmem>>
    %dma_wait3A_320 = tpu.memref_squeeze %dma_wait3A_319 : memref<1x80xi32, #tpu.memory_space<vmem>> -> memref<80xi32, #tpu.memory_space<vmem>>
    %dma_wait3A_321 = arith.constant 0 : i32
    %dma_wait3A_322 = arith.constant 0 : i32
    %dma_wait3A_323 = tpu.memref_slice %arg2[%dma_wait3A_321, %dma_wait3A_322] : memref<10000x32xf32, #tpu.memory_space<hbm>> -> memref<10000x32xf32, #tpu.memory_space<hbm>>
    tpu.wait_indirect_dma semaphore(%arg11 : memref<!tpu.dma_semaphore, #tpu.memory_space<semaphore_mem>>) src(%dma_wait3A_323 : memref<10000x32xf32, #tpu.memory_space<hbm>>) dst(%dma_wait3A_317 : memref<80x32xf32, #tpu.memory_space<vmem>>)
    %run_scoped3A_324 = arith.constant 0 : i32
    %run_scoped3A_325 = arith.constant 120 : i32
    "tpu.region"() ({
      %run_scoped3A_387 = tpu.sem_alloc : memref<!tpu.dma_semaphore, #tpu.memory_space<semaphore_mem>>
      %dma_start3A_388 = arith.constant 0 : i32
      %dma_start3A_389 = arith.constant 0 : i32
      %dma_start3A_390 = tpu.memref_slice %arg8[%run_scoped3A_324, %dma_start3A_388, %dma_start3A_389] : memref<8x80x32xf32, #tpu.memory_space<vmem>> -> memref<1x80x32xf32, #tpu.memory_space<vmem>>
      %dma_start3A_391 = tpu.memref_squeeze %dma_start3A_390 : memref<1x80x32xf32, #tpu.memory_space<vmem>> -> memref<80x32xf32, #tpu.memory_space<vmem>>
      %dma_start3A_392 = arith.constant 0 : i32
      %dma_start3A_393 = tpu.memref_slice %arg7[%run_scoped3A_325, %dma_start3A_392] : memref<125x80xi32, #tpu.memory_space<vmem>> -> memref<1x80xi32, #tpu.memory_space<vmem>>
      %dma_start3A_394 = tpu.memref_squeeze %dma_start3A_393 : memref<1x80xi32, #tpu.memory_space<vmem>> -> memref<80xi32, #tpu.memory_space<vmem>>
      %dma_start3A_395 = arith.constant 0 : i32
      %dma_start3A_396 = arith.constant 0 : i32
      %dma_start3A_397 = tpu.memref_slice %arg10[%dma_start3A_395, %dma_start3A_396] : memref<10240x32xf32, #tpu.memory_space<vmem_shared>> -> memref<10240x32xf32, #tpu.memory_space<vmem_shared>>
      tpu.enqueue_indirect_dma source(%dma_start3A_391 : memref<80x32xf32, #tpu.memory_space<vmem>>) target(%dma_start3A_397 : memref<10240x32xf32, #tpu.memory_space<vmem_shared>>) offsets(%dma_start3A_394 : memref<80xi32, #tpu.memory_space<vmem>>) semaphore(%run_scoped3A_387 : memref<!tpu.dma_semaphore, #tpu.memory_space<semaphore_mem>>) {add = true}
      %dma_wait3A_398 = arith.constant 0 : i32
      %dma_wait3A_399 = arith.constant 0 : i32
      %dma_wait3A_400 = tpu.memref_slice %arg8[%run_scoped3A_324, %dma_wait3A_398, %dma_wait3A_399] : memref<8x80x32xf32, #tpu.memory_space<vmem>> -> memref<1x80x32xf32, #tpu.memory_space<vmem>>
      %dma_wait3A_401 = tpu.memref_squeeze %dma_wait3A_400 : memref<1x80x32xf32, #tpu.memory_space<vmem>> -> memref<80x32xf32, #tpu.memory_space<vmem>>
      %dma_wait3A_402 = arith.constant 0 : i32
      %dma_wait3A_403 = tpu.memref_slice %arg7[%run_scoped3A_325, %dma_wait3A_402] : memref<125x80xi32, #tpu.memory_space<vmem>> -> memref<1x80xi32, #tpu.memory_space<vmem>>
      %dma_wait3A_404 = tpu.memref_squeeze %dma_wait3A_403 : memref<1x80xi32, #tpu.memory_space<vmem>> -> memref<80xi32, #tpu.memory_space<vmem>>
      %dma_wait3A_405 = arith.constant 0 : i32
      %dma_wait3A_406 = arith.constant 0 : i32
      %dma_wait3A_407 = tpu.memref_slice %arg10[%dma_wait3A_405, %dma_wait3A_406] : memref<10240x32xf32, #tpu.memory_space<vmem_shared>> -> memref<10240x32xf32, #tpu.memory_space<vmem_shared>>
      tpu.wait_indirect_dma semaphore(%run_scoped3A_387 : memref<!tpu.dma_semaphore, #tpu.memory_space<semaphore_mem>>) src(%dma_wait3A_401 : memref<80x32xf32, #tpu.memory_space<vmem>>) dst(%dma_wait3A_407 : memref<10240x32xf32, #tpu.memory_space<vmem_shared>>)
      tpu.yield
    }) : () -> ()
    %dma_wait3A_326 = arith.constant 121 : i32
    %dma_wait3A_327 = arith.constant 1 : i32
    %dma_wait3A_328 = arith.constant 0 : i32
    %dma_wait3A_329 = arith.constant 0 : i32
    %dma_wait3A_330 = tpu.memref_slice %arg8[%dma_wait3A_327, %dma_wait3A_328, %dma_wait3A_329] : memref<8x80x32xf32, #tpu.memory_space<vmem>> -> memref<1x80x32xf32, #tpu.memory_space<vmem>>
    %dma_wait3A_331 = tpu.memref_squeeze %dma_wait3A_330 : memref<1x80x32xf32, #tpu.memory_space<vmem>> -> memref<80x32xf32, #tpu.memory_space<vmem>>
    %dma_wait3A_332 = arith.constant 0 : i32
    %dma_wait3A_333 = tpu.memref_slice %arg6[%dma_wait3A_326, %dma_wait3A_332] : memref<125x80xi32, #tpu.memory_space<vmem>> -> memref<1x80xi32, #tpu.memory_space<vmem>>
    %dma_wait3A_334 = tpu.memref_squeeze %dma_wait3A_333 : memref<1x80xi32, #tpu.memory_space<vmem>> -> memref<80xi32, #tpu.memory_space<vmem>>
    %dma_wait3A_335 = arith.constant 0 : i32
    %dma_wait3A_336 = arith.constant 0 : i32
    %dma_wait3A_337 = tpu.memref_slice %arg2[%dma_wait3A_335, %dma_wait3A_336] : memref<10000x32xf32, #tpu.memory_space<hbm>> -> memref<10000x32xf32, #tpu.memory_space<hbm>>
    tpu.wait_indirect_dma semaphore(%arg12 : memref<!tpu.dma_semaphore, #tpu.memory_space<semaphore_mem>>) src(%dma_wait3A_337 : memref<10000x32xf32, #tpu.memory_space<hbm>>) dst(%dma_wait3A_331 : memref<80x32xf32, #tpu.memory_space<vmem>>)
    %run_scoped3A_338 = arith.constant 1 : i32
    %run_scoped3A_339 = arith.constant 121 : i32
    "tpu.region"() ({
      %run_scoped3A_387 = tpu.sem_alloc : memref<!tpu.dma_semaphore, #tpu.memory_space<semaphore_mem>>
      %dma_start3A_388 = arith.constant 0 : i32
      %dma_start3A_389 = arith.constant 0 : i32
      %dma_start3A_390 = tpu.memref_slice %arg8[%run_scoped3A_338, %dma_start3A_388, %dma_start3A_389] : memref<8x80x32xf32, #tpu.memory_space<vmem>> -> memref<1x80x32xf32, #tpu.memory_space<vmem>>
      %dma_start3A_391 = tpu.memref_squeeze %dma_start3A_390 : memref<1x80x32xf32, #tpu.memory_space<vmem>> -> memref<80x32xf32, #tpu.memory_space<vmem>>
      %dma_start3A_392 = arith.constant 0 : i32
      %dma_start3A_393 = tpu.memref_slice %arg7[%run_scoped3A_339, %dma_start3A_392] : memref<125x80xi32, #tpu.memory_space<vmem>> -> memref<1x80xi32, #tpu.memory_space<vmem>>
      %dma_start3A_394 = tpu.memref_squeeze %dma_start3A_393 : memref<1x80xi32, #tpu.memory_space<vmem>> -> memref<80xi32, #tpu.memory_space<vmem>>
      %dma_start3A_395 = arith.constant 0 : i32
      %dma_start3A_396 = arith.constant 0 : i32
      %dma_start3A_397 = tpu.memref_slice %arg10[%dma_start3A_395, %dma_start3A_396] : memref<10240x32xf32, #tpu.memory_space<vmem_shared>> -> memref<10240x32xf32, #tpu.memory_space<vmem_shared>>
      tpu.enqueue_indirect_dma source(%dma_start3A_391 : memref<80x32xf32, #tpu.memory_space<vmem>>) target(%dma_start3A_397 : memref<10240x32xf32, #tpu.memory_space<vmem_shared>>) offsets(%dma_start3A_394 : memref<80xi32, #tpu.memory_space<vmem>>) semaphore(%run_scoped3A_387 : memref<!tpu.dma_semaphore, #tpu.memory_space<semaphore_mem>>) {add = true}
      %dma_wait3A_398 = arith.constant 0 : i32
      %dma_wait3A_399 = arith.constant 0 : i32
      %dma_wait3A_400 = tpu.memref_slice %arg8[%run_scoped3A_338, %dma_wait3A_398, %dma_wait3A_399] : memref<8x80x32xf32, #tpu.memory_space<vmem>> -> memref<1x80x32xf32, #tpu.memory_space<vmem>>
      %dma_wait3A_401 = tpu.memref_squeeze %dma_wait3A_400 : memref<1x80x32xf32, #tpu.memory_space<vmem>> -> memref<80x32xf32, #tpu.memory_space<vmem>>
      %dma_wait3A_402 = arith.constant 0 : i32
      %dma_wait3A_403 = tpu.memref_slice %arg7[%run_scoped3A_339, %dma_wait3A_402] : memref<125x80xi32, #tpu.memory_space<vmem>> -> memref<1x80xi32, #tpu.memory_space<vmem>>
      %dma_wait3A_404 = tpu.memref_squeeze %dma_wait3A_403 : memref<1x80xi32, #tpu.memory_space<vmem>> -> memref<80xi32, #tpu.memory_space<vmem>>
      %dma_wait3A_405 = arith.constant 0 : i32
      %dma_wait3A_406 = arith.constant 0 : i32
      %dma_wait3A_407 = tpu.memref_slice %arg10[%dma_wait3A_405, %dma_wait3A_406] : memref<10240x32xf32, #tpu.memory_space<vmem_shared>> -> memref<10240x32xf32, #tpu.memory_space<vmem_shared>>
      tpu.wait_indirect_dma semaphore(%run_scoped3A_387 : memref<!tpu.dma_semaphore, #tpu.memory_space<semaphore_mem>>) src(%dma_wait3A_401 : memref<80x32xf32, #tpu.memory_space<vmem>>) dst(%dma_wait3A_407 : memref<10240x32xf32, #tpu.memory_space<vmem_shared>>)
      tpu.yield
    }) : () -> ()
    %dma_wait3A_340 = arith.constant 122 : i32
    %dma_wait3A_341 = arith.constant 2 : i32
    %dma_wait3A_342 = arith.constant 0 : i32
    %dma_wait3A_343 = arith.constant 0 : i32
    %dma_wait3A_344 = tpu.memref_slice %arg8[%dma_wait3A_341, %dma_wait3A_342, %dma_wait3A_343] : memref<8x80x32xf32, #tpu.memory_space<vmem>> -> memref<1x80x32xf32, #tpu.memory_space<vmem>>
    %dma_wait3A_345 = tpu.memref_squeeze %dma_wait3A_344 : memref<1x80x32xf32, #tpu.memory_space<vmem>> -> memref<80x32xf32, #tpu.memory_space<vmem>>
    %dma_wait3A_346 = arith.constant 0 : i32
    %dma_wait3A_347 = tpu.memref_slice %arg6[%dma_wait3A_340, %dma_wait3A_346] : memref<125x80xi32, #tpu.memory_space<vmem>> -> memref<1x80xi32, #tpu.memory_space<vmem>>
    %dma_wait3A_348 = tpu.memref_squeeze %dma_wait3A_347 : memref<1x80xi32, #tpu.memory_space<vmem>> -> memref<80xi32, #tpu.memory_space<vmem>>
    %dma_wait3A_349 = arith.constant 0 : i32
    %dma_wait3A_350 = arith.constant 0 : i32
    %dma_wait3A_351 = tpu.memref_slice %arg2[%dma_wait3A_349, %dma_wait3A_350] : memref<10000x32xf32, #tpu.memory_space<hbm>> -> memref<10000x32xf32, #tpu.memory_space<hbm>>
    tpu.wait_indirect_dma semaphore(%arg13 : memref<!tpu.dma_semaphore, #tpu.memory_space<semaphore_mem>>) src(%dma_wait3A_351 : memref<10000x32xf32, #tpu.memory_space<hbm>>) dst(%dma_wait3A_345 : memref<80x32xf32, #tpu.memory_space<vmem>>)
    %run_scoped3A_352 = arith.constant 2 : i32
    %run_scoped3A_353 = arith.constant 122 : i32
    "tpu.region"() ({
      %run_scoped3A_387 = tpu.sem_alloc : memref<!tpu.dma_semaphore, #tpu.memory_space<semaphore_mem>>
      %dma_start3A_388 = arith.constant 0 : i32
      %dma_start3A_389 = arith.constant 0 : i32
      %dma_start3A_390 = tpu.memref_slice %arg8[%run_scoped3A_352, %dma_start3A_388, %dma_start3A_389] : memref<8x80x32xf32, #tpu.memory_space<vmem>> -> memref<1x80x32xf32, #tpu.memory_space<vmem>>
      %dma_start3A_391 = tpu.memref_squeeze %dma_start3A_390 : memref<1x80x32xf32, #tpu.memory_space<vmem>> -> memref<80x32xf32, #tpu.memory_space<vmem>>
      %dma_start3A_392 = arith.constant 0 : i32
      %dma_start3A_393 = tpu.memref_slice %arg7[%run_scoped3A_353, %dma_start3A_392] : memref<125x80xi32, #tpu.memory_space<vmem>> -> memref<1x80xi32, #tpu.memory_space<vmem>>
      %dma_start3A_394 = tpu.memref_squeeze %dma_start3A_393 : memref<1x80xi32, #tpu.memory_space<vmem>> -> memref<80xi32, #tpu.memory_space<vmem>>
      %dma_start3A_395 = arith.constant 0 : i32
      %dma_start3A_396 = arith.constant 0 : i32
      %dma_start3A_397 = tpu.memref_slice %arg10[%dma_start3A_395, %dma_start3A_396] : memref<10240x32xf32, #tpu.memory_space<vmem_shared>> -> memref<10240x32xf32, #tpu.memory_space<vmem_shared>>
      tpu.enqueue_indirect_dma source(%dma_start3A_391 : memref<80x32xf32, #tpu.memory_space<vmem>>) target(%dma_start3A_397 : memref<10240x32xf32, #tpu.memory_space<vmem_shared>>) offsets(%dma_start3A_394 : memref<80xi32, #tpu.memory_space<vmem>>) semaphore(%run_scoped3A_387 : memref<!tpu.dma_semaphore, #tpu.memory_space<semaphore_mem>>) {add = true}
      %dma_wait3A_398 = arith.constant 0 : i32
      %dma_wait3A_399 = arith.constant 0 : i32
      %dma_wait3A_400 = tpu.memref_slice %arg8[%run_scoped3A_352, %dma_wait3A_398, %dma_wait3A_399] : memref<8x80x32xf32, #tpu.memory_space<vmem>> -> memref<1x80x32xf32, #tpu.memory_space<vmem>>
      %dma_wait3A_401 = tpu.memref_squeeze %dma_wait3A_400 : memref<1x80x32xf32, #tpu.memory_space<vmem>> -> memref<80x32xf32, #tpu.memory_space<vmem>>
      %dma_wait3A_402 = arith.constant 0 : i32
      %dma_wait3A_403 = tpu.memref_slice %arg7[%run_scoped3A_353, %dma_wait3A_402] : memref<125x80xi32, #tpu.memory_space<vmem>> -> memref<1x80xi32, #tpu.memory_space<vmem>>
      %dma_wait3A_404 = tpu.memref_squeeze %dma_wait3A_403 : memref<1x80xi32, #tpu.memory_space<vmem>> -> memref<80xi32, #tpu.memory_space<vmem>>
      %dma_wait3A_405 = arith.constant 0 : i32
      %dma_wait3A_406 = arith.constant 0 : i32
      %dma_wait3A_407 = tpu.memref_slice %arg10[%dma_wait3A_405, %dma_wait3A_406] : memref<10240x32xf32, #tpu.memory_space<vmem_shared>> -> memref<10240x32xf32, #tpu.memory_space<vmem_shared>>
      tpu.wait_indirect_dma semaphore(%run_scoped3A_387 : memref<!tpu.dma_semaphore, #tpu.memory_space<semaphore_mem>>) src(%dma_wait3A_401 : memref<80x32xf32, #tpu.memory_space<vmem>>) dst(%dma_wait3A_407 : memref<10240x32xf32, #tpu.memory_space<vmem_shared>>)
      tpu.yield
    }) : () -> ()
    %dma_wait3A_354 = arith.constant 123 : i32
    %dma_wait3A_355 = arith.constant 3 : i32
    %dma_wait3A_356 = arith.constant 0 : i32
    %dma_wait3A_357 = arith.constant 0 : i32
    %dma_wait3A_358 = tpu.memref_slice %arg8[%dma_wait3A_355, %dma_wait3A_356, %dma_wait3A_357] : memref<8x80x32xf32, #tpu.memory_space<vmem>> -> memref<1x80x32xf32, #tpu.memory_space<vmem>>
    %dma_wait3A_359 = tpu.memref_squeeze %dma_wait3A_358 : memref<1x80x32xf32, #tpu.memory_space<vmem>> -> memref<80x32xf32, #tpu.memory_space<vmem>>
    %dma_wait3A_360 = arith.constant 0 : i32
    %dma_wait3A_361 = tpu.memref_slice %arg6[%dma_wait3A_354, %dma_wait3A_360] : memref<125x80xi32, #tpu.memory_space<vmem>> -> memref<1x80xi32, #tpu.memory_space<vmem>>
    %dma_wait3A_362 = tpu.memref_squeeze %dma_wait3A_361 : memref<1x80xi32, #tpu.memory_space<vmem>> -> memref<80xi32, #tpu.memory_space<vmem>>
    %dma_wait3A_363 = arith.constant 0 : i32
    %dma_wait3A_364 = arith.constant 0 : i32
    %dma_wait3A_365 = tpu.memref_slice %arg2[%dma_wait3A_363, %dma_wait3A_364] : memref<10000x32xf32, #tpu.memory_space<hbm>> -> memref<10000x32xf32, #tpu.memory_space<hbm>>
    tpu.wait_indirect_dma semaphore(%arg14 : memref<!tpu.dma_semaphore, #tpu.memory_space<semaphore_mem>>) src(%dma_wait3A_365 : memref<10000x32xf32, #tpu.memory_space<hbm>>) dst(%dma_wait3A_359 : memref<80x32xf32, #tpu.memory_space<vmem>>)
    %run_scoped3A_366 = arith.constant 3 : i32
    %run_scoped3A_367 = arith.constant 123 : i32
    "tpu.region"() ({
      %run_scoped3A_387 = tpu.sem_alloc : memref<!tpu.dma_semaphore, #tpu.memory_space<semaphore_mem>>
      %dma_start3A_388 = arith.constant 0 : i32
      %dma_start3A_389 = arith.constant 0 : i32
      %dma_start3A_390 = tpu.memref_slice %arg8[%run_scoped3A_366, %dma_start3A_388, %dma_start3A_389] : memref<8x80x32xf32, #tpu.memory_space<vmem>> -> memref<1x80x32xf32, #tpu.memory_space<vmem>>
      %dma_start3A_391 = tpu.memref_squeeze %dma_start3A_390 : memref<1x80x32xf32, #tpu.memory_space<vmem>> -> memref<80x32xf32, #tpu.memory_space<vmem>>
      %dma_start3A_392 = arith.constant 0 : i32
      %dma_start3A_393 = tpu.memref_slice %arg7[%run_scoped3A_367, %dma_start3A_392] : memref<125x80xi32, #tpu.memory_space<vmem>> -> memref<1x80xi32, #tpu.memory_space<vmem>>
      %dma_start3A_394 = tpu.memref_squeeze %dma_start3A_393 : memref<1x80xi32, #tpu.memory_space<vmem>> -> memref<80xi32, #tpu.memory_space<vmem>>
      %dma_start3A_395 = arith.constant 0 : i32
      %dma_start3A_396 = arith.constant 0 : i32
      %dma_start3A_397 = tpu.memref_slice %arg10[%dma_start3A_395, %dma_start3A_396] : memref<10240x32xf32, #tpu.memory_space<vmem_shared>> -> memref<10240x32xf32, #tpu.memory_space<vmem_shared>>
      tpu.enqueue_indirect_dma source(%dma_start3A_391 : memref<80x32xf32, #tpu.memory_space<vmem>>) target(%dma_start3A_397 : memref<10240x32xf32, #tpu.memory_space<vmem_shared>>) offsets(%dma_start3A_394 : memref<80xi32, #tpu.memory_space<vmem>>) semaphore(%run_scoped3A_387 : memref<!tpu.dma_semaphore, #tpu.memory_space<semaphore_mem>>) {add = true}
      %dma_wait3A_398 = arith.constant 0 : i32
      %dma_wait3A_399 = arith.constant 0 : i32
      %dma_wait3A_400 = tpu.memref_slice %arg8[%run_scoped3A_366, %dma_wait3A_398, %dma_wait3A_399] : memref<8x80x32xf32, #tpu.memory_space<vmem>> -> memref<1x80x32xf32, #tpu.memory_space<vmem>>
      %dma_wait3A_401 = tpu.memref_squeeze %dma_wait3A_400 : memref<1x80x32xf32, #tpu.memory_space<vmem>> -> memref<80x32xf32, #tpu.memory_space<vmem>>
      %dma_wait3A_402 = arith.constant 0 : i32
      %dma_wait3A_403 = tpu.memref_slice %arg7[%run_scoped3A_367, %dma_wait3A_402] : memref<125x80xi32, #tpu.memory_space<vmem>> -> memref<1x80xi32, #tpu.memory_space<vmem>>
      %dma_wait3A_404 = tpu.memref_squeeze %dma_wait3A_403 : memref<1x80xi32, #tpu.memory_space<vmem>> -> memref<80xi32, #tpu.memory_space<vmem>>
      %dma_wait3A_405 = arith.constant 0 : i32
      %dma_wait3A_406 = arith.constant 0 : i32
      %dma_wait3A_407 = tpu.memref_slice %arg10[%dma_wait3A_405, %dma_wait3A_406] : memref<10240x32xf32, #tpu.memory_space<vmem_shared>> -> memref<10240x32xf32, #tpu.memory_space<vmem_shared>>
      tpu.wait_indirect_dma semaphore(%run_scoped3A_387 : memref<!tpu.dma_semaphore, #tpu.memory_space<semaphore_mem>>) src(%dma_wait3A_401 : memref<80x32xf32, #tpu.memory_space<vmem>>) dst(%dma_wait3A_407 : memref<10240x32xf32, #tpu.memory_space<vmem_shared>>)
      tpu.yield
    }) : () -> ()
    %dma_wait3A_368 = arith.constant 124 : i32
    %dma_wait3A_369 = arith.constant 4 : i32
    %dma_wait3A_370 = arith.constant 0 : i32
    %dma_wait3A_371 = arith.constant 0 : i32
    %dma_wait3A_372 = tpu.memref_slice %arg8[%dma_wait3A_369, %dma_wait3A_370, %dma_wait3A_371] : memref<8x80x32xf32, #tpu.memory_space<vmem>> -> memref<1x80x32xf32, #tpu.memory_space<vmem>>
    %dma_wait3A_373 = tpu.memref_squeeze %dma_wait3A_372 : memref<1x80x32xf32, #tpu.memory_space<vmem>> -> memref<80x32xf32, #tpu.memory_space<vmem>>
    %dma_wait3A_374 = arith.constant 0 : i32
    %dma_wait3A_375 = tpu.memref_slice %arg6[%dma_wait3A_368, %dma_wait3A_374] : memref<125x80xi32, #tpu.memory_space<vmem>> -> memref<1x80xi32, #tpu.memory_space<vmem>>
    %dma_wait3A_376 = tpu.memref_squeeze %dma_wait3A_375 : memref<1x80xi32, #tpu.memory_space<vmem>> -> memref<80xi32, #tpu.memory_space<vmem>>
    %dma_wait3A_377 = arith.constant 0 : i32
    %dma_wait3A_378 = arith.constant 0 : i32
    %dma_wait3A_379 = tpu.memref_slice %arg2[%dma_wait3A_377, %dma_wait3A_378] : memref<10000x32xf32, #tpu.memory_space<hbm>> -> memref<10000x32xf32, #tpu.memory_space<hbm>>
    tpu.wait_indirect_dma semaphore(%arg15 : memref<!tpu.dma_semaphore, #tpu.memory_space<semaphore_mem>>) src(%dma_wait3A_379 : memref<10000x32xf32, #tpu.memory_space<hbm>>) dst(%dma_wait3A_373 : memref<80x32xf32, #tpu.memory_space<vmem>>)
    %run_scoped3A_380 = arith.constant 4 : i32
    %run_scoped3A_381 = arith.constant 124 : i32
    "tpu.region"() ({
      %run_scoped3A_387 = tpu.sem_alloc : memref<!tpu.dma_semaphore, #tpu.memory_space<semaphore_mem>>
      %dma_start3A_388 = arith.constant 0 : i32
      %dma_start3A_389 = arith.constant 0 : i32
      %dma_start3A_390 = tpu.memref_slice %arg8[%run_scoped3A_380, %dma_start3A_388, %dma_start3A_389] : memref<8x80x32xf32, #tpu.memory_space<vmem>> -> memref<1x80x32xf32, #tpu.memory_space<vmem>>
      %dma_start3A_391 = tpu.memref_squeeze %dma_start3A_390 : memref<1x80x32xf32, #tpu.memory_space<vmem>> -> memref<80x32xf32, #tpu.memory_space<vmem>>
      %dma_start3A_392 = arith.constant 0 : i32
      %dma_start3A_393 = tpu.memref_slice %arg7[%run_scoped3A_381, %dma_start3A_392] : memref<125x80xi32, #tpu.memory_space<vmem>> -> memref<1x80xi32, #tpu.memory_space<vmem>>
      %dma_start3A_394 = tpu.memref_squeeze %dma_start3A_393 : memref<1x80xi32, #tpu.memory_space<vmem>> -> memref<80xi32, #tpu.memory_space<vmem>>
      %dma_start3A_395 = arith.constant 0 : i32
      %dma_start3A_396 = arith.constant 0 : i32
      %dma_start3A_397 = tpu.memref_slice %arg10[%dma_start3A_395, %dma_start3A_396] : memref<10240x32xf32, #tpu.memory_space<vmem_shared>> -> memref<10240x32xf32, #tpu.memory_space<vmem_shared>>
      tpu.enqueue_indirect_dma source(%dma_start3A_391 : memref<80x32xf32, #tpu.memory_space<vmem>>) target(%dma_start3A_397 : memref<10240x32xf32, #tpu.memory_space<vmem_shared>>) offsets(%dma_start3A_394 : memref<80xi32, #tpu.memory_space<vmem>>) semaphore(%run_scoped3A_387 : memref<!tpu.dma_semaphore, #tpu.memory_space<semaphore_mem>>) {add = true}
      %dma_wait3A_398 = arith.constant 0 : i32
      %dma_wait3A_399 = arith.constant 0 : i32
      %dma_wait3A_400 = tpu.memref_slice %arg8[%run_scoped3A_380, %dma_wait3A_398, %dma_wait3A_399] : memref<8x80x32xf32, #tpu.memory_space<vmem>> -> memref<1x80x32xf32, #tpu.memory_space<vmem>>
      %dma_wait3A_401 = tpu.memref_squeeze %dma_wait3A_400 : memref<1x80x32xf32, #tpu.memory_space<vmem>> -> memref<80x32xf32, #tpu.memory_space<vmem>>
      %dma_wait3A_402 = arith.constant 0 : i32
      %dma_wait3A_403 = tpu.memref_slice %arg7[%run_scoped3A_381, %dma_wait3A_402] : memref<125x80xi32, #tpu.memory_space<vmem>> -> memref<1x80xi32, #tpu.memory_space<vmem>>
      %dma_wait3A_404 = tpu.memref_squeeze %dma_wait3A_403 : memref<1x80xi32, #tpu.memory_space<vmem>> -> memref<80xi32, #tpu.memory_space<vmem>>
      %dma_wait3A_405 = arith.constant 0 : i32
      %dma_wait3A_406 = arith.constant 0 : i32
      %dma_wait3A_407 = tpu.memref_slice %arg10[%dma_wait3A_405, %dma_wait3A_406] : memref<10240x32xf32, #tpu.memory_space<vmem_shared>> -> memref<10240x32xf32, #tpu.memory_space<vmem_shared>>
      tpu.wait_indirect_dma semaphore(%run_scoped3A_387 : memref<!tpu.dma_semaphore, #tpu.memory_space<semaphore_mem>>) src(%dma_wait3A_401 : memref<80x32xf32, #tpu.memory_space<vmem>>) dst(%dma_wait3A_407 : memref<10240x32xf32, #tpu.memory_space<vmem_shared>>)
      tpu.yield
    }) : () -> ()
    %barrier3A_382 = arith.constant 0 : index
    tpu.barrier barrier_id(%barrier3A_382)
    %mul3A_383 = arith.constant 640 : i32
    %mul3A_384 = arith.muli %arg1, %mul3A_383 : i32
    %mul3A_385 = arith.constant 640 : i32
    %mul3A_386 = arith.muli %arg1, %mul3A_385 : i32
    "tpu.region"() ({
      %run_scoped3A_387 = tpu.sem_alloc : memref<!tpu.dma_semaphore, #tpu.memory_space<semaphore_mem>>
      %dma_start3A_388 = arith.constant 0 : i32
      %dma_start3A_389 = arith.constant 0 : i32
      %dma_start3A_390 = tpu.memref_slice %arg5[%arg0, %dma_start3A_388, %dma_start3A_389] : memref<2x10240x32xf32, #tpu.memory_space<hbm>> -> memref<1x10240x32xf32, #tpu.memory_space<hbm>>
      %dma_start3A_391 = tpu.memref_squeeze %dma_start3A_390 : memref<1x10240x32xf32, #tpu.memory_space<hbm>> -> memref<10240x32xf32, #tpu.memory_space<hbm>>
      %dma_start3A_392 = arith.constant 0 : i32
      %dma_start3A_393 = tpu.memref_slice %dma_start3A_391[%mul3A_386, %dma_start3A_392] : memref<10240x32xf32, #tpu.memory_space<hbm>> -> memref<640x32xf32, #tpu.memory_space<hbm>>
      %dma_start3A_394 = arith.constant 0 : i32
      %dma_start3A_395 = tpu.memref_slice %arg10[%mul3A_384, %dma_start3A_394] : memref<10240x32xf32, #tpu.memory_space<vmem_shared>> -> memref<640x32xf32, #tpu.memory_space<vmem_shared>>
      tpu.enqueue_dma source(%dma_start3A_395 : memref<640x32xf32, #tpu.memory_space<vmem_shared>>) target(%dma_start3A_393 : memref<640x32xf32, #tpu.memory_space<hbm>>) target_semaphore(%run_scoped3A_387 : memref<!tpu.dma_semaphore, #tpu.memory_space<semaphore_mem>>)
      %dma_wait3A_396 = arith.constant 0 : i32
      %dma_wait3A_397 = arith.constant 0 : i32
      %dma_wait3A_398 = tpu.memref_slice %arg5[%arg0, %dma_wait3A_396, %dma_wait3A_397] : memref<2x10240x32xf32, #tpu.memory_space<hbm>> -> memref<1x10240x32xf32, #tpu.memory_space<hbm>>
      %dma_wait3A_399 = tpu.memref_squeeze %dma_wait3A_398 : memref<1x10240x32xf32, #tpu.memory_space<hbm>> -> memref<10240x32xf32, #tpu.memory_space<hbm>>
      %dma_wait3A_400 = arith.constant 0 : i32
      %dma_wait3A_401 = tpu.memref_slice %dma_wait3A_399[%mul3A_386, %dma_wait3A_400] : memref<10240x32xf32, #tpu.memory_space<hbm>> -> memref<640x32xf32, #tpu.memory_space<hbm>>
      %dma_wait3A_402 = arith.constant 0 : i32
      %dma_wait3A_403 = tpu.memref_slice %arg10[%mul3A_384, %dma_wait3A_402] : memref<10240x32xf32, #tpu.memory_space<vmem_shared>> -> memref<640x32xf32, #tpu.memory_space<vmem_shared>>
      tpu.wait_dma2 semaphore(%run_scoped3A_387 : memref<!tpu.dma_semaphore, #tpu.memory_space<semaphore_mem>>) src(%dma_wait3A_403 : memref<640x32xf32, #tpu.memory_space<vmem_shared>>) dst(%dma_wait3A_401 : memref<640x32xf32, #tpu.memory_space<hbm>>)
      tpu.yield
    }) : () -> ()
    return
  }
}

#map = affine_map<(d0, d1) -> (0, 0)>
#map1 = affine_map<(d0, d1) -> (0, 0, 0, 0)>
#map2 = affine_map<(d0, d1) -> (0, 0, 0)>
module attributes {stable_mosaic.version = 14 : i64} {
  func.func @sc_scatter(%arg0: i32, %arg1: i32, %arg2: memref<10000x32xf32, #tpu.memory_space<hbm>>, %arg3: memref<2x16x125x80xi32, #tpu.memory_space<hbm>>, %arg4: memref<2x16x125x80xi32, #tpu.memory_space<hbm>>, %arg5: memref<2x10240x32xf32, #tpu.memory_space<hbm>>, %arg6: memref<125x80xi32, #tpu.memory_space<vmem>>, %arg7: memref<125x80xi32, #tpu.memory_space<vmem>>, %arg8: memref<8x80x32xf32, #tpu.memory_space<vmem>>, %arg9: memref<640x32xf32, #tpu.memory_space<vmem>>, %arg10: memref<10240x32xf32, #tpu.memory_space<vmem_shared>>, %arg11: memref<!tpu.dma_semaphore, #tpu.memory_space<semaphore_mem>>, %arg12: memref<!tpu.dma_semaphore, #tpu.memory_space<semaphore_mem>>, %arg13: memref<!tpu.dma_semaphore, #tpu.memory_space<semaphore_mem>>, %arg14: memref<!tpu.dma_semaphore, #tpu.memory_space<semaphore_mem>>, %arg15: memref<!tpu.dma_semaphore, #tpu.memory_space<semaphore_mem>>, %arg16: memref<!tpu.dma_semaphore, #tpu.memory_space<semaphore_mem>>, %arg17: memref<!tpu.dma_semaphore, #tpu.memory_space<semaphore_mem>>, %arg18: memref<!tpu.dma_semaphore, #tpu.memory_space<semaphore_mem>>) attributes {dimension_semantics = [#tpu.dimension_semantics<core_parallel>, #tpu.dimension_semantics<subcore_parallel>], iteration_bounds = array<i64: 2, 16>, scalar_prefetch = 0 : i64, scratch_operands = 13 : i64, tpu.core_type = #tpu.core_type<sc_vector_subcore>, window_params = [{transform_indices = #map}, {transform_indices = #map1}, {transform_indices = #map1}, {transform_indices = #map2}]} {
    %dma_start3A = arith.constant 0 : i32
    %dma_start3A_0 = arith.constant 0 : i32
    %dma_start3A_1 = tpu.memref_slice %arg3[%arg0, %arg1, %dma_start3A, %dma_start3A_0] : memref<2x16x125x80xi32, #tpu.memory_space<hbm>> -> memref<1x1x125x80xi32, #tpu.memory_space<hbm>>
    %dma_start3A_2 = tpu.memref_squeeze %dma_start3A_1 : memref<1x1x125x80xi32, #tpu.memory_space<hbm>> -> memref<125x80xi32, #tpu.memory_space<hbm>>
    %dma_start3A_3 = arith.constant 0 : i32
    %dma_start3A_4 = arith.constant 0 : i32
    %dma_start3A_5 = tpu.memref_slice %arg3[%arg0, %arg1, %dma_start3A_3, %dma_start3A_4] : memref<2x16x125x80xi32, #tpu.memory_space<hbm>> -> memref<1x1x125x80xi32, #tpu.memory_space<hbm>>
    %dma_start3A_6 = tpu.memref_squeeze %dma_start3A_5 : memref<1x1x125x80xi32, #tpu.memory_space<hbm>> -> memref<125x80xi32, #tpu.memory_space<hbm>>
    tpu.enqueue_dma source(%dma_start3A_6 : memref<125x80xi32, #tpu.memory_space<hbm>>) target(%arg6 : memref<125x80xi32, #tpu.memory_space<vmem>>) target_semaphore(%arg11 : memref<!tpu.dma_semaphore, #tpu.memory_space<semaphore_mem>>)
    %dma_start3A_7 = arith.constant 0 : i32
    %dma_start3A_8 = arith.constant 0 : i32
    %dma_start3A_9 = tpu.memref_slice %arg4[%arg0, %arg1, %dma_start3A_7, %dma_start3A_8] : memref<2x16x125x80xi32, #tpu.memory_space<hbm>> -> memref<1x1x125x80xi32, #tpu.memory_space<hbm>>
    %dma_start3A_10 = tpu.memref_squeeze %dma_start3A_9 : memref<1x1x125x80xi32, #tpu.memory_space<hbm>> -> memref<125x80xi32, #tpu.memory_space<hbm>>
    %dma_start3A_11 = arith.constant 0 : i32
    %dma_start3A_12 = arith.constant 0 : i32
    %dma_start3A_13 = tpu.memref_slice %arg4[%arg0, %arg1, %dma_start3A_11, %dma_start3A_12] : memref<2x16x125x80xi32, #tpu.memory_space<hbm>> -> memref<1x1x125x80xi32, #tpu.memory_space<hbm>>
    %dma_start3A_14 = tpu.memref_squeeze %dma_start3A_13 : memref<1x1x125x80xi32, #tpu.memory_space<hbm>> -> memref<125x80xi32, #tpu.memory_space<hbm>>
    tpu.enqueue_dma source(%dma_start3A_14 : memref<125x80xi32, #tpu.memory_space<hbm>>) target(%arg7 : memref<125x80xi32, #tpu.memory_space<vmem>>) target_semaphore(%arg12 : memref<!tpu.dma_semaphore, #tpu.memory_space<semaphore_mem>>)
    %broadcast_in_dim3A = arith.constant 0.000000e+00 : f32
    %broadcast_in_dim3A_15 = vector.broadcast %broadcast_in_dim3A : f32 to vector<16xf32>
    %scan3A = arith.constant 0 : i32
    %scan3A_16 = arith.constant 0 : i32
    %scan3A_17 = arith.constant 640 : i32
    %scan3A_18 = arith.addi %scan3A_16, %scan3A_17 : i32
    %scan3A_19 = arith.constant 1 : i32
    %scan3A_20 = scf.for %scan3A_387 = %scan3A_16 to %scan3A_18 step %scan3A_19 iter_args(%scan3A_388 = %scan3A) -> (i32)  : i32 {
      %swap3A = arith.index_cast %scan3A_387 : i32 to index
      %swap3A_389 = arith.constant 0 : index
      %swap3A_390 = tpu.vector_load %arg9[%swap3A, %swap3A_389] {strides = array<i32>} : memref<640x32xf32, #tpu.memory_space<vmem>>, vector<1x16xf32>,
      %swap3A_391 = vector.shape_cast %swap3A_390 : vector<1x16xf32> to vector<16xf32>
      %swap3A_392 = vector.shape_cast %broadcast_in_dim3A_15 : vector<16xf32> to vector<1x16xf32>
      tpu.vector_store %arg9[%swap3A, %swap3A_389], %swap3A_392 {strides = array<i32>} : memref<640x32xf32, #tpu.memory_space<vmem>>, vector<1x16xf32>,
      %swap3A_393 = arith.index_cast %scan3A_387 : i32 to index
      %swap3A_394 = arith.constant 16 : index
      %swap3A_395 = tpu.vector_load %arg9[%swap3A_393, %swap3A_394] {strides = array<i32>} : memref<640x32xf32, #tpu.memory_space<vmem>>, vector<1x16xf32>,
      %swap3A_396 = vector.shape_cast %swap3A_395 : vector<1x16xf32> to vector<16xf32>
      %swap3A_397 = vector.shape_cast %broadcast_in_dim3A_15 : vector<16xf32> to vector<1x16xf32>
      tpu.vector_store %arg9[%swap3A_393, %swap3A_394], %swap3A_397 {strides = array<i32>} : memref<640x32xf32, #tpu.memory_space<vmem>>, vector<1x16xf32>,
      %scan3A_398 = arith.constant 0 : i32
      scf.yield %scan3A_398 : i32
    }
    %scan3A_21 = arith.constant 640 : i32
    %dma_wait3A = arith.constant 0 : i32
    %dma_wait3A_22 = arith.constant 0 : i32
    %dma_wait3A_23 = tpu.memref_slice %arg3[%arg0, %arg1, %dma_wait3A, %dma_wait3A_22] : memref<2x16x125x80xi32, #tpu.memory_space<hbm>> -> memref<1x1x125x80xi32, #tpu.memory_space<hbm>>
    %dma_wait3A_24 = tpu.memref_squeeze %dma_wait3A_23 : memref<1x1x125x80xi32, #tpu.memory_space<hbm>> -> memref<125x80xi32, #tpu.memory_space<hbm>>
    %dma_wait3A_25 = arith.constant 0 : i32
    %dma_wait3A_26 = arith.constant 0 : i32
    %dma_wait3A_27 = tpu.memref_slice %arg3[%arg0, %arg1, %dma_wait3A_25, %dma_wait3A_26] : memref<2x16x125x80xi32, #tpu.memory_space<hbm>> -> memref<1x1x125x80xi32, #tpu.memory_space<hbm>>
    %dma_wait3A_28 = tpu.memref_squeeze %dma_wait3A_27 : memref<1x1x125x80xi32, #tpu.memory_space<hbm>> -> memref<125x80xi32, #tpu.memory_space<hbm>>
    tpu.wait_dma2 semaphore(%arg11 : memref<!tpu.dma_semaphore, #tpu.memory_space<semaphore_mem>>) src(%dma_wait3A_28 : memref<125x80xi32, #tpu.memory_space<hbm>>) dst(%arg6 : memref<125x80xi32, #tpu.memory_space<vmem>>)
    %dma_wait3A_29 = arith.constant 0 : i32
    %dma_wait3A_30 = arith.constant 0 : i32
    %dma_wait3A_31 = tpu.memref_slice %arg4[%arg0, %arg1, %dma_wait3A_29, %dma_wait3A_30] : memref<2x16x125x80xi32, #tpu.memory_space<hbm>> -> memref<1x1x125x80xi32, #tpu.memory_space<hbm>>
    %dma_wait3A_32 = tpu.memref_squeeze %dma_wait3A_31 : memref<1x1x125x80xi32, #tpu.memory_space<hbm>> -> memref<125x80xi32, #tpu.memory_space<hbm>>
    %dma_wait3A_33 = arith.constant 0 : i32
    %dma_wait3A_34 = arith.constant 0 : i32
    %dma_wait3A_35 = tpu.memref_slice %arg4[%arg0, %arg1, %dma_wait3A_33, %dma_wait3A_34] : memref<2x16x125x80xi32, #tpu.memory_space<hbm>> -> memref<1x1x125x80xi32, #tpu.memory_space<hbm>>
    %dma_wait3A_36 = tpu.memref_squeeze %dma_wait3A_35 : memref<1x1x125x80xi32, #tpu.memory_space<hbm>> -> memref<125x80xi32, #tpu.memory_space<hbm>>
    tpu.wait_dma2 semaphore(%arg12 : memref<!tpu.dma_semaphore, #tpu.memory_space<semaphore_mem>>) src(%dma_wait3A_36 : memref<125x80xi32, #tpu.memory_space<hbm>>) dst(%arg7 : memref<125x80xi32, #tpu.memory_space<vmem>>)
    %dma_start3A_37 = arith.constant 0 : i32
    %dma_start3A_38 = arith.constant 0 : i32
    %dma_start3A_39 = arith.constant 0 : i32
    %dma_start3A_40 = arith.constant 0 : i32
    %dma_start3A_41 = tpu.memref_slice %arg8[%dma_start3A_38, %dma_start3A_39, %dma_start3A_40] : memref<8x80x32xf32, #tpu.memory_space<vmem>> -> memref<1x80x32xf32, #tpu.memory_space<vmem>>
    %dma_start3A_42 = tpu.memref_squeeze %dma_start3A_41 : memref<1x80x32xf32, #tpu.memory_space<vmem>> -> memref<80x32xf32, #tpu.memory_space<vmem>>
    %dma_start3A_43 = arith.constant 0 : i32
    %dma_start3A_44 = tpu.memref_slice %arg6[%dma_start3A_37, %dma_start3A_43] : memref<125x80xi32, #tpu.memory_space<vmem>> -> memref<1x80xi32, #tpu.memory_space<vmem>>
    %dma_start3A_45 = tpu.memref_squeeze %dma_start3A_44 : memref<1x80xi32, #tpu.memory_space<vmem>> -> memref<80xi32, #tpu.memory_space<vmem>>
    %dma_start3A_46 = arith.constant 0 : i32
    %dma_start3A_47 = arith.constant 0 : i32
    %dma_start3A_48 = tpu.memref_slice %arg2[%dma_start3A_46, %dma_start3A_47] : memref<10000x32xf32, #tpu.memory_space<hbm>> -> memref<10000x32xf32, #tpu.memory_space<hbm>>
    tpu.enqueue_indirect_dma source(%dma_start3A_48 : memref<10000x32xf32, #tpu.memory_space<hbm>>) target(%dma_start3A_42 : memref<80x32xf32, #tpu.memory_space<vmem>>) offsets(%dma_start3A_45 : memref<80xi32, #tpu.memory_space<vmem>>) semaphore(%arg11 : memref<!tpu.dma_semaphore, #tpu.memory_space<semaphore_mem>>)
    %dma_start3A_49 = arith.constant 1 : i32
    %dma_start3A_50 = arith.constant 1 : i32
    %dma_start3A_51 = arith.constant 0 : i32
    %dma_start3A_52 = arith.constant 0 : i32
    %dma_start3A_53 = tpu.memref_slice %arg8[%dma_start3A_50, %dma_start3A_51, %dma_start3A_52] : memref<8x80x32xf32, #tpu.memory_space<vmem>> -> memref<1x80x32xf32, #tpu.memory_space<vmem>>
    %dma_start3A_54 = tpu.memref_squeeze %dma_start3A_53 : memref<1x80x32xf32, #tpu.memory_space<vmem>> -> memref<80x32xf32, #tpu.memory_space<vmem>>
    %dma_start3A_55 = arith.constant 0 : i32
    %dma_start3A_56 = tpu.memref_slice %arg6[%dma_start3A_49, %dma_start3A_55] : memref<125x80xi32, #tpu.memory_space<vmem>> -> memref<1x80xi32, #tpu.memory_space<vmem>>
    %dma_start3A_57 = tpu.memref_squeeze %dma_start3A_56 : memref<1x80xi32, #tpu.memory_space<vmem>> -> memref<80xi32, #tpu.memory_space<vmem>>
    %dma_start3A_58 = arith.constant 0 : i32
    %dma_start3A_59 = arith.constant 0 : i32
    %dma_start3A_60 = tpu.memref_slice %arg2[%dma_start3A_58, %dma_start3A_59] : memref<10000x32xf32, #tpu.memory_space<hbm>> -> memref<10000x32xf32, #tpu.memory_space<hbm>>
    tpu.enqueue_indirect_dma source(%dma_start3A_60 : memref<10000x32xf32, #tpu.memory_space<hbm>>) target(%dma_start3A_54 : memref<80x32xf32, #tpu.memory_space<vmem>>) offsets(%dma_start3A_57 : memref<80xi32, #tpu.memory_space<vmem>>) semaphore(%arg12 : memref<!tpu.dma_semaphore, #tpu.memory_space<semaphore_mem>>)
    %dma_start3A_61 = arith.constant 2 : i32
    %dma_start3A_62 = arith.constant 2 : i32
    %dma_start3A_63 = arith.constant 0 : i32
    %dma_start3A_64 = arith.constant 0 : i32
    %dma_start3A_65 = tpu.memref_slice %arg8[%dma_start3A_62, %dma_start3A_63, %dma_start3A_64] : memref<8x80x32xf32, #tpu.memory_space<vmem>> -> memref<1x80x32xf32, #tpu.memory_space<vmem>>
    %dma_start3A_66 = tpu.memref_squeeze %dma_start3A_65 : memref<1x80x32xf32, #tpu.memory_space<vmem>> -> memref<80x32xf32, #tpu.memory_space<vmem>>
    %dma_start3A_67 = arith.constant 0 : i32
    %dma_start3A_68 = tpu.memref_slice %arg6[%dma_start3A_61, %dma_start3A_67] : memref<125x80xi32, #tpu.memory_space<vmem>> -> memref<1x80xi32, #tpu.memory_space<vmem>>
    %dma_start3A_69 = tpu.memref_squeeze %dma_start3A_68 : memref<1x80xi32, #tpu.memory_space<vmem>> -> memref<80xi32, #tpu.memory_space<vmem>>
    %dma_start3A_70 = arith.constant 0 : i32
    %dma_start3A_71 = arith.constant 0 : i32
    %dma_start3A_72 = tpu.memref_slice %arg2[%dma_start3A_70, %dma_start3A_71] : memref<10000x32xf32, #tpu.memory_space<hbm>> -> memref<10000x32xf32, #tpu.memory_space<hbm>>
    tpu.enqueue_indirect_dma source(%dma_start3A_72 : memref<10000x32xf32, #tpu.memory_space<hbm>>) target(%dma_start3A_66 : memref<80x32xf32, #tpu.memory_space<vmem>>) offsets(%dma_start3A_69 : memref<80xi32, #tpu.memory_space<vmem>>) semaphore(%arg13 : memref<!tpu.dma_semaphore, #tpu.memory_space<semaphore_mem>>)
    %dma_start3A_73 = arith.constant 3 : i32
    %dma_start3A_74 = arith.constant 3 : i32
    %dma_start3A_75 = arith.constant 0 : i32
    %dma_start3A_76 = arith.constant 0 : i32
    %dma_start3A_77 = tpu.memref_slice %arg8[%dma_start3A_74, %dma_start3A_75, %dma_start3A_76] : memref<8x80x32xf32, #tpu.memory_space<vmem>> -> memref<1x80x32xf32, #tpu.memory_space<vmem>>
    %dma_start3A_78 = tpu.memref_squeeze %dma_start3A_77 : memref<1x80x32xf32, #tpu.memory_space<vmem>> -> memref<80x32xf32, #tpu.memory_space<vmem>>
    %dma_start3A_79 = arith.constant 0 : i32
    %dma_start3A_80 = tpu.memref_slice %arg6[%dma_start3A_73, %dma_start3A_79] : memref<125x80xi32, #tpu.memory_space<vmem>> -> memref<1x80xi32, #tpu.memory_space<vmem>>
    %dma_start3A_81 = tpu.memref_squeeze %dma_start3A_80 : memref<1x80xi32, #tpu.memory_space<vmem>> -> memref<80xi32, #tpu.memory_space<vmem>>
    %dma_start3A_82 = arith.constant 0 : i32
    %dma_start3A_83 = arith.constant 0 : i32
    %dma_start3A_84 = tpu.memref_slice %arg2[%dma_start3A_82, %dma_start3A_83] : memref<10000x32xf32, #tpu.memory_space<hbm>> -> memref<10000x32xf32, #tpu.memory_space<hbm>>
    tpu.enqueue_indirect_dma source(%dma_start3A_84 : memref<10000x32xf32, #tpu.memory_space<hbm>>) target(%dma_start3A_78 : memref<80x32xf32, #tpu.memory_space<vmem>>) offsets(%dma_start3A_81 : memref<80xi32, #tpu.memory_space<vmem>>) semaphore(%arg14 : memref<!tpu.dma_semaphore, #tpu.memory_space<semaphore_mem>>)
    %dma_start3A_85 = arith.constant 4 : i32
    %dma_start3A_86 = arith.constant 4 : i32
    %dma_start3A_87 = arith.constant 0 : i32
    %dma_start3A_88 = arith.constant 0 : i32
    %dma_start3A_89 = tpu.memref_slice %arg8[%dma_start3A_86, %dma_start3A_87, %dma_start3A_88] : memref<8x80x32xf32, #tpu.memory_space<vmem>> -> memref<1x80x32xf32, #tpu.memory_space<vmem>>
    %dma_start3A_90 = tpu.memref_squeeze %dma_start3A_89 : memref<1x80x32xf32, #tpu.memory_space<vmem>> -> memref<80x32xf32, #tpu.memory_space<vmem>>
    %dma_start3A_91 = arith.constant 0 : i32
    %dma_start3A_92 = tpu.memref_slice %arg6[%dma_start3A_85, %dma_start3A_91] : memref<125x80xi32, #tpu.memory_space<vmem>> -> memref<1x80xi32, #tpu.memory_space<vmem>>
    %dma_start3A_93 = tpu.memref_squeeze %dma_start3A_92 : memref<1x80xi32, #tpu.memory_space<vmem>> -> memref<80xi32, #tpu.memory_space<vmem>>
    %dma_start3A_94 = arith.constant 0 : i32
    %dma_start3A_95 = arith.constant 0 : i32
    %dma_start3A_96 = tpu.memref_slice %arg2[%dma_start3A_94, %dma_start3A_95] : memref<10000x32xf32, #tpu.memory_space<hbm>> -> memref<10000x32xf32, #tpu.memory_space<hbm>>
    tpu.enqueue_indirect_dma source(%dma_start3A_96 : memref<10000x32xf32, #tpu.memory_space<hbm>>) target(%dma_start3A_90 : memref<80x32xf32, #tpu.memory_space<vmem>>) offsets(%dma_start3A_93 : memref<80xi32, #tpu.memory_space<vmem>>) semaphore(%arg15 : memref<!tpu.dma_semaphore, #tpu.memory_space<semaphore_mem>>)
    %dma_start3A_97 = arith.constant 5 : i32
    %dma_start3A_98 = arith.constant 5 : i32
    %dma_start3A_99 = arith.constant 0 : i32
    %dma_start3A_100 = arith.constant 0 : i32
    %dma_start3A_101 = tpu.memref_slice %arg8[%dma_start3A_98, %dma_start3A_99, %dma_start3A_100] : memref<8x80x32xf32, #tpu.memory_space<vmem>> -> memref<1x80x32xf32, #tpu.memory_space<vmem>>
    %dma_start3A_102 = tpu.memref_squeeze %dma_start3A_101 : memref<1x80x32xf32, #tpu.memory_space<vmem>> -> memref<80x32xf32, #tpu.memory_space<vmem>>
    %dma_start3A_103 = arith.constant 0 : i32
    %dma_start3A_104 = tpu.memref_slice %arg6[%dma_start3A_97, %dma_start3A_103] : memref<125x80xi32, #tpu.memory_space<vmem>> -> memref<1x80xi32, #tpu.memory_space<vmem>>
    %dma_start3A_105 = tpu.memref_squeeze %dma_start3A_104 : memref<1x80xi32, #tpu.memory_space<vmem>> -> memref<80xi32, #tpu.memory_space<vmem>>
    %dma_start3A_106 = arith.constant 0 : i32
    %dma_start3A_107 = arith.constant 0 : i32
    %dma_start3A_108 = tpu.memref_slice %arg2[%dma_start3A_106, %dma_start3A_107] : memref<10000x32xf32, #tpu.memory_space<hbm>> -> memref<10000x32xf32, #tpu.memory_space<hbm>>
    tpu.enqueue_indirect_dma source(%dma_start3A_108 : memref<10000x32xf32, #tpu.memory_space<hbm>>) target(%dma_start3A_102 : memref<80x32xf32, #tpu.memory_space<vmem>>) offsets(%dma_start3A_105 : memref<80xi32, #tpu.memory_space<vmem>>) semaphore(%arg16 : memref<!tpu.dma_semaphore, #tpu.memory_space<semaphore_mem>>)
    %dma_start3A_109 = arith.constant 6 : i32
    %dma_start3A_110 = arith.constant 6 : i32
    %dma_start3A_111 = arith.constant 0 : i32
    %dma_start3A_112 = arith.constant 0 : i32
    %dma_start3A_113 = tpu.memref_slice %arg8[%dma_start3A_110, %dma_start3A_111, %dma_start3A_112] : memref<8x80x32xf32, #tpu.memory_space<vmem>> -> memref<1x80x32xf32, #tpu.memory_space<vmem>>
    %dma_start3A_114 = tpu.memref_squeeze %dma_start3A_113 : memref<1x80x32xf32, #tpu.memory_space<vmem>> -> memref<80x32xf32, #tpu.memory_space<vmem>>
    %dma_start3A_115 = arith.constant 0 : i32
    %dma_start3A_116 = tpu.memref_slice %arg6[%dma_start3A_109, %dma_start3A_115] : memref<125x80xi32, #tpu.memory_space<vmem>> -> memref<1x80xi32, #tpu.memory_space<vmem>>
    %dma_start3A_117 = tpu.memref_squeeze %dma_start3A_116 : memref<1x80xi32, #tpu.memory_space<vmem>> -> memref<80xi32, #tpu.memory_space<vmem>>
    %dma_start3A_118 = arith.constant 0 : i32
    %dma_start3A_119 = arith.constant 0 : i32
    %dma_start3A_120 = tpu.memref_slice %arg2[%dma_start3A_118, %dma_start3A_119] : memref<10000x32xf32, #tpu.memory_space<hbm>> -> memref<10000x32xf32, #tpu.memory_space<hbm>>
    tpu.enqueue_indirect_dma source(%dma_start3A_120 : memref<10000x32xf32, #tpu.memory_space<hbm>>) target(%dma_start3A_114 : memref<80x32xf32, #tpu.memory_space<vmem>>) offsets(%dma_start3A_117 : memref<80xi32, #tpu.memory_space<vmem>>) semaphore(%arg17 : memref<!tpu.dma_semaphore, #tpu.memory_space<semaphore_mem>>)
    %mul3A = arith.constant 640 : i32
    %mul3A_121 = arith.muli %arg1, %mul3A : i32
    "tpu.region"() ({
      %run_scoped3A_387 = tpu.sem_alloc : memref<!tpu.dma_semaphore, #tpu.memory_space<semaphore_mem>>
      %dma_start3A_388 = arith.constant 0 : i32
      %dma_start3A_389 = tpu.memref_slice %arg10[%mul3A_121, %dma_start3A_388] : memref<10240x32xf32, #tpu.memory_space<vmem_shared>> -> memref<640x32xf32, #tpu.memory_space<vmem_shared>>
      %dma_start3A_390 = arith.constant 0 : i32
      %dma_start3A_391 = tpu.memref_slice %arg10[%mul3A_121, %dma_start3A_390] : memref<10240x32xf32, #tpu.memory_space<vmem_shared>> -> memref<640x32xf32, #tpu.memory_space<vmem_shared>>
      tpu.enqueue_dma source(%arg9 : memref<640x32xf32, #tpu.memory_space<vmem>>) target(%dma_start3A_391 : memref<640x32xf32, #tpu.memory_space<vmem_shared>>) target_semaphore(%run_scoped3A_387 : memref<!tpu.dma_semaphore, #tpu.memory_space<semaphore_mem>>)
      %dma_wait3A_392 = arith.constant 0 : i32
      %dma_wait3A_393 = tpu.memref_slice %arg10[%mul3A_121, %dma_wait3A_392] : memref<10240x32xf32, #tpu.memory_space<vmem_shared>> -> memref<640x32xf32, #tpu.memory_space<vmem_shared>>
      %dma_wait3A_394 = arith.constant 0 : i32
      %dma_wait3A_395 = tpu.memref_slice %arg10[%mul3A_121, %dma_wait3A_394] : memref<10240x32xf32, #tpu.memory_space<vmem_shared>> -> memref<640x32xf32, #tpu.memory_space<vmem_shared>>
      tpu.wait_dma2 semaphore(%run_scoped3A_387 : memref<!tpu.dma_semaphore, #tpu.memory_space<semaphore_mem>>) src(%arg9 : memref<640x32xf32, #tpu.memory_space<vmem>>) dst(%dma_wait3A_395 : memref<640x32xf32, #tpu.memory_space<vmem_shared>>)
      tpu.yield
    }) : () -> ()
    %barrier3A = arith.constant 0 : index
    tpu.barrier barrier_id(%barrier3A)
    %scan3A_122 = arith.constant 0 : i32
    %scan3A_123 = arith.constant 0 : i32
    %scan3A_124 = arith.constant 14 : i32
    %scan3A_125 = arith.addi %scan3A_123, %scan3A_124 : i32
    %scan3A_126 = arith.constant 1 : i32
    %scan3A_127 = scf.for %scan3A_387 = %scan3A_123 to %scan3A_125 step %scan3A_126 iter_args(%scan3A_388 = %scan3A_122) -> (i32)  : i32 {
      %mul3A_389 = arith.constant 8 : i32
      %mul3A_390 = arith.muli %scan3A_387, %mul3A_389 : i32
      %add3A = arith.constant 0 : i32
      %add3A_391 = arith.addi %mul3A_390, %add3A : i32
      %add3A_392 = arith.constant 7 : i32
      %add3A_393 = arith.addi %add3A_391, %add3A_392 : i32
      %dma_start3A_394 = arith.constant 7 : i32
      %dma_start3A_395 = arith.constant 0 : i32
      %dma_start3A_396 = arith.constant 0 : i32
      %dma_start3A_397 = tpu.memref_slice %arg8[%dma_start3A_394, %dma_start3A_395, %dma_start3A_396] : memref<8x80x32xf32, #tpu.memory_space<vmem>> -> memref<1x80x32xf32, #tpu.memory_space<vmem>>
      %dma_start3A_398 = tpu.memref_squeeze %dma_start3A_397 : memref<1x80x32xf32, #tpu.memory_space<vmem>> -> memref<80x32xf32, #tpu.memory_space<vmem>>
      %dma_start3A_399 = arith.constant 0 : i32
      %dma_start3A_400 = tpu.memref_slice %arg6[%add3A_393, %dma_start3A_399] : memref<125x80xi32, #tpu.memory_space<vmem>> -> memref<1x80xi32, #tpu.memory_space<vmem>>
      %dma_start3A_401 = tpu.memref_squeeze %dma_start3A_400 : memref<1x80xi32, #tpu.memory_space<vmem>> -> memref<80xi32, #tpu.memory_space<vmem>>
      %dma_start3A_402 = arith.constant 0 : i32
      %dma_start3A_403 = arith.constant 0 : i32
      %dma_start3A_404 = tpu.memref_slice %arg2[%dma_start3A_402, %dma_start3A_403] : memref<10000x32xf32, #tpu.memory_space<hbm>> -> memref<10000x32xf32, #tpu.memory_space<hbm>>
      tpu.enqueue_indirect_dma source(%dma_start3A_404 : memref<10000x32xf32, #tpu.memory_space<hbm>>) target(%dma_start3A_398 : memref<80x32xf32, #tpu.memory_space<vmem>>) offsets(%dma_start3A_401 : memref<80xi32, #tpu.memory_space<vmem>>) semaphore(%arg18 : memref<!tpu.dma_semaphore, #tpu.memory_space<semaphore_mem>>)
      %dma_wait3A_405 = arith.constant 0 : i32
      %dma_wait3A_406 = arith.constant 0 : i32
      %dma_wait3A_407 = arith.constant 0 : i32
      %dma_wait3A_408 = tpu.memref_slice %arg8[%dma_wait3A_405, %dma_wait3A_406, %dma_wait3A_407] : memref<8x80x32xf32, #tpu.memory_space<vmem>> -> memref<1x80x32xf32, #tpu.memory_space<vmem>>
      %dma_wait3A_409 = tpu.memref_squeeze %dma_wait3A_408 : memref<1x80x32xf32, #tpu.memory_space<vmem>> -> memref<80x32xf32, #tpu.memory_space<vmem>>
      %dma_wait3A_410 = arith.constant 0 : i32
      %dma_wait3A_411 = tpu.memref_slice %arg6[%add3A_391, %dma_wait3A_410] : memref<125x80xi32, #tpu.memory_space<vmem>> -> memref<1x80xi32, #tpu.memory_space<vmem>>
      %dma_wait3A_412 = tpu.memref_squeeze %dma_wait3A_411 : memref<1x80xi32, #tpu.memory_space<vmem>> -> memref<80xi32, #tpu.memory_space<vmem>>
      %dma_wait3A_413 = arith.constant 0 : i32
      %dma_wait3A_414 = arith.constant 0 : i32
      %dma_wait3A_415 = tpu.memref_slice %arg2[%dma_wait3A_413, %dma_wait3A_414] : memref<10000x32xf32, #tpu.memory_space<hbm>> -> memref<10000x32xf32, #tpu.memory_space<hbm>>
      tpu.wait_indirect_dma semaphore(%arg11 : memref<!tpu.dma_semaphore, #tpu.memory_space<semaphore_mem>>) src(%dma_wait3A_415 : memref<10000x32xf32, #tpu.memory_space<hbm>>) dst(%dma_wait3A_409 : memref<80x32xf32, #tpu.memory_space<vmem>>)
      %run_scoped3A_416 = arith.constant 0 : i32
      "tpu.region"() ({
        %run_scoped3A_607 = tpu.sem_alloc : memref<!tpu.dma_semaphore, #tpu.memory_space<semaphore_mem>>
        %dma_start3A_608 = arith.constant 0 : i32
        %dma_start3A_609 = arith.constant 0 : i32
        %dma_start3A_610 = tpu.memref_slice %arg8[%run_scoped3A_416, %dma_start3A_608, %dma_start3A_609] : memref<8x80x32xf32, #tpu.memory_space<vmem>> -> memref<1x80x32xf32, #tpu.memory_space<vmem>>
        %dma_start3A_611 = tpu.memref_squeeze %dma_start3A_610 : memref<1x80x32xf32, #tpu.memory_space<vmem>> -> memref<80x32xf32, #tpu.memory_space<vmem>>
        %dma_start3A_612 = arith.constant 0 : i32
        %dma_start3A_613 = tpu.memref_slice %arg7[%add3A_391, %dma_start3A_612] : memref<125x80xi32, #tpu.memory_space<vmem>> -> memref<1x80xi32, #tpu.memory_space<vmem>>
        %dma_start3A_614 = tpu.memref_squeeze %dma_start3A_613 : memref<1x80xi32, #tpu.memory_space<vmem>> -> memref<80xi32, #tpu.memory_space<vmem>>
        %dma_start3A_615 = arith.constant 0 : i32
        %dma_start3A_616 = arith.constant 0 : i32
        %dma_start3A_617 = tpu.memref_slice %arg10[%dma_start3A_615, %dma_start3A_616] : memref<10240x32xf32, #tpu.memory_space<vmem_shared>> -> memref<10240x32xf32, #tpu.memory_space<vmem_shared>>
        tpu.enqueue_indirect_dma source(%dma_start3A_611 : memref<80x32xf32, #tpu.memory_space<vmem>>) target(%dma_start3A_617 : memref<10240x32xf32, #tpu.memory_space<vmem_shared>>) offsets(%dma_start3A_614 : memref<80xi32, #tpu.memory_space<vmem>>) semaphore(%run_scoped3A_607 : memref<!tpu.dma_semaphore, #tpu.memory_space<semaphore_mem>>) {add = true}
        %dma_wait3A_618 = arith.constant 0 : i32
        %dma_wait3A_619 = arith.constant 0 : i32
        %dma_wait3A_620 = tpu.memref_slice %arg8[%run_scoped3A_416, %dma_wait3A_618, %dma_wait3A_619] : memref<8x80x32xf32, #tpu.memory_space<vmem>> -> memref<1x80x32xf32, #tpu.memory_space<vmem>>
        %dma_wait3A_621 = tpu.memref_squeeze %dma_wait3A_620 : memref<1x80x32xf32, #tpu.memory_space<vmem>> -> memref<80x32xf32, #tpu.memory_space<vmem>>
        %dma_wait3A_622 = arith.constant 0 : i32
        %dma_wait3A_623 = tpu.memref_slice %arg7[%add3A_391, %dma_wait3A_622] : memref<125x80xi32, #tpu.memory_space<vmem>> -> memref<1x80xi32, #tpu.memory_space<vmem>>
        %dma_wait3A_624 = tpu.memref_squeeze %dma_wait3A_623 : memref<1x80xi32, #tpu.memory_space<vmem>> -> memref<80xi32, #tpu.memory_space<vmem>>
        %dma_wait3A_625 = arith.constant 0 : i32
        %dma_wait3A_626 = arith.constant 0 : i32
        %dma_wait3A_627 = tpu.memref_slice %arg10[%dma_wait3A_625, %dma_wait3A_626] : memref<10240x32xf32, #tpu.memory_space<vmem_shared>> -> memref<10240x32xf32, #tpu.memory_space<vmem_shared>>
        tpu.wait_indirect_dma semaphore(%run_scoped3A_607 : memref<!tpu.dma_semaphore, #tpu.memory_space<semaphore_mem>>) src(%dma_wait3A_621 : memref<80x32xf32, #tpu.memory_space<vmem>>) dst(%dma_wait3A_627 : memref<10240x32xf32, #tpu.memory_space<vmem_shared>>)
        tpu.yield
      }) : () -> ()
      %add3A_417 = arith.constant 1 : i32
      %add3A_418 = arith.addi %mul3A_390, %add3A_417 : i32
      %add3A_419 = arith.constant 7 : i32
      %add3A_420 = arith.addi %add3A_418, %add3A_419 : i32
      %dma_start3A_421 = arith.constant 0 : i32
      %dma_start3A_422 = arith.constant 0 : i32
      %dma_start3A_423 = arith.constant 0 : i32
      %dma_start3A_424 = tpu.memref_slice %arg8[%dma_start3A_421, %dma_start3A_422, %dma_start3A_423] : memref<8x80x32xf32, #tpu.memory_space<vmem>> -> memref<1x80x32xf32, #tpu.memory_space<vmem>>
      %dma_start3A_425 = tpu.memref_squeeze %dma_start3A_424 : memref<1x80x32xf32, #tpu.memory_space<vmem>> -> memref<80x32xf32, #tpu.memory_space<vmem>>
      %dma_start3A_426 = arith.constant 0 : i32
      %dma_start3A_427 = tpu.memref_slice %arg6[%add3A_420, %dma_start3A_426] : memref<125x80xi32, #tpu.memory_space<vmem>> -> memref<1x80xi32, #tpu.memory_space<vmem>>
      %dma_start3A_428 = tpu.memref_squeeze %dma_start3A_427 : memref<1x80xi32, #tpu.memory_space<vmem>> -> memref<80xi32, #tpu.memory_space<vmem>>
      %dma_start3A_429 = arith.constant 0 : i32
      %dma_start3A_430 = arith.constant 0 : i32
      %dma_start3A_431 = tpu.memref_slice %arg2[%dma_start3A_429, %dma_start3A_430] : memref<10000x32xf32, #tpu.memory_space<hbm>> -> memref<10000x32xf32, #tpu.memory_space<hbm>>
      tpu.enqueue_indirect_dma source(%dma_start3A_431 : memref<10000x32xf32, #tpu.memory_space<hbm>>) target(%dma_start3A_425 : memref<80x32xf32, #tpu.memory_space<vmem>>) offsets(%dma_start3A_428 : memref<80xi32, #tpu.memory_space<vmem>>) semaphore(%arg11 : memref<!tpu.dma_semaphore, #tpu.memory_space<semaphore_mem>>)
      %dma_wait3A_432 = arith.constant 1 : i32
      %dma_wait3A_433 = arith.constant 0 : i32
      %dma_wait3A_434 = arith.constant 0 : i32
      %dma_wait3A_435 = tpu.memref_slice %arg8[%dma_wait3A_432, %dma_wait3A_433, %dma_wait3A_434] : memref<8x80x32xf32, #tpu.memory_space<vmem>> -> memref<1x80x32xf32, #tpu.memory_space<vmem>>
      %dma_wait3A_436 = tpu.memref_squeeze %dma_wait3A_435 : memref<1x80x32xf32, #tpu.memory_space<vmem>> -> memref<80x32xf32, #tpu.memory_space<vmem>>
      %dma_wait3A_437 = arith.constant 0 : i32
      %dma_wait3A_438 = tpu.memref_slice %arg6[%add3A_418, %dma_wait3A_437] : memref<125x80xi32, #tpu.memory_space<vmem>> -> memref<1x80xi32, #tpu.memory_space<vmem>>
      %dma_wait3A_439 = tpu.memref_squeeze %dma_wait3A_438 : memref<1x80xi32, #tpu.memory_space<vmem>> -> memref<80xi32, #tpu.memory_space<vmem>>
      %dma_wait3A_440 = arith.constant 0 : i32
      %dma_wait3A_441 = arith.constant 0 : i32
      %dma_wait3A_442 = tpu.memref_slice %arg2[%dma_wait3A_440, %dma_wait3A_441] : memref<10000x32xf32, #tpu.memory_space<hbm>> -> memref<10000x32xf32, #tpu.memory_space<hbm>>
      tpu.wait_indirect_dma semaphore(%arg12 : memref<!tpu.dma_semaphore, #tpu.memory_space<semaphore_mem>>) src(%dma_wait3A_442 : memref<10000x32xf32, #tpu.memory_space<hbm>>) dst(%dma_wait3A_436 : memref<80x32xf32, #tpu.memory_space<vmem>>)
      %run_scoped3A_443 = arith.constant 1 : i32
      "tpu.region"() ({
        %run_scoped3A_607 = tpu.sem_alloc : memref<!tpu.dma_semaphore, #tpu.memory_space<semaphore_mem>>
        %dma_start3A_608 = arith.constant 0 : i32
        %dma_start3A_609 = arith.constant 0 : i32
        %dma_start3A_610 = tpu.memref_slice %arg8[%run_scoped3A_443, %dma_start3A_608, %dma_start3A_609] : memref<8x80x32xf32, #tpu.memory_space<vmem>> -> memref<1x80x32xf32, #tpu.memory_space<vmem>>
        %dma_start3A_611 = tpu.memref_squeeze %dma_start3A_610 : memref<1x80x32xf32, #tpu.memory_space<vmem>> -> memref<80x32xf32, #tpu.memory_space<vmem>>
        %dma_start3A_612 = arith.constant 0 : i32
        %dma_start3A_613 = tpu.memref_slice %arg7[%add3A_418, %dma_start3A_612] : memref<125x80xi32, #tpu.memory_space<vmem>> -> memref<1x80xi32, #tpu.memory_space<vmem>>
        %dma_start3A_614 = tpu.memref_squeeze %dma_start3A_613 : memref<1x80xi32, #tpu.memory_space<vmem>> -> memref<80xi32, #tpu.memory_space<vmem>>
        %dma_start3A_615 = arith.constant 0 : i32
        %dma_start3A_616 = arith.constant 0 : i32
        %dma_start3A_617 = tpu.memref_slice %arg10[%dma_start3A_615, %dma_start3A_616] : memref<10240x32xf32, #tpu.memory_space<vmem_shared>> -> memref<10240x32xf32, #tpu.memory_space<vmem_shared>>
        tpu.enqueue_indirect_dma source(%dma_start3A_611 : memref<80x32xf32, #tpu.memory_space<vmem>>) target(%dma_start3A_617 : memref<10240x32xf32, #tpu.memory_space<vmem_shared>>) offsets(%dma_start3A_614 : memref<80xi32, #tpu.memory_space<vmem>>) semaphore(%run_scoped3A_607 : memref<!tpu.dma_semaphore, #tpu.memory_space<semaphore_mem>>) {add = true}
        %dma_wait3A_618 = arith.constant 0 : i32
        %dma_wait3A_619 = arith.constant 0 : i32
        %dma_wait3A_620 = tpu.memref_slice %arg8[%run_scoped3A_443, %dma_wait3A_618, %dma_wait3A_619] : memref<8x80x32xf32, #tpu.memory_space<vmem>> -> memref<1x80x32xf32, #tpu.memory_space<vmem>>
        %dma_wait3A_621 = tpu.memref_squeeze %dma_wait3A_620 : memref<1x80x32xf32, #tpu.memory_space<vmem>> -> memref<80x32xf32, #tpu.memory_space<vmem>>
        %dma_wait3A_622 = arith.constant 0 : i32
        %dma_wait3A_623 = tpu.memref_slice %arg7[%add3A_418, %dma_wait3A_622] : memref<125x80xi32, #tpu.memory_space<vmem>> -> memref<1x80xi32, #tpu.memory_space<vmem>>
        %dma_wait3A_624 = tpu.memref_squeeze %dma_wait3A_623 : memref<1x80xi32, #tpu.memory_space<vmem>> -> memref<80xi32, #tpu.memory_space<vmem>>
        %dma_wait3A_625 = arith.constant 0 : i32
        %dma_wait3A_626 = arith.constant 0 : i32
        %dma_wait3A_627 = tpu.memref_slice %arg10[%dma_wait3A_625, %dma_wait3A_626] : memref<10240x32xf32, #tpu.memory_space<vmem_shared>> -> memref<10240x32xf32, #tpu.memory_space<vmem_shared>>
        tpu.wait_indirect_dma semaphore(%run_scoped3A_607 : memref<!tpu.dma_semaphore, #tpu.memory_space<semaphore_mem>>) src(%dma_wait3A_621 : memref<80x32xf32, #tpu.memory_space<vmem>>) dst(%dma_wait3A_627 : memref<10240x32xf32, #tpu.memory_space<vmem_shared>>)
        tpu.yield
      }) : () -> ()
      %add3A_444 = arith.constant 2 : i32
      %add3A_445 = arith.addi %mul3A_390, %add3A_444 : i32
      %add3A_446 = arith.constant 7 : i32
      %add3A_447 = arith.addi %add3A_445, %add3A_446 : i32
      %dma_start3A_448 = arith.constant 1 : i32
      %dma_start3A_449 = arith.constant 0 : i32
      %dma_start3A_450 = arith.constant 0 : i32
      %dma_start3A_451 = tpu.memref_slice %arg8[%dma_start3A_448, %dma_start3A_449, %dma_start3A_450] : memref<8x80x32xf32, #tpu.memory_space<vmem>> -> memref<1x80x32xf32, #tpu.memory_space<vmem>>
      %dma_start3A_452 = tpu.memref_squeeze %dma_start3A_451 : memref<1x80x32xf32, #tpu.memory_space<vmem>> -> memref<80x32xf32, #tpu.memory_space<vmem>>
      %dma_start3A_453 = arith.constant 0 : i32
      %dma_start3A_454 = tpu.memref_slice %arg6[%add3A_447, %dma_start3A_453] : memref<125x80xi32, #tpu.memory_space<vmem>> -> memref<1x80xi32, #tpu.memory_space<vmem>>
      %dma_start3A_455 = tpu.memref_squeeze %dma_start3A_454 : memref<1x80xi32, #tpu.memory_space<vmem>> -> memref<80xi32, #tpu.memory_space<vmem>>
      %dma_start3A_456 = arith.constant 0 : i32
      %dma_start3A_457 = arith.constant 0 : i32
      %dma_start3A_458 = tpu.memref_slice %arg2[%dma_start3A_456, %dma_start3A_457] : memref<10000x32xf32, #tpu.memory_space<hbm>> -> memref<10000x32xf32, #tpu.memory_space<hbm>>
      tpu.enqueue_indirect_dma source(%dma_start3A_458 : memref<10000x32xf32, #tpu.memory_space<hbm>>) target(%dma_start3A_452 : memref<80x32xf32, #tpu.memory_space<vmem>>) offsets(%dma_start3A_455 : memref<80xi32, #tpu.memory_space<vmem>>) semaphore(%arg12 : memref<!tpu.dma_semaphore, #tpu.memory_space<semaphore_mem>>)
      %dma_wait3A_459 = arith.constant 2 : i32
      %dma_wait3A_460 = arith.constant 0 : i32
      %dma_wait3A_461 = arith.constant 0 : i32
      %dma_wait3A_462 = tpu.memref_slice %arg8[%dma_wait3A_459, %dma_wait3A_460, %dma_wait3A_461] : memref<8x80x32xf32, #tpu.memory_space<vmem>> -> memref<1x80x32xf32, #tpu.memory_space<vmem>>
      %dma_wait3A_463 = tpu.memref_squeeze %dma_wait3A_462 : memref<1x80x32xf32, #tpu.memory_space<vmem>> -> memref<80x32xf32, #tpu.memory_space<vmem>>
      %dma_wait3A_464 = arith.constant 0 : i32
      %dma_wait3A_465 = tpu.memref_slice %arg6[%add3A_445, %dma_wait3A_464] : memref<125x80xi32, #tpu.memory_space<vmem>> -> memref<1x80xi32, #tpu.memory_space<vmem>>
      %dma_wait3A_466 = tpu.memref_squeeze %dma_wait3A_465 : memref<1x80xi32, #tpu.memory_space<vmem>> -> memref<80xi32, #tpu.memory_space<vmem>>
      %dma_wait3A_467 = arith.constant 0 : i32
      %dma_wait3A_468 = arith.constant 0 : i32
      %dma_wait3A_469 = tpu.memref_slice %arg2[%dma_wait3A_467, %dma_wait3A_468] : memref<10000x32xf32, #tpu.memory_space<hbm>> -> memref<10000x32xf32, #tpu.memory_space<hbm>>
      tpu.wait_indirect_dma semaphore(%arg13 : memref<!tpu.dma_semaphore, #tpu.memory_space<semaphore_mem>>) src(%dma_wait3A_469 : memref<10000x32xf32, #tpu.memory_space<hbm>>) dst(%dma_wait3A_463 : memref<80x32xf32, #tpu.memory_space<vmem>>)
      %run_scoped3A_470 = arith.constant 2 : i32
      "tpu.region"() ({
        %run_scoped3A_607 = tpu.sem_alloc : memref<!tpu.dma_semaphore, #tpu.memory_space<semaphore_mem>>
        %dma_start3A_608 = arith.constant 0 : i32
        %dma_start3A_609 = arith.constant 0 : i32
        %dma_start3A_610 = tpu.memref_slice %arg8[%run_scoped3A_470, %dma_start3A_608, %dma_start3A_609] : memref<8x80x32xf32, #tpu.memory_space<vmem>> -> memref<1x80x32xf32, #tpu.memory_space<vmem>>
        %dma_start3A_611 = tpu.memref_squeeze %dma_start3A_610 : memref<1x80x32xf32, #tpu.memory_space<vmem>> -> memref<80x32xf32, #tpu.memory_space<vmem>>
        %dma_start3A_612 = arith.constant 0 : i32
        %dma_start3A_613 = tpu.memref_slice %arg7[%add3A_445, %dma_start3A_612] : memref<125x80xi32, #tpu.memory_space<vmem>> -> memref<1x80xi32, #tpu.memory_space<vmem>>
        %dma_start3A_614 = tpu.memref_squeeze %dma_start3A_613 : memref<1x80xi32, #tpu.memory_space<vmem>> -> memref<80xi32, #tpu.memory_space<vmem>>
        %dma_start3A_615 = arith.constant 0 : i32
        %dma_start3A_616 = arith.constant 0 : i32
        %dma_start3A_617 = tpu.memref_slice %arg10[%dma_start3A_615, %dma_start3A_616] : memref<10240x32xf32, #tpu.memory_space<vmem_shared>> -> memref<10240x32xf32, #tpu.memory_space<vmem_shared>>
        tpu.enqueue_indirect_dma source(%dma_start3A_611 : memref<80x32xf32, #tpu.memory_space<vmem>>) target(%dma_start3A_617 : memref<10240x32xf32, #tpu.memory_space<vmem_shared>>) offsets(%dma_start3A_614 : memref<80xi32, #tpu.memory_space<vmem>>) semaphore(%run_scoped3A_607 : memref<!tpu.dma_semaphore, #tpu.memory_space<semaphore_mem>>) {add = true}
        %dma_wait3A_618 = arith.constant 0 : i32
        %dma_wait3A_619 = arith.constant 0 : i32
        %dma_wait3A_620 = tpu.memref_slice %arg8[%run_scoped3A_470, %dma_wait3A_618, %dma_wait3A_619] : memref<8x80x32xf32, #tpu.memory_space<vmem>> -> memref<1x80x32xf32, #tpu.memory_space<vmem>>
        %dma_wait3A_621 = tpu.memref_squeeze %dma_wait3A_620 : memref<1x80x32xf32, #tpu.memory_space<vmem>> -> memref<80x32xf32, #tpu.memory_space<vmem>>
        %dma_wait3A_622 = arith.constant 0 : i32
        %dma_wait3A_623 = tpu.memref_slice %arg7[%add3A_445, %dma_wait3A_622] : memref<125x80xi32, #tpu.memory_space<vmem>> -> memref<1x80xi32, #tpu.memory_space<vmem>>
        %dma_wait3A_624 = tpu.memref_squeeze %dma_wait3A_623 : memref<1x80xi32, #tpu.memory_space<vmem>> -> memref<80xi32, #tpu.memory_space<vmem>>
        %dma_wait3A_625 = arith.constant 0 : i32
        %dma_wait3A_626 = arith.constant 0 : i32
        %dma_wait3A_627 = tpu.memref_slice %arg10[%dma_wait3A_625, %dma_wait3A_626] : memref<10240x32xf32, #tpu.memory_space<vmem_shared>> -> memref<10240x32xf32, #tpu.memory_space<vmem_shared>>
        tpu.wait_indirect_dma semaphore(%run_scoped3A_607 : memref<!tpu.dma_semaphore, #tpu.memory_space<semaphore_mem>>) src(%dma_wait3A_621 : memref<80x32xf32, #tpu.memory_space<vmem>>) dst(%dma_wait3A_627 : memref<10240x32xf32, #tpu.memory_space<vmem_shared>>)
        tpu.yield
      }) : () -> ()
      %add3A_471 = arith.constant 3 : i32
      %add3A_472 = arith.addi %mul3A_390, %add3A_471 : i32
      %add3A_473 = arith.constant 7 : i32
      %add3A_474 = arith.addi %add3A_472, %add3A_473 : i32
      %dma_start3A_475 = arith.constant 2 : i32
      %dma_start3A_476 = arith.constant 0 : i32
      %dma_start3A_477 = arith.constant 0 : i32
      %dma_start3A_478 = tpu.memref_slice %arg8[%dma_start3A_475, %dma_start3A_476, %dma_start3A_477] : memref<8x80x32xf32, #tpu.memory_space<vmem>> -> memref<1x80x32xf32, #tpu.memory_space<vmem>>
      %dma_start3A_479 = tpu.memref_squeeze %dma_start3A_478 : memref<1x80x32xf32, #tpu.memory_space<vmem>> -> memref<80x32xf32, #tpu.memory_space<vmem>>
      %dma_start3A_480 = arith.constant 0 : i32
      %dma_start3A_481 = tpu.memref_slice %arg6[%add3A_474, %dma_start3A_480] : memref<125x80xi32, #tpu.memory_space<vmem>> -> memref<1x80xi32, #tpu.memory_space<vmem>>
      %dma_start3A_482 = tpu.memref_squeeze %dma_start3A_481 : memref<1x80xi32, #tpu.memory_space<vmem>> -> memref<80xi32, #tpu.memory_space<vmem>>
      %dma_start3A_483 = arith.constant 0 : i32
      %dma_start3A_484 = arith.constant 0 : i32
      %dma_start3A_485 = tpu.memref_slice %arg2[%dma_start3A_483, %dma_start3A_484] : memref<10000x32xf32, #tpu.memory_space<hbm>> -> memref<10000x32xf32, #tpu.memory_space<hbm>>
      tpu.enqueue_indirect_dma source(%dma_start3A_485 : memref<10000x32xf32, #tpu.memory_space<hbm>>) target(%dma_start3A_479 : memref<80x32xf32, #tpu.memory_space<vmem>>) offsets(%dma_start3A_482 : memref<80xi32, #tpu.memory_space<vmem>>) semaphore(%arg13 : memref<!tpu.dma_semaphore, #tpu.memory_space<semaphore_mem>>)
      %dma_wait3A_486 = arith.constant 3 : i32
      %dma_wait3A_487 = arith.constant 0 : i32
      %dma_wait3A_488 = arith.constant 0 : i32
      %dma_wait3A_489 = tpu.memref_slice %arg8[%dma_wait3A_486, %dma_wait3A_487, %dma_wait3A_488] : memref<8x80x32xf32, #tpu.memory_space<vmem>> -> memref<1x80x32xf32, #tpu.memory_space<vmem>>
      %dma_wait3A_490 = tpu.memref_squeeze %dma_wait3A_489 : memref<1x80x32xf32, #tpu.memory_space<vmem>> -> memref<80x32xf32, #tpu.memory_space<vmem>>
      %dma_wait3A_491 = arith.constant 0 : i32
      %dma_wait3A_492 = tpu.memref_slice %arg6[%add3A_472, %dma_wait3A_491] : memref<125x80xi32, #tpu.memory_space<vmem>> -> memref<1x80xi32, #tpu.memory_space<vmem>>
      %dma_wait3A_493 = tpu.memref_squeeze %dma_wait3A_492 : memref<1x80xi32, #tpu.memory_space<vmem>> -> memref<80xi32, #tpu.memory_space<vmem>>
      %dma_wait3A_494 = arith.constant 0 : i32
      %dma_wait3A_495 = arith.constant 0 : i32
      %dma_wait3A_496 = tpu.memref_slice %arg2[%dma_wait3A_494, %dma_wait3A_495] : memref<10000x32xf32, #tpu.memory_space<hbm>> -> memref<10000x32xf32, #tpu.memory_space<hbm>>
      tpu.wait_indirect_dma semaphore(%arg14 : memref<!tpu.dma_semaphore, #tpu.memory_space<semaphore_mem>>) src(%dma_wait3A_496 : memref<10000x32xf32, #tpu.memory_space<hbm>>) dst(%dma_wait3A_490 : memref<80x32xf32, #tpu.memory_space<vmem>>)
      %run_scoped3A_497 = arith.constant 3 : i32
      "tpu.region"() ({
        %run_scoped3A_607 = tpu.sem_alloc : memref<!tpu.dma_semaphore, #tpu.memory_space<semaphore_mem>>
        %dma_start3A_608 = arith.constant 0 : i32
        %dma_start3A_609 = arith.constant 0 : i32
        %dma_start3A_610 = tpu.memref_slice %arg8[%run_scoped3A_497, %dma_start3A_608, %dma_start3A_609] : memref<8x80x32xf32, #tpu.memory_space<vmem>> -> memref<1x80x32xf32, #tpu.memory_space<vmem>>
        %dma_start3A_611 = tpu.memref_squeeze %dma_start3A_610 : memref<1x80x32xf32, #tpu.memory_space<vmem>> -> memref<80x32xf32, #tpu.memory_space<vmem>>
        %dma_start3A_612 = arith.constant 0 : i32
        %dma_start3A_613 = tpu.memref_slice %arg7[%add3A_472, %dma_start3A_612] : memref<125x80xi32, #tpu.memory_space<vmem>> -> memref<1x80xi32, #tpu.memory_space<vmem>>
        %dma_start3A_614 = tpu.memref_squeeze %dma_start3A_613 : memref<1x80xi32, #tpu.memory_space<vmem>> -> memref<80xi32, #tpu.memory_space<vmem>>
        %dma_start3A_615 = arith.constant 0 : i32
        %dma_start3A_616 = arith.constant 0 : i32
        %dma_start3A_617 = tpu.memref_slice %arg10[%dma_start3A_615, %dma_start3A_616] : memref<10240x32xf32, #tpu.memory_space<vmem_shared>> -> memref<10240x32xf32, #tpu.memory_space<vmem_shared>>
        tpu.enqueue_indirect_dma source(%dma_start3A_611 : memref<80x32xf32, #tpu.memory_space<vmem>>) target(%dma_start3A_617 : memref<10240x32xf32, #tpu.memory_space<vmem_shared>>) offsets(%dma_start3A_614 : memref<80xi32, #tpu.memory_space<vmem>>) semaphore(%run_scoped3A_607 : memref<!tpu.dma_semaphore, #tpu.memory_space<semaphore_mem>>) {add = true}
        %dma_wait3A_618 = arith.constant 0 : i32
        %dma_wait3A_619 = arith.constant 0 : i32
        %dma_wait3A_620 = tpu.memref_slice %arg8[%run_scoped3A_497, %dma_wait3A_618, %dma_wait3A_619] : memref<8x80x32xf32, #tpu.memory_space<vmem>> -> memref<1x80x32xf32, #tpu.memory_space<vmem>>
        %dma_wait3A_621 = tpu.memref_squeeze %dma_wait3A_620 : memref<1x80x32xf32, #tpu.memory_space<vmem>> -> memref<80x32xf32, #tpu.memory_space<vmem>>
        %dma_wait3A_622 = arith.constant 0 : i32
        %dma_wait3A_623 = tpu.memref_slice %arg7[%add3A_472, %dma_wait3A_622] : memref<125x80xi32, #tpu.memory_space<vmem>> -> memref<1x80xi32, #tpu.memory_space<vmem>>
        %dma_wait3A_624 = tpu.memref_squeeze %dma_wait3A_623 : memref<1x80xi32, #tpu.memory_space<vmem>> -> memref<80xi32, #tpu.memory_space<vmem>>
        %dma_wait3A_625 = arith.constant 0 : i32
        %dma_wait3A_626 = arith.constant 0 : i32
        %dma_wait3A_627 = tpu.memref_slice %arg10[%dma_wait3A_625, %dma_wait3A_626] : memref<10240x32xf32, #tpu.memory_space<vmem_shared>> -> memref<10240x32xf32, #tpu.memory_space<vmem_shared>>
        tpu.wait_indirect_dma semaphore(%run_scoped3A_607 : memref<!tpu.dma_semaphore, #tpu.memory_space<semaphore_mem>>) src(%dma_wait3A_621 : memref<80x32xf32, #tpu.memory_space<vmem>>) dst(%dma_wait3A_627 : memref<10240x32xf32, #tpu.memory_space<vmem_shared>>)
        tpu.yield
      }) : () -> ()
      %add3A_498 = arith.constant 4 : i32
      %add3A_499 = arith.addi %mul3A_390, %add3A_498 : i32
      %add3A_500 = arith.constant 7 : i32
      %add3A_501 = arith.addi %add3A_499, %add3A_500 : i32
      %dma_start3A_502 = arith.constant 3 : i32
      %dma_start3A_503 = arith.constant 0 : i32
      %dma_start3A_504 = arith.constant 0 : i32
      %dma_start3A_505 = tpu.memref_slice %arg8[%dma_start3A_502, %dma_start3A_503, %dma_start3A_504] : memref<8x80x32xf32, #tpu.memory_space<vmem>> -> memref<1x80x32xf32, #tpu.memory_space<vmem>>
      %dma_start3A_506 = tpu.memref_squeeze %dma_start3A_505 : memref<1x80x32xf32, #tpu.memory_space<vmem>> -> memref<80x32xf32, #tpu.memory_space<vmem>>
      %dma_start3A_507 = arith.constant 0 : i32
      %dma_start3A_508 = tpu.memref_slice %arg6[%add3A_501, %dma_start3A_507] : memref<125x80xi32, #tpu.memory_space<vmem>> -> memref<1x80xi32, #tpu.memory_space<vmem>>
      %dma_start3A_509 = tpu.memref_squeeze %dma_start3A_508 : memref<1x80xi32, #tpu.memory_space<vmem>> -> memref<80xi32, #tpu.memory_space<vmem>>
      %dma_start3A_510 = arith.constant 0 : i32
      %dma_start3A_511 = arith.constant 0 : i32
      %dma_start3A_512 = tpu.memref_slice %arg2[%dma_start3A_510, %dma_start3A_511] : memref<10000x32xf32, #tpu.memory_space<hbm>> -> memref<10000x32xf32, #tpu.memory_space<hbm>>
      tpu.enqueue_indirect_dma source(%dma_start3A_512 : memref<10000x32xf32, #tpu.memory_space<hbm>>) target(%dma_start3A_506 : memref<80x32xf32, #tpu.memory_space<vmem>>) offsets(%dma_start3A_509 : memref<80xi32, #tpu.memory_space<vmem>>) semaphore(%arg14 : memref<!tpu.dma_semaphore, #tpu.memory_space<semaphore_mem>>)
      %dma_wait3A_513 = arith.constant 4 : i32
      %dma_wait3A_514 = arith.constant 0 : i32
      %dma_wait3A_515 = arith.constant 0 : i32
      %dma_wait3A_516 = tpu.memref_slice %arg8[%dma_wait3A_513, %dma_wait3A_514, %dma_wait3A_515] : memref<8x80x32xf32, #tpu.memory_space<vmem>> -> memref<1x80x32xf32, #tpu.memory_space<vmem>>
      %dma_wait3A_517 = tpu.memref_squeeze %dma_wait3A_516 : memref<1x80x32xf32, #tpu.memory_space<vmem>> -> memref<80x32xf32, #tpu.memory_space<vmem>>
      %dma_wait3A_518 = arith.constant 0 : i32
      %dma_wait3A_519 = tpu.memref_slice %arg6[%add3A_499, %dma_wait3A_518] : memref<125x80xi32, #tpu.memory_space<vmem>> -> memref<1x80xi32, #tpu.memory_space<vmem>>
      %dma_wait3A_520 = tpu.memref_squeeze %dma_wait3A_519 : memref<1x80xi32, #tpu.memory_space<vmem>> -> memref<80xi32, #tpu.memory_space<vmem>>
      %dma_wait3A_521 = arith.constant 0 : i32
      %dma_wait3A_522 = arith.constant 0 : i32
      %dma_wait3A_523 = tpu.memref_slice %arg2[%dma_wait3A_521, %dma_wait3A_522] : memref<10000x32xf32, #tpu.memory_space<hbm>> -> memref<10000x32xf32, #tpu.memory_space<hbm>>
      tpu.wait_indirect_dma semaphore(%arg15 : memref<!tpu.dma_semaphore, #tpu.memory_space<semaphore_mem>>) src(%dma_wait3A_523 : memref<10000x32xf32, #tpu.memory_space<hbm>>) dst(%dma_wait3A_517 : memref<80x32xf32, #tpu.memory_space<vmem>>)
      %run_scoped3A_524 = arith.constant 4 : i32
      "tpu.region"() ({
        %run_scoped3A_607 = tpu.sem_alloc : memref<!tpu.dma_semaphore, #tpu.memory_space<semaphore_mem>>
        %dma_start3A_608 = arith.constant 0 : i32
        %dma_start3A_609 = arith.constant 0 : i32
        %dma_start3A_610 = tpu.memref_slice %arg8[%run_scoped3A_524, %dma_start3A_608, %dma_start3A_609] : memref<8x80x32xf32, #tpu.memory_space<vmem>> -> memref<1x80x32xf32, #tpu.memory_space<vmem>>
        %dma_start3A_611 = tpu.memref_squeeze %dma_start3A_610 : memref<1x80x32xf32, #tpu.memory_space<vmem>> -> memref<80x32xf32, #tpu.memory_space<vmem>>
        %dma_start3A_612 = arith.constant 0 : i32
        %dma_start3A_613 = tpu.memref_slice %arg7[%add3A_499, %dma_start3A_612] : memref<125x80xi32, #tpu.memory_space<vmem>> -> memref<1x80xi32, #tpu.memory_space<vmem>>
        %dma_start3A_614 = tpu.memref_squeeze %dma_start3A_613 : memref<1x80xi32, #tpu.memory_space<vmem>> -> memref<80xi32, #tpu.memory_space<vmem>>
        %dma_start3A_615 = arith.constant 0 : i32
        %dma_start3A_616 = arith.constant 0 : i32
        %dma_start3A_617 = tpu.memref_slice %arg10[%dma_start3A_615, %dma_start3A_616] : memref<10240x32xf32, #tpu.memory_space<vmem_shared>> -> memref<10240x32xf32, #tpu.memory_space<vmem_shared>>
        tpu.enqueue_indirect_dma source(%dma_start3A_611 : memref<80x32xf32, #tpu.memory_space<vmem>>) target(%dma_start3A_617 : memref<10240x32xf32, #tpu.memory_space<vmem_shared>>) offsets(%dma_start3A_614 : memref<80xi32, #tpu.memory_space<vmem>>) semaphore(%run_scoped3A_607 : memref<!tpu.dma_semaphore, #tpu.memory_space<semaphore_mem>>) {add = true}
        %dma_wait3A_618 = arith.constant 0 : i32
        %dma_wait3A_619 = arith.constant 0 : i32
        %dma_wait3A_620 = tpu.memref_slice %arg8[%run_scoped3A_524, %dma_wait3A_618, %dma_wait3A_619] : memref<8x80x32xf32, #tpu.memory_space<vmem>> -> memref<1x80x32xf32, #tpu.memory_space<vmem>>
        %dma_wait3A_621 = tpu.memref_squeeze %dma_wait3A_620 : memref<1x80x32xf32, #tpu.memory_space<vmem>> -> memref<80x32xf32, #tpu.memory_space<vmem>>
        %dma_wait3A_622 = arith.constant 0 : i32
        %dma_wait3A_623 = tpu.memref_slice %arg7[%add3A_499, %dma_wait3A_622] : memref<125x80xi32, #tpu.memory_space<vmem>> -> memref<1x80xi32, #tpu.memory_space<vmem>>
        %dma_wait3A_624 = tpu.memref_squeeze %dma_wait3A_623 : memref<1x80xi32, #tpu.memory_space<vmem>> -> memref<80xi32, #tpu.memory_space<vmem>>
        %dma_wait3A_625 = arith.constant 0 : i32
        %dma_wait3A_626 = arith.constant 0 : i32
        %dma_wait3A_627 = tpu.memref_slice %arg10[%dma_wait3A_625, %dma_wait3A_626] : memref<10240x32xf32, #tpu.memory_space<vmem_shared>> -> memref<10240x32xf32, #tpu.memory_space<vmem_shared>>
        tpu.wait_indirect_dma semaphore(%run_scoped3A_607 : memref<!tpu.dma_semaphore, #tpu.memory_space<semaphore_mem>>) src(%dma_wait3A_621 : memref<80x32xf32, #tpu.memory_space<vmem>>) dst(%dma_wait3A_627 : memref<10240x32xf32, #tpu.memory_space<vmem_shared>>)
        tpu.yield
      }) : () -> ()
      %add3A_525 = arith.constant 5 : i32
      %add3A_526 = arith.addi %mul3A_390, %add3A_525 : i32
      %add3A_527 = arith.constant 7 : i32
      %add3A_528 = arith.addi %add3A_526, %add3A_527 : i32
      %dma_start3A_529 = arith.constant 4 : i32
      %dma_start3A_530 = arith.constant 0 : i32
      %dma_start3A_531 = arith.constant 0 : i32
      %dma_start3A_532 = tpu.memref_slice %arg8[%dma_start3A_529, %dma_start3A_530, %dma_start3A_531] : memref<8x80x32xf32, #tpu.memory_space<vmem>> -> memref<1x80x32xf32, #tpu.memory_space<vmem>>
      %dma_start3A_533 = tpu.memref_squeeze %dma_start3A_532 : memref<1x80x32xf32, #tpu.memory_space<vmem>> -> memref<80x32xf32, #tpu.memory_space<vmem>>
      %dma_start3A_534 = arith.constant 0 : i32
      %dma_start3A_535 = tpu.memref_slice %arg6[%add3A_528, %dma_start3A_534] : memref<125x80xi32, #tpu.memory_space<vmem>> -> memref<1x80xi32, #tpu.memory_space<vmem>>
      %dma_start3A_536 = tpu.memref_squeeze %dma_start3A_535 : memref<1x80xi32, #tpu.memory_space<vmem>> -> memref<80xi32, #tpu.memory_space<vmem>>
      %dma_start3A_537 = arith.constant 0 : i32
      %dma_start3A_538 = arith.constant 0 : i32
      %dma_start3A_539 = tpu.memref_slice %arg2[%dma_start3A_537, %dma_start3A_538] : memref<10000x32xf32, #tpu.memory_space<hbm>> -> memref<10000x32xf32, #tpu.memory_space<hbm>>
      tpu.enqueue_indirect_dma source(%dma_start3A_539 : memref<10000x32xf32, #tpu.memory_space<hbm>>) target(%dma_start3A_533 : memref<80x32xf32, #tpu.memory_space<vmem>>) offsets(%dma_start3A_536 : memref<80xi32, #tpu.memory_space<vmem>>) semaphore(%arg15 : memref<!tpu.dma_semaphore, #tpu.memory_space<semaphore_mem>>)
      %dma_wait3A_540 = arith.constant 5 : i32
      %dma_wait3A_541 = arith.constant 0 : i32
      %dma_wait3A_542 = arith.constant 0 : i32
      %dma_wait3A_543 = tpu.memref_slice %arg8[%dma_wait3A_540, %dma_wait3A_541, %dma_wait3A_542] : memref<8x80x32xf32, #tpu.memory_space<vmem>> -> memref<1x80x32xf32, #tpu.memory_space<vmem>>
      %dma_wait3A_544 = tpu.memref_squeeze %dma_wait3A_543 : memref<1x80x32xf32, #tpu.memory_space<vmem>> -> memref<80x32xf32, #tpu.memory_space<vmem>>
      %dma_wait3A_545 = arith.constant 0 : i32
      %dma_wait3A_546 = tpu.memref_slice %arg6[%add3A_526, %dma_wait3A_545] : memref<125x80xi32, #tpu.memory_space<vmem>> -> memref<1x80xi32, #tpu.memory_space<vmem>>
      %dma_wait3A_547 = tpu.memref_squeeze %dma_wait3A_546 : memref<1x80xi32, #tpu.memory_space<vmem>> -> memref<80xi32, #tpu.memory_space<vmem>>
      %dma_wait3A_548 = arith.constant 0 : i32
      %dma_wait3A_549 = arith.constant 0 : i32
      %dma_wait3A_550 = tpu.memref_slice %arg2[%dma_wait3A_548, %dma_wait3A_549] : memref<10000x32xf32, #tpu.memory_space<hbm>> -> memref<10000x32xf32, #tpu.memory_space<hbm>>
      tpu.wait_indirect_dma semaphore(%arg16 : memref<!tpu.dma_semaphore, #tpu.memory_space<semaphore_mem>>) src(%dma_wait3A_550 : memref<10000x32xf32, #tpu.memory_space<hbm>>) dst(%dma_wait3A_544 : memref<80x32xf32, #tpu.memory_space<vmem>>)
      %run_scoped3A_551 = arith.constant 5 : i32
      "tpu.region"() ({
        %run_scoped3A_607 = tpu.sem_alloc : memref<!tpu.dma_semaphore, #tpu.memory_space<semaphore_mem>>
        %dma_start3A_608 = arith.constant 0 : i32
        %dma_start3A_609 = arith.constant 0 : i32
        %dma_start3A_610 = tpu.memref_slice %arg8[%run_scoped3A_551, %dma_start3A_608, %dma_start3A_609] : memref<8x80x32xf32, #tpu.memory_space<vmem>> -> memref<1x80x32xf32, #tpu.memory_space<vmem>>
        %dma_start3A_611 = tpu.memref_squeeze %dma_start3A_610 : memref<1x80x32xf32, #tpu.memory_space<vmem>> -> memref<80x32xf32, #tpu.memory_space<vmem>>
        %dma_start3A_612 = arith.constant 0 : i32
        %dma_start3A_613 = tpu.memref_slice %arg7[%add3A_526, %dma_start3A_612] : memref<125x80xi32, #tpu.memory_space<vmem>> -> memref<1x80xi32, #tpu.memory_space<vmem>>
        %dma_start3A_614 = tpu.memref_squeeze %dma_start3A_613 : memref<1x80xi32, #tpu.memory_space<vmem>> -> memref<80xi32, #tpu.memory_space<vmem>>
        %dma_start3A_615 = arith.constant 0 : i32
        %dma_start3A_616 = arith.constant 0 : i32
        %dma_start3A_617 = tpu.memref_slice %arg10[%dma_start3A_615, %dma_start3A_616] : memref<10240x32xf32, #tpu.memory_space<vmem_shared>> -> memref<10240x32xf32, #tpu.memory_space<vmem_shared>>
        tpu.enqueue_indirect_dma source(%dma_start3A_611 : memref<80x32xf32, #tpu.memory_space<vmem>>) target(%dma_start3A_617 : memref<10240x32xf32, #tpu.memory_space<vmem_shared>>) offsets(%dma_start3A_614 : memref<80xi32, #tpu.memory_space<vmem>>) semaphore(%run_scoped3A_607 : memref<!tpu.dma_semaphore, #tpu.memory_space<semaphore_mem>>) {add = true}
        %dma_wait3A_618 = arith.constant 0 : i32
        %dma_wait3A_619 = arith.constant 0 : i32
        %dma_wait3A_620 = tpu.memref_slice %arg8[%run_scoped3A_551, %dma_wait3A_618, %dma_wait3A_619] : memref<8x80x32xf32, #tpu.memory_space<vmem>> -> memref<1x80x32xf32, #tpu.memory_space<vmem>>
        %dma_wait3A_621 = tpu.memref_squeeze %dma_wait3A_620 : memref<1x80x32xf32, #tpu.memory_space<vmem>> -> memref<80x32xf32, #tpu.memory_space<vmem>>
        %dma_wait3A_622 = arith.constant 0 : i32
        %dma_wait3A_623 = tpu.memref_slice %arg7[%add3A_526, %dma_wait3A_622] : memref<125x80xi32, #tpu.memory_space<vmem>> -> memref<1x80xi32, #tpu.memory_space<vmem>>
        %dma_wait3A_624 = tpu.memref_squeeze %dma_wait3A_623 : memref<1x80xi32, #tpu.memory_space<vmem>> -> memref<80xi32, #tpu.memory_space<vmem>>
        %dma_wait3A_625 = arith.constant 0 : i32
        %dma_wait3A_626 = arith.constant 0 : i32
        %dma_wait3A_627 = tpu.memref_slice %arg10[%dma_wait3A_625, %dma_wait3A_626] : memref<10240x32xf32, #tpu.memory_space<vmem_shared>> -> memref<10240x32xf32, #tpu.memory_space<vmem_shared>>
        tpu.wait_indirect_dma semaphore(%run_scoped3A_607 : memref<!tpu.dma_semaphore, #tpu.memory_space<semaphore_mem>>) src(%dma_wait3A_621 : memref<80x32xf32, #tpu.memory_space<vmem>>) dst(%dma_wait3A_627 : memref<10240x32xf32, #tpu.memory_space<vmem_shared>>)
        tpu.yield
      }) : () -> ()
      %add3A_552 = arith.constant 6 : i32
      %add3A_553 = arith.addi %mul3A_390, %add3A_552 : i32
      %add3A_554 = arith.constant 7 : i32
      %add3A_555 = arith.addi %add3A_553, %add3A_554 : i32
      %dma_start3A_556 = arith.constant 5 : i32
      %dma_start3A_557 = arith.constant 0 : i32
      %dma_start3A_558 = arith.constant 0 : i32
      %dma_start3A_559 = tpu.memref_slice %arg8[%dma_start3A_556, %dma_start3A_557, %dma_start3A_558] : memref<8x80x32xf32, #tpu.memory_space<vmem>> -> memref<1x80x32xf32, #tpu.memory_space<vmem>>
      %dma_start3A_560 = tpu.memref_squeeze %dma_start3A_559 : memref<1x80x32xf32, #tpu.memory_space<vmem>> -> memref<80x32xf32, #tpu.memory_space<vmem>>
      %dma_start3A_561 = arith.constant 0 : i32
      %dma_start3A_562 = tpu.memref_slice %arg6[%add3A_555, %dma_start3A_561] : memref<125x80xi32, #tpu.memory_space<vmem>> -> memref<1x80xi32, #tpu.memory_space<vmem>>
      %dma_start3A_563 = tpu.memref_squeeze %dma_start3A_562 : memref<1x80xi32, #tpu.memory_space<vmem>> -> memref<80xi32, #tpu.memory_space<vmem>>
      %dma_start3A_564 = arith.constant 0 : i32
      %dma_start3A_565 = arith.constant 0 : i32
      %dma_start3A_566 = tpu.memref_slice %arg2[%dma_start3A_564, %dma_start3A_565] : memref<10000x32xf32, #tpu.memory_space<hbm>> -> memref<10000x32xf32, #tpu.memory_space<hbm>>
      tpu.enqueue_indirect_dma source(%dma_start3A_566 : memref<10000x32xf32, #tpu.memory_space<hbm>>) target(%dma_start3A_560 : memref<80x32xf32, #tpu.memory_space<vmem>>) offsets(%dma_start3A_563 : memref<80xi32, #tpu.memory_space<vmem>>) semaphore(%arg16 : memref<!tpu.dma_semaphore, #tpu.memory_space<semaphore_mem>>)
      %dma_wait3A_567 = arith.constant 6 : i32
      %dma_wait3A_568 = arith.constant 0 : i32
      %dma_wait3A_569 = arith.constant 0 : i32
      %dma_wait3A_570 = tpu.memref_slice %arg8[%dma_wait3A_567, %dma_wait3A_568, %dma_wait3A_569] : memref<8x80x32xf32, #tpu.memory_space<vmem>> -> memref<1x80x32xf32, #tpu.memory_space<vmem>>
      %dma_wait3A_571 = tpu.memref_squeeze %dma_wait3A_570 : memref<1x80x32xf32, #tpu.memory_space<vmem>> -> memref<80x32xf32, #tpu.memory_space<vmem>>
      %dma_wait3A_572 = arith.constant 0 : i32
      %dma_wait3A_573 = tpu.memref_slice %arg6[%add3A_553, %dma_wait3A_572] : memref<125x80xi32, #tpu.memory_space<vmem>> -> memref<1x80xi32, #tpu.memory_space<vmem>>
      %dma_wait3A_574 = tpu.memref_squeeze %dma_wait3A_573 : memref<1x80xi32, #tpu.memory_space<vmem>> -> memref<80xi32, #tpu.memory_space<vmem>>
      %dma_wait3A_575 = arith.constant 0 : i32
      %dma_wait3A_576 = arith.constant 0 : i32
      %dma_wait3A_577 = tpu.memref_slice %arg2[%dma_wait3A_575, %dma_wait3A_576] : memref<10000x32xf32, #tpu.memory_space<hbm>> -> memref<10000x32xf32, #tpu.memory_space<hbm>>
      tpu.wait_indirect_dma semaphore(%arg17 : memref<!tpu.dma_semaphore, #tpu.memory_space<semaphore_mem>>) src(%dma_wait3A_577 : memref<10000x32xf32, #tpu.memory_space<hbm>>) dst(%dma_wait3A_571 : memref<80x32xf32, #tpu.memory_space<vmem>>)
      %run_scoped3A_578 = arith.constant 6 : i32
      "tpu.region"() ({
        %run_scoped3A_607 = tpu.sem_alloc : memref<!tpu.dma_semaphore, #tpu.memory_space<semaphore_mem>>
        %dma_start3A_608 = arith.constant 0 : i32
        %dma_start3A_609 = arith.constant 0 : i32
        %dma_start3A_610 = tpu.memref_slice %arg8[%run_scoped3A_578, %dma_start3A_608, %dma_start3A_609] : memref<8x80x32xf32, #tpu.memory_space<vmem>> -> memref<1x80x32xf32, #tpu.memory_space<vmem>>
        %dma_start3A_611 = tpu.memref_squeeze %dma_start3A_610 : memref<1x80x32xf32, #tpu.memory_space<vmem>> -> memref<80x32xf32, #tpu.memory_space<vmem>>
        %dma_start3A_612 = arith.constant 0 : i32
        %dma_start3A_613 = tpu.memref_slice %arg7[%add3A_553, %dma_start3A_612] : memref<125x80xi32, #tpu.memory_space<vmem>> -> memref<1x80xi32, #tpu.memory_space<vmem>>
        %dma_start3A_614 = tpu.memref_squeeze %dma_start3A_613 : memref<1x80xi32, #tpu.memory_space<vmem>> -> memref<80xi32, #tpu.memory_space<vmem>>
        %dma_start3A_615 = arith.constant 0 : i32
        %dma_start3A_616 = arith.constant 0 : i32
        %dma_start3A_617 = tpu.memref_slice %arg10[%dma_start3A_615, %dma_start3A_616] : memref<10240x32xf32, #tpu.memory_space<vmem_shared>> -> memref<10240x32xf32, #tpu.memory_space<vmem_shared>>
        tpu.enqueue_indirect_dma source(%dma_start3A_611 : memref<80x32xf32, #tpu.memory_space<vmem>>) target(%dma_start3A_617 : memref<10240x32xf32, #tpu.memory_space<vmem_shared>>) offsets(%dma_start3A_614 : memref<80xi32, #tpu.memory_space<vmem>>) semaphore(%run_scoped3A_607 : memref<!tpu.dma_semaphore, #tpu.memory_space<semaphore_mem>>) {add = true}
        %dma_wait3A_618 = arith.constant 0 : i32
        %dma_wait3A_619 = arith.constant 0 : i32
        %dma_wait3A_620 = tpu.memref_slice %arg8[%run_scoped3A_578, %dma_wait3A_618, %dma_wait3A_619] : memref<8x80x32xf32, #tpu.memory_space<vmem>> -> memref<1x80x32xf32, #tpu.memory_space<vmem>>
        %dma_wait3A_621 = tpu.memref_squeeze %dma_wait3A_620 : memref<1x80x32xf32, #tpu.memory_space<vmem>> -> memref<80x32xf32, #tpu.memory_space<vmem>>
        %dma_wait3A_622 = arith.constant 0 : i32
        %dma_wait3A_623 = tpu.memref_slice %arg7[%add3A_553, %dma_wait3A_622] : memref<125x80xi32, #tpu.memory_space<vmem>> -> memref<1x80xi32, #tpu.memory_space<vmem>>
        %dma_wait3A_624 = tpu.memref_squeeze %dma_wait3A_623 : memref<1x80xi32, #tpu.memory_space<vmem>> -> memref<80xi32, #tpu.memory_space<vmem>>
        %dma_wait3A_625 = arith.constant 0 : i32
        %dma_wait3A_626 = arith.constant 0 : i32
        %dma_wait3A_627 = tpu.memref_slice %arg10[%dma_wait3A_625, %dma_wait3A_626] : memref<10240x32xf32, #tpu.memory_space<vmem_shared>> -> memref<10240x32xf32, #tpu.memory_space<vmem_shared>>
        tpu.wait_indirect_dma semaphore(%run_scoped3A_607 : memref<!tpu.dma_semaphore, #tpu.memory_space<semaphore_mem>>) src(%dma_wait3A_621 : memref<80x32xf32, #tpu.memory_space<vmem>>) dst(%dma_wait3A_627 : memref<10240x32xf32, #tpu.memory_space<vmem_shared>>)
        tpu.yield
      }) : () -> ()
      %add3A_579 = arith.constant 7 : i32
      %add3A_580 = arith.addi %mul3A_390, %add3A_579 : i32
      %add3A_581 = arith.constant 7 : i32
      %add3A_582 = arith.addi %add3A_580, %add3A_581 : i32
      %dma_start3A_583 = arith.constant 6 : i32
      %dma_start3A_584 = arith.constant 0 : i32
      %dma_start3A_585 = arith.constant 0 : i32
      %dma_start3A_586 = tpu.memref_slice %arg8[%dma_start3A_583, %dma_start3A_584, %dma_start3A_585] : memref<8x80x32xf32, #tpu.memory_space<vmem>> -> memref<1x80x32xf32, #tpu.memory_space<vmem>>
      %dma_start3A_587 = tpu.memref_squeeze %dma_start3A_586 : memref<1x80x32xf32, #tpu.memory_space<vmem>> -> memref<80x32xf32, #tpu.memory_space<vmem>>
      %dma_start3A_588 = arith.constant 0 : i32
      %dma_start3A_589 = tpu.memref_slice %arg6[%add3A_582, %dma_start3A_588] : memref<125x80xi32, #tpu.memory_space<vmem>> -> memref<1x80xi32, #tpu.memory_space<vmem>>
      %dma_start3A_590 = tpu.memref_squeeze %dma_start3A_589 : memref<1x80xi32, #tpu.memory_space<vmem>> -> memref<80xi32, #tpu.memory_space<vmem>>
      %dma_start3A_591 = arith.constant 0 : i32
      %dma_start3A_592 = arith.constant 0 : i32
      %dma_start3A_593 = tpu.memref_slice %arg2[%dma_start3A_591, %dma_start3A_592] : memref<10000x32xf32, #tpu.memory_space<hbm>> -> memref<10000x32xf32, #tpu.memory_space<hbm>>
      tpu.enqueue_indirect_dma source(%dma_start3A_593 : memref<10000x32xf32, #tpu.memory_space<hbm>>) target(%dma_start3A_587 : memref<80x32xf32, #tpu.memory_space<vmem>>) offsets(%dma_start3A_590 : memref<80xi32, #tpu.memory_space<vmem>>) semaphore(%arg17 : memref<!tpu.dma_semaphore, #tpu.memory_space<semaphore_mem>>)
      %dma_wait3A_594 = arith.constant 7 : i32
      %dma_wait3A_595 = arith.constant 0 : i32
      %dma_wait3A_596 = arith.constant 0 : i32
      %dma_wait3A_597 = tpu.memref_slice %arg8[%dma_wait3A_594, %dma_wait3A_595, %dma_wait3A_596] : memref<8x80x32xf32, #tpu.memory_space<vmem>> -> memref<1x80x32xf32, #tpu.memory_space<vmem>>
      %dma_wait3A_598 = tpu.memref_squeeze %dma_wait3A_597 : memref<1x80x32xf32, #tpu.memory_space<vmem>> -> memref<80x32xf32, #tpu.memory_space<vmem>>
      %dma_wait3A_599 = arith.constant 0 : i32
      %dma_wait3A_600 = tpu.memref_slice %arg6[%add3A_580, %dma_wait3A_599] : memref<125x80xi32, #tpu.memory_space<vmem>> -> memref<1x80xi32, #tpu.memory_space<vmem>>
      %dma_wait3A_601 = tpu.memref_squeeze %dma_wait3A_600 : memref<1x80xi32, #tpu.memory_space<vmem>> -> memref<80xi32, #tpu.memory_space<vmem>>
      %dma_wait3A_602 = arith.constant 0 : i32
      %dma_wait3A_603 = arith.constant 0 : i32
      %dma_wait3A_604 = tpu.memref_slice %arg2[%dma_wait3A_602, %dma_wait3A_603] : memref<10000x32xf32, #tpu.memory_space<hbm>> -> memref<10000x32xf32, #tpu.memory_space<hbm>>
      tpu.wait_indirect_dma semaphore(%arg18 : memref<!tpu.dma_semaphore, #tpu.memory_space<semaphore_mem>>) src(%dma_wait3A_604 : memref<10000x32xf32, #tpu.memory_space<hbm>>) dst(%dma_wait3A_598 : memref<80x32xf32, #tpu.memory_space<vmem>>)
      %run_scoped3A_605 = arith.constant 7 : i32
      "tpu.region"() ({
        %run_scoped3A_607 = tpu.sem_alloc : memref<!tpu.dma_semaphore, #tpu.memory_space<semaphore_mem>>
        %dma_start3A_608 = arith.constant 0 : i32
        %dma_start3A_609 = arith.constant 0 : i32
        %dma_start3A_610 = tpu.memref_slice %arg8[%run_scoped3A_605, %dma_start3A_608, %dma_start3A_609] : memref<8x80x32xf32, #tpu.memory_space<vmem>> -> memref<1x80x32xf32, #tpu.memory_space<vmem>>
        %dma_start3A_611 = tpu.memref_squeeze %dma_start3A_610 : memref<1x80x32xf32, #tpu.memory_space<vmem>> -> memref<80x32xf32, #tpu.memory_space<vmem>>
        %dma_start3A_612 = arith.constant 0 : i32
        %dma_start3A_613 = tpu.memref_slice %arg7[%add3A_580, %dma_start3A_612] : memref<125x80xi32, #tpu.memory_space<vmem>> -> memref<1x80xi32, #tpu.memory_space<vmem>>
        %dma_start3A_614 = tpu.memref_squeeze %dma_start3A_613 : memref<1x80xi32, #tpu.memory_space<vmem>> -> memref<80xi32, #tpu.memory_space<vmem>>
        %dma_start3A_615 = arith.constant 0 : i32
        %dma_start3A_616 = arith.constant 0 : i32
        %dma_start3A_617 = tpu.memref_slice %arg10[%dma_start3A_615, %dma_start3A_616] : memref<10240x32xf32, #tpu.memory_space<vmem_shared>> -> memref<10240x32xf32, #tpu.memory_space<vmem_shared>>
        tpu.enqueue_indirect_dma source(%dma_start3A_611 : memref<80x32xf32, #tpu.memory_space<vmem>>) target(%dma_start3A_617 : memref<10240x32xf32, #tpu.memory_space<vmem_shared>>) offsets(%dma_start3A_614 : memref<80xi32, #tpu.memory_space<vmem>>) semaphore(%run_scoped3A_607 : memref<!tpu.dma_semaphore, #tpu.memory_space<semaphore_mem>>) {add = true}
        %dma_wait3A_618 = arith.constant 0 : i32
        %dma_wait3A_619 = arith.constant 0 : i32
        %dma_wait3A_620 = tpu.memref_slice %arg8[%run_scoped3A_605, %dma_wait3A_618, %dma_wait3A_619] : memref<8x80x32xf32, #tpu.memory_space<vmem>> -> memref<1x80x32xf32, #tpu.memory_space<vmem>>
        %dma_wait3A_621 = tpu.memref_squeeze %dma_wait3A_620 : memref<1x80x32xf32, #tpu.memory_space<vmem>> -> memref<80x32xf32, #tpu.memory_space<vmem>>
        %dma_wait3A_622 = arith.constant 0 : i32
        %dma_wait3A_623 = tpu.memref_slice %arg7[%add3A_580, %dma_wait3A_622] : memref<125x80xi32, #tpu.memory_space<vmem>> -> memref<1x80xi32, #tpu.memory_space<vmem>>
        %dma_wait3A_624 = tpu.memref_squeeze %dma_wait3A_623 : memref<1x80xi32, #tpu.memory_space<vmem>> -> memref<80xi32, #tpu.memory_space<vmem>>
        %dma_wait3A_625 = arith.constant 0 : i32
        %dma_wait3A_626 = arith.constant 0 : i32
        %dma_wait3A_627 = tpu.memref_slice %arg10[%dma_wait3A_625, %dma_wait3A_626] : memref<10240x32xf32, #tpu.memory_space<vmem_shared>> -> memref<10240x32xf32, #tpu.memory_space<vmem_shared>>
        tpu.wait_indirect_dma semaphore(%run_scoped3A_607 : memref<!tpu.dma_semaphore, #tpu.memory_space<semaphore_mem>>) src(%dma_wait3A_621 : memref<80x32xf32, #tpu.memory_space<vmem>>) dst(%dma_wait3A_627 : memref<10240x32xf32, #tpu.memory_space<vmem_shared>>)
        tpu.yield
      }) : () -> ()
      %scan3A_606 = arith.constant 0 : i32
      scf.yield %scan3A_606 : i32
    }
    %scan3A_128 = arith.constant 14 : i32
    %dma_start3A_129 = arith.constant 119 : i32
    %dma_start3A_130 = arith.constant 7 : i32
    %dma_start3A_131 = arith.constant 0 : i32
    %dma_start3A_132 = arith.constant 0 : i32
    %dma_start3A_133 = tpu.memref_slice %arg8[%dma_start3A_130, %dma_start3A_131, %dma_start3A_132] : memref<8x80x32xf32, #tpu.memory_space<vmem>> -> memref<1x80x32xf32, #tpu.memory_space<vmem>>
    %dma_start3A_134 = tpu.memref_squeeze %dma_start3A_133 : memref<1x80x32xf32, #tpu.memory_space<vmem>> -> memref<80x32xf32, #tpu.memory_space<vmem>>
    %dma_start3A_135 = arith.constant 0 : i32
    %dma_start3A_136 = tpu.memref_slice %arg6[%dma_start3A_129, %dma_start3A_135] : memref<125x80xi32, #tpu.memory_space<vmem>> -> memref<1x80xi32, #tpu.memory_space<vmem>>
    %dma_start3A_137 = tpu.memref_squeeze %dma_start3A_136 : memref<1x80xi32, #tpu.memory_space<vmem>> -> memref<80xi32, #tpu.memory_space<vmem>>
    %dma_start3A_138 = arith.constant 0 : i32
    %dma_start3A_139 = arith.constant 0 : i32
    %dma_start3A_140 = tpu.memref_slice %arg2[%dma_start3A_138, %dma_start3A_139] : memref<10000x32xf32, #tpu.memory_space<hbm>> -> memref<10000x32xf32, #tpu.memory_space<hbm>>
    tpu.enqueue_indirect_dma source(%dma_start3A_140 : memref<10000x32xf32, #tpu.memory_space<hbm>>) target(%dma_start3A_134 : memref<80x32xf32, #tpu.memory_space<vmem>>) offsets(%dma_start3A_137 : memref<80xi32, #tpu.memory_space<vmem>>) semaphore(%arg18 : memref<!tpu.dma_semaphore, #tpu.memory_space<semaphore_mem>>)
    %dma_wait3A_141 = arith.constant 112 : i32
    %dma_wait3A_142 = arith.constant 0 : i32
    %dma_wait3A_143 = arith.constant 0 : i32
    %dma_wait3A_144 = arith.constant 0 : i32
    %dma_wait3A_145 = tpu.memref_slice %arg8[%dma_wait3A_142, %dma_wait3A_143, %dma_wait3A_144] : memref<8x80x32xf32, #tpu.memory_space<vmem>> -> memref<1x80x32xf32, #tpu.memory_space<vmem>>
    %dma_wait3A_146 = tpu.memref_squeeze %dma_wait3A_145 : memref<1x80x32xf32, #tpu.memory_space<vmem>> -> memref<80x32xf32, #tpu.memory_space<vmem>>
    %dma_wait3A_147 = arith.constant 0 : i32
    %dma_wait3A_148 = tpu.memref_slice %arg6[%dma_wait3A_141, %dma_wait3A_147] : memref<125x80xi32, #tpu.memory_space<vmem>> -> memref<1x80xi32, #tpu.memory_space<vmem>>
    %dma_wait3A_149 = tpu.memref_squeeze %dma_wait3A_148 : memref<1x80xi32, #tpu.memory_space<vmem>> -> memref<80xi32, #tpu.memory_space<vmem>>
    %dma_wait3A_150 = arith.constant 0 : i32
    %dma_wait3A_151 = arith.constant 0 : i32
    %dma_wait3A_152 = tpu.memref_slice %arg2[%dma_wait3A_150, %dma_wait3A_151] : memref<10000x32xf32, #tpu.memory_space<hbm>> -> memref<10000x32xf32, #tpu.memory_space<hbm>>
    tpu.wait_indirect_dma semaphore(%arg11 : memref<!tpu.dma_semaphore, #tpu.memory_space<semaphore_mem>>) src(%dma_wait3A_152 : memref<10000x32xf32, #tpu.memory_space<hbm>>) dst(%dma_wait3A_146 : memref<80x32xf32, #tpu.memory_space<vmem>>)
    %run_scoped3A = arith.constant 0 : i32
    %run_scoped3A_153 = arith.constant 112 : i32
    "tpu.region"() ({
      %run_scoped3A_387 = tpu.sem_alloc : memref<!tpu.dma_semaphore, #tpu.memory_space<semaphore_mem>>
      %dma_start3A_388 = arith.constant 0 : i32
      %dma_start3A_389 = arith.constant 0 : i32
      %dma_start3A_390 = tpu.memref_slice %arg8[%run_scoped3A, %dma_start3A_388, %dma_start3A_389] : memref<8x80x32xf32, #tpu.memory_space<vmem>> -> memref<1x80x32xf32, #tpu.memory_space<vmem>>
      %dma_start3A_391 = tpu.memref_squeeze %dma_start3A_390 : memref<1x80x32xf32, #tpu.memory_space<vmem>> -> memref<80x32xf32, #tpu.memory_space<vmem>>
      %dma_start3A_392 = arith.constant 0 : i32
      %dma_start3A_393 = tpu.memref_slice %arg7[%run_scoped3A_153, %dma_start3A_392] : memref<125x80xi32, #tpu.memory_space<vmem>> -> memref<1x80xi32, #tpu.memory_space<vmem>>
      %dma_start3A_394 = tpu.memref_squeeze %dma_start3A_393 : memref<1x80xi32, #tpu.memory_space<vmem>> -> memref<80xi32, #tpu.memory_space<vmem>>
      %dma_start3A_395 = arith.constant 0 : i32
      %dma_start3A_396 = arith.constant 0 : i32
      %dma_start3A_397 = tpu.memref_slice %arg10[%dma_start3A_395, %dma_start3A_396] : memref<10240x32xf32, #tpu.memory_space<vmem_shared>> -> memref<10240x32xf32, #tpu.memory_space<vmem_shared>>
      tpu.enqueue_indirect_dma source(%dma_start3A_391 : memref<80x32xf32, #tpu.memory_space<vmem>>) target(%dma_start3A_397 : memref<10240x32xf32, #tpu.memory_space<vmem_shared>>) offsets(%dma_start3A_394 : memref<80xi32, #tpu.memory_space<vmem>>) semaphore(%run_scoped3A_387 : memref<!tpu.dma_semaphore, #tpu.memory_space<semaphore_mem>>) {add = true}
      %dma_wait3A_398 = arith.constant 0 : i32
      %dma_wait3A_399 = arith.constant 0 : i32
      %dma_wait3A_400 = tpu.memref_slice %arg8[%run_scoped3A, %dma_wait3A_398, %dma_wait3A_399] : memref<8x80x32xf32, #tpu.memory_space<vmem>> -> memref<1x80x32xf32, #tpu.memory_space<vmem>>
      %dma_wait3A_401 = tpu.memref_squeeze %dma_wait3A_400 : memref<1x80x32xf32, #tpu.memory_space<vmem>> -> memref<80x32xf32, #tpu.memory_space<vmem>>
      %dma_wait3A_402 = arith.constant 0 : i32
      %dma_wait3A_403 = tpu.memref_slice %arg7[%run_scoped3A_153, %dma_wait3A_402] : memref<125x80xi32, #tpu.memory_space<vmem>> -> memref<1x80xi32, #tpu.memory_space<vmem>>
      %dma_wait3A_404 = tpu.memref_squeeze %dma_wait3A_403 : memref<1x80xi32, #tpu.memory_space<vmem>> -> memref<80xi32, #tpu.memory_space<vmem>>
      %dma_wait3A_405 = arith.constant 0 : i32
      %dma_wait3A_406 = arith.constant 0 : i32
      %dma_wait3A_407 = tpu.memref_slice %arg10[%dma_wait3A_405, %dma_wait3A_406] : memref<10240x32xf32, #tpu.memory_space<vmem_shared>> -> memref<10240x32xf32, #tpu.memory_space<vmem_shared>>
      tpu.wait_indirect_dma semaphore(%run_scoped3A_387 : memref<!tpu.dma_semaphore, #tpu.memory_space<semaphore_mem>>) src(%dma_wait3A_401 : memref<80x32xf32, #tpu.memory_space<vmem>>) dst(%dma_wait3A_407 : memref<10240x32xf32, #tpu.memory_space<vmem_shared>>)
      tpu.yield
    }) : () -> ()
    %dma_start3A_154 = arith.constant 120 : i32
    %dma_start3A_155 = arith.constant 0 : i32
    %dma_start3A_156 = arith.constant 0 : i32
    %dma_start3A_157 = arith.constant 0 : i32
    %dma_start3A_158 = tpu.memref_slice %arg8[%dma_start3A_155, %dma_start3A_156, %dma_start3A_157] : memref<8x80x32xf32, #tpu.memory_space<vmem>> -> memref<1x80x32xf32, #tpu.memory_space<vmem>>
    %dma_start3A_159 = tpu.memref_squeeze %dma_start3A_158 : memref<1x80x32xf32, #tpu.memory_space<vmem>> -> memref<80x32xf32, #tpu.memory_space<vmem>>
    %dma_start3A_160 = arith.constant 0 : i32
    %dma_start3A_161 = tpu.memref_slice %arg6[%dma_start3A_154, %dma_start3A_160] : memref<125x80xi32, #tpu.memory_space<vmem>> -> memref<1x80xi32, #tpu.memory_space<vmem>>
    %dma_start3A_162 = tpu.memref_squeeze %dma_start3A_161 : memref<1x80xi32, #tpu.memory_space<vmem>> -> memref<80xi32, #tpu.memory_space<vmem>>
    %dma_start3A_163 = arith.constant 0 : i32
    %dma_start3A_164 = arith.constant 0 : i32
    %dma_start3A_165 = tpu.memref_slice %arg2[%dma_start3A_163, %dma_start3A_164] : memref<10000x32xf32, #tpu.memory_space<hbm>> -> memref<10000x32xf32, #tpu.memory_space<hbm>>
    tpu.enqueue_indirect_dma source(%dma_start3A_165 : memref<10000x32xf32, #tpu.memory_space<hbm>>) target(%dma_start3A_159 : memref<80x32xf32, #tpu.memory_space<vmem>>) offsets(%dma_start3A_162 : memref<80xi32, #tpu.memory_space<vmem>>) semaphore(%arg11 : memref<!tpu.dma_semaphore, #tpu.memory_space<semaphore_mem>>)
    %dma_wait3A_166 = arith.constant 113 : i32
    %dma_wait3A_167 = arith.constant 1 : i32
    %dma_wait3A_168 = arith.constant 0 : i32
    %dma_wait3A_169 = arith.constant 0 : i32
    %dma_wait3A_170 = tpu.memref_slice %arg8[%dma_wait3A_167, %dma_wait3A_168, %dma_wait3A_169] : memref<8x80x32xf32, #tpu.memory_space<vmem>> -> memref<1x80x32xf32, #tpu.memory_space<vmem>>
    %dma_wait3A_171 = tpu.memref_squeeze %dma_wait3A_170 : memref<1x80x32xf32, #tpu.memory_space<vmem>> -> memref<80x32xf32, #tpu.memory_space<vmem>>
    %dma_wait3A_172 = arith.constant 0 : i32
    %dma_wait3A_173 = tpu.memref_slice %arg6[%dma_wait3A_166, %dma_wait3A_172] : memref<125x80xi32, #tpu.memory_space<vmem>> -> memref<1x80xi32, #tpu.memory_space<vmem>>
    %dma_wait3A_174 = tpu.memref_squeeze %dma_wait3A_173 : memref<1x80xi32, #tpu.memory_space<vmem>> -> memref<80xi32, #tpu.memory_space<vmem>>
    %dma_wait3A_175 = arith.constant 0 : i32
    %dma_wait3A_176 = arith.constant 0 : i32
    %dma_wait3A_177 = tpu.memref_slice %arg2[%dma_wait3A_175, %dma_wait3A_176] : memref<10000x32xf32, #tpu.memory_space<hbm>> -> memref<10000x32xf32, #tpu.memory_space<hbm>>
    tpu.wait_indirect_dma semaphore(%arg12 : memref<!tpu.dma_semaphore, #tpu.memory_space<semaphore_mem>>) src(%dma_wait3A_177 : memref<10000x32xf32, #tpu.memory_space<hbm>>) dst(%dma_wait3A_171 : memref<80x32xf32, #tpu.memory_space<vmem>>)
    %run_scoped3A_178 = arith.constant 1 : i32
    %run_scoped3A_179 = arith.constant 113 : i32
    "tpu.region"() ({
      %run_scoped3A_387 = tpu.sem_alloc : memref<!tpu.dma_semaphore, #tpu.memory_space<semaphore_mem>>
      %dma_start3A_388 = arith.constant 0 : i32
      %dma_start3A_389 = arith.constant 0 : i32
      %dma_start3A_390 = tpu.memref_slice %arg8[%run_scoped3A_178, %dma_start3A_388, %dma_start3A_389] : memref<8x80x32xf32, #tpu.memory_space<vmem>> -> memref<1x80x32xf32, #tpu.memory_space<vmem>>
      %dma_start3A_391 = tpu.memref_squeeze %dma_start3A_390 : memref<1x80x32xf32, #tpu.memory_space<vmem>> -> memref<80x32xf32, #tpu.memory_space<vmem>>
      %dma_start3A_392 = arith.constant 0 : i32
      %dma_start3A_393 = tpu.memref_slice %arg7[%run_scoped3A_179, %dma_start3A_392] : memref<125x80xi32, #tpu.memory_space<vmem>> -> memref<1x80xi32, #tpu.memory_space<vmem>>
      %dma_start3A_394 = tpu.memref_squeeze %dma_start3A_393 : memref<1x80xi32, #tpu.memory_space<vmem>> -> memref<80xi32, #tpu.memory_space<vmem>>
      %dma_start3A_395 = arith.constant 0 : i32
      %dma_start3A_396 = arith.constant 0 : i32
      %dma_start3A_397 = tpu.memref_slice %arg10[%dma_start3A_395, %dma_start3A_396] : memref<10240x32xf32, #tpu.memory_space<vmem_shared>> -> memref<10240x32xf32, #tpu.memory_space<vmem_shared>>
      tpu.enqueue_indirect_dma source(%dma_start3A_391 : memref<80x32xf32, #tpu.memory_space<vmem>>) target(%dma_start3A_397 : memref<10240x32xf32, #tpu.memory_space<vmem_shared>>) offsets(%dma_start3A_394 : memref<80xi32, #tpu.memory_space<vmem>>) semaphore(%run_scoped3A_387 : memref<!tpu.dma_semaphore, #tpu.memory_space<semaphore_mem>>) {add = true}
      %dma_wait3A_398 = arith.constant 0 : i32
      %dma_wait3A_399 = arith.constant 0 : i32
      %dma_wait3A_400 = tpu.memref_slice %arg8[%run_scoped3A_178, %dma_wait3A_398, %dma_wait3A_399] : memref<8x80x32xf32, #tpu.memory_space<vmem>> -> memref<1x80x32xf32, #tpu.memory_space<vmem>>
      %dma_wait3A_401 = tpu.memref_squeeze %dma_wait3A_400 : memref<1x80x32xf32, #tpu.memory_space<vmem>> -> memref<80x32xf32, #tpu.memory_space<vmem>>
      %dma_wait3A_402 = arith.constant 0 : i32
      %dma_wait3A_403 = tpu.memref_slice %arg7[%run_scoped3A_179, %dma_wait3A_402] : memref<125x80xi32, #tpu.memory_space<vmem>> -> memref<1x80xi32, #tpu.memory_space<vmem>>
      %dma_wait3A_404 = tpu.memref_squeeze %dma_wait3A_403 : memref<1x80xi32, #tpu.memory_space<vmem>> -> memref<80xi32, #tpu.memory_space<vmem>>
      %dma_wait3A_405 = arith.constant 0 : i32
      %dma_wait3A_406 = arith.constant 0 : i32
      %dma_wait3A_407 = tpu.memref_slice %arg10[%dma_wait3A_405, %dma_wait3A_406] : memref<10240x32xf32, #tpu.memory_space<vmem_shared>> -> memref<10240x32xf32, #tpu.memory_space<vmem_shared>>
      tpu.wait_indirect_dma semaphore(%run_scoped3A_387 : memref<!tpu.dma_semaphore, #tpu.memory_space<semaphore_mem>>) src(%dma_wait3A_401 : memref<80x32xf32, #tpu.memory_space<vmem>>) dst(%dma_wait3A_407 : memref<10240x32xf32, #tpu.memory_space<vmem_shared>>)
      tpu.yield
    }) : () -> ()
    %dma_start3A_180 = arith.constant 121 : i32
    %dma_start3A_181 = arith.constant 1 : i32
    %dma_start3A_182 = arith.constant 0 : i32
    %dma_start3A_183 = arith.constant 0 : i32
    %dma_start3A_184 = tpu.memref_slice %arg8[%dma_start3A_181, %dma_start3A_182, %dma_start3A_183] : memref<8x80x32xf32, #tpu.memory_space<vmem>> -> memref<1x80x32xf32, #tpu.memory_space<vmem>>
    %dma_start3A_185 = tpu.memref_squeeze %dma_start3A_184 : memref<1x80x32xf32, #tpu.memory_space<vmem>> -> memref<80x32xf32, #tpu.memory_space<vmem>>
    %dma_start3A_186 = arith.constant 0 : i32
    %dma_start3A_187 = tpu.memref_slice %arg6[%dma_start3A_180, %dma_start3A_186] : memref<125x80xi32, #tpu.memory_space<vmem>> -> memref<1x80xi32, #tpu.memory_space<vmem>>
    %dma_start3A_188 = tpu.memref_squeeze %dma_start3A_187 : memref<1x80xi32, #tpu.memory_space<vmem>> -> memref<80xi32, #tpu.memory_space<vmem>>
    %dma_start3A_189 = arith.constant 0 : i32
    %dma_start3A_190 = arith.constant 0 : i32
    %dma_start3A_191 = tpu.memref_slice %arg2[%dma_start3A_189, %dma_start3A_190] : memref<10000x32xf32, #tpu.memory_space<hbm>> -> memref<10000x32xf32, #tpu.memory_space<hbm>>
    tpu.enqueue_indirect_dma source(%dma_start3A_191 : memref<10000x32xf32, #tpu.memory_space<hbm>>) target(%dma_start3A_185 : memref<80x32xf32, #tpu.memory_space<vmem>>) offsets(%dma_start3A_188 : memref<80xi32, #tpu.memory_space<vmem>>) semaphore(%arg12 : memref<!tpu.dma_semaphore, #tpu.memory_space<semaphore_mem>>)
    %dma_wait3A_192 = arith.constant 114 : i32
    %dma_wait3A_193 = arith.constant 2 : i32
    %dma_wait3A_194 = arith.constant 0 : i32
    %dma_wait3A_195 = arith.constant 0 : i32
    %dma_wait3A_196 = tpu.memref_slice %arg8[%dma_wait3A_193, %dma_wait3A_194, %dma_wait3A_195] : memref<8x80x32xf32, #tpu.memory_space<vmem>> -> memref<1x80x32xf32, #tpu.memory_space<vmem>>
    %dma_wait3A_197 = tpu.memref_squeeze %dma_wait3A_196 : memref<1x80x32xf32, #tpu.memory_space<vmem>> -> memref<80x32xf32, #tpu.memory_space<vmem>>
    %dma_wait3A_198 = arith.constant 0 : i32
    %dma_wait3A_199 = tpu.memref_slice %arg6[%dma_wait3A_192, %dma_wait3A_198] : memref<125x80xi32, #tpu.memory_space<vmem>> -> memref<1x80xi32, #tpu.memory_space<vmem>>
    %dma_wait3A_200 = tpu.memref_squeeze %dma_wait3A_199 : memref<1x80xi32, #tpu.memory_space<vmem>> -> memref<80xi32, #tpu.memory_space<vmem>>
    %dma_wait3A_201 = arith.constant 0 : i32
    %dma_wait3A_202 = arith.constant 0 : i32
    %dma_wait3A_203 = tpu.memref_slice %arg2[%dma_wait3A_201, %dma_wait3A_202] : memref<10000x32xf32, #tpu.memory_space<hbm>> -> memref<10000x32xf32, #tpu.memory_space<hbm>>
    tpu.wait_indirect_dma semaphore(%arg13 : memref<!tpu.dma_semaphore, #tpu.memory_space<semaphore_mem>>) src(%dma_wait3A_203 : memref<10000x32xf32, #tpu.memory_space<hbm>>) dst(%dma_wait3A_197 : memref<80x32xf32, #tpu.memory_space<vmem>>)
    %run_scoped3A_204 = arith.constant 2 : i32
    %run_scoped3A_205 = arith.constant 114 : i32
    "tpu.region"() ({
      %run_scoped3A_387 = tpu.sem_alloc : memref<!tpu.dma_semaphore, #tpu.memory_space<semaphore_mem>>
      %dma_start3A_388 = arith.constant 0 : i32
      %dma_start3A_389 = arith.constant 0 : i32
      %dma_start3A_390 = tpu.memref_slice %arg8[%run_scoped3A_204, %dma_start3A_388, %dma_start3A_389] : memref<8x80x32xf32, #tpu.memory_space<vmem>> -> memref<1x80x32xf32, #tpu.memory_space<vmem>>
      %dma_start3A_391 = tpu.memref_squeeze %dma_start3A_390 : memref<1x80x32xf32, #tpu.memory_space<vmem>> -> memref<80x32xf32, #tpu.memory_space<vmem>>
      %dma_start3A_392 = arith.constant 0 : i32
      %dma_start3A_393 = tpu.memref_slice %arg7[%run_scoped3A_205, %dma_start3A_392] : memref<125x80xi32, #tpu.memory_space<vmem>> -> memref<1x80xi32, #tpu.memory_space<vmem>>
      %dma_start3A_394 = tpu.memref_squeeze %dma_start3A_393 : memref<1x80xi32, #tpu.memory_space<vmem>> -> memref<80xi32, #tpu.memory_space<vmem>>
      %dma_start3A_395 = arith.constant 0 : i32
      %dma_start3A_396 = arith.constant 0 : i32
      %dma_start3A_397 = tpu.memref_slice %arg10[%dma_start3A_395, %dma_start3A_396] : memref<10240x32xf32, #tpu.memory_space<vmem_shared>> -> memref<10240x32xf32, #tpu.memory_space<vmem_shared>>
      tpu.enqueue_indirect_dma source(%dma_start3A_391 : memref<80x32xf32, #tpu.memory_space<vmem>>) target(%dma_start3A_397 : memref<10240x32xf32, #tpu.memory_space<vmem_shared>>) offsets(%dma_start3A_394 : memref<80xi32, #tpu.memory_space<vmem>>) semaphore(%run_scoped3A_387 : memref<!tpu.dma_semaphore, #tpu.memory_space<semaphore_mem>>) {add = true}
      %dma_wait3A_398 = arith.constant 0 : i32
      %dma_wait3A_399 = arith.constant 0 : i32
      %dma_wait3A_400 = tpu.memref_slice %arg8[%run_scoped3A_204, %dma_wait3A_398, %dma_wait3A_399] : memref<8x80x32xf32, #tpu.memory_space<vmem>> -> memref<1x80x32xf32, #tpu.memory_space<vmem>>
      %dma_wait3A_401 = tpu.memref_squeeze %dma_wait3A_400 : memref<1x80x32xf32, #tpu.memory_space<vmem>> -> memref<80x32xf32, #tpu.memory_space<vmem>>
      %dma_wait3A_402 = arith.constant 0 : i32
      %dma_wait3A_403 = tpu.memref_slice %arg7[%run_scoped3A_205, %dma_wait3A_402] : memref<125x80xi32, #tpu.memory_space<vmem>> -> memref<1x80xi32, #tpu.memory_space<vmem>>
      %dma_wait3A_404 = tpu.memref_squeeze %dma_wait3A_403 : memref<1x80xi32, #tpu.memory_space<vmem>> -> memref<80xi32, #tpu.memory_space<vmem>>
      %dma_wait3A_405 = arith.constant 0 : i32
      %dma_wait3A_406 = arith.constant 0 : i32
      %dma_wait3A_407 = tpu.memref_slice %arg10[%dma_wait3A_405, %dma_wait3A_406] : memref<10240x32xf32, #tpu.memory_space<vmem_shared>> -> memref<10240x32xf32, #tpu.memory_space<vmem_shared>>
      tpu.wait_indirect_dma semaphore(%run_scoped3A_387 : memref<!tpu.dma_semaphore, #tpu.memory_space<semaphore_mem>>) src(%dma_wait3A_401 : memref<80x32xf32, #tpu.memory_space<vmem>>) dst(%dma_wait3A_407 : memref<10240x32xf32, #tpu.memory_space<vmem_shared>>)
      tpu.yield
    }) : () -> ()
    %dma_start3A_206 = arith.constant 122 : i32
    %dma_start3A_207 = arith.constant 2 : i32
    %dma_start3A_208 = arith.constant 0 : i32
    %dma_start3A_209 = arith.constant 0 : i32
    %dma_start3A_210 = tpu.memref_slice %arg8[%dma_start3A_207, %dma_start3A_208, %dma_start3A_209] : memref<8x80x32xf32, #tpu.memory_space<vmem>> -> memref<1x80x32xf32, #tpu.memory_space<vmem>>
    %dma_start3A_211 = tpu.memref_squeeze %dma_start3A_210 : memref<1x80x32xf32, #tpu.memory_space<vmem>> -> memref<80x32xf32, #tpu.memory_space<vmem>>
    %dma_start3A_212 = arith.constant 0 : i32
    %dma_start3A_213 = tpu.memref_slice %arg6[%dma_start3A_206, %dma_start3A_212] : memref<125x80xi32, #tpu.memory_space<vmem>> -> memref<1x80xi32, #tpu.memory_space<vmem>>
    %dma_start3A_214 = tpu.memref_squeeze %dma_start3A_213 : memref<1x80xi32, #tpu.memory_space<vmem>> -> memref<80xi32, #tpu.memory_space<vmem>>
    %dma_start3A_215 = arith.constant 0 : i32
    %dma_start3A_216 = arith.constant 0 : i32
    %dma_start3A_217 = tpu.memref_slice %arg2[%dma_start3A_215, %dma_start3A_216] : memref<10000x32xf32, #tpu.memory_space<hbm>> -> memref<10000x32xf32, #tpu.memory_space<hbm>>
    tpu.enqueue_indirect_dma source(%dma_start3A_217 : memref<10000x32xf32, #tpu.memory_space<hbm>>) target(%dma_start3A_211 : memref<80x32xf32, #tpu.memory_space<vmem>>) offsets(%dma_start3A_214 : memref<80xi32, #tpu.memory_space<vmem>>) semaphore(%arg13 : memref<!tpu.dma_semaphore, #tpu.memory_space<semaphore_mem>>)
    %dma_wait3A_218 = arith.constant 115 : i32
    %dma_wait3A_219 = arith.constant 3 : i32
    %dma_wait3A_220 = arith.constant 0 : i32
    %dma_wait3A_221 = arith.constant 0 : i32
    %dma_wait3A_222 = tpu.memref_slice %arg8[%dma_wait3A_219, %dma_wait3A_220, %dma_wait3A_221] : memref<8x80x32xf32, #tpu.memory_space<vmem>> -> memref<1x80x32xf32, #tpu.memory_space<vmem>>
    %dma_wait3A_223 = tpu.memref_squeeze %dma_wait3A_222 : memref<1x80x32xf32, #tpu.memory_space<vmem>> -> memref<80x32xf32, #tpu.memory_space<vmem>>
    %dma_wait3A_224 = arith.constant 0 : i32
    %dma_wait3A_225 = tpu.memref_slice %arg6[%dma_wait3A_218, %dma_wait3A_224] : memref<125x80xi32, #tpu.memory_space<vmem>> -> memref<1x80xi32, #tpu.memory_space<vmem>>
    %dma_wait3A_226 = tpu.memref_squeeze %dma_wait3A_225 : memref<1x80xi32, #tpu.memory_space<vmem>> -> memref<80xi32, #tpu.memory_space<vmem>>
    %dma_wait3A_227 = arith.constant 0 : i32
    %dma_wait3A_228 = arith.constant 0 : i32
    %dma_wait3A_229 = tpu.memref_slice %arg2[%dma_wait3A_227, %dma_wait3A_228] : memref<10000x32xf32, #tpu.memory_space<hbm>> -> memref<10000x32xf32, #tpu.memory_space<hbm>>
    tpu.wait_indirect_dma semaphore(%arg14 : memref<!tpu.dma_semaphore, #tpu.memory_space<semaphore_mem>>) src(%dma_wait3A_229 : memref<10000x32xf32, #tpu.memory_space<hbm>>) dst(%dma_wait3A_223 : memref<80x32xf32, #tpu.memory_space<vmem>>)
    %run_scoped3A_230 = arith.constant 3 : i32
    %run_scoped3A_231 = arith.constant 115 : i32
    "tpu.region"() ({
      %run_scoped3A_387 = tpu.sem_alloc : memref<!tpu.dma_semaphore, #tpu.memory_space<semaphore_mem>>
      %dma_start3A_388 = arith.constant 0 : i32
      %dma_start3A_389 = arith.constant 0 : i32
      %dma_start3A_390 = tpu.memref_slice %arg8[%run_scoped3A_230, %dma_start3A_388, %dma_start3A_389] : memref<8x80x32xf32, #tpu.memory_space<vmem>> -> memref<1x80x32xf32, #tpu.memory_space<vmem>>
      %dma_start3A_391 = tpu.memref_squeeze %dma_start3A_390 : memref<1x80x32xf32, #tpu.memory_space<vmem>> -> memref<80x32xf32, #tpu.memory_space<vmem>>
      %dma_start3A_392 = arith.constant 0 : i32
      %dma_start3A_393 = tpu.memref_slice %arg7[%run_scoped3A_231, %dma_start3A_392] : memref<125x80xi32, #tpu.memory_space<vmem>> -> memref<1x80xi32, #tpu.memory_space<vmem>>
      %dma_start3A_394 = tpu.memref_squeeze %dma_start3A_393 : memref<1x80xi32, #tpu.memory_space<vmem>> -> memref<80xi32, #tpu.memory_space<vmem>>
      %dma_start3A_395 = arith.constant 0 : i32
      %dma_start3A_396 = arith.constant 0 : i32
      %dma_start3A_397 = tpu.memref_slice %arg10[%dma_start3A_395, %dma_start3A_396] : memref<10240x32xf32, #tpu.memory_space<vmem_shared>> -> memref<10240x32xf32, #tpu.memory_space<vmem_shared>>
      tpu.enqueue_indirect_dma source(%dma_start3A_391 : memref<80x32xf32, #tpu.memory_space<vmem>>) target(%dma_start3A_397 : memref<10240x32xf32, #tpu.memory_space<vmem_shared>>) offsets(%dma_start3A_394 : memref<80xi32, #tpu.memory_space<vmem>>) semaphore(%run_scoped3A_387 : memref<!tpu.dma_semaphore, #tpu.memory_space<semaphore_mem>>) {add = true}
      %dma_wait3A_398 = arith.constant 0 : i32
      %dma_wait3A_399 = arith.constant 0 : i32
      %dma_wait3A_400 = tpu.memref_slice %arg8[%run_scoped3A_230, %dma_wait3A_398, %dma_wait3A_399] : memref<8x80x32xf32, #tpu.memory_space<vmem>> -> memref<1x80x32xf32, #tpu.memory_space<vmem>>
      %dma_wait3A_401 = tpu.memref_squeeze %dma_wait3A_400 : memref<1x80x32xf32, #tpu.memory_space<vmem>> -> memref<80x32xf32, #tpu.memory_space<vmem>>
      %dma_wait3A_402 = arith.constant 0 : i32
      %dma_wait3A_403 = tpu.memref_slice %arg7[%run_scoped3A_231, %dma_wait3A_402] : memref<125x80xi32, #tpu.memory_space<vmem>> -> memref<1x80xi32, #tpu.memory_space<vmem>>
      %dma_wait3A_404 = tpu.memref_squeeze %dma_wait3A_403 : memref<1x80xi32, #tpu.memory_space<vmem>> -> memref<80xi32, #tpu.memory_space<vmem>>
      %dma_wait3A_405 = arith.constant 0 : i32
      %dma_wait3A_406 = arith.constant 0 : i32
      %dma_wait3A_407 = tpu.memref_slice %arg10[%dma_wait3A_405, %dma_wait3A_406] : memref<10240x32xf32, #tpu.memory_space<vmem_shared>> -> memref<10240x32xf32, #tpu.memory_space<vmem_shared>>
      tpu.wait_indirect_dma semaphore(%run_scoped3A_387 : memref<!tpu.dma_semaphore, #tpu.memory_space<semaphore_mem>>) src(%dma_wait3A_401 : memref<80x32xf32, #tpu.memory_space<vmem>>) dst(%dma_wait3A_407 : memref<10240x32xf32, #tpu.memory_space<vmem_shared>>)
      tpu.yield
    }) : () -> ()
    %dma_start3A_232 = arith.constant 123 : i32
    %dma_start3A_233 = arith.constant 3 : i32
    %dma_start3A_234 = arith.constant 0 : i32
    %dma_start3A_235 = arith.constant 0 : i32
    %dma_start3A_236 = tpu.memref_slice %arg8[%dma_start3A_233, %dma_start3A_234, %dma_start3A_235] : memref<8x80x32xf32, #tpu.memory_space<vmem>> -> memref<1x80x32xf32, #tpu.memory_space<vmem>>
    %dma_start3A_237 = tpu.memref_squeeze %dma_start3A_236 : memref<1x80x32xf32, #tpu.memory_space<vmem>> -> memref<80x32xf32, #tpu.memory_space<vmem>>
    %dma_start3A_238 = arith.constant 0 : i32
    %dma_start3A_239 = tpu.memref_slice %arg6[%dma_start3A_232, %dma_start3A_238] : memref<125x80xi32, #tpu.memory_space<vmem>> -> memref<1x80xi32, #tpu.memory_space<vmem>>
    %dma_start3A_240 = tpu.memref_squeeze %dma_start3A_239 : memref<1x80xi32, #tpu.memory_space<vmem>> -> memref<80xi32, #tpu.memory_space<vmem>>
    %dma_start3A_241 = arith.constant 0 : i32
    %dma_start3A_242 = arith.constant 0 : i32
    %dma_start3A_243 = tpu.memref_slice %arg2[%dma_start3A_241, %dma_start3A_242] : memref<10000x32xf32, #tpu.memory_space<hbm>> -> memref<10000x32xf32, #tpu.memory_space<hbm>>
    tpu.enqueue_indirect_dma source(%dma_start3A_243 : memref<10000x32xf32, #tpu.memory_space<hbm>>) target(%dma_start3A_237 : memref<80x32xf32, #tpu.memory_space<vmem>>) offsets(%dma_start3A_240 : memref<80xi32, #tpu.memory_space<vmem>>) semaphore(%arg14 : memref<!tpu.dma_semaphore, #tpu.memory_space<semaphore_mem>>)
    %dma_wait3A_244 = arith.constant 116 : i32
    %dma_wait3A_245 = arith.constant 4 : i32
    %dma_wait3A_246 = arith.constant 0 : i32
    %dma_wait3A_247 = arith.constant 0 : i32
    %dma_wait3A_248 = tpu.memref_slice %arg8[%dma_wait3A_245, %dma_wait3A_246, %dma_wait3A_247] : memref<8x80x32xf32, #tpu.memory_space<vmem>> -> memref<1x80x32xf32, #tpu.memory_space<vmem>>
    %dma_wait3A_249 = tpu.memref_squeeze %dma_wait3A_248 : memref<1x80x32xf32, #tpu.memory_space<vmem>> -> memref<80x32xf32, #tpu.memory_space<vmem>>
    %dma_wait3A_250 = arith.constant 0 : i32
    %dma_wait3A_251 = tpu.memref_slice %arg6[%dma_wait3A_244, %dma_wait3A_250] : memref<125x80xi32, #tpu.memory_space<vmem>> -> memref<1x80xi32, #tpu.memory_space<vmem>>
    %dma_wait3A_252 = tpu.memref_squeeze %dma_wait3A_251 : memref<1x80xi32, #tpu.memory_space<vmem>> -> memref<80xi32, #tpu.memory_space<vmem>>
    %dma_wait3A_253 = arith.constant 0 : i32
    %dma_wait3A_254 = arith.constant 0 : i32
    %dma_wait3A_255 = tpu.memref_slice %arg2[%dma_wait3A_253, %dma_wait3A_254] : memref<10000x32xf32, #tpu.memory_space<hbm>> -> memref<10000x32xf32, #tpu.memory_space<hbm>>
    tpu.wait_indirect_dma semaphore(%arg15 : memref<!tpu.dma_semaphore, #tpu.memory_space<semaphore_mem>>) src(%dma_wait3A_255 : memref<10000x32xf32, #tpu.memory_space<hbm>>) dst(%dma_wait3A_249 : memref<80x32xf32, #tpu.memory_space<vmem>>)
    %run_scoped3A_256 = arith.constant 4 : i32
    %run_scoped3A_257 = arith.constant 116 : i32
    "tpu.region"() ({
      %run_scoped3A_387 = tpu.sem_alloc : memref<!tpu.dma_semaphore, #tpu.memory_space<semaphore_mem>>
      %dma_start3A_388 = arith.constant 0 : i32
      %dma_start3A_389 = arith.constant 0 : i32
      %dma_start3A_390 = tpu.memref_slice %arg8[%run_scoped3A_256, %dma_start3A_388, %dma_start3A_389] : memref<8x80x32xf32, #tpu.memory_space<vmem>> -> memref<1x80x32xf32, #tpu.memory_space<vmem>>
      %dma_start3A_391 = tpu.memref_squeeze %dma_start3A_390 : memref<1x80x32xf32, #tpu.memory_space<vmem>> -> memref<80x32xf32, #tpu.memory_space<vmem>>
      %dma_start3A_392 = arith.constant 0 : i32
      %dma_start3A_393 = tpu.memref_slice %arg7[%run_scoped3A_257, %dma_start3A_392] : memref<125x80xi32, #tpu.memory_space<vmem>> -> memref<1x80xi32, #tpu.memory_space<vmem>>
      %dma_start3A_394 = tpu.memref_squeeze %dma_start3A_393 : memref<1x80xi32, #tpu.memory_space<vmem>> -> memref<80xi32, #tpu.memory_space<vmem>>
      %dma_start3A_395 = arith.constant 0 : i32
      %dma_start3A_396 = arith.constant 0 : i32
      %dma_start3A_397 = tpu.memref_slice %arg10[%dma_start3A_395, %dma_start3A_396] : memref<10240x32xf32, #tpu.memory_space<vmem_shared>> -> memref<10240x32xf32, #tpu.memory_space<vmem_shared>>
      tpu.enqueue_indirect_dma source(%dma_start3A_391 : memref<80x32xf32, #tpu.memory_space<vmem>>) target(%dma_start3A_397 : memref<10240x32xf32, #tpu.memory_space<vmem_shared>>) offsets(%dma_start3A_394 : memref<80xi32, #tpu.memory_space<vmem>>) semaphore(%run_scoped3A_387 : memref<!tpu.dma_semaphore, #tpu.memory_space<semaphore_mem>>) {add = true}
      %dma_wait3A_398 = arith.constant 0 : i32
      %dma_wait3A_399 = arith.constant 0 : i32
      %dma_wait3A_400 = tpu.memref_slice %arg8[%run_scoped3A_256, %dma_wait3A_398, %dma_wait3A_399] : memref<8x80x32xf32, #tpu.memory_space<vmem>> -> memref<1x80x32xf32, #tpu.memory_space<vmem>>
      %dma_wait3A_401 = tpu.memref_squeeze %dma_wait3A_400 : memref<1x80x32xf32, #tpu.memory_space<vmem>> -> memref<80x32xf32, #tpu.memory_space<vmem>>
      %dma_wait3A_402 = arith.constant 0 : i32
      %dma_wait3A_403 = tpu.memref_slice %arg7[%run_scoped3A_257, %dma_wait3A_402] : memref<125x80xi32, #tpu.memory_space<vmem>> -> memref<1x80xi32, #tpu.memory_space<vmem>>
      %dma_wait3A_404 = tpu.memref_squeeze %dma_wait3A_403 : memref<1x80xi32, #tpu.memory_space<vmem>> -> memref<80xi32, #tpu.memory_space<vmem>>
      %dma_wait3A_405 = arith.constant 0 : i32
      %dma_wait3A_406 = arith.constant 0 : i32
      %dma_wait3A_407 = tpu.memref_slice %arg10[%dma_wait3A_405, %dma_wait3A_406] : memref<10240x32xf32, #tpu.memory_space<vmem_shared>> -> memref<10240x32xf32, #tpu.memory_space<vmem_shared>>
      tpu.wait_indirect_dma semaphore(%run_scoped3A_387 : memref<!tpu.dma_semaphore, #tpu.memory_space<semaphore_mem>>) src(%dma_wait3A_401 : memref<80x32xf32, #tpu.memory_space<vmem>>) dst(%dma_wait3A_407 : memref<10240x32xf32, #tpu.memory_space<vmem_shared>>)
      tpu.yield
    }) : () -> ()
    %dma_start3A_258 = arith.constant 124 : i32
    %dma_start3A_259 = arith.constant 4 : i32
    %dma_start3A_260 = arith.constant 0 : i32
    %dma_start3A_261 = arith.constant 0 : i32
    %dma_start3A_262 = tpu.memref_slice %arg8[%dma_start3A_259, %dma_start3A_260, %dma_start3A_261] : memref<8x80x32xf32, #tpu.memory_space<vmem>> -> memref<1x80x32xf32, #tpu.memory_space<vmem>>
    %dma_start3A_263 = tpu.memref_squeeze %dma_start3A_262 : memref<1x80x32xf32, #tpu.memory_space<vmem>> -> memref<80x32xf32, #tpu.memory_space<vmem>>
    %dma_start3A_264 = arith.constant 0 : i32
    %dma_start3A_265 = tpu.memref_slice %arg6[%dma_start3A_258, %dma_start3A_264] : memref<125x80xi32, #tpu.memory_space<vmem>> -> memref<1x80xi32, #tpu.memory_space<vmem>>
    %dma_start3A_266 = tpu.memref_squeeze %dma_start3A_265 : memref<1x80xi32, #tpu.memory_space<vmem>> -> memref<80xi32, #tpu.memory_space<vmem>>
    %dma_start3A_267 = arith.constant 0 : i32
    %dma_start3A_268 = arith.constant 0 : i32
    %dma_start3A_269 = tpu.memref_slice %arg2[%dma_start3A_267, %dma_start3A_268] : memref<10000x32xf32, #tpu.memory_space<hbm>> -> memref<10000x32xf32, #tpu.memory_space<hbm>>
    tpu.enqueue_indirect_dma source(%dma_start3A_269 : memref<10000x32xf32, #tpu.memory_space<hbm>>) target(%dma_start3A_263 : memref<80x32xf32, #tpu.memory_space<vmem>>) offsets(%dma_start3A_266 : memref<80xi32, #tpu.memory_space<vmem>>) semaphore(%arg15 : memref<!tpu.dma_semaphore, #tpu.memory_space<semaphore_mem>>)
    %dma_wait3A_270 = arith.constant 117 : i32
    %dma_wait3A_271 = arith.constant 5 : i32
    %dma_wait3A_272 = arith.constant 0 : i32
    %dma_wait3A_273 = arith.constant 0 : i32
    %dma_wait3A_274 = tpu.memref_slice %arg8[%dma_wait3A_271, %dma_wait3A_272, %dma_wait3A_273] : memref<8x80x32xf32, #tpu.memory_space<vmem>> -> memref<1x80x32xf32, #tpu.memory_space<vmem>>
    %dma_wait3A_275 = tpu.memref_squeeze %dma_wait3A_274 : memref<1x80x32xf32, #tpu.memory_space<vmem>> -> memref<80x32xf32, #tpu.memory_space<vmem>>
    %dma_wait3A_276 = arith.constant 0 : i32
    %dma_wait3A_277 = tpu.memref_slice %arg6[%dma_wait3A_270, %dma_wait3A_276] : memref<125x80xi32, #tpu.memory_space<vmem>> -> memref<1x80xi32, #tpu.memory_space<vmem>>
    %dma_wait3A_278 = tpu.memref_squeeze %dma_wait3A_277 : memref<1x80xi32, #tpu.memory_space<vmem>> -> memref<80xi32, #tpu.memory_space<vmem>>
    %dma_wait3A_279 = arith.constant 0 : i32
    %dma_wait3A_280 = arith.constant 0 : i32
    %dma_wait3A_281 = tpu.memref_slice %arg2[%dma_wait3A_279, %dma_wait3A_280] : memref<10000x32xf32, #tpu.memory_space<hbm>> -> memref<10000x32xf32, #tpu.memory_space<hbm>>
    tpu.wait_indirect_dma semaphore(%arg16 : memref<!tpu.dma_semaphore, #tpu.memory_space<semaphore_mem>>) src(%dma_wait3A_281 : memref<10000x32xf32, #tpu.memory_space<hbm>>) dst(%dma_wait3A_275 : memref<80x32xf32, #tpu.memory_space<vmem>>)
    %run_scoped3A_282 = arith.constant 5 : i32
    %run_scoped3A_283 = arith.constant 117 : i32
    "tpu.region"() ({
      %run_scoped3A_387 = tpu.sem_alloc : memref<!tpu.dma_semaphore, #tpu.memory_space<semaphore_mem>>
      %dma_start3A_388 = arith.constant 0 : i32
      %dma_start3A_389 = arith.constant 0 : i32
      %dma_start3A_390 = tpu.memref_slice %arg8[%run_scoped3A_282, %dma_start3A_388, %dma_start3A_389] : memref<8x80x32xf32, #tpu.memory_space<vmem>> -> memref<1x80x32xf32, #tpu.memory_space<vmem>>
      %dma_start3A_391 = tpu.memref_squeeze %dma_start3A_390 : memref<1x80x32xf32, #tpu.memory_space<vmem>> -> memref<80x32xf32, #tpu.memory_space<vmem>>
      %dma_start3A_392 = arith.constant 0 : i32
      %dma_start3A_393 = tpu.memref_slice %arg7[%run_scoped3A_283, %dma_start3A_392] : memref<125x80xi32, #tpu.memory_space<vmem>> -> memref<1x80xi32, #tpu.memory_space<vmem>>
      %dma_start3A_394 = tpu.memref_squeeze %dma_start3A_393 : memref<1x80xi32, #tpu.memory_space<vmem>> -> memref<80xi32, #tpu.memory_space<vmem>>
      %dma_start3A_395 = arith.constant 0 : i32
      %dma_start3A_396 = arith.constant 0 : i32
      %dma_start3A_397 = tpu.memref_slice %arg10[%dma_start3A_395, %dma_start3A_396] : memref<10240x32xf32, #tpu.memory_space<vmem_shared>> -> memref<10240x32xf32, #tpu.memory_space<vmem_shared>>
      tpu.enqueue_indirect_dma source(%dma_start3A_391 : memref<80x32xf32, #tpu.memory_space<vmem>>) target(%dma_start3A_397 : memref<10240x32xf32, #tpu.memory_space<vmem_shared>>) offsets(%dma_start3A_394 : memref<80xi32, #tpu.memory_space<vmem>>) semaphore(%run_scoped3A_387 : memref<!tpu.dma_semaphore, #tpu.memory_space<semaphore_mem>>) {add = true}
      %dma_wait3A_398 = arith.constant 0 : i32
      %dma_wait3A_399 = arith.constant 0 : i32
      %dma_wait3A_400 = tpu.memref_slice %arg8[%run_scoped3A_282, %dma_wait3A_398, %dma_wait3A_399] : memref<8x80x32xf32, #tpu.memory_space<vmem>> -> memref<1x80x32xf32, #tpu.memory_space<vmem>>
      %dma_wait3A_401 = tpu.memref_squeeze %dma_wait3A_400 : memref<1x80x32xf32, #tpu.memory_space<vmem>> -> memref<80x32xf32, #tpu.memory_space<vmem>>
      %dma_wait3A_402 = arith.constant 0 : i32
      %dma_wait3A_403 = tpu.memref_slice %arg7[%run_scoped3A_283, %dma_wait3A_402] : memref<125x80xi32, #tpu.memory_space<vmem>> -> memref<1x80xi32, #tpu.memory_space<vmem>>
      %dma_wait3A_404 = tpu.memref_squeeze %dma_wait3A_403 : memref<1x80xi32, #tpu.memory_space<vmem>> -> memref<80xi32, #tpu.memory_space<vmem>>
      %dma_wait3A_405 = arith.constant 0 : i32
      %dma_wait3A_406 = arith.constant 0 : i32
      %dma_wait3A_407 = tpu.memref_slice %arg10[%dma_wait3A_405, %dma_wait3A_406] : memref<10240x32xf32, #tpu.memory_space<vmem_shared>> -> memref<10240x32xf32, #tpu.memory_space<vmem_shared>>
      tpu.wait_indirect_dma semaphore(%run_scoped3A_387 : memref<!tpu.dma_semaphore, #tpu.memory_space<semaphore_mem>>) src(%dma_wait3A_401 : memref<80x32xf32, #tpu.memory_space<vmem>>) dst(%dma_wait3A_407 : memref<10240x32xf32, #tpu.memory_space<vmem_shared>>)
      tpu.yield
    }) : () -> ()
    %dma_wait3A_284 = arith.constant 118 : i32
    %dma_wait3A_285 = arith.constant 6 : i32
    %dma_wait3A_286 = arith.constant 0 : i32
    %dma_wait3A_287 = arith.constant 0 : i32
    %dma_wait3A_288 = tpu.memref_slice %arg8[%dma_wait3A_285, %dma_wait3A_286, %dma_wait3A_287] : memref<8x80x32xf32, #tpu.memory_space<vmem>> -> memref<1x80x32xf32, #tpu.memory_space<vmem>>
    %dma_wait3A_289 = tpu.memref_squeeze %dma_wait3A_288 : memref<1x80x32xf32, #tpu.memory_space<vmem>> -> memref<80x32xf32, #tpu.memory_space<vmem>>
    %dma_wait3A_290 = arith.constant 0 : i32
    %dma_wait3A_291 = tpu.memref_slice %arg6[%dma_wait3A_284, %dma_wait3A_290] : memref<125x80xi32, #tpu.memory_space<vmem>> -> memref<1x80xi32, #tpu.memory_space<vmem>>
    %dma_wait3A_292 = tpu.memref_squeeze %dma_wait3A_291 : memref<1x80xi32, #tpu.memory_space<vmem>> -> memref<80xi32, #tpu.memory_space<vmem>>
    %dma_wait3A_293 = arith.constant 0 : i32
    %dma_wait3A_294 = arith.constant 0 : i32
    %dma_wait3A_295 = tpu.memref_slice %arg2[%dma_wait3A_293, %dma_wait3A_294] : memref<10000x32xf32, #tpu.memory_space<hbm>> -> memref<10000x32xf32, #tpu.memory_space<hbm>>
    tpu.wait_indirect_dma semaphore(%arg17 : memref<!tpu.dma_semaphore, #tpu.memory_space<semaphore_mem>>) src(%dma_wait3A_295 : memref<10000x32xf32, #tpu.memory_space<hbm>>) dst(%dma_wait3A_289 : memref<80x32xf32, #tpu.memory_space<vmem>>)
    %run_scoped3A_296 = arith.constant 6 : i32
    %run_scoped3A_297 = arith.constant 118 : i32
    "tpu.region"() ({
      %run_scoped3A_387 = tpu.sem_alloc : memref<!tpu.dma_semaphore, #tpu.memory_space<semaphore_mem>>
      %dma_start3A_388 = arith.constant 0 : i32
      %dma_start3A_389 = arith.constant 0 : i32
      %dma_start3A_390 = tpu.memref_slice %arg8[%run_scoped3A_296, %dma_start3A_388, %dma_start3A_389] : memref<8x80x32xf32, #tpu.memory_space<vmem>> -> memref<1x80x32xf32, #tpu.memory_space<vmem>>
      %dma_start3A_391 = tpu.memref_squeeze %dma_start3A_390 : memref<1x80x32xf32, #tpu.memory_space<vmem>> -> memref<80x32xf32, #tpu.memory_space<vmem>>
      %dma_start3A_392 = arith.constant 0 : i32
      %dma_start3A_393 = tpu.memref_slice %arg7[%run_scoped3A_297, %dma_start3A_392] : memref<125x80xi32, #tpu.memory_space<vmem>> -> memref<1x80xi32, #tpu.memory_space<vmem>>
      %dma_start3A_394 = tpu.memref_squeeze %dma_start3A_393 : memref<1x80xi32, #tpu.memory_space<vmem>> -> memref<80xi32, #tpu.memory_space<vmem>>
      %dma_start3A_395 = arith.constant 0 : i32
      %dma_start3A_396 = arith.constant 0 : i32
      %dma_start3A_397 = tpu.memref_slice %arg10[%dma_start3A_395, %dma_start3A_396] : memref<10240x32xf32, #tpu.memory_space<vmem_shared>> -> memref<10240x32xf32, #tpu.memory_space<vmem_shared>>
      tpu.enqueue_indirect_dma source(%dma_start3A_391 : memref<80x32xf32, #tpu.memory_space<vmem>>) target(%dma_start3A_397 : memref<10240x32xf32, #tpu.memory_space<vmem_shared>>) offsets(%dma_start3A_394 : memref<80xi32, #tpu.memory_space<vmem>>) semaphore(%run_scoped3A_387 : memref<!tpu.dma_semaphore, #tpu.memory_space<semaphore_mem>>) {add = true}
      %dma_wait3A_398 = arith.constant 0 : i32
      %dma_wait3A_399 = arith.constant 0 : i32
      %dma_wait3A_400 = tpu.memref_slice %arg8[%run_scoped3A_296, %dma_wait3A_398, %dma_wait3A_399] : memref<8x80x32xf32, #tpu.memory_space<vmem>> -> memref<1x80x32xf32, #tpu.memory_space<vmem>>
      %dma_wait3A_401 = tpu.memref_squeeze %dma_wait3A_400 : memref<1x80x32xf32, #tpu.memory_space<vmem>> -> memref<80x32xf32, #tpu.memory_space<vmem>>
      %dma_wait3A_402 = arith.constant 0 : i32
      %dma_wait3A_403 = tpu.memref_slice %arg7[%run_scoped3A_297, %dma_wait3A_402] : memref<125x80xi32, #tpu.memory_space<vmem>> -> memref<1x80xi32, #tpu.memory_space<vmem>>
      %dma_wait3A_404 = tpu.memref_squeeze %dma_wait3A_403 : memref<1x80xi32, #tpu.memory_space<vmem>> -> memref<80xi32, #tpu.memory_space<vmem>>
      %dma_wait3A_405 = arith.constant 0 : i32
      %dma_wait3A_406 = arith.constant 0 : i32
      %dma_wait3A_407 = tpu.memref_slice %arg10[%dma_wait3A_405, %dma_wait3A_406] : memref<10240x32xf32, #tpu.memory_space<vmem_shared>> -> memref<10240x32xf32, #tpu.memory_space<vmem_shared>>
      tpu.wait_indirect_dma semaphore(%run_scoped3A_387 : memref<!tpu.dma_semaphore, #tpu.memory_space<semaphore_mem>>) src(%dma_wait3A_401 : memref<80x32xf32, #tpu.memory_space<vmem>>) dst(%dma_wait3A_407 : memref<10240x32xf32, #tpu.memory_space<vmem_shared>>)
      tpu.yield
    }) : () -> ()
    %dma_wait3A_298 = arith.constant 119 : i32
    %dma_wait3A_299 = arith.constant 7 : i32
    %dma_wait3A_300 = arith.constant 0 : i32
    %dma_wait3A_301 = arith.constant 0 : i32
    %dma_wait3A_302 = tpu.memref_slice %arg8[%dma_wait3A_299, %dma_wait3A_300, %dma_wait3A_301] : memref<8x80x32xf32, #tpu.memory_space<vmem>> -> memref<1x80x32xf32, #tpu.memory_space<vmem>>
    %dma_wait3A_303 = tpu.memref_squeeze %dma_wait3A_302 : memref<1x80x32xf32, #tpu.memory_space<vmem>> -> memref<80x32xf32, #tpu.memory_space<vmem>>
    %dma_wait3A_304 = arith.constant 0 : i32
    %dma_wait3A_305 = tpu.memref_slice %arg6[%dma_wait3A_298, %dma_wait3A_304] : memref<125x80xi32, #tpu.memory_space<vmem>> -> memref<1x80xi32, #tpu.memory_space<vmem>>
    %dma_wait3A_306 = tpu.memref_squeeze %dma_wait3A_305 : memref<1x80xi32, #tpu.memory_space<vmem>> -> memref<80xi32, #tpu.memory_space<vmem>>
    %dma_wait3A_307 = arith.constant 0 : i32
    %dma_wait3A_308 = arith.constant 0 : i32
    %dma_wait3A_309 = tpu.memref_slice %arg2[%dma_wait3A_307, %dma_wait3A_308] : memref<10000x32xf32, #tpu.memory_space<hbm>> -> memref<10000x32xf32, #tpu.memory_space<hbm>>
    tpu.wait_indirect_dma semaphore(%arg18 : memref<!tpu.dma_semaphore, #tpu.memory_space<semaphore_mem>>) src(%dma_wait3A_309 : memref<10000x32xf32, #tpu.memory_space<hbm>>) dst(%dma_wait3A_303 : memref<80x32xf32, #tpu.memory_space<vmem>>)
    %run_scoped3A_310 = arith.constant 7 : i32
    %run_scoped3A_311 = arith.constant 119 : i32
    "tpu.region"() ({
      %run_scoped3A_387 = tpu.sem_alloc : memref<!tpu.dma_semaphore, #tpu.memory_space<semaphore_mem>>
      %dma_start3A_388 = arith.constant 0 : i32
      %dma_start3A_389 = arith.constant 0 : i32
      %dma_start3A_390 = tpu.memref_slice %arg8[%run_scoped3A_310, %dma_start3A_388, %dma_start3A_389] : memref<8x80x32xf32, #tpu.memory_space<vmem>> -> memref<1x80x32xf32, #tpu.memory_space<vmem>>
      %dma_start3A_391 = tpu.memref_squeeze %dma_start3A_390 : memref<1x80x32xf32, #tpu.memory_space<vmem>> -> memref<80x32xf32, #tpu.memory_space<vmem>>
      %dma_start3A_392 = arith.constant 0 : i32
      %dma_start3A_393 = tpu.memref_slice %arg7[%run_scoped3A_311, %dma_start3A_392] : memref<125x80xi32, #tpu.memory_space<vmem>> -> memref<1x80xi32, #tpu.memory_space<vmem>>
      %dma_start3A_394 = tpu.memref_squeeze %dma_start3A_393 : memref<1x80xi32, #tpu.memory_space<vmem>> -> memref<80xi32, #tpu.memory_space<vmem>>
      %dma_start3A_395 = arith.constant 0 : i32
      %dma_start3A_396 = arith.constant 0 : i32
      %dma_start3A_397 = tpu.memref_slice %arg10[%dma_start3A_395, %dma_start3A_396] : memref<10240x32xf32, #tpu.memory_space<vmem_shared>> -> memref<10240x32xf32, #tpu.memory_space<vmem_shared>>
      tpu.enqueue_indirect_dma source(%dma_start3A_391 : memref<80x32xf32, #tpu.memory_space<vmem>>) target(%dma_start3A_397 : memref<10240x32xf32, #tpu.memory_space<vmem_shared>>) offsets(%dma_start3A_394 : memref<80xi32, #tpu.memory_space<vmem>>) semaphore(%run_scoped3A_387 : memref<!tpu.dma_semaphore, #tpu.memory_space<semaphore_mem>>) {add = true}
      %dma_wait3A_398 = arith.constant 0 : i32
      %dma_wait3A_399 = arith.constant 0 : i32
      %dma_wait3A_400 = tpu.memref_slice %arg8[%run_scoped3A_310, %dma_wait3A_398, %dma_wait3A_399] : memref<8x80x32xf32, #tpu.memory_space<vmem>> -> memref<1x80x32xf32, #tpu.memory_space<vmem>>
      %dma_wait3A_401 = tpu.memref_squeeze %dma_wait3A_400 : memref<1x80x32xf32, #tpu.memory_space<vmem>> -> memref<80x32xf32, #tpu.memory_space<vmem>>
      %dma_wait3A_402 = arith.constant 0 : i32
      %dma_wait3A_403 = tpu.memref_slice %arg7[%run_scoped3A_311, %dma_wait3A_402] : memref<125x80xi32, #tpu.memory_space<vmem>> -> memref<1x80xi32, #tpu.memory_space<vmem>>
      %dma_wait3A_404 = tpu.memref_squeeze %dma_wait3A_403 : memref<1x80xi32, #tpu.memory_space<vmem>> -> memref<80xi32, #tpu.memory_space<vmem>>
      %dma_wait3A_405 = arith.constant 0 : i32
      %dma_wait3A_406 = arith.constant 0 : i32
      %dma_wait3A_407 = tpu.memref_slice %arg10[%dma_wait3A_405, %dma_wait3A_406] : memref<10240x32xf32, #tpu.memory_space<vmem_shared>> -> memref<10240x32xf32, #tpu.memory_space<vmem_shared>>
      tpu.wait_indirect_dma semaphore(%run_scoped3A_387 : memref<!tpu.dma_semaphore, #tpu.memory_space<semaphore_mem>>) src(%dma_wait3A_401 : memref<80x32xf32, #tpu.memory_space<vmem>>) dst(%dma_wait3A_407 : memref<10240x32xf32, #tpu.memory_space<vmem_shared>>)
      tpu.yield
    }) : () -> ()
    %dma_wait3A_312 = arith.constant 120 : i32
    %dma_wait3A_313 = arith.constant 0 : i32
    %dma_wait3A_314 = arith.constant 0 : i32
    %dma_wait3A_315 = arith.constant 0 : i32
    %dma_wait3A_316 = tpu.memref_slice %arg8[%dma_wait3A_313, %dma_wait3A_314, %dma_wait3A_315] : memref<8x80x32xf32, #tpu.memory_space<vmem>> -> memref<1x80x32xf32, #tpu.memory_space<vmem>>
    %dma_wait3A_317 = tpu.memref_squeeze %dma_wait3A_316 : memref<1x80x32xf32, #tpu.memory_space<vmem>> -> memref<80x32xf32, #tpu.memory_space<vmem>>
    %dma_wait3A_318 = arith.constant 0 : i32
    %dma_wait3A_319 = tpu.memref_slice %arg6[%dma_wait3A_312, %dma_wait3A_318] : memref<125x80xi32, #tpu.memory_space<vmem>> -> memref<1x80xi32, #tpu.memory_space<vmem>>
    %dma_wait3A_320 = tpu.memref_squeeze %dma_wait3A_319 : memref<1x80xi32, #tpu.memory_space<vmem>> -> memref<80xi32, #tpu.memory_space<vmem>>
    %dma_wait3A_321 = arith.constant 0 : i32
    %dma_wait3A_322 = arith.constant 0 : i32
    %dma_wait3A_323 = tpu.memref_slice %arg2[%dma_wait3A_321, %dma_wait3A_322] : memref<10000x32xf32, #tpu.memory_space<hbm>> -> memref<10000x32xf32, #tpu.memory_space<hbm>>
    tpu.wait_indirect_dma semaphore(%arg11 : memref<!tpu.dma_semaphore, #tpu.memory_space<semaphore_mem>>) src(%dma_wait3A_323 : memref<10000x32xf32, #tpu.memory_space<hbm>>) dst(%dma_wait3A_317 : memref<80x32xf32, #tpu.memory_space<vmem>>)
    %run_scoped3A_324 = arith.constant 0 : i32
    %run_scoped3A_325 = arith.constant 120 : i32
    "tpu.region"() ({
      %run_scoped3A_387 = tpu.sem_alloc : memref<!tpu.dma_semaphore, #tpu.memory_space<semaphore_mem>>
      %dma_start3A_388 = arith.constant 0 : i32
      %dma_start3A_389 = arith.constant 0 : i32
      %dma_start3A_390 = tpu.memref_slice %arg8[%run_scoped3A_324, %dma_start3A_388, %dma_start3A_389] : memref<8x80x32xf32, #tpu.memory_space<vmem>> -> memref<1x80x32xf32, #tpu.memory_space<vmem>>
      %dma_start3A_391 = tpu.memref_squeeze %dma_start3A_390 : memref<1x80x32xf32, #tpu.memory_space<vmem>> -> memref<80x32xf32, #tpu.memory_space<vmem>>
      %dma_start3A_392 = arith.constant 0 : i32
      %dma_start3A_393 = tpu.memref_slice %arg7[%run_scoped3A_325, %dma_start3A_392] : memref<125x80xi32, #tpu.memory_space<vmem>> -> memref<1x80xi32, #tpu.memory_space<vmem>>
      %dma_start3A_394 = tpu.memref_squeeze %dma_start3A_393 : memref<1x80xi32, #tpu.memory_space<vmem>> -> memref<80xi32, #tpu.memory_space<vmem>>
      %dma_start3A_395 = arith.constant 0 : i32
      %dma_start3A_396 = arith.constant 0 : i32
      %dma_start3A_397 = tpu.memref_slice %arg10[%dma_start3A_395, %dma_start3A_396] : memref<10240x32xf32, #tpu.memory_space<vmem_shared>> -> memref<10240x32xf32, #tpu.memory_space<vmem_shared>>
      tpu.enqueue_indirect_dma source(%dma_start3A_391 : memref<80x32xf32, #tpu.memory_space<vmem>>) target(%dma_start3A_397 : memref<10240x32xf32, #tpu.memory_space<vmem_shared>>) offsets(%dma_start3A_394 : memref<80xi32, #tpu.memory_space<vmem>>) semaphore(%run_scoped3A_387 : memref<!tpu.dma_semaphore, #tpu.memory_space<semaphore_mem>>) {add = true}
      %dma_wait3A_398 = arith.constant 0 : i32
      %dma_wait3A_399 = arith.constant 0 : i32
      %dma_wait3A_400 = tpu.memref_slice %arg8[%run_scoped3A_324, %dma_wait3A_398, %dma_wait3A_399] : memref<8x80x32xf32, #tpu.memory_space<vmem>> -> memref<1x80x32xf32, #tpu.memory_space<vmem>>
      %dma_wait3A_401 = tpu.memref_squeeze %dma_wait3A_400 : memref<1x80x32xf32, #tpu.memory_space<vmem>> -> memref<80x32xf32, #tpu.memory_space<vmem>>
      %dma_wait3A_402 = arith.constant 0 : i32
      %dma_wait3A_403 = tpu.memref_slice %arg7[%run_scoped3A_325, %dma_wait3A_402] : memref<125x80xi32, #tpu.memory_space<vmem>> -> memref<1x80xi32, #tpu.memory_space<vmem>>
      %dma_wait3A_404 = tpu.memref_squeeze %dma_wait3A_403 : memref<1x80xi32, #tpu.memory_space<vmem>> -> memref<80xi32, #tpu.memory_space<vmem>>
      %dma_wait3A_405 = arith.constant 0 : i32
      %dma_wait3A_406 = arith.constant 0 : i32
      %dma_wait3A_407 = tpu.memref_slice %arg10[%dma_wait3A_405, %dma_wait3A_406] : memref<10240x32xf32, #tpu.memory_space<vmem_shared>> -> memref<10240x32xf32, #tpu.memory_space<vmem_shared>>
      tpu.wait_indirect_dma semaphore(%run_scoped3A_387 : memref<!tpu.dma_semaphore, #tpu.memory_space<semaphore_mem>>) src(%dma_wait3A_401 : memref<80x32xf32, #tpu.memory_space<vmem>>) dst(%dma_wait3A_407 : memref<10240x32xf32, #tpu.memory_space<vmem_shared>>)
      tpu.yield
    }) : () -> ()
    %dma_wait3A_326 = arith.constant 121 : i32
    %dma_wait3A_327 = arith.constant 1 : i32
    %dma_wait3A_328 = arith.constant 0 : i32
    %dma_wait3A_329 = arith.constant 0 : i32
    %dma_wait3A_330 = tpu.memref_slice %arg8[%dma_wait3A_327, %dma_wait3A_328, %dma_wait3A_329] : memref<8x80x32xf32, #tpu.memory_space<vmem>> -> memref<1x80x32xf32, #tpu.memory_space<vmem>>
    %dma_wait3A_331 = tpu.memref_squeeze %dma_wait3A_330 : memref<1x80x32xf32, #tpu.memory_space<vmem>> -> memref<80x32xf32, #tpu.memory_space<vmem>>
    %dma_wait3A_332 = arith.constant 0 : i32
    %dma_wait3A_333 = tpu.memref_slice %arg6[%dma_wait3A_326, %dma_wait3A_332] : memref<125x80xi32, #tpu.memory_space<vmem>> -> memref<1x80xi32, #tpu.memory_space<vmem>>
    %dma_wait3A_334 = tpu.memref_squeeze %dma_wait3A_333 : memref<1x80xi32, #tpu.memory_space<vmem>> -> memref<80xi32, #tpu.memory_space<vmem>>
    %dma_wait3A_335 = arith.constant 0 : i32
    %dma_wait3A_336 = arith.constant 0 : i32
    %dma_wait3A_337 = tpu.memref_slice %arg2[%dma_wait3A_335, %dma_wait3A_336] : memref<10000x32xf32, #tpu.memory_space<hbm>> -> memref<10000x32xf32, #tpu.memory_space<hbm>>
    tpu.wait_indirect_dma semaphore(%arg12 : memref<!tpu.dma_semaphore, #tpu.memory_space<semaphore_mem>>) src(%dma_wait3A_337 : memref<10000x32xf32, #tpu.memory_space<hbm>>) dst(%dma_wait3A_331 : memref<80x32xf32, #tpu.memory_space<vmem>>)
    %run_scoped3A_338 = arith.constant 1 : i32
    %run_scoped3A_339 = arith.constant 121 : i32
    "tpu.region"() ({
      %run_scoped3A_387 = tpu.sem_alloc : memref<!tpu.dma_semaphore, #tpu.memory_space<semaphore_mem>>
      %dma_start3A_388 = arith.constant 0 : i32
      %dma_start3A_389 = arith.constant 0 : i32
      %dma_start3A_390 = tpu.memref_slice %arg8[%run_scoped3A_338, %dma_start3A_388, %dma_start3A_389] : memref<8x80x32xf32, #tpu.memory_space<vmem>> -> memref<1x80x32xf32, #tpu.memory_space<vmem>>
      %dma_start3A_391 = tpu.memref_squeeze %dma_start3A_390 : memref<1x80x32xf32, #tpu.memory_space<vmem>> -> memref<80x32xf32, #tpu.memory_space<vmem>>
      %dma_start3A_392 = arith.constant 0 : i32
      %dma_start3A_393 = tpu.memref_slice %arg7[%run_scoped3A_339, %dma_start3A_392] : memref<125x80xi32, #tpu.memory_space<vmem>> -> memref<1x80xi32, #tpu.memory_space<vmem>>
      %dma_start3A_394 = tpu.memref_squeeze %dma_start3A_393 : memref<1x80xi32, #tpu.memory_space<vmem>> -> memref<80xi32, #tpu.memory_space<vmem>>
      %dma_start3A_395 = arith.constant 0 : i32
      %dma_start3A_396 = arith.constant 0 : i32
      %dma_start3A_397 = tpu.memref_slice %arg10[%dma_start3A_395, %dma_start3A_396] : memref<10240x32xf32, #tpu.memory_space<vmem_shared>> -> memref<10240x32xf32, #tpu.memory_space<vmem_shared>>
      tpu.enqueue_indirect_dma source(%dma_start3A_391 : memref<80x32xf32, #tpu.memory_space<vmem>>) target(%dma_start3A_397 : memref<10240x32xf32, #tpu.memory_space<vmem_shared>>) offsets(%dma_start3A_394 : memref<80xi32, #tpu.memory_space<vmem>>) semaphore(%run_scoped3A_387 : memref<!tpu.dma_semaphore, #tpu.memory_space<semaphore_mem>>) {add = true}
      %dma_wait3A_398 = arith.constant 0 : i32
      %dma_wait3A_399 = arith.constant 0 : i32
      %dma_wait3A_400 = tpu.memref_slice %arg8[%run_scoped3A_338, %dma_wait3A_398, %dma_wait3A_399] : memref<8x80x32xf32, #tpu.memory_space<vmem>> -> memref<1x80x32xf32, #tpu.memory_space<vmem>>
      %dma_wait3A_401 = tpu.memref_squeeze %dma_wait3A_400 : memref<1x80x32xf32, #tpu.memory_space<vmem>> -> memref<80x32xf32, #tpu.memory_space<vmem>>
      %dma_wait3A_402 = arith.constant 0 : i32
      %dma_wait3A_403 = tpu.memref_slice %arg7[%run_scoped3A_339, %dma_wait3A_402] : memref<125x80xi32, #tpu.memory_space<vmem>> -> memref<1x80xi32, #tpu.memory_space<vmem>>
      %dma_wait3A_404 = tpu.memref_squeeze %dma_wait3A_403 : memref<1x80xi32, #tpu.memory_space<vmem>> -> memref<80xi32, #tpu.memory_space<vmem>>
      %dma_wait3A_405 = arith.constant 0 : i32
      %dma_wait3A_406 = arith.constant 0 : i32
      %dma_wait3A_407 = tpu.memref_slice %arg10[%dma_wait3A_405, %dma_wait3A_406] : memref<10240x32xf32, #tpu.memory_space<vmem_shared>> -> memref<10240x32xf32, #tpu.memory_space<vmem_shared>>
      tpu.wait_indirect_dma semaphore(%run_scoped3A_387 : memref<!tpu.dma_semaphore, #tpu.memory_space<semaphore_mem>>) src(%dma_wait3A_401 : memref<80x32xf32, #tpu.memory_space<vmem>>) dst(%dma_wait3A_407 : memref<10240x32xf32, #tpu.memory_space<vmem_shared>>)
      tpu.yield
    }) : () -> ()
    %dma_wait3A_340 = arith.constant 122 : i32
    %dma_wait3A_341 = arith.constant 2 : i32
    %dma_wait3A_342 = arith.constant 0 : i32
    %dma_wait3A_343 = arith.constant 0 : i32
    %dma_wait3A_344 = tpu.memref_slice %arg8[%dma_wait3A_341, %dma_wait3A_342, %dma_wait3A_343] : memref<8x80x32xf32, #tpu.memory_space<vmem>> -> memref<1x80x32xf32, #tpu.memory_space<vmem>>
    %dma_wait3A_345 = tpu.memref_squeeze %dma_wait3A_344 : memref<1x80x32xf32, #tpu.memory_space<vmem>> -> memref<80x32xf32, #tpu.memory_space<vmem>>
    %dma_wait3A_346 = arith.constant 0 : i32
    %dma_wait3A_347 = tpu.memref_slice %arg6[%dma_wait3A_340, %dma_wait3A_346] : memref<125x80xi32, #tpu.memory_space<vmem>> -> memref<1x80xi32, #tpu.memory_space<vmem>>
    %dma_wait3A_348 = tpu.memref_squeeze %dma_wait3A_347 : memref<1x80xi32, #tpu.memory_space<vmem>> -> memref<80xi32, #tpu.memory_space<vmem>>
    %dma_wait3A_349 = arith.constant 0 : i32
    %dma_wait3A_350 = arith.constant 0 : i32
    %dma_wait3A_351 = tpu.memref_slice %arg2[%dma_wait3A_349, %dma_wait3A_350] : memref<10000x32xf32, #tpu.memory_space<hbm>> -> memref<10000x32xf32, #tpu.memory_space<hbm>>
    tpu.wait_indirect_dma semaphore(%arg13 : memref<!tpu.dma_semaphore, #tpu.memory_space<semaphore_mem>>) src(%dma_wait3A_351 : memref<10000x32xf32, #tpu.memory_space<hbm>>) dst(%dma_wait3A_345 : memref<80x32xf32, #tpu.memory_space<vmem>>)
    %run_scoped3A_352 = arith.constant 2 : i32
    %run_scoped3A_353 = arith.constant 122 : i32
    "tpu.region"() ({
      %run_scoped3A_387 = tpu.sem_alloc : memref<!tpu.dma_semaphore, #tpu.memory_space<semaphore_mem>>
      %dma_start3A_388 = arith.constant 0 : i32
      %dma_start3A_389 = arith.constant 0 : i32
      %dma_start3A_390 = tpu.memref_slice %arg8[%run_scoped3A_352, %dma_start3A_388, %dma_start3A_389] : memref<8x80x32xf32, #tpu.memory_space<vmem>> -> memref<1x80x32xf32, #tpu.memory_space<vmem>>
      %dma_start3A_391 = tpu.memref_squeeze %dma_start3A_390 : memref<1x80x32xf32, #tpu.memory_space<vmem>> -> memref<80x32xf32, #tpu.memory_space<vmem>>
      %dma_start3A_392 = arith.constant 0 : i32
      %dma_start3A_393 = tpu.memref_slice %arg7[%run_scoped3A_353, %dma_start3A_392] : memref<125x80xi32, #tpu.memory_space<vmem>> -> memref<1x80xi32, #tpu.memory_space<vmem>>
      %dma_start3A_394 = tpu.memref_squeeze %dma_start3A_393 : memref<1x80xi32, #tpu.memory_space<vmem>> -> memref<80xi32, #tpu.memory_space<vmem>>
      %dma_start3A_395 = arith.constant 0 : i32
      %dma_start3A_396 = arith.constant 0 : i32
      %dma_start3A_397 = tpu.memref_slice %arg10[%dma_start3A_395, %dma_start3A_396] : memref<10240x32xf32, #tpu.memory_space<vmem_shared>> -> memref<10240x32xf32, #tpu.memory_space<vmem_shared>>
      tpu.enqueue_indirect_dma source(%dma_start3A_391 : memref<80x32xf32, #tpu.memory_space<vmem>>) target(%dma_start3A_397 : memref<10240x32xf32, #tpu.memory_space<vmem_shared>>) offsets(%dma_start3A_394 : memref<80xi32, #tpu.memory_space<vmem>>) semaphore(%run_scoped3A_387 : memref<!tpu.dma_semaphore, #tpu.memory_space<semaphore_mem>>) {add = true}
      %dma_wait3A_398 = arith.constant 0 : i32
      %dma_wait3A_399 = arith.constant 0 : i32
      %dma_wait3A_400 = tpu.memref_slice %arg8[%run_scoped3A_352, %dma_wait3A_398, %dma_wait3A_399] : memref<8x80x32xf32, #tpu.memory_space<vmem>> -> memref<1x80x32xf32, #tpu.memory_space<vmem>>
      %dma_wait3A_401 = tpu.memref_squeeze %dma_wait3A_400 : memref<1x80x32xf32, #tpu.memory_space<vmem>> -> memref<80x32xf32, #tpu.memory_space<vmem>>
      %dma_wait3A_402 = arith.constant 0 : i32
      %dma_wait3A_403 = tpu.memref_slice %arg7[%run_scoped3A_353, %dma_wait3A_402] : memref<125x80xi32, #tpu.memory_space<vmem>> -> memref<1x80xi32, #tpu.memory_space<vmem>>
      %dma_wait3A_404 = tpu.memref_squeeze %dma_wait3A_403 : memref<1x80xi32, #tpu.memory_space<vmem>> -> memref<80xi32, #tpu.memory_space<vmem>>
      %dma_wait3A_405 = arith.constant 0 : i32
      %dma_wait3A_406 = arith.constant 0 : i32
      %dma_wait3A_407 = tpu.memref_slice %arg10[%dma_wait3A_405, %dma_wait3A_406] : memref<10240x32xf32, #tpu.memory_space<vmem_shared>> -> memref<10240x32xf32, #tpu.memory_space<vmem_shared>>
      tpu.wait_indirect_dma semaphore(%run_scoped3A_387 : memref<!tpu.dma_semaphore, #tpu.memory_space<semaphore_mem>>) src(%dma_wait3A_401 : memref<80x32xf32, #tpu.memory_space<vmem>>) dst(%dma_wait3A_407 : memref<10240x32xf32, #tpu.memory_space<vmem_shared>>)
      tpu.yield
    }) : () -> ()
    %dma_wait3A_354 = arith.constant 123 : i32
    %dma_wait3A_355 = arith.constant 3 : i32
    %dma_wait3A_356 = arith.constant 0 : i32
    %dma_wait3A_357 = arith.constant 0 : i32
    %dma_wait3A_358 = tpu.memref_slice %arg8[%dma_wait3A_355, %dma_wait3A_356, %dma_wait3A_357] : memref<8x80x32xf32, #tpu.memory_space<vmem>> -> memref<1x80x32xf32, #tpu.memory_space<vmem>>
    %dma_wait3A_359 = tpu.memref_squeeze %dma_wait3A_358 : memref<1x80x32xf32, #tpu.memory_space<vmem>> -> memref<80x32xf32, #tpu.memory_space<vmem>>
    %dma_wait3A_360 = arith.constant 0 : i32
    %dma_wait3A_361 = tpu.memref_slice %arg6[%dma_wait3A_354, %dma_wait3A_360] : memref<125x80xi32, #tpu.memory_space<vmem>> -> memref<1x80xi32, #tpu.memory_space<vmem>>
    %dma_wait3A_362 = tpu.memref_squeeze %dma_wait3A_361 : memref<1x80xi32, #tpu.memory_space<vmem>> -> memref<80xi32, #tpu.memory_space<vmem>>
    %dma_wait3A_363 = arith.constant 0 : i32
    %dma_wait3A_364 = arith.constant 0 : i32
    %dma_wait3A_365 = tpu.memref_slice %arg2[%dma_wait3A_363, %dma_wait3A_364] : memref<10000x32xf32, #tpu.memory_space<hbm>> -> memref<10000x32xf32, #tpu.memory_space<hbm>>
    tpu.wait_indirect_dma semaphore(%arg14 : memref<!tpu.dma_semaphore, #tpu.memory_space<semaphore_mem>>) src(%dma_wait3A_365 : memref<10000x32xf32, #tpu.memory_space<hbm>>) dst(%dma_wait3A_359 : memref<80x32xf32, #tpu.memory_space<vmem>>)
    %run_scoped3A_366 = arith.constant 3 : i32
    %run_scoped3A_367 = arith.constant 123 : i32
    "tpu.region"() ({
      %run_scoped3A_387 = tpu.sem_alloc : memref<!tpu.dma_semaphore, #tpu.memory_space<semaphore_mem>>
      %dma_start3A_388 = arith.constant 0 : i32
      %dma_start3A_389 = arith.constant 0 : i32
      %dma_start3A_390 = tpu.memref_slice %arg8[%run_scoped3A_366, %dma_start3A_388, %dma_start3A_389] : memref<8x80x32xf32, #tpu.memory_space<vmem>> -> memref<1x80x32xf32, #tpu.memory_space<vmem>>
      %dma_start3A_391 = tpu.memref_squeeze %dma_start3A_390 : memref<1x80x32xf32, #tpu.memory_space<vmem>> -> memref<80x32xf32, #tpu.memory_space<vmem>>
      %dma_start3A_392 = arith.constant 0 : i32
      %dma_start3A_393 = tpu.memref_slice %arg7[%run_scoped3A_367, %dma_start3A_392] : memref<125x80xi32, #tpu.memory_space<vmem>> -> memref<1x80xi32, #tpu.memory_space<vmem>>
      %dma_start3A_394 = tpu.memref_squeeze %dma_start3A_393 : memref<1x80xi32, #tpu.memory_space<vmem>> -> memref<80xi32, #tpu.memory_space<vmem>>
      %dma_start3A_395 = arith.constant 0 : i32
      %dma_start3A_396 = arith.constant 0 : i32
      %dma_start3A_397 = tpu.memref_slice %arg10[%dma_start3A_395, %dma_start3A_396] : memref<10240x32xf32, #tpu.memory_space<vmem_shared>> -> memref<10240x32xf32, #tpu.memory_space<vmem_shared>>
      tpu.enqueue_indirect_dma source(%dma_start3A_391 : memref<80x32xf32, #tpu.memory_space<vmem>>) target(%dma_start3A_397 : memref<10240x32xf32, #tpu.memory_space<vmem_shared>>) offsets(%dma_start3A_394 : memref<80xi32, #tpu.memory_space<vmem>>) semaphore(%run_scoped3A_387 : memref<!tpu.dma_semaphore, #tpu.memory_space<semaphore_mem>>) {add = true}
      %dma_wait3A_398 = arith.constant 0 : i32
      %dma_wait3A_399 = arith.constant 0 : i32
      %dma_wait3A_400 = tpu.memref_slice %arg8[%run_scoped3A_366, %dma_wait3A_398, %dma_wait3A_399] : memref<8x80x32xf32, #tpu.memory_space<vmem>> -> memref<1x80x32xf32, #tpu.memory_space<vmem>>
      %dma_wait3A_401 = tpu.memref_squeeze %dma_wait3A_400 : memref<1x80x32xf32, #tpu.memory_space<vmem>> -> memref<80x32xf32, #tpu.memory_space<vmem>>
      %dma_wait3A_402 = arith.constant 0 : i32
      %dma_wait3A_403 = tpu.memref_slice %arg7[%run_scoped3A_367, %dma_wait3A_402] : memref<125x80xi32, #tpu.memory_space<vmem>> -> memref<1x80xi32, #tpu.memory_space<vmem>>
      %dma_wait3A_404 = tpu.memref_squeeze %dma_wait3A_403 : memref<1x80xi32, #tpu.memory_space<vmem>> -> memref<80xi32, #tpu.memory_space<vmem>>
      %dma_wait3A_405 = arith.constant 0 : i32
      %dma_wait3A_406 = arith.constant 0 : i32
      %dma_wait3A_407 = tpu.memref_slice %arg10[%dma_wait3A_405, %dma_wait3A_406] : memref<10240x32xf32, #tpu.memory_space<vmem_shared>> -> memref<10240x32xf32, #tpu.memory_space<vmem_shared>>
      tpu.wait_indirect_dma semaphore(%run_scoped3A_387 : memref<!tpu.dma_semaphore, #tpu.memory_space<semaphore_mem>>) src(%dma_wait3A_401 : memref<80x32xf32, #tpu.memory_space<vmem>>) dst(%dma_wait3A_407 : memref<10240x32xf32, #tpu.memory_space<vmem_shared>>)
      tpu.yield
    }) : () -> ()
    %dma_wait3A_368 = arith.constant 124 : i32
    %dma_wait3A_369 = arith.constant 4 : i32
    %dma_wait3A_370 = arith.constant 0 : i32
    %dma_wait3A_371 = arith.constant 0 : i32
    %dma_wait3A_372 = tpu.memref_slice %arg8[%dma_wait3A_369, %dma_wait3A_370, %dma_wait3A_371] : memref<8x80x32xf32, #tpu.memory_space<vmem>> -> memref<1x80x32xf32, #tpu.memory_space<vmem>>
    %dma_wait3A_373 = tpu.memref_squeeze %dma_wait3A_372 : memref<1x80x32xf32, #tpu.memory_space<vmem>> -> memref<80x32xf32, #tpu.memory_space<vmem>>
    %dma_wait3A_374 = arith.constant 0 : i32
    %dma_wait3A_375 = tpu.memref_slice %arg6[%dma_wait3A_368, %dma_wait3A_374] : memref<125x80xi32, #tpu.memory_space<vmem>> -> memref<1x80xi32, #tpu.memory_space<vmem>>
    %dma_wait3A_376 = tpu.memref_squeeze %dma_wait3A_375 : memref<1x80xi32, #tpu.memory_space<vmem>> -> memref<80xi32, #tpu.memory_space<vmem>>
    %dma_wait3A_377 = arith.constant 0 : i32
    %dma_wait3A_378 = arith.constant 0 : i32
    %dma_wait3A_379 = tpu.memref_slice %arg2[%dma_wait3A_377, %dma_wait3A_378] : memref<10000x32xf32, #tpu.memory_space<hbm>> -> memref<10000x32xf32, #tpu.memory_space<hbm>>
    tpu.wait_indirect_dma semaphore(%arg15 : memref<!tpu.dma_semaphore, #tpu.memory_space<semaphore_mem>>) src(%dma_wait3A_379 : memref<10000x32xf32, #tpu.memory_space<hbm>>) dst(%dma_wait3A_373 : memref<80x32xf32, #tpu.memory_space<vmem>>)
    %run_scoped3A_380 = arith.constant 4 : i32
    %run_scoped3A_381 = arith.constant 124 : i32
    "tpu.region"() ({
      %run_scoped3A_387 = tpu.sem_alloc : memref<!tpu.dma_semaphore, #tpu.memory_space<semaphore_mem>>
      %dma_start3A_388 = arith.constant 0 : i32
      %dma_start3A_389 = arith.constant 0 : i32
      %dma_start3A_390 = tpu.memref_slice %arg8[%run_scoped3A_380, %dma_start3A_388, %dma_start3A_389] : memref<8x80x32xf32, #tpu.memory_space<vmem>> -> memref<1x80x32xf32, #tpu.memory_space<vmem>>
      %dma_start3A_391 = tpu.memref_squeeze %dma_start3A_390 : memref<1x80x32xf32, #tpu.memory_space<vmem>> -> memref<80x32xf32, #tpu.memory_space<vmem>>
      %dma_start3A_392 = arith.constant 0 : i32
      %dma_start3A_393 = tpu.memref_slice %arg7[%run_scoped3A_381, %dma_start3A_392] : memref<125x80xi32, #tpu.memory_space<vmem>> -> memref<1x80xi32, #tpu.memory_space<vmem>>
      %dma_start3A_394 = tpu.memref_squeeze %dma_start3A_393 : memref<1x80xi32, #tpu.memory_space<vmem>> -> memref<80xi32, #tpu.memory_space<vmem>>
      %dma_start3A_395 = arith.constant 0 : i32
      %dma_start3A_396 = arith.constant 0 : i32
      %dma_start3A_397 = tpu.memref_slice %arg10[%dma_start3A_395, %dma_start3A_396] : memref<10240x32xf32, #tpu.memory_space<vmem_shared>> -> memref<10240x32xf32, #tpu.memory_space<vmem_shared>>
      tpu.enqueue_indirect_dma source(%dma_start3A_391 : memref<80x32xf32, #tpu.memory_space<vmem>>) target(%dma_start3A_397 : memref<10240x32xf32, #tpu.memory_space<vmem_shared>>) offsets(%dma_start3A_394 : memref<80xi32, #tpu.memory_space<vmem>>) semaphore(%run_scoped3A_387 : memref<!tpu.dma_semaphore, #tpu.memory_space<semaphore_mem>>) {add = true}
      %dma_wait3A_398 = arith.constant 0 : i32
      %dma_wait3A_399 = arith.constant 0 : i32
      %dma_wait3A_400 = tpu.memref_slice %arg8[%run_scoped3A_380, %dma_wait3A_398, %dma_wait3A_399] : memref<8x80x32xf32, #tpu.memory_space<vmem>> -> memref<1x80x32xf32, #tpu.memory_space<vmem>>
      %dma_wait3A_401 = tpu.memref_squeeze %dma_wait3A_400 : memref<1x80x32xf32, #tpu.memory_space<vmem>> -> memref<80x32xf32, #tpu.memory_space<vmem>>
      %dma_wait3A_402 = arith.constant 0 : i32
      %dma_wait3A_403 = tpu.memref_slice %arg7[%run_scoped3A_381, %dma_wait3A_402] : memref<125x80xi32, #tpu.memory_space<vmem>> -> memref<1x80xi32, #tpu.memory_space<vmem>>
      %dma_wait3A_404 = tpu.memref_squeeze %dma_wait3A_403 : memref<1x80xi32, #tpu.memory_space<vmem>> -> memref<80xi32, #tpu.memory_space<vmem>>
      %dma_wait3A_405 = arith.constant 0 : i32
      %dma_wait3A_406 = arith.constant 0 : i32
      %dma_wait3A_407 = tpu.memref_slice %arg10[%dma_wait3A_405, %dma_wait3A_406] : memref<10240x32xf32, #tpu.memory_space<vmem_shared>> -> memref<10240x32xf32, #tpu.memory_space<vmem_shared>>
      tpu.wait_indirect_dma semaphore(%run_scoped3A_387 : memref<!tpu.dma_semaphore, #tpu.memory_space<semaphore_mem>>) src(%dma_wait3A_401 : memref<80x32xf32, #tpu.memory_space<vmem>>) dst(%dma_wait3A_407 : memref<10240x32xf32, #tpu.memory_space<vmem_shared>>)
      tpu.yield
    }) : () -> ()
    %barrier3A_382 = arith.constant 0 : index
    tpu.barrier barrier_id(%barrier3A_382)
    %mul3A_383 = arith.constant 640 : i32
    %mul3A_384 = arith.muli %arg1, %mul3A_383 : i32
    %mul3A_385 = arith.constant 640 : i32
    %mul3A_386 = arith.muli %arg1, %mul3A_385 : i32
    "tpu.region"() ({
      %run_scoped3A_387 = tpu.sem_alloc : memref<!tpu.dma_semaphore, #tpu.memory_space<semaphore_mem>>
      %dma_start3A_388 = arith.constant 0 : i32
      %dma_start3A_389 = arith.constant 0 : i32
      %dma_start3A_390 = tpu.memref_slice %arg5[%arg0, %dma_start3A_388, %dma_start3A_389] : memref<2x10240x32xf32, #tpu.memory_space<hbm>> -> memref<1x10240x32xf32, #tpu.memory_space<hbm>>
      %dma_start3A_391 = tpu.memref_squeeze %dma_start3A_390 : memref<1x10240x32xf32, #tpu.memory_space<hbm>> -> memref<10240x32xf32, #tpu.memory_space<hbm>>
      %dma_start3A_392 = arith.constant 0 : i32
      %dma_start3A_393 = tpu.memref_slice %dma_start3A_391[%mul3A_386, %dma_start3A_392] : memref<10240x32xf32, #tpu.memory_space<hbm>> -> memref<640x32xf32, #tpu.memory_space<hbm>>
      %dma_start3A_394 = arith.constant 0 : i32
      %dma_start3A_395 = tpu.memref_slice %arg10[%mul3A_384, %dma_start3A_394] : memref<10240x32xf32, #tpu.memory_space<vmem_shared>> -> memref<640x32xf32, #tpu.memory_space<vmem_shared>>
      tpu.enqueue_dma source(%dma_start3A_395 : memref<640x32xf32, #tpu.memory_space<vmem_shared>>) target(%dma_start3A_393 : memref<640x32xf32, #tpu.memory_space<hbm>>) target_semaphore(%run_scoped3A_387 : memref<!tpu.dma_semaphore, #tpu.memory_space<semaphore_mem>>)
      %dma_wait3A_396 = arith.constant 0 : i32
      %dma_wait3A_397 = arith.constant 0 : i32
      %dma_wait3A_398 = tpu.memref_slice %arg5[%arg0, %dma_wait3A_396, %dma_wait3A_397] : memref<2x10240x32xf32, #tpu.memory_space<hbm>> -> memref<1x10240x32xf32, #tpu.memory_space<hbm>>
      %dma_wait3A_399 = tpu.memref_squeeze %dma_wait3A_398 : memref<1x10240x32xf32, #tpu.memory_space<hbm>> -> memref<10240x32xf32, #tpu.memory_space<hbm>>
      %dma_wait3A_400 = arith.constant 0 : i32
      %dma_wait3A_401 = tpu.memref_slice %dma_wait3A_399[%mul3A_386, %dma_wait3A_400] : memref<10240x32xf32, #tpu.memory_space<hbm>> -> memref<640x32xf32, #tpu.memory_space<hbm>>
      %dma_wait3A_402 = arith.constant 0 : i32
      %dma_wait3A_403 = tpu.memref_slice %arg10[%mul3A_384, %dma_wait3A_402] : memref<10240x32xf32, #tpu.memory_space<vmem_shared>> -> memref<640x32xf32, #tpu.memory_space<vmem_shared>>
      tpu.wait_dma2 semaphore(%run_scoped3A_387 : memref<!tpu.dma_semaphore, #tpu.memory_space<semaphore_mem>>) src(%dma_wait3A_403 : memref<640x32xf32, #tpu.memory_space<vmem_shared>>) dst(%dma_wait3A_401 : memref<640x32xf32, #tpu.memory_space<hbm>>)
      tpu.yield
    }) : () -> ()
    return
  }
}

module attributes {stable_mosaic.version = 14 : i64} {
  func.func @_dense0_body(%arg0: memref<10000x128xf32, #tpu.memory_space<vmem>>, %arg1: memref<128x16xf32, #tpu.memory_space<vmem>>, %arg2: memref<1x16xf32, #tpu.memory_space<vmem>>, %arg3: memref<16x32xf32, #tpu.memory_space<vmem>>, %arg4: memref<10000x16xf32, #tpu.memory_space<vmem>>, %arg5: memref<10000x32xf32, #tpu.memory_space<vmem>>) attributes {dimension_semantics = [], scalar_prefetch = 0 : i64, scratch_operands = 0 : i64, tpu.core_type = #tpu.core_type<tc>} {
    %get3A = arith.constant 0 : index
    %get3A_0 = arith.constant 0 : index
    %get3A_1 = vector.load %arg0[%get3A, %get3A_0] : memref<10000x128xf32, #tpu.memory_space<vmem>>, vector<10000x128xf32>
    %get3A_2 = arith.constant 0 : index
    %get3A_3 = arith.constant 0 : index
    %get3A_4 = vector.load %arg1[%get3A_2, %get3A_3] : memref<128x16xf32, #tpu.memory_space<vmem>>, vector<128x16xf32>
    %dot_general3A = arith.constant dense<0.000000e+00> : vector<10000x16xf32>
    %dot_general3A_5 = tpu.matmul %get3A_1, %get3A_4, %dot_general3A {dimension_numbers = #tpu.dot_dimension_numbers<[1], [0], [0], [1], [0, 0, 1, 1], [], []>, transpose_lhs_hint = false} : vector<10000x128xf32>, vector<128x16xf32>, vector<10000x16xf32> -> vector<10000x16xf32>
    %get3A_6 = arith.constant 0 : index
    %get3A_7 = arith.constant 0 : index
    %get3A_8 = vector.load %arg2[%get3A_6, %get3A_7] : memref<1x16xf32, #tpu.memory_space<vmem>>, vector<1x16xf32>
    %add3A = vector.broadcast %get3A_8 : vector<1x16xf32> to vector<10000x16xf32>
    %add3A_9 = arith.addf %dot_general3A_5, %add3A : vector<10000x16xf32>
    %max3A = arith.constant 0.000000e+00 : f32
    %max3A_10 = vector.broadcast %max3A : f32 to vector<10000x16xf32>
    %max3A_11 = arith.maximumf %add3A_9, %max3A_10 : vector<10000x16xf32>
    %swap3A = arith.constant 0 : index
    %swap3A_12 = arith.constant 0 : index
    %swap3A_13 = vector.load %arg4[%swap3A, %swap3A_12] : memref<10000x16xf32, #tpu.memory_space<vmem>>, vector<10000x16xf32>
    tpu.vector_store %arg4[%swap3A, %swap3A_12], %max3A_11 {strides = array<i32>} : memref<10000x16xf32, #tpu.memory_space<vmem>>, vector<10000x16xf32>,
    %get3A_14 = arith.constant 0 : index
    %get3A_15 = arith.constant 0 : index
    %get3A_16 = vector.load %arg3[%get3A_14, %get3A_15] : memref<16x32xf32, #tpu.memory_space<vmem>>, vector<16x32xf32>
    %dot_general3A_17 = arith.constant dense<0.000000e+00> : vector<10000x32xf32>
    %dot_general3A_18 = tpu.matmul %max3A_11, %get3A_16, %dot_general3A_17 {dimension_numbers = #tpu.dot_dimension_numbers<[1], [0], [0], [1], [0, 0, 1, 1], [], []>, transpose_lhs_hint = false} : vector<10000x16xf32>, vector<16x32xf32>, vector<10000x32xf32> -> vector<10000x32xf32>
    %max3A_19 = arith.constant 0.000000e+00 : f32
    %max3A_20 = vector.broadcast %max3A_19 : f32 to vector<10000x32xf32>
    %max3A_21 = arith.maximumf %dot_general3A_18, %max3A_20 : vector<10000x32xf32>
    %swap3A_22 = arith.constant 0 : index
    %swap3A_23 = arith.constant 0 : index
    %swap3A_24 = vector.load %arg5[%swap3A_22, %swap3A_23] : memref<10000x32xf32, #tpu.memory_space<vmem>>, vector<10000x32xf32>
    tpu.vector_store %arg5[%swap3A_22, %swap3A_23], %max3A_21 {strides = array<i32>} : memref<10000x32xf32, #tpu.memory_space<vmem>>, vector<10000x32xf32>,
    return
  }
}

module attributes {stable_mosaic.version = 14 : i64} {
  func.func @_dense_mid_body(%arg0: memref<2x10240x32xf32, #tpu.memory_space<vmem>>, %arg1: memref<10000x16xf32, #tpu.memory_space<vmem>>, %arg2: memref<32x16xf32, #tpu.memory_space<vmem>>, %arg3: memref<16x16xf32, #tpu.memory_space<vmem>>, %arg4: memref<16x32xf32, #tpu.memory_space<vmem>>, %arg5: memref<10000x16xf32, #tpu.memory_space<vmem>>, %arg6: memref<10000x32xf32, #tpu.memory_space<vmem>>) attributes {dimension_semantics = [], scalar_prefetch = 0 : i64, scratch_operands = 0 : i64, tpu.core_type = #tpu.core_type<tc>} {
    %get3A = arith.constant 0 : index
    %get3A_0 = arith.constant 0 : index
    %get3A_1 = arith.constant 0 : index
    %get3A_2 = vector.load %arg0[%get3A, %get3A_0, %get3A_1] : memref<2x10240x32xf32, #tpu.memory_space<vmem>>, vector<1x10000x32xf32>
    %get3A_3 = vector.shape_cast %get3A_2 : vector<1x10000x32xf32> to vector<10000x32xf32>
    %get3A_4 = arith.constant 1 : index
    %get3A_5 = arith.constant 0 : index
    %get3A_6 = arith.constant 0 : index
    %get3A_7 = vector.load %arg0[%get3A_4, %get3A_5, %get3A_6] : memref<2x10240x32xf32, #tpu.memory_space<vmem>>, vector<1x10000x32xf32>
    %get3A_8 = vector.shape_cast %get3A_7 : vector<1x10000x32xf32> to vector<10000x32xf32>
    %add3A = arith.addf %get3A_3, %get3A_8 : vector<10000x32xf32>
    %get3A_9 = arith.constant 0 : index
    %get3A_10 = arith.constant 0 : index
    %get3A_11 = vector.load %arg2[%get3A_9, %get3A_10] : memref<32x16xf32, #tpu.memory_space<vmem>>, vector<32x16xf32>
    %dot_general3A = arith.constant dense<0.000000e+00> : vector<10000x16xf32>
    %dot_general3A_12 = tpu.matmul %add3A, %get3A_11, %dot_general3A {dimension_numbers = #tpu.dot_dimension_numbers<[1], [0], [0], [1], [0, 0, 1, 1], [], []>, transpose_lhs_hint = false} : vector<10000x32xf32>, vector<32x16xf32>, vector<10000x16xf32> -> vector<10000x16xf32>
    %get3A_13 = arith.constant 0 : index
    %get3A_14 = arith.constant 0 : index
    %get3A_15 = vector.load %arg1[%get3A_13, %get3A_14] : memref<10000x16xf32, #tpu.memory_space<vmem>>, vector<10000x16xf32>
    %get3A_16 = arith.constant 0 : index
    %get3A_17 = arith.constant 0 : index
    %get3A_18 = vector.load %arg3[%get3A_16, %get3A_17] : memref<16x16xf32, #tpu.memory_space<vmem>>, vector<16x16xf32>
    %dot_general3A_19 = arith.constant dense<0.000000e+00> : vector<10000x16xf32>
    %dot_general3A_20 = tpu.matmul %get3A_15, %get3A_18, %dot_general3A_19 {dimension_numbers = #tpu.dot_dimension_numbers<[1], [0], [0], [1], [0, 0, 1, 1], [], []>, transpose_lhs_hint = false} : vector<10000x16xf32>, vector<16x16xf32>, vector<10000x16xf32> -> vector<10000x16xf32>
    %add3A_21 = arith.addf %dot_general3A_12, %dot_general3A_20 : vector<10000x16xf32>
    %max3A = arith.constant 0.000000e+00 : f32
    %max3A_22 = vector.broadcast %max3A : f32 to vector<10000x16xf32>
    %max3A_23 = arith.maximumf %add3A_21, %max3A_22 : vector<10000x16xf32>
    %mul3A = arith.mulf %max3A_23, %max3A_23 : vector<10000x16xf32>
    %reduce_sum3A = arith.constant dense<0.000000e+00> : vector<10000xf32>
    %reduce_sum3A_24 = vector.multi_reduction <add>, %mul3A, %reduce_sum3A [1] : vector<10000x16xf32> to vector<10000xf32>
    %broadcast_in_dim3A = vector.shape_cast %reduce_sum3A_24 : vector<10000xf32> to vector<10000x1xf32>
    %max3A_25 = arith.constant 9.99999996E-13 : f32
    %max3A_26 = vector.broadcast %max3A_25 : f32 to vector<10000x1xf32>
    %max3A_27 = arith.maximumf %broadcast_in_dim3A, %max3A_26 : vector<10000x1xf32>
    %sqrt3A = math.sqrt %max3A_27 : vector<10000x1xf32>
    %div3A = vector.broadcast %sqrt3A : vector<10000x1xf32> to vector<10000x16xf32>
    %div3A_28 = arith.divf %max3A_23, %div3A : vector<10000x16xf32>
    %swap3A = arith.constant 0 : index
    %swap3A_29 = arith.constant 0 : index
    %swap3A_30 = vector.load %arg5[%swap3A, %swap3A_29] : memref<10000x16xf32, #tpu.memory_space<vmem>>, vector<10000x16xf32>
    tpu.vector_store %arg5[%swap3A, %swap3A_29], %div3A_28 {strides = array<i32>} : memref<10000x16xf32, #tpu.memory_space<vmem>>, vector<10000x16xf32>,
    %get3A_31 = arith.constant 0 : index
    %get3A_32 = arith.constant 0 : index
    %get3A_33 = vector.load %arg4[%get3A_31, %get3A_32] : memref<16x32xf32, #tpu.memory_space<vmem>>, vector<16x32xf32>
    %dot_general3A_34 = arith.constant dense<0.000000e+00> : vector<10000x32xf32>
    %dot_general3A_35 = tpu.matmul %div3A_28, %get3A_33, %dot_general3A_34 {dimension_numbers = #tpu.dot_dimension_numbers<[1], [0], [0], [1], [0, 0, 1, 1], [], []>, transpose_lhs_hint = false} : vector<10000x16xf32>, vector<16x32xf32>, vector<10000x32xf32> -> vector<10000x32xf32>
    %max3A_36 = arith.constant 0.000000e+00 : f32
    %max3A_37 = vector.broadcast %max3A_36 : f32 to vector<10000x32xf32>
    %max3A_38 = arith.maximumf %dot_general3A_35, %max3A_37 : vector<10000x32xf32>
    %swap3A_39 = arith.constant 0 : index
    %swap3A_40 = arith.constant 0 : index
    %swap3A_41 = vector.load %arg6[%swap3A_39, %swap3A_40] : memref<10000x32xf32, #tpu.memory_space<vmem>>, vector<10000x32xf32>
    tpu.vector_store %arg6[%swap3A_39, %swap3A_40], %max3A_38 {strides = array<i32>} : memref<10000x32xf32, #tpu.memory_space<vmem>>, vector<10000x32xf32>,
    return
  }
}

module attributes {stable_mosaic.version = 14 : i64} {
  func.func @_dense_fin_body(%arg0: memref<2x10240x32xf32, #tpu.memory_space<vmem>>, %arg1: memref<10000x16xf32, #tpu.memory_space<vmem>>, %arg2: memref<32x16xf32, #tpu.memory_space<vmem>>, %arg3: memref<16x16xf32, #tpu.memory_space<vmem>>, %arg4: memref<16x27xf32, #tpu.memory_space<vmem>>, %arg5: memref<1x27xf32, #tpu.memory_space<vmem>>, %arg6: memref<1x27xf32, #tpu.memory_space<vmem>>) attributes {dimension_semantics = [], scalar_prefetch = 0 : i64, scratch_operands = 0 : i64, tpu.core_type = #tpu.core_type<tc>} {
    %get3A = arith.constant 0 : index
    %get3A_0 = arith.constant 0 : index
    %get3A_1 = arith.constant 0 : index
    %get3A_2 = vector.load %arg0[%get3A, %get3A_0, %get3A_1] : memref<2x10240x32xf32, #tpu.memory_space<vmem>>, vector<1x10000x32xf32>
    %get3A_3 = vector.shape_cast %get3A_2 : vector<1x10000x32xf32> to vector<10000x32xf32>
    %get3A_4 = arith.constant 1 : index
    %get3A_5 = arith.constant 0 : index
    %get3A_6 = arith.constant 0 : index
    %get3A_7 = vector.load %arg0[%get3A_4, %get3A_5, %get3A_6] : memref<2x10240x32xf32, #tpu.memory_space<vmem>>, vector<1x10000x32xf32>
    %get3A_8 = vector.shape_cast %get3A_7 : vector<1x10000x32xf32> to vector<10000x32xf32>
    %add3A = arith.addf %get3A_3, %get3A_8 : vector<10000x32xf32>
    %get3A_9 = arith.constant 0 : index
    %get3A_10 = arith.constant 0 : index
    %get3A_11 = vector.load %arg2[%get3A_9, %get3A_10] : memref<32x16xf32, #tpu.memory_space<vmem>>, vector<32x16xf32>
    %dot_general3A = arith.constant dense<0.000000e+00> : vector<10000x16xf32>
    %dot_general3A_12 = tpu.matmul %add3A, %get3A_11, %dot_general3A {dimension_numbers = #tpu.dot_dimension_numbers<[1], [0], [0], [1], [0, 0, 1, 1], [], []>, transpose_lhs_hint = false} : vector<10000x32xf32>, vector<32x16xf32>, vector<10000x16xf32> -> vector<10000x16xf32>
    %get3A_13 = arith.constant 0 : index
    %get3A_14 = arith.constant 0 : index
    %get3A_15 = vector.load %arg1[%get3A_13, %get3A_14] : memref<10000x16xf32, #tpu.memory_space<vmem>>, vector<10000x16xf32>
    %get3A_16 = arith.constant 0 : index
    %get3A_17 = arith.constant 0 : index
    %get3A_18 = vector.load %arg3[%get3A_16, %get3A_17] : memref<16x16xf32, #tpu.memory_space<vmem>>, vector<16x16xf32>
    %dot_general3A_19 = arith.constant dense<0.000000e+00> : vector<10000x16xf32>
    %dot_general3A_20 = tpu.matmul %get3A_15, %get3A_18, %dot_general3A_19 {dimension_numbers = #tpu.dot_dimension_numbers<[1], [0], [0], [1], [0, 0, 1, 1], [], []>, transpose_lhs_hint = false} : vector<10000x16xf32>, vector<16x16xf32>, vector<10000x16xf32> -> vector<10000x16xf32>
    %add3A_21 = arith.addf %dot_general3A_12, %dot_general3A_20 : vector<10000x16xf32>
    %max3A = arith.constant 0.000000e+00 : f32
    %max3A_22 = vector.broadcast %max3A : f32 to vector<10000x16xf32>
    %max3A_23 = arith.maximumf %add3A_21, %max3A_22 : vector<10000x16xf32>
    %mul3A = arith.mulf %max3A_23, %max3A_23 : vector<10000x16xf32>
    %reduce_sum3A = arith.constant dense<0.000000e+00> : vector<10000xf32>
    %reduce_sum3A_24 = vector.multi_reduction <add>, %mul3A, %reduce_sum3A [1] : vector<10000x16xf32> to vector<10000xf32>
    %broadcast_in_dim3A = vector.shape_cast %reduce_sum3A_24 : vector<10000xf32> to vector<10000x1xf32>
    %max3A_25 = arith.constant 9.99999996E-13 : f32
    %max3A_26 = vector.broadcast %max3A_25 : f32 to vector<10000x1xf32>
    %max3A_27 = arith.maximumf %broadcast_in_dim3A, %max3A_26 : vector<10000x1xf32>
    %sqrt3A = math.sqrt %max3A_27 : vector<10000x1xf32>
    %div3A = vector.broadcast %sqrt3A : vector<10000x1xf32> to vector<10000x16xf32>
    %div3A_28 = arith.divf %max3A_23, %div3A : vector<10000x16xf32>
    %reduce_sum3A_29 = arith.constant dense<0.000000e+00> : vector<16xf32>
    %reduce_sum3A_30 = vector.multi_reduction <add>, %div3A_28, %reduce_sum3A_29 [0] : vector<10000x16xf32> to vector<16xf32>
    %broadcast_in_dim3A_31 = vector.shape_cast %reduce_sum3A_30 : vector<16xf32> to vector<1x16xf32>
    %get3A_32 = arith.constant 0 : index
    %get3A_33 = arith.constant 0 : index
    %get3A_34 = vector.load %arg4[%get3A_32, %get3A_33] : memref<16x27xf32, #tpu.memory_space<vmem>>, vector<16x27xf32>
    %dot_general3A_35 = arith.constant dense<0.000000e+00> : vector<1x27xf32>
    %dot_general3A_36 = tpu.matmul %broadcast_in_dim3A_31, %get3A_34, %dot_general3A_35 {dimension_numbers = #tpu.dot_dimension_numbers<[1], [0], [0], [1], [0, 0, 1, 1], [], []>, transpose_lhs_hint = false} : vector<1x16xf32>, vector<16x27xf32>, vector<1x27xf32> -> vector<1x27xf32>
    %get3A_37 = arith.constant 0 : index
    %get3A_38 = arith.constant 0 : index
    %get3A_39 = vector.load %arg5[%get3A_37, %get3A_38] : memref<1x27xf32, #tpu.memory_space<vmem>>, vector<1x27xf32>
    %add3A_40 = arith.addf %dot_general3A_36, %get3A_39 : vector<1x27xf32>
    %swap3A = arith.constant 0 : index
    %swap3A_41 = arith.constant 0 : index
    %swap3A_42 = vector.load %arg6[%swap3A, %swap3A_41] : memref<1x27xf32, #tpu.memory_space<vmem>>, vector<1x27xf32>
    tpu.vector_store %arg6[%swap3A, %swap3A_41], %add3A_40 {strides = array<i32>} : memref<1x27xf32, #tpu.memory_space<vmem>>, vector<1x27xf32>,
    return
  }
}

</mosaic_0001>

<sc_bundles>
// kernel: kernel.10.cloned.1.call-start
scs
__scs_entry_jumppad:
0x0: {  	(pc) =	sbr.rel $0x88, $3  }
0x1: {  	(tag) =	ssettag $0x0;
	lr =	simm.s32 $0x1  }
0x2: {  	[smem:$0x3F98] =	sst lr;
	_ =	strace $0xD0000000  }
0x3: {  	_ = 	snop  }
0x4: {  	_ = 	snop  }
0x5: {  	_ = 	snop  }
0x6: {  	_ = 	snop  }
0x7: {  	_ = 	snop  }
__scs_overlays_trampoline_lowered:
0x8: {  	[smem:$0x3FA7] =	sst s0  }
0x9: {  	[smem:$0x3FA8] =	sst s1  }
0xa: {  	[smem:$0x3FA9] =	sst s2  }
0xb: {  	[smem:$0x3FAA] =	sst s3  }
0xc: {  	[smem:$0x3FAB] =	sst s4  }
0xd: {  	[smem:$0x3FAC] =	sst s5  }
0xe: {  	[smem:$0x3FAD] =	sst s6  }
0xf: {  	[smem:$0x3FAE] =	sst s7  }
0x10: {  	[smem:$0x3FAF] =	sst s8  }
0x11: {  	[smem:$0x3FB0] =	sst s9;
	s0 =	simm.s32 @!p0 $0x0  }
0x12: {  	s1 =	sld [smem:$0x3F96];
	s0 =	simm.s32 @p0 $0x1  }
0x13: {  	[smem:$0x3FB1] =	sst s0;
	s0 =	simm.s32 @!p1 $0x0  }
0x14: {  	s2 =	sld [smem:$0x3F95];
	s0 =	simm.s32 @p1 $0x1  }
0x15: {  	[smem:$0x3FB2] =	sst s0;
	s0 =	simm.s32 @!p2 $0x0  }
0x16: {  	s3 =	sld [smem:$0x3FDB];
	s0 =	simm.s32 @p2 $0x1  }
0x17: {  	s4 =	simm.s32 $0x1BF5;
	[smem:$0x3FB4] =	sst s0  }
0x18: {  	s0 =	sld [smem:$0x3F97];
	_ =	swait.ge [sflag:s4], $0x0  }
0x19: {  	s7 =	sld [smem:$0x3F98]  }
0x1a: {  	s8 =	sadd.s32 $0xFFFFE003, lr  }
0x1b: {  	s9 =	sadd.s32 $0xFFFFFEF7, lr;
	s5 =	simm.s32 $0xFFFFFFFF;
	p2 =	slt.u32 s8, $0xFFFFF086  }
0x1c: {  	p1 =	slt.u32 s9, $0xF7A;
	s5 =	simm.s32 @!p2 $0x0  }
0x1d: {  	s5 =	simm.s32 @p1 $0x1;
	p0 =	seq.s32 s7, s2  }
0x1e: {  	s7 =	smul.u32 @!p0 $0xF7A, s2;
	p2 =	seq.s32 @!p0 s5, $0x0  }
0x1f: {  	s9 =	smul.u32 $0xF7A, s1;
	s8 =	simm.s32 @!p0 $0x1BF5;
	p2 =	por !p2, p0  }
0x20: {  	[sflag:s8] =	ssyncset.s32 @!p0 $0xFFFFF086;
	s6 =	sadd.s32 @!p0 s3, s7;
	s7 =	simm.s32 @!p0 $0x108  }
0x21: {  	s3 =	sadd.s32 s3, s9;
	s6 =	sadd.s32 @!p0 $0x88, s6;
	s7 =	simm.s32 @p2 $0x1082  }
0x22: {  	[simem:s7], [sflag:s8] =	dma.local @!p0 [hbm:s6], $0xF7A  }
0x23: {  	s9 =	sor.u32 $0xD0000000, s2;
	s6 =	simm.s32 $0x108;
	_ =	swait.ge @!p0 [sflag:s8], $0x0  }
0x24: {  	s3 =	sadd.s32 $0x88, s3;
	s6 =	simm.s32 @!p1 $0x1082;
	[sflag:s4] =	ssyncset.s32 $0xFFFFF086  }
0x25: {  	[simem:s6], [sflag:s4] =	dma.local [hbm:s3], $0xF7A  }
0x26: {  	[smem:$0x3F98] =	sst s1;
	(tag) =	ssettag s2;
	_ =	strace s9  }
0x27: {  	s1 =	sld [smem:$0x3FA8]  }
0x28: {  	s2 =	sld [smem:$0x3FA9]  }
0x29: {  	s4 =	sld [smem:$0x3FAB]  }
0x2a: {  	p0 =	seq.s32 s5, $0x0;
	s5 =	sld [smem:$0x3FAC]  }
0x2b: {  	s6 =	sld [smem:$0x3FAD]  }
0x2c: {  	s7 =	sld [smem:$0x3FAE]  }
0x2d: {  	s3 =	simm.s32 $0x108;
	s8 =	sld [smem:$0x3FAF]  }
0x2e: {  	s3 =	simm.s32 @!p0 $0x1082;
	s9 =	sld [smem:$0x3FB0]  }
0x2f: {  	lr =	sadd.s32 s0, s3;
	s0 =	sld [smem:$0x3FA7]  }
0x30: {  	s3 =	sld [smem:$0x3FAA]  }
0x31: {  	[smem:$0x3FB3] =	sst s10  }
0x32: {  	s10 =	sld [smem:$0x3FB1];
	_ =	sdelay $0x3  }
0x33: {  	p0 =	seq.s32 s10, $0x1;
	s10 =	sld [smem:$0x3FB3];
	_ =	sdelay $0x3  }
0x34: {  	[smem:$0x3FB3] =	sst s10  }
0x35: {  	s10 =	sld [smem:$0x3FB2];
	_ =	sdelay $0x3  }
0x36: {  	p1 =	seq.s32 s10, $0x1;
	s10 =	sld [smem:$0x3FB3];
	_ =	sdelay $0x3  }
0x37: {  	[smem:$0x3FB3] =	sst s10  }
0x38: {  	s10 =	sld [smem:$0x3FB4]  }
0x39: {  	_ = 	snop;
	(pc) =	sbr.ind lr, $3  }
0x3a: {  	_ = 	snop  }
0x3b: {  	_ = 	snop  }
0x3c: {  	p2 =	seq.s32 s10, $0x1;
	s10 =	sld [smem:$0x3FB3]  }
0x3d: {  	_ =	shalt  }
0x3e: {  	_ =	shalt  }
0x3f: {  	_ =	shalt  }
0x40: {  	_ =	shalt  }
0x41: {  	_ =	shalt  }
0x42: {  	_ =	shalt  }
0x43: {  	_ =	shalt  }
0x44: {  	_ =	shalt  }
0x45: {  	_ =	shalt  }
0x46: {  	_ =	shalt  }
0x47: {  	_ =	shalt  }
0x48: {  	_ =	shalt  }
0x49: {  	_ =	shalt  }
0x4a: {  	_ =	shalt  }
0x4b: {  	_ =	shalt  }
0x4c: {  	_ =	shalt  }
0x4d: {  	_ =	shalt  }
0x4e: {  	_ =	shalt  }
0x4f: {  	_ =	shalt  }
0x50: {  	_ =	shalt  }
0x51: {  	_ =	shalt  }
0x52: {  	_ =	shalt  }
0x53: {  	_ =	shalt  }
0x54: {  	_ =	shalt  }
0x55: {  	_ =	shalt  }
0x56: {  	_ =	shalt  }
0x57: {  	_ =	shalt  }
0x58: {  	_ =	shalt  }
0x59: {  	_ =	shalt  }
0x5a: {  	_ =	shalt  }
0x5b: {  	_ =	shalt  }
0x5c: {  	_ =	shalt  }
0x5d: {  	_ =	shalt  }
0x5e: {  	_ =	shalt  }
0x5f: {  	_ =	shalt  }
0x60: {  	_ =	shalt  }
0x61: {  	_ =	shalt  }
0x62: {  	_ =	shalt  }
0x63: {  	_ =	shalt  }
0x64: {  	_ =	shalt  }
0x65: {  	_ =	shalt  }
0x66: {  	_ =	shalt  }
0x67: {  	_ =	shalt  }
0x68: {  	_ =	shalt  }
0x69: {  	_ =	shalt  }
0x6a: {  	_ =	shalt  }
0x6b: {  	_ =	shalt  }
0x6c: {  	_ =	shalt  }
0x6d: {  	_ =	shalt  }
0x6e: {  	_ =	shalt  }
0x6f: {  	_ =	shalt  }
0x70: {  	_ =	shalt  }
0x71: {  	_ =	shalt  }
0x72: {  	_ =	shalt  }
0x73: {  	_ =	shalt  }
0x74: {  	_ =	shalt  }
0x75: {  	_ =	shalt  }
0x76: {  	_ =	shalt  }
0x77: {  	_ =	shalt  }
0x78: {  	_ =	shalt  }
0x79: {  	_ =	shalt  }
0x7a: {  	_ =	shalt  }
0x7b: {  	_ =	shalt  }
0x7c: {  	_ =	shalt  }
0x7d: {  	_ =	shalt  }
0x7e: {  	_ =	shalt  }
0x7f: {  	_ =	shalt  }
0x80: {  	_ =	shalt  }
0x81: {  	_ =	shalt  }
0x82: {  	_ =	shalt  }
0x83: {  	_ =	shalt  }
0x84: {  	_ =	shalt  }
0x85: {  	_ =	shalt  }
0x86: {  	_ =	shalt  }
0x87: {  	_ =	shalt  }
.Lfunc_end0:
.L_simem_size_0:
called_computation.1_lowered:
.L_overlay_start_0:
0x88: {  	s2 =	sld [smem:$0x3FD9]  }
0x89: {  	s3 =	sld [smem:$0x3FFE];
	_ =	sdelay $0x1  }
0x8a: {  	s1 =	srdreg.scid  }
0x8b: {  	s0 =	sand.u32 $0x1, s1  }
0x8c: {  	s16 =	sshll.u32 s0, $0xA;
	s2 =	sadd.s32 s3, s2  }
0x8d: {  	s2 =	sadd.s32 s2, s16  }
0x8e: {  	[smem:$0x3FBF] =	sst s2  }
0x8f: {  	_ = 	snop  }
0x90: {  	(tm) =	ssettm $0x1  }
0x91: {  	s17 =	sld [smem:$0x3FFB];
	_ =	sdelay $0x3  }
0x92: {  	_ =	strace s17  }
0x93: {  	s2 =	sld [smem:$0x3FFC];
	_ =	sdelay $0x3  }
0x94: {  	_ =	strace s2  }
0x95: {  	s2 =	sld [smem:$0x3FFD];
	_ =	sdelay $0x3  }
0x96: {  	_ =	strace s2  }
0x97: {  	_ =	strace $0x8FFFFFFF  }
0x98: {  	s18 =	sld [smem:$0x3FDB];
	_ =	sdelay $0x1  }
0x99: {  	s19 =	simm.s32 $_scs_section_size  }
0x9a: {  	s4 =	simm.s32 $_size__tile_overlayer_lowered;
	s5 =	simm.s32 $_tile_overlayer_lowered  }
0x9b: {  	s22 =	simm.s32 $0x1BFF;
	s21 =	sshll.u32 s5, $0x1;
	s2 =	sadd.s32 s19, s18  }
0x9c: {  	s6 =	simm.s32 $0x0;
	s20 =	sshll.u32 s4, $0x1;
	s4 =	sadd.s32 s21, s2  }
0x9d: {  	[timem:s6], [sflag:s22] =	dma.local [hbm:s4], s20  }
0x9e: {  	_ =	swait.ge [sflag:s22], s20  }
0x9f: {  	s3 =	ssub.s32 $0x0, s20;
	[sflag:s22] =	ssyncset.done $0x0  }
0xa0: {  	[sflag:s22] =	ssyncadd.s32 s3;
	_ =	sdelay $0x1  }
0xa1: {  	s23 =	simm.s32 $0x1B8B  }
0xa2: {  	_ =	swait.ge [sflag:s23], $0x1  }
0xa3: {  	[sflag:s23] =	ssyncset.done $0x0  }
0xa4: {  	s25 =	simm.s32 $0x1B8E;
	s24 =	sld [smem:$0x3FFE];
	[sflag:s23] =	ssyncadd.s32 $0xFFFFFFFF  }
0xa5: {  	s26 =	simm.s32 $execute0_lowered;
	[smem:$0x3FD2] =	sst s25  }
0xa6: {  	s4 =	sshll.u32 s26, $0x1;
	_ =	strace $0x80000049;
	[dreg:$0x1] =	wrdreg $0xFFFFFFFF  }
0xa7: {  	s28 =	simm.s32 $_size_execute0_lowered;
	s2 =	sadd.s32 s2, s4;
	[dreg:$0x0] =	wrdreg $0x0  }
0xa8: {  	s4 =	sshll.u32 s28, $0x1;
	[dreg:$0x2] =	wrdreg s2  }
0xa9: {  	[dreg:$0x3] =	wrdreg s4  }
0xaa: {  	[dreg:$0x4] =	wrdreg $0xC0  }
0xab: {  	_ =	task [dreg:s6], $0x5FFFF  }
0xac: {  	[dreg:$0x1] =	wrdreg $0xFFFFFFFF  }
0xad: {  	[dreg:$0x0] =	wrdreg $0x60  }
0xae: {  	[dreg:$0x2] =	wrdreg s24  }
0xaf: {  	[dreg:$0x3] =	wrdreg $0xEE200  }
0xb0: {  	[dreg:$0x4] =	wrdreg $0x9  }
0xb1: {  	_ =	task.clear_ibuf [dreg:s6], $0x5FFFF;
	_ =	strace $0x90000049  }
0xb2: {  	s29 =	simm.s32 $0x9;
	_ =	strace $0x8000004B  }
0xb3: {  	_ =	swait.ge [sflag:s29], $0x1  }
0xb4: {  	[sflag:s29] =	ssyncadd.s32 $0xFFFFFFFF  }
0xb5: {  	_ =	strace $0x9000004B  }
0xb6: {  	_ =	sfence  }
0xb7: {  	s30 =	sld [smem:$0x0];
	_ =	sdelay $0x2  }
0xb8: {  	s31 =	sshll.u32 s1, $0xD;
	s1 =	sshrl.u32 s1, $0x2  }
0xb9: {  	s3 =	sand.u32 $0x4000, s31;
	s1 =	sadd.s32 s1, s30  }
0xba: {  	s0 =	sor.u32 s3, s0;
	s1 =	sshll.u32 s1, $0x11  }
0xbb: {  	s0 =	sor.u32 s1, s0  }
0xbc: {  	s0 =	sadd.s32 $0x8F2B, s0  }
0xbd: {  	[sflag:s0] =	ssyncadd.remote.s32 $0x1  }
0xbe: {  	_ =	sfence.sel $0xFFFF  }
0xbf: {  	[dreg:$0x0] =	wrdreg $0xFFFFFFFF;
	(pc) =	sbr.abs _section_cstart, $3  }
0xc0: {  	[dreg:$0x1] =	wrdreg $0xFFFFFFFF  }
0xc1: {  	_ =	task.clear_ibuf [dreg:s6], $0x2FFFF;
	_ =	strace $0x9FFFFFFF  }
0xc2: {  	(tm) =	ssettm $0x7FFFFFFF  }
0xc3: {  	_ =	shalt  }
tec
execute0_lowered:
.L_overlay_start_1:
0x0: {  	(tag) =	ssettag $0x1  }
0x1: {  	s0 =	rddreg [dreg:$0x0];
	s1 =	srdreg.scid  }
0x2: {  	s2 =	rddreg [dreg:$0x1];
	s3 =	stileid.u32  }
0x3: {  	s4 =	simm.s32 $0x0;
	s10 =	simm.s32 $0x1;
	s11 =	simm.s32 $0x2  }
0x4: {  	s12 =	simm.s32 $0x50;
	s13 =	simm.s32 $0x4E20;
	s14 =	simm.s32 $0x5820  }
0x5: {  	s16 =	simm.s32 $0x6220;
	s18 =	simm.s32 $0x6C20;
	s20 =	simm.s32 $0x7620  }
0x6: {  	s22 =	simm.s32 $0x8020;
	s28 =	simm.s32 $0x9;
	s29 =	simm.s32 $0x9420  }
0x7: {  	s30 =	simm.s32 $0x3;
	s31 =	simm.s32 $0x4;
	s6 =	smul.u32 $0x2710, s3  }
0x8: {  	s15 =	simm.s32 $0x7;
	s1 =	sand.u32 $0x1, s1;
	s8 =	smul.u32 $0x5000, s3  }
0x9: {  	s17 =	simm.s32 $0x8;
	[smem:$0x7FF] =	sst s4;
	s5 =	smul.u32 $0x27100, s1  }
0xa: {  	s4 =	sadd.s32 $0x14E00, s0;
	s25 =	smul.u32 $0xA000, s1;
	s1 =	ssub.s32 $0x2, s1  }
0xb: {  	_ =	strace $0x8000004A;
	s26 =	sshrl.u32 s1, $0x1;
	s5 =	sadd.s32 s6, s5  }
0xc: {  	s9 =	sshrl.u32 s8, $0x3;
	s1 =	ssub.s32 s1, s26;
	s5 =	sshrl.u32 s5, $0x3  }
0xd: {  	s7 =	sadd.s32 s5, s0;
	s0 =	sadd.s32 s25, s0;
	s25 =	simm.s32 $0x8A20  }
0xe: {  	s5 =	sadd.s32 $0xB000, s7;
	s6 =	sadd.s32 $0x1200, s7;
	s7 =	sadd.s32 s8, s2  }
0xf: {  	s0 =	sadd.s32 $0x1EC00, s0;
	s8 =	smax.u32 s1, $0x1;
	s1 =	simm.s32 $0x0  }
0x10: {  	v0 =	vimm.f32 $0.0e+00;
	s24 =	sadd.s32 s9, s0;
	s0 =	simm.s32 $0x5;
	s9 =	simm.s32 $0x6  }
.LBB2_1:
0x11: {  	s3 =	simm.s32 $0x0  }
0x12: {  	[tilespmem:s3], [sflag:$0x1] =	stream.linear.gather [hbm4b:s5+s3], $0x2710, $0x38;
	[tilespmem:$0x13E20] =	vst v63  }
0x13: {  	s19 =	simm.s32 $0x2710  }
0x14: {  	[tilespmem:s19], [sflag:$0x2] =	stream.linear.gather [hbm4b:s6+s3], $0x2710, $0x38;
	[tilespmem:$0x13E20] =	vst v63  }
0x15: {  	s21 =	simm.s32 $0x0;
	s19 =	simm.s32 $0x80  }
.LBB2_2:
0x16: {  	p0 =	sne.s32 s19, $0x13F80;
	[tilespmem:s21+$0x9E20] =	vst v0;
	s23 =	smov.u32 s19;
	s19 =	sadd.s32 $0x80, s19  }
.Ltmp0:
0x17: {  	[tilespmem:s21+$0x9E30] =	vst v0;
	(pc) =	sbr.rel @p0 .LBB2_2-.Ltmp0, $2  }
0x18: {  	_ =	sdelay $0x2  }
0x19: {  	s21 =	sshra.s32 s23, $0x2  }
0x1a: {  	[tilespmem:s21+$0x9E20] =	vst v0  }
0x1b: {  	[tilespmem:s21+$0x9E30] =	vst v0  }
0x1c: {  	_ =	swait.ge [sflag:s10], $0x2710  }
0x1d: {  	[sflag:s10] =	ssyncset.done $0x0  }
0x1e: {  	[sflag:s10] =	ssyncadd.s32 $0xFFFFD8F0  }
0x1f: {  	_ =	swait.ge [sflag:s11], $0x2710  }
0x20: {  	[sflag:s11] =	ssyncset.done $0x0  }
0x21: {  	s19 =	simm.s32 $0x0;
	[sflag:s11] =	ssyncadd.s32 $0xFFFFD8F0  }
0x22: {  	[tilespmem:s13], [sflag:$0x1] =	stream.indirect.gather [hbm4b:s4+s12], $0x20, s19, s12, $0xb8;
	[tilespmem:$0x13E20] =	vst v63  }
0x23: {  	_ = 	snop  }
0x24: {  	[tilespmem:s14], [sflag:$0x2] =	stream.indirect.gather [hbm4b:s4+s12], $0x20, s12, s12, $0xb8;
	[tilespmem:$0x13E20] =	vst v63  }
0x25: {  	s3 =	simm.s32 $0xA0  }
0x26: {  	[tilespmem:s16], [sflag:$0x3] =	stream.indirect.gather [hbm4b:s4+s12], $0x20, s3, s12, $0xb8;
	[tilespmem:$0x13E20] =	vst v63  }
0x27: {  	s26 =	simm.s32 $0xF0  }
0x28: {  	[tilespmem:s18], [sflag:$0x4] =	stream.indirect.gather [hbm4b:s4+s12], $0x20, s26, s12, $0xb8;
	[tilespmem:$0x13E20] =	vst v63  }
0x29: {  	s19 =	simm.s32 $0x140  }
0x2a: {  	[tilespmem:s20], [sflag:$0x5] =	stream.indirect.gather [hbm4b:s4+s12], $0x20, s19, s12, $0xb8;
	[tilespmem:$0x13E20] =	vst v63  }
0x2b: {  	s21 =	simm.s32 $0x190  }
0x2c: {  	[tilespmem:s22], [sflag:$0x6] =	stream.indirect.gather [hbm4b:s4+s12], $0x20, s21, s12, $0xb8;
	[tilespmem:$0x13E20] =	vst v63  }
0x2d: {  	s23 =	simm.s32 $0x1E0  }
0x2e: {  	[tilespmem:s25], [sflag:$0x7] =	stream.indirect.gather [hbm4b:s4+s12], $0x20, s23, s12, $0xb8;
	[tilespmem:$0x13E20] =	vst v63  }
0x2f: {  	s26 =	simm.s32 $0x9E20  }
0x30: {  	[spmem:s7] =	stream.linear.scatter [tilespmem:s26], [sflag:$0x9], $0x5000, $0x38;
	[tilespmem:$0x13E20] =	vst v63  }
0x31: {  	_ =	swait.ge [sflag:s28], $0x5000  }
0x32: {  	[sflag:s28] =	ssyncset.done $0x0  }
0x33: {  	[sflag:s28] =	ssyncadd.s32 $0xFFFFB000  }
0x34: {  	s3 =	simm.s32 $0x230;
	[bflag:$0x0] =	sbarrier.arrive $0xFFFF  }
0x35: {  	[tilespmem:s29], [sflag:$0x8] =	stream.indirect.gather [hbm4b:s4+s12], $0x20, s3, s12, $0xb8;
	[tilespmem:$0x13E20] =	vst v63  }
0x36: {  	_ =	swait.ge [sflag:s10], $0xA00  }
0x37: {  	[sflag:s10] =	ssyncset.done $0x0  }
0x38: {  	s21 =	simm.s32 $0x2710;
	[sflag:s10] =	ssyncadd.s32 $0xFFFFF600  }
0x39: {  	[spmem:s2] =	stream.indirect.scatter.add.f32 [tilespmem:s13], [sflag:$0x9], $0x20, s21, s12, $0xb8;
	[tilespmem:$0x13E20] =	vst v63  }
0x3a: {  	_ =	swait.ge [sflag:s28], $0xA00  }
0x3b: {  	[sflag:s28] =	ssyncset.done $0x0  }
0x3c: {  	s23 =	simm.s32 $0x280;
	[sflag:s28] =	ssyncadd.s32 $0xFFFFF600  }
0x3d: {  	[tilespmem:s13], [sflag:$0x1] =	stream.indirect.gather [hbm4b:s4+s12], $0x20, s23, s12, $0xb8;
	[tilespmem:$0x13E20] =	vst v63  }
0x3e: {  	_ =	swait.ge [sflag:s11], $0xA00  }
0x3f: {  	[sflag:s11] =	ssyncset.done $0x0  }
0x40: {  	s26 =	simm.s32 $0x2760;
	[sflag:s11] =	ssyncadd.s32 $0xFFFFF600  }
0x41: {  	[spmem:s2] =	stream.indirect.scatter.add.f32 [tilespmem:s14], [sflag:$0x9], $0x20, s26, s12, $0xb8;
	[tilespmem:$0x13E20] =	vst v63  }
0x42: {  	_ =	swait.ge [sflag:s28], $0xA00  }
0x43: {  	[sflag:s28] =	ssyncset.done $0x0  }
0x44: {  	s3 =	simm.s32 $0x2D0;
	[sflag:s28] =	ssyncadd.s32 $0xFFFFF600  }
0x45: {  	[tilespmem:s14], [sflag:$0x2] =	stream.indirect.gather [hbm4b:s4+s12], $0x20, s3, s12, $0xb8;
	[tilespmem:$0x13E20] =	vst v63  }
0x46: {  	_ =	swait.ge [sflag:s30], $0xA00  }
0x47: {  	[sflag:s30] =	ssyncset.done $0x0  }
0x48: {  	s21 =	simm.s32 $0x27B0;
	[sflag:s30] =	ssyncadd.s32 $0xFFFFF600  }
0x49: {  	[spmem:s2] =	stream.indirect.scatter.add.f32 [tilespmem:s16], [sflag:$0x9], $0x20, s21, s12, $0xb8;
	[tilespmem:$0x13E20] =	vst v63  }
0x4a: {  	_ =	swait.ge [sflag:s28], $0xA00  }
0x4b: {  	[sflag:s28] =	ssyncset.done $0x0  }
0x4c: {  	s23 =	simm.s32 $0x320;
	[sflag:s28] =	ssyncadd.s32 $0xFFFFF600  }
0x4d: {  	[tilespmem:s16], [sflag:$0x3] =	stream.indirect.gather [hbm4b:s4+s12], $0x20, s23, s12, $0xb8;
	[tilespmem:$0x13E20] =	vst v63  }
0x4e: {  	_ =	swait.ge [sflag:s31], $0xA00  }
0x4f: {  	[sflag:s31] =	ssyncset.done $0x0  }
0x50: {  	s26 =	simm.s32 $0x2800;
	[sflag:s31] =	ssyncadd.s32 $0xFFFFF600  }
0x51: {  	[spmem:s2] =	stream.indirect.scatter.add.f32 [tilespmem:s18], [sflag:$0x9], $0x20, s26, s12, $0xb8;
	[tilespmem:$0x13E20] =	vst v63  }
0x52: {  	_ =	swait.ge [sflag:s28], $0xA00  }
0x53: {  	[sflag:s28] =	ssyncset.done $0x0  }
0x54: {  	s3 =	simm.s32 $0x370;
	[sflag:s28] =	ssyncadd.s32 $0xFFFFF600  }
0x55: {  	[tilespmem:s18], [sflag:$0x4] =	stream.indirect.gather [hbm4b:s4+s12], $0x20, s3, s12, $0xb8;
	[tilespmem:$0x13E20] =	vst v63  }
0x56: {  	_ =	swait.ge [sflag:s0], $0xA00  }
0x57: {  	[sflag:s0] =	ssyncset.done $0x0  }
0x58: {  	s21 =	simm.s32 $0x2850;
	[sflag:s0] =	ssyncadd.s32 $0xFFFFF600  }
0x59: {  	[spmem:s2] =	stream.indirect.scatter.add.f32 [tilespmem:s20], [sflag:$0x9], $0x20, s21, s12, $0xb8;
	[tilespmem:$0x13E20] =	vst v63  }
0x5a: {  	_ =	swait.ge [sflag:s28], $0xA00  }
0x5b: {  	[sflag:s28] =	ssyncset.done $0x0  }
0x5c: {  	s23 =	simm.s32 $0x3C0;
	[sflag:s28] =	ssyncadd.s32 $0xFFFFF600  }
0x5d: {  	[tilespmem:s20], [sflag:$0x5] =	stream.indirect.gather [hbm4b:s4+s12], $0x20, s23, s12, $0xb8;
	[tilespmem:$0x13E20] =	vst v63  }
0x5e: {  	_ =	swait.ge [sflag:s9], $0xA00  }
0x5f: {  	[sflag:s9] =	ssyncset.done $0x0  }
0x60: {  	s26 =	simm.s32 $0x28A0;
	[sflag:s9] =	ssyncadd.s32 $0xFFFFF600  }
0x61: {  	[spmem:s2] =	stream.indirect.scatter.add.f32 [tilespmem:s22], [sflag:$0x9], $0x20, s26, s12, $0xb8;
	[tilespmem:$0x13E20] =	vst v63  }
0x62: {  	_ =	swait.ge [sflag:s28], $0xA00  }
0x63: {  	[sflag:s28] =	ssyncset.done $0x0  }
0x64: {  	s3 =	simm.s32 $0x410;
	[sflag:s28] =	ssyncadd.s32 $0xFFFFF600  }
0x65: {  	[tilespmem:s22], [sflag:$0x6] =	stream.indirect.gather [hbm4b:s4+s12], $0x20, s3, s12, $0xb8;
	[tilespmem:$0x13E20] =	vst v63  }
0x66: {  	_ =	swait.ge [sflag:s15], $0xA00  }
0x67: {  	[sflag:s15] =	ssyncset.done $0x0  }
0x68: {  	s21 =	simm.s32 $0x28F0;
	[sflag:s15] =	ssyncadd.s32 $0xFFFFF600  }
0x69: {  	[spmem:s2] =	stream.indirect.scatter.add.f32 [tilespmem:s25], [sflag:$0x9], $0x20, s21, s12, $0xb8;
	[tilespmem:$0x13E20] =	vst v63  }
0x6a: {  	_ =	swait.ge [sflag:s28], $0xA00  }
0x6b: {  	[sflag:s28] =	ssyncset.done $0x0  }
0x6c: {  	s23 =	simm.s32 $0x460;
	[sflag:s28] =	ssyncadd.s32 $0xFFFFF600  }
0x6d: {  	[tilespmem:s25], [sflag:$0x7] =	stream.indirect.gather [hbm4b:s4+s12], $0x20, s23, s12, $0xb8;
	[tilespmem:$0x13E20] =	vst v63  }
0x6e: {  	_ =	swait.ge [sflag:s17], $0xA00  }
0x6f: {  	[sflag:s17] =	ssyncset.done $0x0  }
0x70: {  	s26 =	simm.s32 $0x2940;
	[sflag:s17] =	ssyncadd.s32 $0xFFFFF600  }
0x71: {  	[spmem:s2] =	stream.indirect.scatter.add.f32 [tilespmem:s29], [sflag:$0x9], $0x20, s26, s12, $0xb8;
	[tilespmem:$0x13E20] =	vst v63  }
0x72: {  	_ =	swait.ge [sflag:s28], $0xA00  }
0x73: {  	s19 =	simm.s32 $0x280;
	s21 =	simm.s32 $0x1400;
	[sflag:s28] =	ssyncset.done $0x0  }
.LBB2_4:
0x74: {  	s3 =	sadd.s32 $0x230, s19  }
0x75: {  	[sflag:s28] =	ssyncadd.s32 $0xFFFFF600;
	s23 =	smov.u32 s21;
	s26 =	sadd.s32 $0xA00, s21  }
0x76: {  	[tilespmem:s29], [sflag:$0x8] =	stream.indirect.gather [hbm4b:s4+s12], $0x20, s3, s12, $0xb8;
	[tilespmem:$0x13E20] =	vst v63  }
0x77: {  	p0 =	sne.s32 s21, $0x8200;
	_ =	swait.ge [sflag:s10], $0xA00  }
0x78: {  	[sflag:s10] =	ssyncset.done $0x0  }
0x79: {  	s3 =	sadd.s32 $0x2710, s19;
	[sflag:s10] =	ssyncadd.s32 $0xFFFFF600  }
0x7a: {  	[spmem:s2] =	stream.indirect.scatter.add.f32 [tilespmem:s13], [sflag:$0x9], $0x20, s3, s12, $0xb8;
	[tilespmem:$0x13E20] =	vst v63  }
0x7b: {  	_ =	swait.ge [sflag:s28], $0xA00  }
0x7c: {  	[sflag:s28] =	ssyncset.done $0x0  }
0x7d: {  	s3 =	sadd.s32 $0x280, s19;
	[sflag:s28] =	ssyncadd.s32 $0xFFFFF600  }
0x7e: {  	[tilespmem:s13], [sflag:$0x1] =	stream.indirect.gather [hbm4b:s4+s12], $0x20, s3, s12, $0xb8;
	[tilespmem:$0x13E20] =	vst v63  }
0x7f: {  	_ =	swait.ge [sflag:s11], $0xA00  }
0x80: {  	[sflag:s11] =	ssyncset.done $0x0  }
0x81: {  	s3 =	sadd.s32 $0x2760, s19;
	[sflag:s11] =	ssyncadd.s32 $0xFFFFF600  }
0x82: {  	[spmem:s2] =	stream.indirect.scatter.add.f32 [tilespmem:s14], [sflag:$0x9], $0x20, s3, s12, $0xb8;
	[tilespmem:$0x13E20] =	vst v63  }
0x83: {  	_ =	swait.ge [sflag:s28], $0xA00  }
0x84: {  	[sflag:s28] =	ssyncset.done $0x0  }
0x85: {  	s3 =	sadd.s32 $0x2D0, s19;
	[sflag:s28] =	ssyncadd.s32 $0xFFFFF600  }
0x86: {  	[tilespmem:s14], [sflag:$0x2] =	stream.indirect.gather [hbm4b:s4+s12], $0x20, s3, s12, $0xb8;
	[tilespmem:$0x13E20] =	vst v63  }
0x87: {  	_ =	swait.ge [sflag:s30], $0xA00  }
0x88: {  	[sflag:s30] =	ssyncset.done $0x0  }
0x89: {  	s3 =	sadd.s32 $0x27B0, s19;
	[sflag:s30] =	ssyncadd.s32 $0xFFFFF600  }
0x8a: {  	[spmem:s2] =	stream.indirect.scatter.add.f32 [tilespmem:s16], [sflag:$0x9], $0x20, s3, s12, $0xb8;
	[tilespmem:$0x13E20] =	vst v63  }
0x8b: {  	_ =	swait.ge [sflag:s28], $0xA00  }
0x8c: {  	[sflag:s28] =	ssyncset.done $0x0  }
0x8d: {  	s3 =	sadd.s32 $0x320, s19;
	[sflag:s28] =	ssyncadd.s32 $0xFFFFF600  }
0x8e: {  	[tilespmem:s16], [sflag:$0x3] =	stream.indirect.gather [hbm4b:s4+s12], $0x20, s3, s12, $0xb8;
	[tilespmem:$0x13E20] =	vst v63  }
0x8f: {  	_ =	swait.ge [sflag:s31], $0xA00  }
0x90: {  	[sflag:s31] =	ssyncset.done $0x0  }
0x91: {  	s3 =	sadd.s32 $0x2800, s19;
	[sflag:s31] =	ssyncadd.s32 $0xFFFFF600  }
0x92: {  	[spmem:s2] =	stream.indirect.scatter.add.f32 [tilespmem:s18], [sflag:$0x9], $0x20, s3, s12, $0xb8;
	[tilespmem:$0x13E20] =	vst v63  }
0x93: {  	_ =	swait.ge [sflag:s28], $0xA00  }
0x94: {  	[sflag:s28] =	ssyncset.done $0x0  }
0x95: {  	s3 =	sadd.s32 $0x370, s19;
	[sflag:s28] =	ssyncadd.s32 $0xFFFFF600  }
0x96: {  	[tilespmem:s18], [sflag:$0x4] =	stream.indirect.gather [hbm4b:s4+s12], $0x20, s3, s12, $0xb8;
	[tilespmem:$0x13E20] =	vst v63  }
0x97: {  	_ =	swait.ge [sflag:s0], $0xA00  }
0x98: {  	[sflag:s0] =	ssyncset.done $0x0  }
0x99: {  	s3 =	sadd.s32 $0x2850, s19;
	[sflag:s0] =	ssyncadd.s32 $0xFFFFF600  }
0x9a: {  	[spmem:s2] =	stream.indirect.scatter.add.f32 [tilespmem:s20], [sflag:$0x9], $0x20, s3, s12, $0xb8;
	[tilespmem:$0x13E20] =	vst v63  }
0x9b: {  	_ =	swait.ge [sflag:s28], $0xA00  }
0x9c: {  	[sflag:s28] =	ssyncset.done $0x0  }
0x9d: {  	s3 =	sadd.s32 $0x3C0, s19;
	[sflag:s28] =	ssyncadd.s32 $0xFFFFF600  }
0x9e: {  	[tilespmem:s20], [sflag:$0x5] =	stream.indirect.gather [hbm4b:s4+s12], $0x20, s3, s12, $0xb8;
	[tilespmem:$0x13E20] =	vst v63  }
0x9f: {  	_ =	swait.ge [sflag:s9], $0xA00  }
0xa0: {  	[sflag:s9] =	ssyncset.done $0x0  }
0xa1: {  	s3 =	sadd.s32 $0x28A0, s19;
	[sflag:s9] =	ssyncadd.s32 $0xFFFFF600  }
0xa2: {  	[spmem:s2] =	stream.indirect.scatter.add.f32 [tilespmem:s22], [sflag:$0x9], $0x20, s3, s12, $0xb8;
	[tilespmem:$0x13E20] =	vst v63  }
0xa3: {  	_ =	swait.ge [sflag:s28], $0xA00  }
0xa4: {  	[sflag:s28] =	ssyncset.done $0x0  }
0xa5: {  	s3 =	sadd.s32 $0x410, s19;
	[sflag:s28] =	ssyncadd.s32 $0xFFFFF600  }
0xa6: {  	[tilespmem:s22], [sflag:$0x6] =	stream.indirect.gather [hbm4b:s4+s12], $0x20, s3, s12, $0xb8;
	[tilespmem:$0x13E20] =	vst v63  }
0xa7: {  	_ =	swait.ge [sflag:s15], $0xA00  }
0xa8: {  	[sflag:s15] =	ssyncset.done $0x0  }
0xa9: {  	s3 =	sadd.s32 $0x28F0, s19;
	[sflag:s15] =	ssyncadd.s32 $0xFFFFF600  }
0xaa: {  	[spmem:s2] =	stream.indirect.scatter.add.f32 [tilespmem:s25], [sflag:$0x9], $0x20, s3, s12, $0xb8;
	[tilespmem:$0x13E20] =	vst v63  }
0xab: {  	_ =	swait.ge [sflag:s28], $0xA00  }
0xac: {  	[sflag:s28] =	ssyncset.done $0x0  }
0xad: {  	s3 =	sadd.s32 $0x460, s19;
	[sflag:s28] =	ssyncadd.s32 $0xFFFFF600  }
0xae: {  	[tilespmem:s25], [sflag:$0x7] =	stream.indirect.gather [hbm4b:s4+s12], $0x20, s3, s12, $0xb8;
	[tilespmem:$0x13E20] =	vst v63  }
0xaf: {  	_ =	swait.ge [sflag:s17], $0xA00  }
.Ltmp1:
0xb0: {  	[sflag:s17] =	ssyncset.done $0x0;
	(pc) =	sbr.rel @p0 .LBB2_4-.Ltmp1, $4  }
0xb1: {  	s3 =	sadd.s32 $0x2940, s19;
	[sflag:s17] =	ssyncadd.s32 $0xFFFFF600  }
0xb2: {  	[spmem:s2] =	stream.indirect.scatter.add.f32 [tilespmem:s29], [sflag:$0x9], $0x20, s3, s12, $0xb8;
	[tilespmem:$0x13E20] =	vst v63  }
0xb3: {  	_ =	swait.ge [sflag:s28], $0xA00  }
0xb4: {  	s21 =	smov.u32 s26;
	s19 =	sshra.s32 s23, $0x2;
	[sflag:s28] =	ssyncset.done $0x0  }
0xb5: {  	s3 =	sadd.s32 $0x230, s19;
	[sflag:s28] =	ssyncadd.s32 $0xFFFFF600  }
0xb6: {  	[tilespmem:s29], [sflag:$0x8] =	stream.indirect.gather [hbm4b:s4+s12], $0x20, s3, s12, $0xb8;
	[tilespmem:$0x13E20] =	vst v63  }
0xb7: {  	_ =	swait.ge [sflag:s10], $0xA00  }
0xb8: {  	[sflag:s10] =	ssyncset.done $0x0  }
0xb9: {  	s26 =	sadd.s32 $0x2710, s19;
	[sflag:s10] =	ssyncadd.s32 $0xFFFFF600  }
0xba: {  	[spmem:s2] =	stream.indirect.scatter.add.f32 [tilespmem:s13], [sflag:$0x9], $0x20, s26, s12, $0xb8;
	[tilespmem:$0x13E20] =	vst v63  }
0xbb: {  	_ =	swait.ge [sflag:s28], $0xA00  }
0xbc: {  	[sflag:s28] =	ssyncset.done $0x0  }
0xbd: {  	s21 =	sadd.s32 $0x280, s19;
	[sflag:s28] =	ssyncadd.s32 $0xFFFFF600  }
0xbe: {  	[tilespmem:s13], [sflag:$0x1] =	stream.indirect.gather [hbm4b:s4+s12], $0x20, s21, s12, $0xb8;
	[tilespmem:$0x13E20] =	vst v63  }
0xbf: {  	_ =	swait.ge [sflag:s11], $0xA00  }
0xc0: {  	[sflag:s11] =	ssyncset.done $0x0  }
0xc1: {  	s23 =	sadd.s32 $0x2760, s19;
	[sflag:s11] =	ssyncadd.s32 $0xFFFFF600  }
0xc2: {  	[spmem:s2] =	stream.indirect.scatter.add.f32 [tilespmem:s14], [sflag:$0x9], $0x20, s23, s12, $0xb8;
	[tilespmem:$0x13E20] =	vst v63  }
0xc3: {  	_ =	swait.ge [sflag:s28], $0xA00  }
0xc4: {  	[sflag:s28] =	ssyncset.done $0x0  }
0xc5: {  	s26 =	sadd.s32 $0x2D0, s19;
	[sflag:s28] =	ssyncadd.s32 $0xFFFFF600  }
0xc6: {  	[tilespmem:s14], [sflag:$0x2] =	stream.indirect.gather [hbm4b:s4+s12], $0x20, s26, s12, $0xb8;
	[tilespmem:$0x13E20] =	vst v63  }
0xc7: {  	_ =	swait.ge [sflag:s30], $0xA00  }
0xc8: {  	[sflag:s30] =	ssyncset.done $0x0  }
0xc9: {  	s21 =	sadd.s32 $0x27B0, s19;
	[sflag:s30] =	ssyncadd.s32 $0xFFFFF600  }
0xca: {  	[spmem:s2] =	stream.indirect.scatter.add.f32 [tilespmem:s16], [sflag:$0x9], $0x20, s21, s12, $0xb8;
	[tilespmem:$0x13E20] =	vst v63  }
0xcb: {  	_ =	swait.ge [sflag:s28], $0xA00  }
0xcc: {  	[sflag:s28] =	ssyncset.done $0x0  }
0xcd: {  	s23 =	sadd.s32 $0x320, s19;
	[sflag:s28] =	ssyncadd.s32 $0xFFFFF600  }
0xce: {  	[tilespmem:s16], [sflag:$0x3] =	stream.indirect.gather [hbm4b:s4+s12], $0x20, s23, s12, $0xb8;
	[tilespmem:$0x13E20] =	vst v63  }
0xcf: {  	_ =	swait.ge [sflag:s31], $0xA00  }
0xd0: {  	[sflag:s31] =	ssyncset.done $0x0  }
0xd1: {  	s26 =	sadd.s32 $0x2800, s19;
	[sflag:s31] =	ssyncadd.s32 $0xFFFFF600  }
0xd2: {  	[spmem:s2] =	stream.indirect.scatter.add.f32 [tilespmem:s18], [sflag:$0x9], $0x20, s26, s12, $0xb8;
	[tilespmem:$0x13E20] =	vst v63  }
0xd3: {  	_ =	swait.ge [sflag:s28], $0xA00  }
0xd4: {  	[sflag:s28] =	ssyncset.done $0x0  }
0xd5: {  	s21 =	sadd.s32 $0x370, s19;
	[sflag:s28] =	ssyncadd.s32 $0xFFFFF600  }
0xd6: {  	[tilespmem:s18], [sflag:$0x4] =	stream.indirect.gather [hbm4b:s4+s12], $0x20, s21, s12, $0xb8;
	[tilespmem:$0x13E20] =	vst v63  }
0xd7: {  	_ =	swait.ge [sflag:s0], $0xA00  }
0xd8: {  	[sflag:s0] =	ssyncset.done $0x0  }
0xd9: {  	s23 =	sadd.s32 $0x2850, s19;
	[sflag:s0] =	ssyncadd.s32 $0xFFFFF600  }
0xda: {  	[spmem:s2] =	stream.indirect.scatter.add.f32 [tilespmem:s20], [sflag:$0x9], $0x20, s23, s12, $0xb8;
	[tilespmem:$0x13E20] =	vst v63  }
0xdb: {  	_ =	swait.ge [sflag:s28], $0xA00  }
0xdc: {  	[sflag:s28] =	ssyncset.done $0x0  }
0xdd: {  	s26 =	sadd.s32 $0x3C0, s19;
	[sflag:s28] =	ssyncadd.s32 $0xFFFFF600  }
0xde: {  	[tilespmem:s20], [sflag:$0x5] =	stream.indirect.gather [hbm4b:s4+s12], $0x20, s26, s12, $0xb8;
	[tilespmem:$0x13E20] =	vst v63  }
0xdf: {  	_ =	swait.ge [sflag:s9], $0xA00  }
0xe0: {  	[sflag:s9] =	ssyncset.done $0x0  }
0xe1: {  	s21 =	sadd.s32 $0x28A0, s19;
	[sflag:s9] =	ssyncadd.s32 $0xFFFFF600  }
0xe2: {  	[spmem:s2] =	stream.indirect.scatter.add.f32 [tilespmem:s22], [sflag:$0x9], $0x20, s21, s12, $0xb8;
	[tilespmem:$0x13E20] =	vst v63  }
0xe3: {  	_ =	swait.ge [sflag:s28], $0xA00  }
0xe4: {  	[sflag:s28] =	ssyncset.done $0x0  }
0xe5: {  	s23 =	sadd.s32 $0x410, s19;
	[sflag:s28] =	ssyncadd.s32 $0xFFFFF600  }
0xe6: {  	[tilespmem:s22], [sflag:$0x6] =	stream.indirect.gather [hbm4b:s4+s12], $0x20, s23, s12, $0xb8;
	[tilespmem:$0x13E20] =	vst v63  }
0xe7: {  	_ =	swait.ge [sflag:s15], $0xA00  }
0xe8: {  	[sflag:s15] =	ssyncset.done $0x0  }
0xe9: {  	s26 =	sadd.s32 $0x28F0, s19;
	[sflag:s15] =	ssyncadd.s32 $0xFFFFF600  }
0xea: {  	[spmem:s2] =	stream.indirect.scatter.add.f32 [tilespmem:s25], [sflag:$0x9], $0x20, s26, s12, $0xb8;
	[tilespmem:$0x13E20] =	vst v63  }
0xeb: {  	_ =	swait.ge [sflag:s28], $0xA00  }
0xec: {  	[sflag:s28] =	ssyncset.done $0x0  }
0xed: {  	s21 =	sadd.s32 $0x460, s19;
	[sflag:s28] =	ssyncadd.s32 $0xFFFFF600  }
0xee: {  	[tilespmem:s25], [sflag:$0x7] =	stream.indirect.gather [hbm4b:s4+s12], $0x20, s21, s12, $0xb8;
	[tilespmem:$0x13E20] =	vst v63  }
0xef: {  	_ =	swait.ge [sflag:s17], $0xA00  }
0xf0: {  	[sflag:s17] =	ssyncset.done $0x0  }
0xf1: {  	s23 =	sadd.s32 $0x2940, s19;
	[sflag:s17] =	ssyncadd.s32 $0xFFFFF600  }
0xf2: {  	[spmem:s2] =	stream.indirect.scatter.add.f32 [tilespmem:s29], [sflag:$0x9], $0x20, s23, s12, $0xb8;
	[tilespmem:$0x13E20] =	vst v63  }
0xf3: {  	_ =	swait.ge [sflag:s28], $0xA00  }
0xf4: {  	[sflag:s28] =	ssyncset.done $0x0  }
0xf5: {  	s26 =	simm.s32 $0x2530;
	[sflag:s28] =	ssyncadd.s32 $0xFFFFF600  }
0xf6: {  	[tilespmem:s29], [sflag:$0x8] =	stream.indirect.gather [hbm4b:s4+s12], $0x20, s26, s12, $0xb8;
	[tilespmem:$0x13E20] =	vst v63  }
0xf7: {  	_ =	swait.ge [sflag:s10], $0xA00  }
0xf8: {  	[sflag:s10] =	ssyncset.done $0x0  }
0xf9: {  	s19 =	simm.s32 $0x4A10;
	[sflag:s10] =	ssyncadd.s32 $0xFFFFF600  }
0xfa: {  	[spmem:s2] =	stream.indirect.scatter.add.f32 [tilespmem:s13], [sflag:$0x9], $0x20, s19, s12, $0xb8;
	[tilespmem:$0x13E20] =	vst v63  }
0xfb: {  	_ =	swait.ge [sflag:s28], $0xA00  }
0xfc: {  	[sflag:s28] =	ssyncset.done $0x0  }
0xfd: {  	s21 =	simm.s32 $0x2580;
	[sflag:s28] =	ssyncadd.s32 $0xFFFFF600  }
0xfe: {  	[tilespmem:s13], [sflag:$0x1] =	stream.indirect.gather [hbm4b:s4+s12], $0x20, s21, s12, $0xb8;
	[tilespmem:$0x13E20] =	vst v63  }
0xff: {  	_ =	swait.ge [sflag:s11], $0xA00  }
0x100: {  	[sflag:s11] =	ssyncset.done $0x0  }
0x101: {  	s23 =	simm.s32 $0x4A60;
	[sflag:s11] =	ssyncadd.s32 $0xFFFFF600  }
0x102: {  	[spmem:s2] =	stream.indirect.scatter.add.f32 [tilespmem:s14], [sflag:$0x9], $0x20, s23, s12, $0xb8;
	[tilespmem:$0x13E20] =	vst v63  }
0x103: {  	_ =	swait.ge [sflag:s28], $0xA00  }
0x104: {  	[sflag:s28] =	ssyncset.done $0x0  }
0x105: {  	s26 =	simm.s32 $0x25D0;
	[sflag:s28] =	ssyncadd.s32 $0xFFFFF600  }
0x106: {  	[tilespmem:s14], [sflag:$0x2] =	stream.indirect.gather [hbm4b:s4+s12], $0x20, s26, s12, $0xb8;
	[tilespmem:$0x13E20] =	vst v63  }
0x107: {  	_ =	swait.ge [sflag:s30], $0xA00  }
0x108: {  	[sflag:s30] =	ssyncset.done $0x0  }
0x109: {  	s19 =	simm.s32 $0x4AB0;
	[sflag:s30] =	ssyncadd.s32 $0xFFFFF600  }
0x10a: {  	[spmem:s2] =	stream.indirect.scatter.add.f32 [tilespmem:s16], [sflag:$0x9], $0x20, s19, s12, $0xb8;
	[tilespmem:$0x13E20] =	vst v63  }
0x10b: {  	_ =	swait.ge [sflag:s28], $0xA00  }
0x10c: {  	[sflag:s28] =	ssyncset.done $0x0  }
0x10d: {  	s21 =	simm.s32 $0x2620;
	[sflag:s28] =	ssyncadd.s32 $0xFFFFF600  }
0x10e: {  	[tilespmem:s16], [sflag:$0x3] =	stream.indirect.gather [hbm4b:s4+s12], $0x20, s21, s12, $0xb8;
	[tilespmem:$0x13E20] =	vst v63  }
0x10f: {  	_ =	swait.ge [sflag:s31], $0xA00  }
0x110: {  	[sflag:s31] =	ssyncset.done $0x0  }
0x111: {  	s23 =	simm.s32 $0x4B00;
	[sflag:s31] =	ssyncadd.s32 $0xFFFFF600  }
0x112: {  	[spmem:s2] =	stream.indirect.scatter.add.f32 [tilespmem:s18], [sflag:$0x9], $0x20, s23, s12, $0xb8;
	[tilespmem:$0x13E20] =	vst v63  }
0x113: {  	_ =	swait.ge [sflag:s28], $0xA00  }
0x114: {  	[sflag:s28] =	ssyncset.done $0x0  }
0x115: {  	s26 =	simm.s32 $0x2670;
	[sflag:s28] =	ssyncadd.s32 $0xFFFFF600  }
0x116: {  	[tilespmem:s18], [sflag:$0x4] =	stream.indirect.gather [hbm4b:s4+s12], $0x20, s26, s12, $0xb8;
	[tilespmem:$0x13E20] =	vst v63  }
0x117: {  	_ =	swait.ge [sflag:s0], $0xA00  }
0x118: {  	[sflag:s0] =	ssyncset.done $0x0  }
0x119: {  	s19 =	simm.s32 $0x4B50;
	[sflag:s0] =	ssyncadd.s32 $0xFFFFF600  }
0x11a: {  	[spmem:s2] =	stream.indirect.scatter.add.f32 [tilespmem:s20], [sflag:$0x9], $0x20, s19, s12, $0xb8;
	[tilespmem:$0x13E20] =	vst v63  }
0x11b: {  	_ =	swait.ge [sflag:s28], $0xA00  }
0x11c: {  	[sflag:s28] =	ssyncset.done $0x0  }
0x11d: {  	s21 =	simm.s32 $0x26C0;
	[sflag:s28] =	ssyncadd.s32 $0xFFFFF600  }
0x11e: {  	[tilespmem:s20], [sflag:$0x5] =	stream.indirect.gather [hbm4b:s4+s12], $0x20, s21, s12, $0xb8;
	[tilespmem:$0x13E20] =	vst v63  }
0x11f: {  	_ =	swait.ge [sflag:s9], $0xA00  }
0x120: {  	[sflag:s9] =	ssyncset.done $0x0  }
0x121: {  	s23 =	simm.s32 $0x4BA0;
	[sflag:s9] =	ssyncadd.s32 $0xFFFFF600  }
0x122: {  	[spmem:s2] =	stream.indirect.scatter.add.f32 [tilespmem:s22], [sflag:$0x9], $0x20, s23, s12, $0xb8;
	[tilespmem:$0x13E20] =	vst v63  }
0x123: {  	_ =	swait.ge [sflag:s28], $0xA00  }
0x124: {  	[sflag:s28] =	ssyncset.done $0x0  }
0x125: {  	[sflag:s28] =	ssyncadd.s32 $0xFFFFF600  }
0x126: {  	_ =	swait.ge [sflag:s15], $0xA00  }
0x127: {  	[sflag:s15] =	ssyncset.done $0x0  }
0x128: {  	s26 =	simm.s32 $0x4BF0;
	[sflag:s15] =	ssyncadd.s32 $0xFFFFF600  }
0x129: {  	[spmem:s2] =	stream.indirect.scatter.add.f32 [tilespmem:s25], [sflag:$0x9], $0x20, s26, s12, $0xb8;
	[tilespmem:$0x13E20] =	vst v63  }
0x12a: {  	_ =	swait.ge [sflag:s28], $0xA00  }
0x12b: {  	[sflag:s28] =	ssyncset.done $0x0  }
0x12c: {  	[sflag:s28] =	ssyncadd.s32 $0xFFFFF600  }
0x12d: {  	_ =	swait.ge [sflag:s17], $0xA00  }
0x12e: {  	[sflag:s17] =	ssyncset.done $0x0  }
0x12f: {  	s19 =	simm.s32 $0x4C40;
	[sflag:s17] =	ssyncadd.s32 $0xFFFFF600  }
0x130: {  	[spmem:s2] =	stream.indirect.scatter.add.f32 [tilespmem:s29], [sflag:$0x9], $0x20, s19, s12, $0xb8;
	[tilespmem:$0x13E20] =	vst v63  }
0x131: {  	_ =	swait.ge [sflag:s28], $0xA00  }
0x132: {  	[sflag:s28] =	ssyncset.done $0x0  }
0x133: {  	[sflag:s28] =	ssyncadd.s32 $0xFFFFF600  }
0x134: {  	_ =	swait.ge [sflag:s10], $0xA00  }
0x135: {  	[sflag:s10] =	ssyncset.done $0x0  }
0x136: {  	s21 =	simm.s32 $0x4C90;
	[sflag:s10] =	ssyncadd.s32 $0xFFFFF600  }
0x137: {  	[spmem:s2] =	stream.indirect.scatter.add.f32 [tilespmem:s13], [sflag:$0x9], $0x20, s21, s12, $0xb8;
	[tilespmem:$0x13E20] =	vst v63  }
0x138: {  	_ =	swait.ge [sflag:s28], $0xA00  }
0x139: {  	[sflag:s28] =	ssyncset.done $0x0  }
0x13a: {  	[sflag:s28] =	ssyncadd.s32 $0xFFFFF600  }
0x13b: {  	_ =	swait.ge [sflag:s11], $0xA00  }
0x13c: {  	[sflag:s11] =	ssyncset.done $0x0  }
0x13d: {  	s23 =	simm.s32 $0x4CE0;
	[sflag:s11] =	ssyncadd.s32 $0xFFFFF600  }
0x13e: {  	[spmem:s2] =	stream.indirect.scatter.add.f32 [tilespmem:s14], [sflag:$0x9], $0x20, s23, s12, $0xb8;
	[tilespmem:$0x13E20] =	vst v63  }
0x13f: {  	_ =	swait.ge [sflag:s28], $0xA00  }
0x140: {  	[sflag:s28] =	ssyncset.done $0x0  }
0x141: {  	[sflag:s28] =	ssyncadd.s32 $0xFFFFF600  }
0x142: {  	_ =	swait.ge [sflag:s30], $0xA00  }
0x143: {  	[sflag:s30] =	ssyncset.done $0x0  }
0x144: {  	s26 =	simm.s32 $0x4D30;
	[sflag:s30] =	ssyncadd.s32 $0xFFFFF600  }
0x145: {  	[spmem:s2] =	stream.indirect.scatter.add.f32 [tilespmem:s16], [sflag:$0x9], $0x20, s26, s12, $0xb8;
	[tilespmem:$0x13E20] =	vst v63  }
0x146: {  	_ =	swait.ge [sflag:s28], $0xA00  }
0x147: {  	[sflag:s28] =	ssyncset.done $0x0  }
0x148: {  	[sflag:s28] =	ssyncadd.s32 $0xFFFFF600  }
0x149: {  	_ =	swait.ge [sflag:s31], $0xA00  }
0x14a: {  	[sflag:s31] =	ssyncset.done $0x0  }
0x14b: {  	s19 =	simm.s32 $0x4D80;
	[sflag:s31] =	ssyncadd.s32 $0xFFFFF600  }
0x14c: {  	[spmem:s2] =	stream.indirect.scatter.add.f32 [tilespmem:s18], [sflag:$0x9], $0x20, s19, s12, $0xb8;
	[tilespmem:$0x13E20] =	vst v63  }
0x14d: {  	_ =	swait.ge [sflag:s28], $0xA00  }
0x14e: {  	[sflag:s28] =	ssyncset.done $0x0  }
0x14f: {  	[sflag:s28] =	ssyncadd.s32 $0xFFFFF600  }
0x150: {  	_ =	swait.ge [sflag:s0], $0xA00  }
0x151: {  	[sflag:s0] =	ssyncset.done $0x0  }
0x152: {  	s21 =	simm.s32 $0x4DD0;
	[sflag:s0] =	ssyncadd.s32 $0xFFFFF600  }
0x153: {  	[spmem:s2] =	stream.indirect.scatter.add.f32 [tilespmem:s20], [sflag:$0x9], $0x20, s21, s12, $0xb8;
	[tilespmem:$0x13E20] =	vst v63  }
0x154: {  	s23 =	stileid.u32;
	_ =	swait.ge [sflag:s28], $0xA00  }
0x155: {  	s1 =	sadd.s32 $0x1, s1;
	s3 =	sshll.u32 s23, $0x6;
	[sflag:s28] =	ssyncset.done $0x0  }
0x156: {  	p0 =	sne.s32 s1, s8;
	s3 =	sor.u32 $0x1C09, s3;
	[sflag:s28] =	ssyncadd.s32 $0xFFFFF600  }
.Ltmp2:
0x157: {  	s26 =	sshrl.u32 s7, $0x3;
	[bflag:$0x0] =	sbarrier.arrive $0xFFFF;
	(pc) =	sbr.rel @p0 .LBB2_1-.Ltmp2, $4  }
0x158: {  	[hbm:s24], [sflag:s3] =	dma.local [spmem:s26], $0xA00  }
0x159: {  	_ =	swait.ge [sflag:s28], $0xA00  }
0x15a: {  	[sflag:s28] =	ssyncset.done $0x0  }
0x15b: {  	[sflag:s28] =	ssyncadd.s32 $0xFFFFF600  }
0x15c: {  	_ =	sfence.sel $0x180000  }
0x15d: {  	[bflag:$0x0] =	sbarrier.arrive $0xFFFF  }
0x15e: {  	_ =	strace $0x9000004A  }
0x15f: {  	s0 =	stileid.u32;
	[bflag:$0x2] =	sbarrier.arrive $0xFFFF  }
0x160: {  	p0 =	sne.s32 s0, $0x0;
	s0 =	rddreg [dreg:$0x2]  }
0x161: {  	s0 =	sadd.s32 @!p0 $0x100000, s0  }
0x162: {  	[sflag:s0] =	ssyncadd.tile.s32 @!p0 $0x1;
	_ =	shalt  }
.Lfunc_end2:
_tile_overlayer_lowered:
.L_overlay_start_2:
0x163: {  	(tag) =	ssettag $0x2  }
0x164: {  	s0 =	rddreg [dreg:$0x0];
	s2 =	stileid.u32  }
0x165: {  	s1 =	rddreg [dreg:$0x1];
	p0 =	sne.s32 s2, $0x0  }
0x166: {  	s3 =	rddreg [dreg:$0x2];
	[bflag:$0x3] =	sbarrier.arrive $0xFFFF;
	s2 =	simm.s32 @!p0 $0x1C09  }
0x167: {  	[timem:s3], [sflag:s2] =	dma.local @!p0 [hbm:s0], s1  }
0x168: {  	s0 =	simm.s32 @!p0 $0x9  }
0x169: {  	_ =	swait.ge @!p0 [sflag:s0], s1  }
0x16a: {  	s1 =	ssub.s32 @!p0 $0x0, s1;
	[sflag:s0] =	ssyncset.done @!p0 $0x0  }
0x16b: {  	[sflag:s0] =	ssyncadd.s32 @!p0 s1  }
0x16c: {  	[bflag:$0x3] =	sbarrier.arrive $0xFFFF  }
0x16d: {  	_ =	shalt  }

// kernel: kernel.7.cloned.1.call-start
scs
__scs_entry_jumppad:
0x0: {  	(pc) =	sbr.rel $0x88, $3  }
0x1: {  	(tag) =	ssettag $0x0;
	lr =	simm.s32 $0x1  }
0x2: {  	[smem:$0x3F98] =	sst lr;
	_ =	strace $0xD0000000  }
0x3: {  	_ = 	snop  }
0x4: {  	_ = 	snop  }
0x5: {  	_ = 	snop  }
0x6: {  	_ = 	snop  }
0x7: {  	_ = 	snop  }
__scs_overlays_trampoline_lowered:
0x8: {  	[smem:$0x3FA7] =	sst s0  }
0x9: {  	[smem:$0x3FA8] =	sst s1  }
0xa: {  	[smem:$0x3FA9] =	sst s2  }
0xb: {  	[smem:$0x3FAA] =	sst s3  }
0xc: {  	[smem:$0x3FAB] =	sst s4  }
0xd: {  	[smem:$0x3FAC] =	sst s5  }
0xe: {  	[smem:$0x3FAD] =	sst s6  }
0xf: {  	[smem:$0x3FAE] =	sst s7  }
0x10: {  	[smem:$0x3FAF] =	sst s8  }
0x11: {  	[smem:$0x3FB0] =	sst s9;
	s0 =	simm.s32 @!p0 $0x0  }
0x12: {  	s1 =	sld [smem:$0x3F96];
	s0 =	simm.s32 @p0 $0x1  }
0x13: {  	[smem:$0x3FB1] =	sst s0;
	s0 =	simm.s32 @!p1 $0x0  }
0x14: {  	s2 =	sld [smem:$0x3F95];
	s0 =	simm.s32 @p1 $0x1  }
0x15: {  	[smem:$0x3FB2] =	sst s0;
	s0 =	simm.s32 @!p2 $0x0  }
0x16: {  	s3 =	sld [smem:$0x3FDB];
	s0 =	simm.s32 @p2 $0x1  }
0x17: {  	s4 =	simm.s32 $0x1BF5;
	[smem:$0x3FB4] =	sst s0  }
0x18: {  	s0 =	sld [smem:$0x3F97];
	_ =	swait.ge [sflag:s4], $0x0  }
0x19: {  	s7 =	sld [smem:$0x3F98]  }
0x1a: {  	s8 =	sadd.s32 $0xFFFFE003, lr  }
0x1b: {  	s9 =	sadd.s32 $0xFFFFFEF7, lr;
	s5 =	simm.s32 $0xFFFFFFFF;
	p2 =	slt.u32 s8, $0xFFFFF086  }
0x1c: {  	p1 =	slt.u32 s9, $0xF7A;
	s5 =	simm.s32 @!p2 $0x0  }
0x1d: {  	s5 =	simm.s32 @p1 $0x1;
	p0 =	seq.s32 s7, s2  }
0x1e: {  	s7 =	smul.u32 @!p0 $0xF7A, s2;
	p2 =	seq.s32 @!p0 s5, $0x0  }
0x1f: {  	s9 =	smul.u32 $0xF7A, s1;
	s8 =	simm.s32 @!p0 $0x1BF5;
	p2 =	por !p2, p0  }
0x20: {  	[sflag:s8] =	ssyncset.s32 @!p0 $0xFFFFF086;
	s6 =	sadd.s32 @!p0 s3, s7;
	s7 =	simm.s32 @!p0 $0x108  }
0x21: {  	s3 =	sadd.s32 s3, s9;
	s6 =	sadd.s32 @!p0 $0x88, s6;
	s7 =	simm.s32 @p2 $0x1082  }
0x22: {  	[simem:s7], [sflag:s8] =	dma.local @!p0 [hbm:s6], $0xF7A  }
0x23: {  	s9 =	sor.u32 $0xD0000000, s2;
	s6 =	simm.s32 $0x108;
	_ =	swait.ge @!p0 [sflag:s8], $0x0  }
0x24: {  	s3 =	sadd.s32 $0x88, s3;
	s6 =	simm.s32 @!p1 $0x1082;
	[sflag:s4] =	ssyncset.s32 $0xFFFFF086  }
0x25: {  	[simem:s6], [sflag:s4] =	dma.local [hbm:s3], $0xF7A  }
0x26: {  	[smem:$0x3F98] =	sst s1;
	(tag) =	ssettag s2;
	_ =	strace s9  }
0x27: {  	s1 =	sld [smem:$0x3FA8]  }
0x28: {  	s2 =	sld [smem:$0x3FA9]  }
0x29: {  	s4 =	sld [smem:$0x3FAB]  }
0x2a: {  	p0 =	seq.s32 s5, $0x0;
	s5 =	sld [smem:$0x3FAC]  }
0x2b: {  	s6 =	sld [smem:$0x3FAD]  }
0x2c: {  	s7 =	sld [smem:$0x3FAE]  }
0x2d: {  	s3 =	simm.s32 $0x108;
	s8 =	sld [smem:$0x3FAF]  }
0x2e: {  	s3 =	simm.s32 @!p0 $0x1082;
	s9 =	sld [smem:$0x3FB0]  }
0x2f: {  	lr =	sadd.s32 s0, s3;
	s0 =	sld [smem:$0x3FA7]  }
0x30: {  	s3 =	sld [smem:$0x3FAA]  }
0x31: {  	[smem:$0x3FB3] =	sst s10  }
0x32: {  	s10 =	sld [smem:$0x3FB1];
	_ =	sdelay $0x3  }
0x33: {  	p0 =	seq.s32 s10, $0x1;
	s10 =	sld [smem:$0x3FB3];
	_ =	sdelay $0x3  }
0x34: {  	[smem:$0x3FB3] =	sst s10  }
0x35: {  	s10 =	sld [smem:$0x3FB2];
	_ =	sdelay $0x3  }
0x36: {  	p1 =	seq.s32 s10, $0x1;
	s10 =	sld [smem:$0x3FB3];
	_ =	sdelay $0x3  }
0x37: {  	[smem:$0x3FB3] =	sst s10  }
0x38: {  	s10 =	sld [smem:$0x3FB4]  }
0x39: {  	_ = 	snop;
	(pc) =	sbr.ind lr, $3  }
0x3a: {  	_ = 	snop  }
0x3b: {  	_ = 	snop  }
0x3c: {  	p2 =	seq.s32 s10, $0x1;
	s10 =	sld [smem:$0x3FB3]  }
0x3d: {  	_ =	shalt  }
0x3e: {  	_ =	shalt  }
0x3f: {  	_ =	shalt  }
0x40: {  	_ =	shalt  }
0x41: {  	_ =	shalt  }
0x42: {  	_ =	shalt  }
0x43: {  	_ =	shalt  }
0x44: {  	_ =	shalt  }
0x45: {  	_ =	shalt  }
0x46: {  	_ =	shalt  }
0x47: {  	_ =	shalt  }
0x48: {  	_ =	shalt  }
0x49: {  	_ =	shalt  }
0x4a: {  	_ =	shalt  }
0x4b: {  	_ =	shalt  }
0x4c: {  	_ =	shalt  }
0x4d: {  	_ =	shalt  }
0x4e: {  	_ =	shalt  }
0x4f: {  	_ =	shalt  }
0x50: {  	_ =	shalt  }
0x51: {  	_ =	shalt  }
0x52: {  	_ =	shalt  }
0x53: {  	_ =	shalt  }
0x54: {  	_ =	shalt  }
0x55: {  	_ =	shalt  }
0x56: {  	_ =	shalt  }
0x57: {  	_ =	shalt  }
0x58: {  	_ =	shalt  }
0x59: {  	_ =	shalt  }
0x5a: {  	_ =	shalt  }
0x5b: {  	_ =	shalt  }
0x5c: {  	_ =	shalt  }
0x5d: {  	_ =	shalt  }
0x5e: {  	_ =	shalt  }
0x5f: {  	_ =	shalt  }
0x60: {  	_ =	shalt  }
0x61: {  	_ =	shalt  }
0x62: {  	_ =	shalt  }
0x63: {  	_ =	shalt  }
0x64: {  	_ =	shalt  }
0x65: {  	_ =	shalt  }
0x66: {  	_ =	shalt  }
0x67: {  	_ =	shalt  }
0x68: {  	_ =	shalt  }
0x69: {  	_ =	shalt  }
0x6a: {  	_ =	shalt  }
0x6b: {  	_ =	shalt  }
0x6c: {  	_ =	shalt  }
0x6d: {  	_ =	shalt  }
0x6e: {  	_ =	shalt  }
0x6f: {  	_ =	shalt  }
0x70: {  	_ =	shalt  }
0x71: {  	_ =	shalt  }
0x72: {  	_ =	shalt  }
0x73: {  	_ =	shalt  }
0x74: {  	_ =	shalt  }
0x75: {  	_ =	shalt  }
0x76: {  	_ =	shalt  }
0x77: {  	_ =	shalt  }
0x78: {  	_ =	shalt  }
0x79: {  	_ =	shalt  }
0x7a: {  	_ =	shalt  }
0x7b: {  	_ =	shalt  }
0x7c: {  	_ =	shalt  }
0x7d: {  	_ =	shalt  }
0x7e: {  	_ =	shalt  }
0x7f: {  	_ =	shalt  }
0x80: {  	_ =	shalt  }
0x81: {  	_ =	shalt  }
0x82: {  	_ =	shalt  }
0x83: {  	_ =	shalt  }
0x84: {  	_ =	shalt  }
0x85: {  	_ =	shalt  }
0x86: {  	_ =	shalt  }
0x87: {  	_ =	shalt  }
.Lfunc_end0:
.L_simem_size_0:
called_computation_lowered:
.L_overlay_start_0:
0x88: {  	s2 =	sld [smem:$0x3FD9]  }
0x89: {  	s3 =	sld [smem:$0x3FFE];
	_ =	sdelay $0x1  }
0x8a: {  	s1 =	srdreg.scid  }
0x8b: {  	s0 =	sand.u32 $0x1, s1  }
0x8c: {  	s16 =	sshll.u32 s0, $0xA;
	s2 =	sadd.s32 s3, s2  }
0x8d: {  	s2 =	sadd.s32 s2, s16  }
0x8e: {  	[smem:$0x3FBF] =	sst s2  }
0x8f: {  	_ = 	snop  }
0x90: {  	(tm) =	ssettm $0x1  }
0x91: {  	s17 =	sld [smem:$0x3FFB];
	_ =	sdelay $0x3  }
0x92: {  	_ =	strace s17  }
0x93: {  	s2 =	sld [smem:$0x3FFC];
	_ =	sdelay $0x3  }
0x94: {  	_ =	strace s2  }
0x95: {  	s2 =	sld [smem:$0x3FFD];
	_ =	sdelay $0x3  }
0x96: {  	_ =	strace s2  }
0x97: {  	_ =	strace $0x8FFFFFFF  }
0x98: {  	s18 =	sld [smem:$0x3FDB];
	_ =	sdelay $0x1  }
0x99: {  	s19 =	simm.s32 $_scs_section_size  }
0x9a: {  	s4 =	simm.s32 $_size__tile_overlayer_lowered;
	s5 =	simm.s32 $_tile_overlayer_lowered  }
0x9b: {  	s22 =	simm.s32 $0x1BFF;
	s21 =	sshll.u32 s5, $0x1;
	s2 =	sadd.s32 s19, s18  }
0x9c: {  	s6 =	simm.s32 $0x0;
	s20 =	sshll.u32 s4, $0x1;
	s4 =	sadd.s32 s21, s2  }
0x9d: {  	[timem:s6], [sflag:s22] =	dma.local [hbm:s4], s20  }
0x9e: {  	_ =	swait.ge [sflag:s22], s20  }
0x9f: {  	s3 =	ssub.s32 $0x0, s20;
	[sflag:s22] =	ssyncset.done $0x0  }
0xa0: {  	[sflag:s22] =	ssyncadd.s32 s3;
	_ =	sdelay $0x1  }
0xa1: {  	s23 =	simm.s32 $0x1B8B  }
0xa2: {  	_ =	swait.ge [sflag:s23], $0x1  }
0xa3: {  	[sflag:s23] =	ssyncset.done $0x0  }
0xa4: {  	s25 =	simm.s32 $0x1B8E;
	s24 =	sld [smem:$0x3FFE];
	[sflag:s23] =	ssyncadd.s32 $0xFFFFFFFF  }
0xa5: {  	s26 =	simm.s32 $execute0_lowered;
	[smem:$0x3FD2] =	sst s25  }
0xa6: {  	s4 =	sshll.u32 s26, $0x1;
	_ =	strace $0x80000046;
	[dreg:$0x1] =	wrdreg $0xFFFFFFFF  }
0xa7: {  	s28 =	simm.s32 $_size_execute0_lowered;
	s2 =	sadd.s32 s2, s4;
	[dreg:$0x0] =	wrdreg $0x0  }
0xa8: {  	s4 =	sshll.u32 s28, $0x1;
	[dreg:$0x2] =	wrdreg s2  }
0xa9: {  	[dreg:$0x3] =	wrdreg s4  }
0xaa: {  	[dreg:$0x4] =	wrdreg $0xC0  }
0xab: {  	_ =	task [dreg:s6], $0x5FFFF  }
0xac: {  	[dreg:$0x1] =	wrdreg $0xFFFFFFFF  }
0xad: {  	[dreg:$0x0] =	wrdreg $0x60  }
0xae: {  	[dreg:$0x2] =	wrdreg s24  }
0xaf: {  	[dreg:$0x3] =	wrdreg $0xEE200  }
0xb0: {  	[dreg:$0x4] =	wrdreg $0x9  }
0xb1: {  	_ =	task.clear_ibuf [dreg:s6], $0x5FFFF;
	_ =	strace $0x90000046  }
0xb2: {  	s29 =	simm.s32 $0x9;
	_ =	strace $0x80000048  }
0xb3: {  	_ =	swait.ge [sflag:s29], $0x1  }
0xb4: {  	[sflag:s29] =	ssyncadd.s32 $0xFFFFFFFF  }
0xb5: {  	_ =	strace $0x90000048  }
0xb6: {  	_ =	sfence  }
0xb7: {  	s30 =	sld [smem:$0x0];
	_ =	sdelay $0x2  }
0xb8: {  	s31 =	sshll.u32 s1, $0xD;
	s1 =	sshrl.u32 s1, $0x2  }
0xb9: {  	s3 =	sand.u32 $0x4000, s31;
	s1 =	sadd.s32 s1, s30  }
0xba: {  	s0 =	sor.u32 s3, s0;
	s1 =	sshll.u32 s1, $0x11  }
0xbb: {  	s0 =	sor.u32 s1, s0  }
0xbc: {  	s0 =	sadd.s32 $0x8F2B, s0  }
0xbd: {  	[sflag:s0] =	ssyncadd.remote.s32 $0x1  }
0xbe: {  	_ =	sfence.sel $0xFFFF  }
0xbf: {  	[dreg:$0x0] =	wrdreg $0xFFFFFFFF;
	(pc) =	sbr.abs _section_cstart, $3  }
0xc0: {  	[dreg:$0x1] =	wrdreg $0xFFFFFFFF  }
0xc1: {  	_ =	task.clear_ibuf [dreg:s6], $0x2FFFF;
	_ =	strace $0x9FFFFFFF  }
0xc2: {  	(tm) =	ssettm $0x7FFFFFFF  }
0xc3: {  	_ =	shalt  }
tec
execute0_lowered:
.L_overlay_start_1:
0x0: {  	(tag) =	ssettag $0x1  }
0x1: {  	s0 =	rddreg [dreg:$0x0];
	s1 =	srdreg.scid  }
0x2: {  	s2 =	rddreg [dreg:$0x1];
	s3 =	stileid.u32  }
0x3: {  	s4 =	simm.s32 $0x0;
	s10 =	simm.s32 $0x1;
	s11 =	simm.s32 $0x2  }
0x4: {  	s12 =	simm.s32 $0x50;
	s13 =	simm.s32 $0x4E20;
	s14 =	simm.s32 $0x5820  }
0x5: {  	s16 =	simm.s32 $0x6220;
	s18 =	simm.s32 $0x6C20;
	s20 =	simm.s32 $0x7620  }
0x6: {  	s22 =	simm.s32 $0x8020;
	s28 =	simm.s32 $0x9;
	s29 =	simm.s32 $0x9420  }
0x7: {  	s30 =	simm.s32 $0x3;
	s31 =	simm.s32 $0x4;
	s6 =	smul.u32 $0x2710, s3  }
0x8: {  	s15 =	simm.s32 $0x7;
	s1 =	sand.u32 $0x1, s1;
	s8 =	smul.u32 $0x5000, s3  }
0x9: {  	s17 =	simm.s32 $0x8;
	[smem:$0x7FF] =	sst s4;
	s5 =	smul.u32 $0x27100, s1  }
0xa: {  	s4 =	sadd.s32 $0x14E00, s0;
	s25 =	smul.u32 $0xA000, s1;
	s1 =	ssub.s32 $0x2, s1  }
0xb: {  	_ =	strace $0x80000047;
	s26 =	sshrl.u32 s1, $0x1;
	s5 =	sadd.s32 s6, s5  }
0xc: {  	s9 =	sshrl.u32 s8, $0x3;
	s1 =	ssub.s32 s1, s26;
	s5 =	sshrl.u32 s5, $0x3  }
0xd: {  	s7 =	sadd.s32 s5, s0;
	s0 =	sadd.s32 s25, s0;
	s25 =	simm.s32 $0x8A20  }
0xe: {  	s5 =	sadd.s32 $0xB000, s7;
	s6 =	sadd.s32 $0x1200, s7;
	s7 =	sadd.s32 s8, s2  }
0xf: {  	s0 =	sadd.s32 $0x1EC00, s0;
	s8 =	smax.u32 s1, $0x1;
	s1 =	simm.s32 $0x0  }
0x10: {  	v0 =	vimm.f32 $0.0e+00;
	s24 =	sadd.s32 s9, s0;
	s0 =	simm.s32 $0x5;
	s9 =	simm.s32 $0x6  }
.LBB2_1:
0x11: {  	s3 =	simm.s32 $0x0  }
0x12: {  	[tilespmem:s3], [sflag:$0x1] =	stream.linear.gather [hbm4b:s5+s3], $0x2710, $0x38;
	[tilespmem:$0x13E20] =	vst v63  }
0x13: {  	s19 =	simm.s32 $0x2710  }
0x14: {  	[tilespmem:s19], [sflag:$0x2] =	stream.linear.gather [hbm4b:s6+s3], $0x2710, $0x38;
	[tilespmem:$0x13E20] =	vst v63  }
0x15: {  	s21 =	simm.s32 $0x0;
	s19 =	simm.s32 $0x80  }
.LBB2_2:
0x16: {  	p0 =	sne.s32 s19, $0x13F80;
	[tilespmem:s21+$0x9E20] =	vst v0;
	s23 =	smov.u32 s19;
	s19 =	sadd.s32 $0x80, s19  }
.Ltmp0:
0x17: {  	[tilespmem:s21+$0x9E30] =	vst v0;
	(pc) =	sbr.rel @p0 .LBB2_2-.Ltmp0, $2  }
0x18: {  	_ =	sdelay $0x2  }
0x19: {  	s21 =	sshra.s32 s23, $0x2  }
0x1a: {  	[tilespmem:s21+$0x9E20] =	vst v0  }
0x1b: {  	[tilespmem:s21+$0x9E30] =	vst v0  }
0x1c: {  	_ =	swait.ge [sflag:s10], $0x2710  }
0x1d: {  	[sflag:s10] =	ssyncset.done $0x0  }
0x1e: {  	[sflag:s10] =	ssyncadd.s32 $0xFFFFD8F0  }
0x1f: {  	_ =	swait.ge [sflag:s11], $0x2710  }
0x20: {  	[sflag:s11] =	ssyncset.done $0x0  }
0x21: {  	s19 =	simm.s32 $0x0;
	[sflag:s11] =	ssyncadd.s32 $0xFFFFD8F0  }
0x22: {  	[tilespmem:s13], [sflag:$0x1] =	stream.indirect.gather [hbm4b:s4+s12], $0x20, s19, s12, $0xb8;
	[tilespmem:$0x13E20] =	vst v63  }
0x23: {  	_ = 	snop  }
0x24: {  	[tilespmem:s14], [sflag:$0x2] =	stream.indirect.gather [hbm4b:s4+s12], $0x20, s12, s12, $0xb8;
	[tilespmem:$0x13E20] =	vst v63  }
0x25: {  	s3 =	simm.s32 $0xA0  }
0x26: {  	[tilespmem:s16], [sflag:$0x3] =	stream.indirect.gather [hbm4b:s4+s12], $0x20, s3, s12, $0xb8;
	[tilespmem:$0x13E20] =	vst v63  }
0x27: {  	s26 =	simm.s32 $0xF0  }
0x28: {  	[tilespmem:s18], [sflag:$0x4] =	stream.indirect.gather [hbm4b:s4+s12], $0x20, s26, s12, $0xb8;
	[tilespmem:$0x13E20] =	vst v63  }
0x29: {  	s19 =	simm.s32 $0x140  }
0x2a: {  	[tilespmem:s20], [sflag:$0x5] =	stream.indirect.gather [hbm4b:s4+s12], $0x20, s19, s12, $0xb8;
	[tilespmem:$0x13E20] =	vst v63  }
0x2b: {  	s21 =	simm.s32 $0x190  }
0x2c: {  	[tilespmem:s22], [sflag:$0x6] =	stream.indirect.gather [hbm4b:s4+s12], $0x20, s21, s12, $0xb8;
	[tilespmem:$0x13E20] =	vst v63  }
0x2d: {  	s23 =	simm.s32 $0x1E0  }
0x2e: {  	[tilespmem:s25], [sflag:$0x7] =	stream.indirect.gather [hbm4b:s4+s12], $0x20, s23, s12, $0xb8;
	[tilespmem:$0x13E20] =	vst v63  }
0x2f: {  	s26 =	simm.s32 $0x9E20  }
0x30: {  	[spmem:s7] =	stream.linear.scatter [tilespmem:s26], [sflag:$0x9], $0x5000, $0x38;
	[tilespmem:$0x13E20] =	vst v63  }
0x31: {  	_ =	swait.ge [sflag:s28], $0x5000  }
0x32: {  	[sflag:s28] =	ssyncset.done $0x0  }
0x33: {  	[sflag:s28] =	ssyncadd.s32 $0xFFFFB000  }
0x34: {  	s3 =	simm.s32 $0x230;
	[bflag:$0x0] =	sbarrier.arrive $0xFFFF  }
0x35: {  	[tilespmem:s29], [sflag:$0x8] =	stream.indirect.gather [hbm4b:s4+s12], $0x20, s3, s12, $0xb8;
	[tilespmem:$0x13E20] =	vst v63  }
0x36: {  	_ =	swait.ge [sflag:s10], $0xA00  }
0x37: {  	[sflag:s10] =	ssyncset.done $0x0  }
0x38: {  	s21 =	simm.s32 $0x2710;
	[sflag:s10] =	ssyncadd.s32 $0xFFFFF600  }
0x39: {  	[spmem:s2] =	stream.indirect.scatter.add.f32 [tilespmem:s13], [sflag:$0x9], $0x20, s21, s12, $0xb8;
	[tilespmem:$0x13E20] =	vst v63  }
0x3a: {  	_ =	swait.ge [sflag:s28], $0xA00  }
0x3b: {  	[sflag:s28] =	ssyncset.done $0x0  }
0x3c: {  	s23 =	simm.s32 $0x280;
	[sflag:s28] =	ssyncadd.s32 $0xFFFFF600  }
0x3d: {  	[tilespmem:s13], [sflag:$0x1] =	stream.indirect.gather [hbm4b:s4+s12], $0x20, s23, s12, $0xb8;
	[tilespmem:$0x13E20] =	vst v63  }
0x3e: {  	_ =	swait.ge [sflag:s11], $0xA00  }
0x3f: {  	[sflag:s11] =	ssyncset.done $0x0  }
0x40: {  	s26 =	simm.s32 $0x2760;
	[sflag:s11] =	ssyncadd.s32 $0xFFFFF600  }
0x41: {  	[spmem:s2] =	stream.indirect.scatter.add.f32 [tilespmem:s14], [sflag:$0x9], $0x20, s26, s12, $0xb8;
	[tilespmem:$0x13E20] =	vst v63  }
0x42: {  	_ =	swait.ge [sflag:s28], $0xA00  }
0x43: {  	[sflag:s28] =	ssyncset.done $0x0  }
0x44: {  	s3 =	simm.s32 $0x2D0;
	[sflag:s28] =	ssyncadd.s32 $0xFFFFF600  }
0x45: {  	[tilespmem:s14], [sflag:$0x2] =	stream.indirect.gather [hbm4b:s4+s12], $0x20, s3, s12, $0xb8;
	[tilespmem:$0x13E20] =	vst v63  }
0x46: {  	_ =	swait.ge [sflag:s30], $0xA00  }
0x47: {  	[sflag:s30] =	ssyncset.done $0x0  }
0x48: {  	s21 =	simm.s32 $0x27B0;
	[sflag:s30] =	ssyncadd.s32 $0xFFFFF600  }
0x49: {  	[spmem:s2] =	stream.indirect.scatter.add.f32 [tilespmem:s16], [sflag:$0x9], $0x20, s21, s12, $0xb8;
	[tilespmem:$0x13E20] =	vst v63  }
0x4a: {  	_ =	swait.ge [sflag:s28], $0xA00  }
0x4b: {  	[sflag:s28] =	ssyncset.done $0x0  }
0x4c: {  	s23 =	simm.s32 $0x320;
	[sflag:s28] =	ssyncadd.s32 $0xFFFFF600  }
0x4d: {  	[tilespmem:s16], [sflag:$0x3] =	stream.indirect.gather [hbm4b:s4+s12], $0x20, s23, s12, $0xb8;
	[tilespmem:$0x13E20] =	vst v63  }
0x4e: {  	_ =	swait.ge [sflag:s31], $0xA00  }
0x4f: {  	[sflag:s31] =	ssyncset.done $0x0  }
0x50: {  	s26 =	simm.s32 $0x2800;
	[sflag:s31] =	ssyncadd.s32 $0xFFFFF600  }
0x51: {  	[spmem:s2] =	stream.indirect.scatter.add.f32 [tilespmem:s18], [sflag:$0x9], $0x20, s26, s12, $0xb8;
	[tilespmem:$0x13E20] =	vst v63  }
0x52: {  	_ =	swait.ge [sflag:s28], $0xA00  }
0x53: {  	[sflag:s28] =	ssyncset.done $0x0  }
0x54: {  	s3 =	simm.s32 $0x370;
	[sflag:s28] =	ssyncadd.s32 $0xFFFFF600  }
0x55: {  	[tilespmem:s18], [sflag:$0x4] =	stream.indirect.gather [hbm4b:s4+s12], $0x20, s3, s12, $0xb8;
	[tilespmem:$0x13E20] =	vst v63  }
0x56: {  	_ =	swait.ge [sflag:s0], $0xA00  }
0x57: {  	[sflag:s0] =	ssyncset.done $0x0  }
0x58: {  	s21 =	simm.s32 $0x2850;
	[sflag:s0] =	ssyncadd.s32 $0xFFFFF600  }
0x59: {  	[spmem:s2] =	stream.indirect.scatter.add.f32 [tilespmem:s20], [sflag:$0x9], $0x20, s21, s12, $0xb8;
	[tilespmem:$0x13E20] =	vst v63  }
0x5a: {  	_ =	swait.ge [sflag:s28], $0xA00  }
0x5b: {  	[sflag:s28] =	ssyncset.done $0x0  }
0x5c: {  	s23 =	simm.s32 $0x3C0;
	[sflag:s28] =	ssyncadd.s32 $0xFFFFF600  }
0x5d: {  	[tilespmem:s20], [sflag:$0x5] =	stream.indirect.gather [hbm4b:s4+s12], $0x20, s23, s12, $0xb8;
	[tilespmem:$0x13E20] =	vst v63  }
0x5e: {  	_ =	swait.ge [sflag:s9], $0xA00  }
0x5f: {  	[sflag:s9] =	ssyncset.done $0x0  }
0x60: {  	s26 =	simm.s32 $0x28A0;
	[sflag:s9] =	ssyncadd.s32 $0xFFFFF600  }
0x61: {  	[spmem:s2] =	stream.indirect.scatter.add.f32 [tilespmem:s22], [sflag:$0x9], $0x20, s26, s12, $0xb8;
	[tilespmem:$0x13E20] =	vst v63  }
0x62: {  	_ =	swait.ge [sflag:s28], $0xA00  }
0x63: {  	[sflag:s28] =	ssyncset.done $0x0  }
0x64: {  	s3 =	simm.s32 $0x410;
	[sflag:s28] =	ssyncadd.s32 $0xFFFFF600  }
0x65: {  	[tilespmem:s22], [sflag:$0x6] =	stream.indirect.gather [hbm4b:s4+s12], $0x20, s3, s12, $0xb8;
	[tilespmem:$0x13E20] =	vst v63  }
0x66: {  	_ =	swait.ge [sflag:s15], $0xA00  }
0x67: {  	[sflag:s15] =	ssyncset.done $0x0  }
0x68: {  	s21 =	simm.s32 $0x28F0;
	[sflag:s15] =	ssyncadd.s32 $0xFFFFF600  }
0x69: {  	[spmem:s2] =	stream.indirect.scatter.add.f32 [tilespmem:s25], [sflag:$0x9], $0x20, s21, s12, $0xb8;
	[tilespmem:$0x13E20] =	vst v63  }
0x6a: {  	_ =	swait.ge [sflag:s28], $0xA00  }
0x6b: {  	[sflag:s28] =	ssyncset.done $0x0  }
0x6c: {  	s23 =	simm.s32 $0x460;
	[sflag:s28] =	ssyncadd.s32 $0xFFFFF600  }
0x6d: {  	[tilespmem:s25], [sflag:$0x7] =	stream.indirect.gather [hbm4b:s4+s12], $0x20, s23, s12, $0xb8;
	[tilespmem:$0x13E20] =	vst v63  }
0x6e: {  	_ =	swait.ge [sflag:s17], $0xA00  }
0x6f: {  	[sflag:s17] =	ssyncset.done $0x0  }
0x70: {  	s26 =	simm.s32 $0x2940;
	[sflag:s17] =	ssyncadd.s32 $0xFFFFF600  }
0x71: {  	[spmem:s2] =	stream.indirect.scatter.add.f32 [tilespmem:s29], [sflag:$0x9], $0x20, s26, s12, $0xb8;
	[tilespmem:$0x13E20] =	vst v63  }
0x72: {  	_ =	swait.ge [sflag:s28], $0xA00  }
0x73: {  	s19 =	simm.s32 $0x280;
	s21 =	simm.s32 $0x1400;
	[sflag:s28] =	ssyncset.done $0x0  }
.LBB2_4:
0x74: {  	s3 =	sadd.s32 $0x230, s19  }
0x75: {  	[sflag:s28] =	ssyncadd.s32 $0xFFFFF600;
	s23 =	smov.u32 s21;
	s26 =	sadd.s32 $0xA00, s21  }
0x76: {  	[tilespmem:s29], [sflag:$0x8] =	stream.indirect.gather [hbm4b:s4+s12], $0x20, s3, s12, $0xb8;
	[tilespmem:$0x13E20] =	vst v63  }
0x77: {  	p0 =	sne.s32 s21, $0x8200;
	_ =	swait.ge [sflag:s10], $0xA00  }
0x78: {  	[sflag:s10] =	ssyncset.done $0x0  }
0x79: {  	s3 =	sadd.s32 $0x2710, s19;
	[sflag:s10] =	ssyncadd.s32 $0xFFFFF600  }
0x7a: {  	[spmem:s2] =	stream.indirect.scatter.add.f32 [tilespmem:s13], [sflag:$0x9], $0x20, s3, s12, $0xb8;
	[tilespmem:$0x13E20] =	vst v63  }
0x7b: {  	_ =	swait.ge [sflag:s28], $0xA00  }
0x7c: {  	[sflag:s28] =	ssyncset.done $0x0  }
0x7d: {  	s3 =	sadd.s32 $0x280, s19;
	[sflag:s28] =	ssyncadd.s32 $0xFFFFF600  }
0x7e: {  	[tilespmem:s13], [sflag:$0x1] =	stream.indirect.gather [hbm4b:s4+s12], $0x20, s3, s12, $0xb8;
	[tilespmem:$0x13E20] =	vst v63  }
0x7f: {  	_ =	swait.ge [sflag:s11], $0xA00  }
0x80: {  	[sflag:s11] =	ssyncset.done $0x0  }
0x81: {  	s3 =	sadd.s32 $0x2760, s19;
	[sflag:s11] =	ssyncadd.s32 $0xFFFFF600  }
0x82: {  	[spmem:s2] =	stream.indirect.scatter.add.f32 [tilespmem:s14], [sflag:$0x9], $0x20, s3, s12, $0xb8;
	[tilespmem:$0x13E20] =	vst v63  }
0x83: {  	_ =	swait.ge [sflag:s28], $0xA00  }
0x84: {  	[sflag:s28] =	ssyncset.done $0x0  }
0x85: {  	s3 =	sadd.s32 $0x2D0, s19;
	[sflag:s28] =	ssyncadd.s32 $0xFFFFF600  }
0x86: {  	[tilespmem:s14], [sflag:$0x2] =	stream.indirect.gather [hbm4b:s4+s12], $0x20, s3, s12, $0xb8;
	[tilespmem:$0x13E20] =	vst v63  }
0x87: {  	_ =	swait.ge [sflag:s30], $0xA00  }
0x88: {  	[sflag:s30] =	ssyncset.done $0x0  }
0x89: {  	s3 =	sadd.s32 $0x27B0, s19;
	[sflag:s30] =	ssyncadd.s32 $0xFFFFF600  }
0x8a: {  	[spmem:s2] =	stream.indirect.scatter.add.f32 [tilespmem:s16], [sflag:$0x9], $0x20, s3, s12, $0xb8;
	[tilespmem:$0x13E20] =	vst v63  }
0x8b: {  	_ =	swait.ge [sflag:s28], $0xA00  }
0x8c: {  	[sflag:s28] =	ssyncset.done $0x0  }
0x8d: {  	s3 =	sadd.s32 $0x320, s19;
	[sflag:s28] =	ssyncadd.s32 $0xFFFFF600  }
0x8e: {  	[tilespmem:s16], [sflag:$0x3] =	stream.indirect.gather [hbm4b:s4+s12], $0x20, s3, s12, $0xb8;
	[tilespmem:$0x13E20] =	vst v63  }
0x8f: {  	_ =	swait.ge [sflag:s31], $0xA00  }
0x90: {  	[sflag:s31] =	ssyncset.done $0x0  }
0x91: {  	s3 =	sadd.s32 $0x2800, s19;
	[sflag:s31] =	ssyncadd.s32 $0xFFFFF600  }
0x92: {  	[spmem:s2] =	stream.indirect.scatter.add.f32 [tilespmem:s18], [sflag:$0x9], $0x20, s3, s12, $0xb8;
	[tilespmem:$0x13E20] =	vst v63  }
0x93: {  	_ =	swait.ge [sflag:s28], $0xA00  }
0x94: {  	[sflag:s28] =	ssyncset.done $0x0  }
0x95: {  	s3 =	sadd.s32 $0x370, s19;
	[sflag:s28] =	ssyncadd.s32 $0xFFFFF600  }
0x96: {  	[tilespmem:s18], [sflag:$0x4] =	stream.indirect.gather [hbm4b:s4+s12], $0x20, s3, s12, $0xb8;
	[tilespmem:$0x13E20] =	vst v63  }
0x97: {  	_ =	swait.ge [sflag:s0], $0xA00  }
0x98: {  	[sflag:s0] =	ssyncset.done $0x0  }
0x99: {  	s3 =	sadd.s32 $0x2850, s19;
	[sflag:s0] =	ssyncadd.s32 $0xFFFFF600  }
0x9a: {  	[spmem:s2] =	stream.indirect.scatter.add.f32 [tilespmem:s20], [sflag:$0x9], $0x20, s3, s12, $0xb8;
	[tilespmem:$0x13E20] =	vst v63  }
0x9b: {  	_ =	swait.ge [sflag:s28], $0xA00  }
0x9c: {  	[sflag:s28] =	ssyncset.done $0x0  }
0x9d: {  	s3 =	sadd.s32 $0x3C0, s19;
	[sflag:s28] =	ssyncadd.s32 $0xFFFFF600  }
0x9e: {  	[tilespmem:s20], [sflag:$0x5] =	stream.indirect.gather [hbm4b:s4+s12], $0x20, s3, s12, $0xb8;
	[tilespmem:$0x13E20] =	vst v63  }
0x9f: {  	_ =	swait.ge [sflag:s9], $0xA00  }
0xa0: {  	[sflag:s9] =	ssyncset.done $0x0  }
0xa1: {  	s3 =	sadd.s32 $0x28A0, s19;
	[sflag:s9] =	ssyncadd.s32 $0xFFFFF600  }
0xa2: {  	[spmem:s2] =	stream.indirect.scatter.add.f32 [tilespmem:s22], [sflag:$0x9], $0x20, s3, s12, $0xb8;
	[tilespmem:$0x13E20] =	vst v63  }
0xa3: {  	_ =	swait.ge [sflag:s28], $0xA00  }
0xa4: {  	[sflag:s28] =	ssyncset.done $0x0  }
0xa5: {  	s3 =	sadd.s32 $0x410, s19;
	[sflag:s28] =	ssyncadd.s32 $0xFFFFF600  }
0xa6: {  	[tilespmem:s22], [sflag:$0x6] =	stream.indirect.gather [hbm4b:s4+s12], $0x20, s3, s12, $0xb8;
	[tilespmem:$0x13E20] =	vst v63  }
0xa7: {  	_ =	swait.ge [sflag:s15], $0xA00  }
0xa8: {  	[sflag:s15] =	ssyncset.done $0x0  }
0xa9: {  	s3 =	sadd.s32 $0x28F0, s19;
	[sflag:s15] =	ssyncadd.s32 $0xFFFFF600  }
0xaa: {  	[spmem:s2] =	stream.indirect.scatter.add.f32 [tilespmem:s25], [sflag:$0x9], $0x20, s3, s12, $0xb8;
	[tilespmem:$0x13E20] =	vst v63  }
0xab: {  	_ =	swait.ge [sflag:s28], $0xA00  }
0xac: {  	[sflag:s28] =	ssyncset.done $0x0  }
0xad: {  	s3 =	sadd.s32 $0x460, s19;
	[sflag:s28] =	ssyncadd.s32 $0xFFFFF600  }
0xae: {  	[tilespmem:s25], [sflag:$0x7] =	stream.indirect.gather [hbm4b:s4+s12], $0x20, s3, s12, $0xb8;
	[tilespmem:$0x13E20] =	vst v63  }
0xaf: {  	_ =	swait.ge [sflag:s17], $0xA00  }
.Ltmp1:
0xb0: {  	[sflag:s17] =	ssyncset.done $0x0;
	(pc) =	sbr.rel @p0 .LBB2_4-.Ltmp1, $4  }
0xb1: {  	s3 =	sadd.s32 $0x2940, s19;
	[sflag:s17] =	ssyncadd.s32 $0xFFFFF600  }
0xb2: {  	[spmem:s2] =	stream.indirect.scatter.add.f32 [tilespmem:s29], [sflag:$0x9], $0x20, s3, s12, $0xb8;
	[tilespmem:$0x13E20] =	vst v63  }
0xb3: {  	_ =	swait.ge [sflag:s28], $0xA00  }
0xb4: {  	s21 =	smov.u32 s26;
	s19 =	sshra.s32 s23, $0x2;
	[sflag:s28] =	ssyncset.done $0x0  }
0xb5: {  	s3 =	sadd.s32 $0x230, s19;
	[sflag:s28] =	ssyncadd.s32 $0xFFFFF600  }
0xb6: {  	[tilespmem:s29], [sflag:$0x8] =	stream.indirect.gather [hbm4b:s4+s12], $0x20, s3, s12, $0xb8;
	[tilespmem:$0x13E20] =	vst v63  }
0xb7: {  	_ =	swait.ge [sflag:s10], $0xA00  }
0xb8: {  	[sflag:s10] =	ssyncset.done $0x0  }
0xb9: {  	s26 =	sadd.s32 $0x2710, s19;
	[sflag:s10] =	ssyncadd.s32 $0xFFFFF600  }
0xba: {  	[spmem:s2] =	stream.indirect.scatter.add.f32 [tilespmem:s13], [sflag:$0x9], $0x20, s26, s12, $0xb8;
	[tilespmem:$0x13E20] =	vst v63  }
0xbb: {  	_ =	swait.ge [sflag:s28], $0xA00  }
0xbc: {  	[sflag:s28] =	ssyncset.done $0x0  }
0xbd: {  	s21 =	sadd.s32 $0x280, s19;
	[sflag:s28] =	ssyncadd.s32 $0xFFFFF600  }
0xbe: {  	[tilespmem:s13], [sflag:$0x1] =	stream.indirect.gather [hbm4b:s4+s12], $0x20, s21, s12, $0xb8;
	[tilespmem:$0x13E20] =	vst v63  }
0xbf: {  	_ =	swait.ge [sflag:s11], $0xA00  }
0xc0: {  	[sflag:s11] =	ssyncset.done $0x0  }
0xc1: {  	s23 =	sadd.s32 $0x2760, s19;
	[sflag:s11] =	ssyncadd.s32 $0xFFFFF600  }
0xc2: {  	[spmem:s2] =	stream.indirect.scatter.add.f32 [tilespmem:s14], [sflag:$0x9], $0x20, s23, s12, $0xb8;
	[tilespmem:$0x13E20] =	vst v63  }
0xc3: {  	_ =	swait.ge [sflag:s28], $0xA00  }
0xc4: {  	[sflag:s28] =	ssyncset.done $0x0  }
0xc5: {  	s26 =	sadd.s32 $0x2D0, s19;
	[sflag:s28] =	ssyncadd.s32 $0xFFFFF600  }
0xc6: {  	[tilespmem:s14], [sflag:$0x2] =	stream.indirect.gather [hbm4b:s4+s12], $0x20, s26, s12, $0xb8;
	[tilespmem:$0x13E20] =	vst v63  }
0xc7: {  	_ =	swait.ge [sflag:s30], $0xA00  }
0xc8: {  	[sflag:s30] =	ssyncset.done $0x0  }
0xc9: {  	s21 =	sadd.s32 $0x27B0, s19;
	[sflag:s30] =	ssyncadd.s32 $0xFFFFF600  }
0xca: {  	[spmem:s2] =	stream.indirect.scatter.add.f32 [tilespmem:s16], [sflag:$0x9], $0x20, s21, s12, $0xb8;
	[tilespmem:$0x13E20] =	vst v63  }
0xcb: {  	_ =	swait.ge [sflag:s28], $0xA00  }
0xcc: {  	[sflag:s28] =	ssyncset.done $0x0  }
0xcd: {  	s23 =	sadd.s32 $0x320, s19;
	[sflag:s28] =	ssyncadd.s32 $0xFFFFF600  }
0xce: {  	[tilespmem:s16], [sflag:$0x3] =	stream.indirect.gather [hbm4b:s4+s12], $0x20, s23, s12, $0xb8;
	[tilespmem:$0x13E20] =	vst v63  }
0xcf: {  	_ =	swait.ge [sflag:s31], $0xA00  }
0xd0: {  	[sflag:s31] =	ssyncset.done $0x0  }
0xd1: {  	s26 =	sadd.s32 $0x2800, s19;
	[sflag:s31] =	ssyncadd.s32 $0xFFFFF600  }
0xd2: {  	[spmem:s2] =	stream.indirect.scatter.add.f32 [tilespmem:s18], [sflag:$0x9], $0x20, s26, s12, $0xb8;
	[tilespmem:$0x13E20] =	vst v63  }
0xd3: {  	_ =	swait.ge [sflag:s28], $0xA00  }
0xd4: {  	[sflag:s28] =	ssyncset.done $0x0  }
0xd5: {  	s21 =	sadd.s32 $0x370, s19;
	[sflag:s28] =	ssyncadd.s32 $0xFFFFF600  }
0xd6: {  	[tilespmem:s18], [sflag:$0x4] =	stream.indirect.gather [hbm4b:s4+s12], $0x20, s21, s12, $0xb8;
	[tilespmem:$0x13E20] =	vst v63  }
0xd7: {  	_ =	swait.ge [sflag:s0], $0xA00  }
0xd8: {  	[sflag:s0] =	ssyncset.done $0x0  }
0xd9: {  	s23 =	sadd.s32 $0x2850, s19;
	[sflag:s0] =	ssyncadd.s32 $0xFFFFF600  }
0xda: {  	[spmem:s2] =	stream.indirect.scatter.add.f32 [tilespmem:s20], [sflag:$0x9], $0x20, s23, s12, $0xb8;
	[tilespmem:$0x13E20] =	vst v63  }
0xdb: {  	_ =	swait.ge [sflag:s28], $0xA00  }
0xdc: {  	[sflag:s28] =	ssyncset.done $0x0  }
0xdd: {  	s26 =	sadd.s32 $0x3C0, s19;
	[sflag:s28] =	ssyncadd.s32 $0xFFFFF600  }
0xde: {  	[tilespmem:s20], [sflag:$0x5] =	stream.indirect.gather [hbm4b:s4+s12], $0x20, s26, s12, $0xb8;
	[tilespmem:$0x13E20] =	vst v63  }
0xdf: {  	_ =	swait.ge [sflag:s9], $0xA00  }
0xe0: {  	[sflag:s9] =	ssyncset.done $0x0  }
0xe1: {  	s21 =	sadd.s32 $0x28A0, s19;
	[sflag:s9] =	ssyncadd.s32 $0xFFFFF600  }
0xe2: {  	[spmem:s2] =	stream.indirect.scatter.add.f32 [tilespmem:s22], [sflag:$0x9], $0x20, s21, s12, $0xb8;
	[tilespmem:$0x13E20] =	vst v63  }
0xe3: {  	_ =	swait.ge [sflag:s28], $0xA00  }
0xe4: {  	[sflag:s28] =	ssyncset.done $0x0  }
0xe5: {  	s23 =	sadd.s32 $0x410, s19;
	[sflag:s28] =	ssyncadd.s32 $0xFFFFF600  }
0xe6: {  	[tilespmem:s22], [sflag:$0x6] =	stream.indirect.gather [hbm4b:s4+s12], $0x20, s23, s12, $0xb8;
	[tilespmem:$0x13E20] =	vst v63  }
0xe7: {  	_ =	swait.ge [sflag:s15], $0xA00  }
0xe8: {  	[sflag:s15] =	ssyncset.done $0x0  }
0xe9: {  	s26 =	sadd.s32 $0x28F0, s19;
	[sflag:s15] =	ssyncadd.s32 $0xFFFFF600  }
0xea: {  	[spmem:s2] =	stream.indirect.scatter.add.f32 [tilespmem:s25], [sflag:$0x9], $0x20, s26, s12, $0xb8;
	[tilespmem:$0x13E20] =	vst v63  }
0xeb: {  	_ =	swait.ge [sflag:s28], $0xA00  }
0xec: {  	[sflag:s28] =	ssyncset.done $0x0  }
0xed: {  	s21 =	sadd.s32 $0x460, s19;
	[sflag:s28] =	ssyncadd.s32 $0xFFFFF600  }
0xee: {  	[tilespmem:s25], [sflag:$0x7] =	stream.indirect.gather [hbm4b:s4+s12], $0x20, s21, s12, $0xb8;
	[tilespmem:$0x13E20] =	vst v63  }
0xef: {  	_ =	swait.ge [sflag:s17], $0xA00  }
0xf0: {  	[sflag:s17] =	ssyncset.done $0x0  }
0xf1: {  	s23 =	sadd.s32 $0x2940, s19;
	[sflag:s17] =	ssyncadd.s32 $0xFFFFF600  }
0xf2: {  	[spmem:s2] =	stream.indirect.scatter.add.f32 [tilespmem:s29], [sflag:$0x9], $0x20, s23, s12, $0xb8;
	[tilespmem:$0x13E20] =	vst v63  }
0xf3: {  	_ =	swait.ge [sflag:s28], $0xA00  }
0xf4: {  	[sflag:s28] =	ssyncset.done $0x0  }
0xf5: {  	s26 =	simm.s32 $0x2530;
	[sflag:s28] =	ssyncadd.s32 $0xFFFFF600  }
0xf6: {  	[tilespmem:s29], [sflag:$0x8] =	stream.indirect.gather [hbm4b:s4+s12], $0x20, s26, s12, $0xb8;
	[tilespmem:$0x13E20] =	vst v63  }
0xf7: {  	_ =	swait.ge [sflag:s10], $0xA00  }
0xf8: {  	[sflag:s10] =	ssyncset.done $0x0  }
0xf9: {  	s19 =	simm.s32 $0x4A10;
	[sflag:s10] =	ssyncadd.s32 $0xFFFFF600  }
0xfa: {  	[spmem:s2] =	stream.indirect.scatter.add.f32 [tilespmem:s13], [sflag:$0x9], $0x20, s19, s12, $0xb8;
	[tilespmem:$0x13E20] =	vst v63  }
0xfb: {  	_ =	swait.ge [sflag:s28], $0xA00  }
0xfc: {  	[sflag:s28] =	ssyncset.done $0x0  }
0xfd: {  	s21 =	simm.s32 $0x2580;
	[sflag:s28] =	ssyncadd.s32 $0xFFFFF600  }
0xfe: {  	[tilespmem:s13], [sflag:$0x1] =	stream.indirect.gather [hbm4b:s4+s12], $0x20, s21, s12, $0xb8;
	[tilespmem:$0x13E20] =	vst v63  }
0xff: {  	_ =	swait.ge [sflag:s11], $0xA00  }
0x100: {  	[sflag:s11] =	ssyncset.done $0x0  }
0x101: {  	s23 =	simm.s32 $0x4A60;
	[sflag:s11] =	ssyncadd.s32 $0xFFFFF600  }
0x102: {  	[spmem:s2] =	stream.indirect.scatter.add.f32 [tilespmem:s14], [sflag:$0x9], $0x20, s23, s12, $0xb8;
	[tilespmem:$0x13E20] =	vst v63  }
0x103: {  	_ =	swait.ge [sflag:s28], $0xA00  }
0x104: {  	[sflag:s28] =	ssyncset.done $0x0  }
0x105: {  	s26 =	simm.s32 $0x25D0;
	[sflag:s28] =	ssyncadd.s32 $0xFFFFF600  }
0x106: {  	[tilespmem:s14], [sflag:$0x2] =	stream.indirect.gather [hbm4b:s4+s12], $0x20, s26, s12, $0xb8;
	[tilespmem:$0x13E20] =	vst v63  }
0x107: {  	_ =	swait.ge [sflag:s30], $0xA00  }
0x108: {  	[sflag:s30] =	ssyncset.done $0x0  }
0x109: {  	s19 =	simm.s32 $0x4AB0;
	[sflag:s30] =	ssyncadd.s32 $0xFFFFF600  }
0x10a: {  	[spmem:s2] =	stream.indirect.scatter.add.f32 [tilespmem:s16], [sflag:$0x9], $0x20, s19, s12, $0xb8;
	[tilespmem:$0x13E20] =	vst v63  }
0x10b: {  	_ =	swait.ge [sflag:s28], $0xA00  }
0x10c: {  	[sflag:s28] =	ssyncset.done $0x0  }
0x10d: {  	s21 =	simm.s32 $0x2620;
	[sflag:s28] =	ssyncadd.s32 $0xFFFFF600  }
0x10e: {  	[tilespmem:s16], [sflag:$0x3] =	stream.indirect.gather [hbm4b:s4+s12], $0x20, s21, s12, $0xb8;
	[tilespmem:$0x13E20] =	vst v63  }
0x10f: {  	_ =	swait.ge [sflag:s31], $0xA00  }
0x110: {  	[sflag:s31] =	ssyncset.done $0x0  }
0x111: {  	s23 =	simm.s32 $0x4B00;
	[sflag:s31] =	ssyncadd.s32 $0xFFFFF600  }
0x112: {  	[spmem:s2] =	stream.indirect.scatter.add.f32 [tilespmem:s18], [sflag:$0x9], $0x20, s23, s12, $0xb8;
	[tilespmem:$0x13E20] =	vst v63  }
0x113: {  	_ =	swait.ge [sflag:s28], $0xA00  }
0x114: {  	[sflag:s28] =	ssyncset.done $0x0  }
0x115: {  	s26 =	simm.s32 $0x2670;
	[sflag:s28] =	ssyncadd.s32 $0xFFFFF600  }
0x116: {  	[tilespmem:s18], [sflag:$0x4] =	stream.indirect.gather [hbm4b:s4+s12], $0x20, s26, s12, $0xb8;
	[tilespmem:$0x13E20] =	vst v63  }
0x117: {  	_ =	swait.ge [sflag:s0], $0xA00  }
0x118: {  	[sflag:s0] =	ssyncset.done $0x0  }
0x119: {  	s19 =	simm.s32 $0x4B50;
	[sflag:s0] =	ssyncadd.s32 $0xFFFFF600  }
0x11a: {  	[spmem:s2] =	stream.indirect.scatter.add.f32 [tilespmem:s20], [sflag:$0x9], $0x20, s19, s12, $0xb8;
	[tilespmem:$0x13E20] =	vst v63  }
0x11b: {  	_ =	swait.ge [sflag:s28], $0xA00  }
0x11c: {  	[sflag:s28] =	ssyncset.done $0x0  }
0x11d: {  	s21 =	simm.s32 $0x26C0;
	[sflag:s28] =	ssyncadd.s32 $0xFFFFF600  }
0x11e: {  	[tilespmem:s20], [sflag:$0x5] =	stream.indirect.gather [hbm4b:s4+s12], $0x20, s21, s12, $0xb8;
	[tilespmem:$0x13E20] =	vst v63  }
0x11f: {  	_ =	swait.ge [sflag:s9], $0xA00  }
0x120: {  	[sflag:s9] =	ssyncset.done $0x0  }
0x121: {  	s23 =	simm.s32 $0x4BA0;
	[sflag:s9] =	ssyncadd.s32 $0xFFFFF600  }
0x122: {  	[spmem:s2] =	stream.indirect.scatter.add.f32 [tilespmem:s22], [sflag:$0x9], $0x20, s23, s12, $0xb8;
	[tilespmem:$0x13E20] =	vst v63  }
0x123: {  	_ =	swait.ge [sflag:s28], $0xA00  }
0x124: {  	[sflag:s28] =	ssyncset.done $0x0  }
0x125: {  	[sflag:s28] =	ssyncadd.s32 $0xFFFFF600  }
0x126: {  	_ =	swait.ge [sflag:s15], $0xA00  }
0x127: {  	[sflag:s15] =	ssyncset.done $0x0  }
0x128: {  	s26 =	simm.s32 $0x4BF0;
	[sflag:s15] =	ssyncadd.s32 $0xFFFFF600  }
0x129: {  	[spmem:s2] =	stream.indirect.scatter.add.f32 [tilespmem:s25], [sflag:$0x9], $0x20, s26, s12, $0xb8;
	[tilespmem:$0x13E20] =	vst v63  }
0x12a: {  	_ =	swait.ge [sflag:s28], $0xA00  }
0x12b: {  	[sflag:s28] =	ssyncset.done $0x0  }
0x12c: {  	[sflag:s28] =	ssyncadd.s32 $0xFFFFF600  }
0x12d: {  	_ =	swait.ge [sflag:s17], $0xA00  }
0x12e: {  	[sflag:s17] =	ssyncset.done $0x0  }
0x12f: {  	s19 =	simm.s32 $0x4C40;
	[sflag:s17] =	ssyncadd.s32 $0xFFFFF600  }
0x130: {  	[spmem:s2] =	stream.indirect.scatter.add.f32 [tilespmem:s29], [sflag:$0x9], $0x20, s19, s12, $0xb8;
	[tilespmem:$0x13E20] =	vst v63  }
0x131: {  	_ =	swait.ge [sflag:s28], $0xA00  }
0x132: {  	[sflag:s28] =	ssyncset.done $0x0  }
0x133: {  	[sflag:s28] =	ssyncadd.s32 $0xFFFFF600  }
0x134: {  	_ =	swait.ge [sflag:s10], $0xA00  }
0x135: {  	[sflag:s10] =	ssyncset.done $0x0  }
0x136: {  	s21 =	simm.s32 $0x4C90;
	[sflag:s10] =	ssyncadd.s32 $0xFFFFF600  }
0x137: {  	[spmem:s2] =	stream.indirect.scatter.add.f32 [tilespmem:s13], [sflag:$0x9], $0x20, s21, s12, $0xb8;
	[tilespmem:$0x13E20] =	vst v63  }
0x138: {  	_ =	swait.ge [sflag:s28], $0xA00  }
0x139: {  	[sflag:s28] =	ssyncset.done $0x0  }
0x13a: {  	[sflag:s28] =	ssyncadd.s32 $0xFFFFF600  }
0x13b: {  	_ =	swait.ge [sflag:s11], $0xA00  }
0x13c: {  	[sflag:s11] =	ssyncset.done $0x0  }
0x13d: {  	s23 =	simm.s32 $0x4CE0;
	[sflag:s11] =	ssyncadd.s32 $0xFFFFF600  }
0x13e: {  	[spmem:s2] =	stream.indirect.scatter.add.f32 [tilespmem:s14], [sflag:$0x9], $0x20, s23, s12, $0xb8;
	[tilespmem:$0x13E20] =	vst v63  }
0x13f: {  	_ =	swait.ge [sflag:s28], $0xA00  }
0x140: {  	[sflag:s28] =	ssyncset.done $0x0  }
0x141: {  	[sflag:s28] =	ssyncadd.s32 $0xFFFFF600  }
0x142: {  	_ =	swait.ge [sflag:s30], $0xA00  }
0x143: {  	[sflag:s30] =	ssyncset.done $0x0  }
0x144: {  	s26 =	simm.s32 $0x4D30;
	[sflag:s30] =	ssyncadd.s32 $0xFFFFF600  }
0x145: {  	[spmem:s2] =	stream.indirect.scatter.add.f32 [tilespmem:s16], [sflag:$0x9], $0x20, s26, s12, $0xb8;
	[tilespmem:$0x13E20] =	vst v63  }
0x146: {  	_ =	swait.ge [sflag:s28], $0xA00  }
0x147: {  	[sflag:s28] =	ssyncset.done $0x0  }
0x148: {  	[sflag:s28] =	ssyncadd.s32 $0xFFFFF600  }
0x149: {  	_ =	swait.ge [sflag:s31], $0xA00  }
0x14a: {  	[sflag:s31] =	ssyncset.done $0x0  }
0x14b: {  	s19 =	simm.s32 $0x4D80;
	[sflag:s31] =	ssyncadd.s32 $0xFFFFF600  }
0x14c: {  	[spmem:s2] =	stream.indirect.scatter.add.f32 [tilespmem:s18], [sflag:$0x9], $0x20, s19, s12, $0xb8;
	[tilespmem:$0x13E20] =	vst v63  }
0x14d: {  	_ =	swait.ge [sflag:s28], $0xA00  }
0x14e: {  	[sflag:s28] =	ssyncset.done $0x0  }
0x14f: {  	[sflag:s28] =	ssyncadd.s32 $0xFFFFF600  }
0x150: {  	_ =	swait.ge [sflag:s0], $0xA00  }
0x151: {  	[sflag:s0] =	ssyncset.done $0x0  }
0x152: {  	s21 =	simm.s32 $0x4DD0;
	[sflag:s0] =	ssyncadd.s32 $0xFFFFF600  }
0x153: {  	[spmem:s2] =	stream.indirect.scatter.add.f32 [tilespmem:s20], [sflag:$0x9], $0x20, s21, s12, $0xb8;
	[tilespmem:$0x13E20] =	vst v63  }
0x154: {  	s23 =	stileid.u32;
	_ =	swait.ge [sflag:s28], $0xA00  }
0x155: {  	s1 =	sadd.s32 $0x1, s1;
	s3 =	sshll.u32 s23, $0x6;
	[sflag:s28] =	ssyncset.done $0x0  }
0x156: {  	p0 =	sne.s32 s1, s8;
	s3 =	sor.u32 $0x1C09, s3;
	[sflag:s28] =	ssyncadd.s32 $0xFFFFF600  }
.Ltmp2:
0x157: {  	s26 =	sshrl.u32 s7, $0x3;
	[bflag:$0x0] =	sbarrier.arrive $0xFFFF;
	(pc) =	sbr.rel @p0 .LBB2_1-.Ltmp2, $4  }
0x158: {  	[hbm:s24], [sflag:s3] =	dma.local [spmem:s26], $0xA00  }
0x159: {  	_ =	swait.ge [sflag:s28], $0xA00  }
0x15a: {  	[sflag:s28] =	ssyncset.done $0x0  }
0x15b: {  	[sflag:s28] =	ssyncadd.s32 $0xFFFFF600  }
0x15c: {  	_ =	sfence.sel $0x180000  }
0x15d: {  	[bflag:$0x0] =	sbarrier.arrive $0xFFFF  }
0x15e: {  	_ =	strace $0x90000047  }
0x15f: {  	s0 =	stileid.u32;
	[bflag:$0x2] =	sbarrier.arrive $0xFFFF  }
0x160: {  	p0 =	sne.s32 s0, $0x0;
	s0 =	rddreg [dreg:$0x2]  }
0x161: {  	s0 =	sadd.s32 @!p0 $0x100000, s0  }
0x162: {  	[sflag:s0] =	ssyncadd.tile.s32 @!p0 $0x1;
	_ =	shalt  }
.Lfunc_end2:
_tile_overlayer_lowered:
.L_overlay_start_2:
0x163: {  	(tag) =	ssettag $0x2  }
0x164: {  	s0 =	rddreg [dreg:$0x0];
	s2 =	stileid.u32  }
0x165: {  	s1 =	rddreg [dreg:$0x1];
	p0 =	sne.s32 s2, $0x0  }
0x166: {  	s3 =	rddreg [dreg:$0x2];
	[bflag:$0x3] =	sbarrier.arrive $0xFFFF;
	s2 =	simm.s32 @!p0 $0x1C09  }
0x167: {  	[timem:s3], [sflag:s2] =	dma.local @!p0 [hbm:s0], s1  }
0x168: {  	s0 =	simm.s32 @!p0 $0x9  }
0x169: {  	_ =	swait.ge @!p0 [sflag:s0], s1  }
0x16a: {  	s1 =	ssub.s32 @!p0 $0x0, s1;
	[sflag:s0] =	ssyncset.done @!p0 $0x0  }
0x16b: {  	[sflag:s0] =	ssyncadd.s32 @!p0 s1  }
0x16c: {  	[bflag:$0x3] =	sbarrier.arrive $0xFFFF  }
0x16d: {  	_ =	shalt  }

</sc_bundles>
